<compile_context>
chip_gen: v7x
topology: tpu7x:2x2x1
jax: 0.10.2.dev20260603
libtpu: 0.0.44.dev20260713+nightly
codegen_flags: <defaults>
</compile_context>

<pallas_src>
import functools

import jax
import jax.numpy as jnp
from jax import lax
from jax.experimental import pallas as pl
from jax.experimental.pallas import tpu as pltpu
from jax.experimental.pallas import tpu_sc as plsc

SY, SX = 7, 7
P_ROI = SY * SX
K = 4
ROW_PAD = 200
HALF = ROW_PAD // 2
NW = 32
LANES = 16
T_PER_W = 160


def _make_idx_w(boxes, assoc, H, W):
    n = boxes.shape[0]
    sy, sx = boxes[:, 0, 0], boxes[:, 0, 1]
    ey, ex = boxes[:, 1, 0], boxes[:, 1, 1]
    j7 = jnp.arange(SY, dtype=boxes.dtype)
    cc_y = jnp.minimum(j7 * ((ey - sy) / (SY - 1))[:, None] + sy[:, None], ey[:, None])
    cc_x = jnp.minimum(j7 * ((ex - sx) / (SX - 1))[:, None] + sx[:, None], ex[:, None])
    fy, fx = jnp.floor(cc_y), jnp.floor(cc_x)
    y_i = jnp.stack([fy, jnp.ceil(cc_y)], 1).astype(jnp.int32)
    x_i = jnp.stack([fx, jnp.ceil(cc_x)], 1).astype(jnp.int32)
    wy2, wx2 = cc_y - fy, cc_x - fx
    wy = jnp.stack([1.0 - wy2, wy2], 1)
    wx = jnp.stack([1.0 - wx2, wx2], 1)
    yterm = assoc[:, None, None] * (H * W) + y_i * W
    idx = (yterm.transpose(0, 2, 1)[:, :, None, :, None]
           + x_i.transpose(0, 2, 1)[:, None, :, None, :]).reshape(n, P_ROI * K)
    w = (wy.transpose(0, 2, 1)[:, :, None, :, None]
         * wx.transpose(0, 2, 1)[:, None, :, None, :]).reshape(n, P_ROI * K)
    idx_p = jnp.zeros((n, ROW_PAD), jnp.int32).at[:, : P_ROI * K].set(idx)
    w_p = jnp.zeros((n, ROW_PAD), jnp.float32).at[:, : P_ROI * K].set(w)
    return idx_p.reshape(n, 2, HALF), w_p


def _build_sc_call(n, c):
    mesh = plsc.VectorSubcoreMesh(core_axis_name="c", subcore_axis_name="s")
    n_last = T_PER_W // 4 - 1
    scratch = (
        [pltpu.VMEM((2, HALF), jnp.int32) for _ in range(4)]
        + [pltpu.VMEM((ROW_PAD + LANES,), jnp.float32) for _ in range(4)]
        + [pltpu.VMEM((2, HALF, c), jnp.float32) for _ in range(2)]
        + [pltpu.VMEM((c, P_ROI), jnp.float32) for _ in range(2)]
        + [pltpu.SemaphoreType.DMA for _ in range(8)]
    )

    @functools.partial(
        pl.kernel,
        out_type=jax.ShapeDtypeStruct((n, c, P_ROI), jnp.float32),
        mesh=mesh,
        scratch_types=scratch,
        compiler_params=pltpu.CompilerParams(
            needs_layout_passes=False, use_tc_tiling_on_sc=False
        ),
    )
    def sc_roi_align(table, idxs, ws, out, *scr):
        idx_b, w_b = scr[0:4], scr[4:8]
        rows_b, out_b = scr[8:10], scr[10:12]
        siw, sg, so = scr[12:16], scr[16:18], scr[18:20]
        nc = plsc.get_sparse_core_info().num_cores
        wid = lax.axis_index("s") * nc + lax.axis_index("c")
        base = jnp.minimum(wid * T_PER_W, n - T_PER_W)

        def start_iw(t, r):
            pltpu.async_copy(idxs.at[base + t], idx_b[r], siw[r])
            pltpu.async_copy(ws.at[base + t], w_b[r].at[pl.ds(0, ROW_PAD)], siw[r])

        def wait_iw(t, r):
            pltpu.make_async_copy(idxs.at[base + t], idx_b[r], siw[r]).wait()
            pltpu.make_async_copy(
                ws.at[base + t], w_b[r].at[pl.ds(0, ROW_PAD)], siw[r]
            ).wait()

        def start_gather(ri, rg):
            pltpu.async_copy(table.at[idx_b[ri].at[0]], rows_b[rg].at[0], sg[rg])
            pltpu.async_copy(table.at[idx_b[ri].at[1]], rows_b[rg].at[1], sg[rg])

        def wait_gather(ri, rg):
            pltpu.make_async_copy(table.at[idx_b[ri].at[0]], rows_b[rg].at[0], sg[rg]).wait()
            pltpu.make_async_copy(table.at[idx_b[ri].at[1]], rows_b[rg].at[1], sg[rg]).wait()

        def start_out(t, ro):
            pltpu.async_copy(out_b[ro], out.at[base + t], so[ro])

        def wait_out(t, ro):
            pltpu.make_async_copy(out_b[ro], out.at[base + t], so[ro]).wait()

        def compute(ri, rg, ro):
            w_v, rows_v, out_v = w_b[ri], rows_b[rg], out_b[ro]
            cidx = [lax.iota(jnp.int32, LANES) + c0 for c0 in range(0, c, LANES)]
            for half in range(2):
                pts = HALF // K if half == 0 else P_ROI - HALF // K

                def pt_body(p, carry2):
                    wvec = [
                        plsc.load_gather(
                            w_v,
                            [jnp.full((LANES,), half * HALF + p * K + kk, jnp.int32)],
                        )
                        for kk in range(K)
                    ]
                    pg16 = jnp.full((LANES,), half * (HALF // K) + p, jnp.int32)
                    for ci in range(0, c // LANES, 2):
                        r = [
                            rows_v[half, p * K + kk, pl.ds(ci * LANES, LANES)]
                            for kk in range(K)
                        ]
                        s = [
                            rows_v[half, p * K + kk, pl.ds((ci + 1) * LANES, LANES)]
                            for kk in range(K)
                        ]
                        acc0 = (r[0] * wvec[0] + r[1] * wvec[1]) + (
                            r[2] * wvec[2] + r[3] * wvec[3]
                        )
                        acc1 = (s[0] * wvec[0] + s[1] * wvec[1]) + (
                            s[2] * wvec[2] + s[3] * wvec[3]
                        )
                        plsc.store_scatter(out_v, [cidx[ci], pg16], acc0)
                        plsc.store_scatter(out_v, [cidx[ci + 1], pg16], acc1)
                    return carry2

                lax.fori_loop(0, pts, pt_body, 0)

        for r in range(4):
            start_iw(r, r)
        wait_iw(0, 0)
        start_gather(0, 0)

        def j_body(j, carry):
            for u in range(4):
                t = 4 * j + u
                g = u & 1
                wait_gather(u & 3, g)
                if u < 3:
                    wait_iw(t + 1, (u + 1) & 3)
                    start_gather((u + 1) & 3, g ^ 1)
                else:
                    @pl.when(j < n_last)
                    def _():
                        wait_iw(t + 1, (u + 1) & 3)
                        start_gather((u + 1) & 3, g ^ 1)
                if u >= 2:
                    wait_out(t - 2, g)
                else:
                    @pl.when(j > 0)
                    def _():
                        wait_out(t - 2, g)
                compute(u & 3, g, g)
                start_out(t, g)

                @pl.when(j < n_last)
                def _():
                    start_iw(t + 4, u)
            return carry

        lax.fori_loop(0, T_PER_W // 4, j_body, 0)
        wait_out(T_PER_W - 2, 0)
        wait_out(T_PER_W - 1, 1)

    return sc_roi_align


def kernel(featuremap, boxes, box_sample_association):
    b, c, h, w = featuremap.shape
    n = boxes.shape[0]
    table = jnp.transpose(featuremap, (0, 2, 3, 1)).reshape(b * h * w, c)
    idx, wts = _make_idx_w(boxes, box_sample_association, h, w)
    out = _build_sc_call(n, c)(table, idx, wts)
    return out.reshape(n, c, SY, SX)

# --- scband reference (transcript-rebuilt; emitter-appended) ---
"""Pipeline reference for scband-roi-align-8358006358565 (READ-ONLY COPY).

The authoritative reference and input builder live on the scoring server;
editing this copy changes nothing except your own understanding.
"""

import jax, jax.numpy as jnp
import numpy as np

EXTRACT_SHAPE = (7, 7)


def setup_inputs(seed: int = 0) -> dict:
    key = jax.random.key(seed)
    kf, ky, kx, kh, kw, ka = jax.random.split(key, 6)
    B, C, H, W = 4, 128, 200, 272
    N = 5000
    featuremap = jax.random.normal(kf, (B, C, H, W), dtype=jnp.float32)
    # realistic boxes in featuremap pixel coordinates, start <= stop <= dim-1
    sy = jax.random.uniform(ky, (N,), minval=0.0, maxval=float(H - 10))
    sx = jax.random.uniform(kx, (N,), minval=0.0, maxval=float(W - 10))
    hh = jax.random.uniform(kh, (N,), minval=4.0, maxval=64.0)
    ww = jax.random.uniform(kw, (N,), minval=4.0, maxval=64.0)
    ey = jnp.minimum(sy + hh, float(H - 1))
    ex = jnp.minimum(sx + ww, float(W - 1))
    start = jnp.stack([sy, sx], axis=-1)
    stop = jnp.stack([ey, ex], axis=-1)
    boxes = jnp.stack([start, stop], axis=1).astype(jnp.float32)  # [N, 2, 2]
    box_sample_association = jax.random.randint(ka, (N,), 0, B, dtype=jnp.int32)
    return {"featuremap": featuremap, "boxes": boxes, "box_sample_association": box_sample_association}


def _roi_align(featuremap, boxes, assoc):
    # Faithful port of RoiAlignInner.forward for ndim=2, extract_shape=(7,7), padding=None
    Sy, Sx = EXTRACT_SHAPE
    start = boxes[:, None, 0, :]  # [N,1,2]
    stop = boxes[:, None, 1, :]   # [N,1,2]
    shape_m1 = jnp.array([Sy - 1, Sx - 1], dtype=boxes.dtype)
    step = (stop - start) / shape_m1  # [N,1,2]
    cc_y = jnp.minimum(jnp.arange(Sy, dtype=boxes.dtype) * step[..., 0] + start[..., 0], stop[..., 0])  # [N,Sy]
    cc_x = jnp.minimum(jnp.arange(Sx, dtype=boxes.dtype) * step[..., 1] + start[..., 1], stop[..., 1])  # [N,Sx]
    fy = jnp.floor(cc_y)
    fx = jnp.floor(cc_x)
    coords_y = jnp.stack([fy, jnp.ceil(cc_y)], axis=1).astype(jnp.int32).reshape(-1, 2, 1, Sy, 1)
    coords_x = jnp.stack([fx, jnp.ceil(cc_x)], axis=1).astype(jnp.int32).reshape(-1, 1, 2, 1, Sx)
    wy2 = cc_y - fy
    wx2 = cc_x - fx
    wy = jnp.stack([1.0 - wy2, wy2], axis=1).reshape(-1, 2, 1, Sy, 1, 1)
    wx = jnp.stack([1.0 - wx2, wx2], axis=1).reshape(-1, 1, 2, 1, Sx, 1)
    b = assoc.reshape(-1, 1, 1, 1, 1)
    # advanced indexing: batch idx, full channel slice, y idx, x idx -> advanced dims first: [N,2,2,Sy,Sx,C]
    extracted = featuremap[b, :, coords_y, coords_x]
    weighted = extracted * (wy * wx)
    out = weighted.sum(axis=(1, 2))  # [N,Sy,Sx,C]
    return jnp.transpose(out, (0, 3, 1, 2))  # [N,C,Sy,Sx]


def reference(featuremap, boxes, box_sample_association):
    return _roi_align(featuremap, boxes, box_sample_association)

if __name__ == "__main__":
    import jax
    _d = setup_inputs()
    print(jax.jit(kernel)(*tuple(_d.values())))

</pallas_src>

<mosaic_0001>
#map = affine_map<(d0, d1) -> (0, 0)>
#map1 = affine_map<(d0, d1) -> (0, 0, 0)>
module attributes {stable_mosaic.version = 14 : i64} {
  func.func @sc_roi_align(%arg0: i32, %arg1: i32, %arg2: memref<217600x128xf32, #tpu.memory_space<hbm>>, %arg3: memref<5000x2x100xi32, #tpu.memory_space<hbm>>, %arg4: memref<5000x200xf32, #tpu.memory_space<hbm>>, %arg5: memref<5000x128x49xf32, #tpu.memory_space<hbm>>, %arg6: memref<2x100xi32, #tpu.memory_space<vmem>>, %arg7: memref<2x100xi32, #tpu.memory_space<vmem>>, %arg8: memref<2x100xi32, #tpu.memory_space<vmem>>, %arg9: memref<2x100xi32, #tpu.memory_space<vmem>>, %arg10: memref<216xf32, #tpu.memory_space<vmem>>, %arg11: memref<216xf32, #tpu.memory_space<vmem>>, %arg12: memref<216xf32, #tpu.memory_space<vmem>>, %arg13: memref<216xf32, #tpu.memory_space<vmem>>, %arg14: memref<2x100x128xf32, #tpu.memory_space<vmem>>, %arg15: memref<2x100x128xf32, #tpu.memory_space<vmem>>, %arg16: memref<128x49xf32, #tpu.memory_space<vmem>>, %arg17: memref<128x49xf32, #tpu.memory_space<vmem>>, %arg18: memref<!tpu.dma_semaphore, #tpu.memory_space<semaphore_mem>>, %arg19: memref<!tpu.dma_semaphore, #tpu.memory_space<semaphore_mem>>, %arg20: memref<!tpu.dma_semaphore, #tpu.memory_space<semaphore_mem>>, %arg21: memref<!tpu.dma_semaphore, #tpu.memory_space<semaphore_mem>>, %arg22: memref<!tpu.dma_semaphore, #tpu.memory_space<semaphore_mem>>, %arg23: memref<!tpu.dma_semaphore, #tpu.memory_space<semaphore_mem>>, %arg24: memref<!tpu.dma_semaphore, #tpu.memory_space<semaphore_mem>>, %arg25: memref<!tpu.dma_semaphore, #tpu.memory_space<semaphore_mem>>) attributes {dimension_semantics = [#tpu.dimension_semantics<core_parallel>, #tpu.dimension_semantics<subcore_parallel>], iteration_bounds = array<i64: 2, 16>, scalar_prefetch = 0 : i64, scratch_operands = 20 : i64, tpu.core_type = #tpu.core_type<sc_vector_subcore>, window_params = [{transform_indices = #map}, {transform_indices = #map1}, {transform_indices = #map}, {transform_indices = #map1}]} {
    %mul3A = arith.constant 2 : i32
    %mul3A_0 = arith.muli %arg1, %mul3A : i32
    %add3A = arith.addi %mul3A_0, %arg0 : i32
    %mul3A_1 = arith.constant 160 : i32
    %mul3A_2 = arith.muli %add3A, %mul3A_1 : i32
    %min3A = arith.constant 4840 : i32
    %min3A_3 = arith.minsi %mul3A_2, %min3A : i32
    %add3A_4 = arith.constant 0 : i32
    %add3A_5 = arith.addi %min3A_3, %add3A_4 : i32
    %dma_start3A = arith.constant 0 : i32
    %dma_start3A_6 = arith.constant 0 : i32
    %dma_start3A_7 = tpu.memref_slice %arg3[%add3A_5, %dma_start3A, %dma_start3A_6] : memref<5000x2x100xi32, #tpu.memory_space<hbm>> -> memref<1x2x100xi32, #tpu.memory_space<hbm>>
    %dma_start3A_8 = tpu.memref_squeeze %dma_start3A_7 : memref<1x2x100xi32, #tpu.memory_space<hbm>> -> memref<2x100xi32, #tpu.memory_space<hbm>>
    %dma_start3A_9 = arith.constant 0 : i32
    %dma_start3A_10 = arith.constant 0 : i32
    %dma_start3A_11 = tpu.memref_slice %arg3[%add3A_5, %dma_start3A_9, %dma_start3A_10] : memref<5000x2x100xi32, #tpu.memory_space<hbm>> -> memref<1x2x100xi32, #tpu.memory_space<hbm>>
    %dma_start3A_12 = tpu.memref_squeeze %dma_start3A_11 : memref<1x2x100xi32, #tpu.memory_space<hbm>> -> memref<2x100xi32, #tpu.memory_space<hbm>>
    tpu.enqueue_dma source(%dma_start3A_12 : memref<2x100xi32, #tpu.memory_space<hbm>>) target(%arg6 : memref<2x100xi32, #tpu.memory_space<vmem>>) target_semaphore(%arg18 : memref<!tpu.dma_semaphore, #tpu.memory_space<semaphore_mem>>)
    %add3A_13 = arith.constant 0 : i32
    %add3A_14 = arith.addi %min3A_3, %add3A_13 : i32
    %dma_start3A_15 = arith.constant 0 : i32
    %dma_start3A_16 = tpu.memref_slice %arg10[%dma_start3A_15] : memref<216xf32, #tpu.memory_space<vmem>> -> memref<200xf32, #tpu.memory_space<vmem>>
    %dma_start3A_17 = arith.constant 0 : i32
    %dma_start3A_18 = tpu.memref_slice %arg4[%add3A_14, %dma_start3A_17] : memref<5000x200xf32, #tpu.memory_space<hbm>> -> memref<1x200xf32, #tpu.memory_space<hbm>>
    %dma_start3A_19 = tpu.memref_squeeze %dma_start3A_18 : memref<1x200xf32, #tpu.memory_space<hbm>> -> memref<200xf32, #tpu.memory_space<hbm>>
    %dma_start3A_20 = arith.constant 0 : i32
    %dma_start3A_21 = tpu.memref_slice %arg10[%dma_start3A_20] : memref<216xf32, #tpu.memory_space<vmem>> -> memref<200xf32, #tpu.memory_space<vmem>>
    %dma_start3A_22 = arith.constant 0 : i32
    %dma_start3A_23 = tpu.memref_slice %arg4[%add3A_14, %dma_start3A_22] : memref<5000x200xf32, #tpu.memory_space<hbm>> -> memref<1x200xf32, #tpu.memory_space<hbm>>
    %dma_start3A_24 = tpu.memref_squeeze %dma_start3A_23 : memref<1x200xf32, #tpu.memory_space<hbm>> -> memref<200xf32, #tpu.memory_space<hbm>>
    tpu.enqueue_dma source(%dma_start3A_24 : memref<200xf32, #tpu.memory_space<hbm>>) target(%dma_start3A_21 : memref<200xf32, #tpu.memory_space<vmem>>) target_semaphore(%arg18 : memref<!tpu.dma_semaphore, #tpu.memory_space<semaphore_mem>>)
    %add3A_25 = arith.constant 1 : i32
    %add3A_26 = arith.addi %min3A_3, %add3A_25 : i32
    %dma_start3A_27 = arith.constant 0 : i32
    %dma_start3A_28 = arith.constant 0 : i32
    %dma_start3A_29 = tpu.memref_slice %arg3[%add3A_26, %dma_start3A_27, %dma_start3A_28] : memref<5000x2x100xi32, #tpu.memory_space<hbm>> -> memref<1x2x100xi32, #tpu.memory_space<hbm>>
    %dma_start3A_30 = tpu.memref_squeeze %dma_start3A_29 : memref<1x2x100xi32, #tpu.memory_space<hbm>> -> memref<2x100xi32, #tpu.memory_space<hbm>>
    %dma_start3A_31 = arith.constant 0 : i32
    %dma_start3A_32 = arith.constant 0 : i32
    %dma_start3A_33 = tpu.memref_slice %arg3[%add3A_26, %dma_start3A_31, %dma_start3A_32] : memref<5000x2x100xi32, #tpu.memory_space<hbm>> -> memref<1x2x100xi32, #tpu.memory_space<hbm>>
    %dma_start3A_34 = tpu.memref_squeeze %dma_start3A_33 : memref<1x2x100xi32, #tpu.memory_space<hbm>> -> memref<2x100xi32, #tpu.memory_space<hbm>>
    tpu.enqueue_dma source(%dma_start3A_34 : memref<2x100xi32, #tpu.memory_space<hbm>>) target(%arg7 : memref<2x100xi32, #tpu.memory_space<vmem>>) target_semaphore(%arg19 : memref<!tpu.dma_semaphore, #tpu.memory_space<semaphore_mem>>)
    %add3A_35 = arith.constant 1 : i32
    %add3A_36 = arith.addi %min3A_3, %add3A_35 : i32
    %dma_start3A_37 = arith.constant 0 : i32
    %dma_start3A_38 = tpu.memref_slice %arg11[%dma_start3A_37] : memref<216xf32, #tpu.memory_space<vmem>> -> memref<200xf32, #tpu.memory_space<vmem>>
    %dma_start3A_39 = arith.constant 0 : i32
    %dma_start3A_40 = tpu.memref_slice %arg4[%add3A_36, %dma_start3A_39] : memref<5000x200xf32, #tpu.memory_space<hbm>> -> memref<1x200xf32, #tpu.memory_space<hbm>>
    %dma_start3A_41 = tpu.memref_squeeze %dma_start3A_40 : memref<1x200xf32, #tpu.memory_space<hbm>> -> memref<200xf32, #tpu.memory_space<hbm>>
    %dma_start3A_42 = arith.constant 0 : i32
    %dma_start3A_43 = tpu.memref_slice %arg11[%dma_start3A_42] : memref<216xf32, #tpu.memory_space<vmem>> -> memref<200xf32, #tpu.memory_space<vmem>>
    %dma_start3A_44 = arith.constant 0 : i32
    %dma_start3A_45 = tpu.memref_slice %arg4[%add3A_36, %dma_start3A_44] : memref<5000x200xf32, #tpu.memory_space<hbm>> -> memref<1x200xf32, #tpu.memory_space<hbm>>
    %dma_start3A_46 = tpu.memref_squeeze %dma_start3A_45 : memref<1x200xf32, #tpu.memory_space<hbm>> -> memref<200xf32, #tpu.memory_space<hbm>>
    tpu.enqueue_dma source(%dma_start3A_46 : memref<200xf32, #tpu.memory_space<hbm>>) target(%dma_start3A_43 : memref<200xf32, #tpu.memory_space<vmem>>) target_semaphore(%arg19 : memref<!tpu.dma_semaphore, #tpu.memory_space<semaphore_mem>>)
    %add3A_47 = arith.constant 2 : i32
    %add3A_48 = arith.addi %min3A_3, %add3A_47 : i32
    %dma_start3A_49 = arith.constant 0 : i32
    %dma_start3A_50 = arith.constant 0 : i32
    %dma_start3A_51 = tpu.memref_slice %arg3[%add3A_48, %dma_start3A_49, %dma_start3A_50] : memref<5000x2x100xi32, #tpu.memory_space<hbm>> -> memref<1x2x100xi32, #tpu.memory_space<hbm>>
    %dma_start3A_52 = tpu.memref_squeeze %dma_start3A_51 : memref<1x2x100xi32, #tpu.memory_space<hbm>> -> memref<2x100xi32, #tpu.memory_space<hbm>>
    %dma_start3A_53 = arith.constant 0 : i32
    %dma_start3A_54 = arith.constant 0 : i32
    %dma_start3A_55 = tpu.memref_slice %arg3[%add3A_48, %dma_start3A_53, %dma_start3A_54] : memref<5000x2x100xi32, #tpu.memory_space<hbm>> -> memref<1x2x100xi32, #tpu.memory_space<hbm>>
    %dma_start3A_56 = tpu.memref_squeeze %dma_start3A_55 : memref<1x2x100xi32, #tpu.memory_space<hbm>> -> memref<2x100xi32, #tpu.memory_space<hbm>>
    tpu.enqueue_dma source(%dma_start3A_56 : memref<2x100xi32, #tpu.memory_space<hbm>>) target(%arg8 : memref<2x100xi32, #tpu.memory_space<vmem>>) target_semaphore(%arg20 : memref<!tpu.dma_semaphore, #tpu.memory_space<semaphore_mem>>)
    %add3A_57 = arith.constant 2 : i32
    %add3A_58 = arith.addi %min3A_3, %add3A_57 : i32
    %dma_start3A_59 = arith.constant 0 : i32
    %dma_start3A_60 = tpu.memref_slice %arg12[%dma_start3A_59] : memref<216xf32, #tpu.memory_space<vmem>> -> memref<200xf32, #tpu.memory_space<vmem>>
    %dma_start3A_61 = arith.constant 0 : i32
    %dma_start3A_62 = tpu.memref_slice %arg4[%add3A_58, %dma_start3A_61] : memref<5000x200xf32, #tpu.memory_space<hbm>> -> memref<1x200xf32, #tpu.memory_space<hbm>>
    %dma_start3A_63 = tpu.memref_squeeze %dma_start3A_62 : memref<1x200xf32, #tpu.memory_space<hbm>> -> memref<200xf32, #tpu.memory_space<hbm>>
    %dma_start3A_64 = arith.constant 0 : i32
    %dma_start3A_65 = tpu.memref_slice %arg12[%dma_start3A_64] : memref<216xf32, #tpu.memory_space<vmem>> -> memref<200xf32, #tpu.memory_space<vmem>>
    %dma_start3A_66 = arith.constant 0 : i32
    %dma_start3A_67 = tpu.memref_slice %arg4[%add3A_58, %dma_start3A_66] : memref<5000x200xf32, #tpu.memory_space<hbm>> -> memref<1x200xf32, #tpu.memory_space<hbm>>
    %dma_start3A_68 = tpu.memref_squeeze %dma_start3A_67 : memref<1x200xf32, #tpu.memory_space<hbm>> -> memref<200xf32, #tpu.memory_space<hbm>>
    tpu.enqueue_dma source(%dma_start3A_68 : memref<200xf32, #tpu.memory_space<hbm>>) target(%dma_start3A_65 : memref<200xf32, #tpu.memory_space<vmem>>) target_semaphore(%arg20 : memref<!tpu.dma_semaphore, #tpu.memory_space<semaphore_mem>>)
    %add3A_69 = arith.constant 3 : i32
    %add3A_70 = arith.addi %min3A_3, %add3A_69 : i32
    %dma_start3A_71 = arith.constant 0 : i32
    %dma_start3A_72 = arith.constant 0 : i32
    %dma_start3A_73 = tpu.memref_slice %arg3[%add3A_70, %dma_start3A_71, %dma_start3A_72] : memref<5000x2x100xi32, #tpu.memory_space<hbm>> -> memref<1x2x100xi32, #tpu.memory_space<hbm>>
    %dma_start3A_74 = tpu.memref_squeeze %dma_start3A_73 : memref<1x2x100xi32, #tpu.memory_space<hbm>> -> memref<2x100xi32, #tpu.memory_space<hbm>>
    %dma_start3A_75 = arith.constant 0 : i32
    %dma_start3A_76 = arith.constant 0 : i32
    %dma_start3A_77 = tpu.memref_slice %arg3[%add3A_70, %dma_start3A_75, %dma_start3A_76] : memref<5000x2x100xi32, #tpu.memory_space<hbm>> -> memref<1x2x100xi32, #tpu.memory_space<hbm>>
    %dma_start3A_78 = tpu.memref_squeeze %dma_start3A_77 : memref<1x2x100xi32, #tpu.memory_space<hbm>> -> memref<2x100xi32, #tpu.memory_space<hbm>>
    tpu.enqueue_dma source(%dma_start3A_78 : memref<2x100xi32, #tpu.memory_space<hbm>>) target(%arg9 : memref<2x100xi32, #tpu.memory_space<vmem>>) target_semaphore(%arg21 : memref<!tpu.dma_semaphore, #tpu.memory_space<semaphore_mem>>)
    %add3A_79 = arith.constant 3 : i32
    %add3A_80 = arith.addi %min3A_3, %add3A_79 : i32
    %dma_start3A_81 = arith.constant 0 : i32
    %dma_start3A_82 = tpu.memref_slice %arg13[%dma_start3A_81] : memref<216xf32, #tpu.memory_space<vmem>> -> memref<200xf32, #tpu.memory_space<vmem>>
    %dma_start3A_83 = arith.constant 0 : i32
    %dma_start3A_84 = tpu.memref_slice %arg4[%add3A_80, %dma_start3A_83] : memref<5000x200xf32, #tpu.memory_space<hbm>> -> memref<1x200xf32, #tpu.memory_space<hbm>>
    %dma_start3A_85 = tpu.memref_squeeze %dma_start3A_84 : memref<1x200xf32, #tpu.memory_space<hbm>> -> memref<200xf32, #tpu.memory_space<hbm>>
    %dma_start3A_86 = arith.constant 0 : i32
    %dma_start3A_87 = tpu.memref_slice %arg13[%dma_start3A_86] : memref<216xf32, #tpu.memory_space<vmem>> -> memref<200xf32, #tpu.memory_space<vmem>>
    %dma_start3A_88 = arith.constant 0 : i32
    %dma_start3A_89 = tpu.memref_slice %arg4[%add3A_80, %dma_start3A_88] : memref<5000x200xf32, #tpu.memory_space<hbm>> -> memref<1x200xf32, #tpu.memory_space<hbm>>
    %dma_start3A_90 = tpu.memref_squeeze %dma_start3A_89 : memref<1x200xf32, #tpu.memory_space<hbm>> -> memref<200xf32, #tpu.memory_space<hbm>>
    tpu.enqueue_dma source(%dma_start3A_90 : memref<200xf32, #tpu.memory_space<hbm>>) target(%dma_start3A_87 : memref<200xf32, #tpu.memory_space<vmem>>) target_semaphore(%arg21 : memref<!tpu.dma_semaphore, #tpu.memory_space<semaphore_mem>>)
    %add3A_91 = arith.constant 0 : i32
    %add3A_92 = arith.addi %min3A_3, %add3A_91 : i32
    %dma_wait3A = arith.constant 0 : i32
    %dma_wait3A_93 = arith.constant 0 : i32
    %dma_wait3A_94 = tpu.memref_slice %arg3[%add3A_92, %dma_wait3A, %dma_wait3A_93] : memref<5000x2x100xi32, #tpu.memory_space<hbm>> -> memref<1x2x100xi32, #tpu.memory_space<hbm>>
    %dma_wait3A_95 = tpu.memref_squeeze %dma_wait3A_94 : memref<1x2x100xi32, #tpu.memory_space<hbm>> -> memref<2x100xi32, #tpu.memory_space<hbm>>
    %dma_wait3A_96 = arith.constant 0 : i32
    %dma_wait3A_97 = arith.constant 0 : i32
    %dma_wait3A_98 = tpu.memref_slice %arg3[%add3A_92, %dma_wait3A_96, %dma_wait3A_97] : memref<5000x2x100xi32, #tpu.memory_space<hbm>> -> memref<1x2x100xi32, #tpu.memory_space<hbm>>
    %dma_wait3A_99 = tpu.memref_squeeze %dma_wait3A_98 : memref<1x2x100xi32, #tpu.memory_space<hbm>> -> memref<2x100xi32, #tpu.memory_space<hbm>>
    tpu.wait_dma2 semaphore(%arg18 : memref<!tpu.dma_semaphore, #tpu.memory_space<semaphore_mem>>) src(%dma_wait3A_99 : memref<2x100xi32, #tpu.memory_space<hbm>>) dst(%arg6 : memref<2x100xi32, #tpu.memory_space<vmem>>)
    %add3A_100 = arith.constant 0 : i32
    %add3A_101 = arith.addi %min3A_3, %add3A_100 : i32
    %dma_wait3A_102 = arith.constant 0 : i32
    %dma_wait3A_103 = tpu.memref_slice %arg10[%dma_wait3A_102] : memref<216xf32, #tpu.memory_space<vmem>> -> memref<200xf32, #tpu.memory_space<vmem>>
    %dma_wait3A_104 = arith.constant 0 : i32
    %dma_wait3A_105 = tpu.memref_slice %arg4[%add3A_101, %dma_wait3A_104] : memref<5000x200xf32, #tpu.memory_space<hbm>> -> memref<1x200xf32, #tpu.memory_space<hbm>>
    %dma_wait3A_106 = tpu.memref_squeeze %dma_wait3A_105 : memref<1x200xf32, #tpu.memory_space<hbm>> -> memref<200xf32, #tpu.memory_space<hbm>>
    %dma_wait3A_107 = arith.constant 0 : i32
    %dma_wait3A_108 = tpu.memref_slice %arg10[%dma_wait3A_107] : memref<216xf32, #tpu.memory_space<vmem>> -> memref<200xf32, #tpu.memory_space<vmem>>
    %dma_wait3A_109 = arith.constant 0 : i32
    %dma_wait3A_110 = tpu.memref_slice %arg4[%add3A_101, %dma_wait3A_109] : memref<5000x200xf32, #tpu.memory_space<hbm>> -> memref<1x200xf32, #tpu.memory_space<hbm>>
    %dma_wait3A_111 = tpu.memref_squeeze %dma_wait3A_110 : memref<1x200xf32, #tpu.memory_space<hbm>> -> memref<200xf32, #tpu.memory_space<hbm>>
    tpu.wait_dma2 semaphore(%arg18 : memref<!tpu.dma_semaphore, #tpu.memory_space<semaphore_mem>>) src(%dma_wait3A_111 : memref<200xf32, #tpu.memory_space<hbm>>) dst(%dma_wait3A_108 : memref<200xf32, #tpu.memory_space<vmem>>)
    %dma_start3A_112 = arith.constant 0 : i32
    %dma_start3A_113 = arith.constant 0 : i32
    %dma_start3A_114 = arith.constant 0 : i32
    %dma_start3A_115 = arith.constant 0 : i32
    %dma_start3A_116 = tpu.memref_slice %arg14[%dma_start3A_113, %dma_start3A_114, %dma_start3A_115] : memref<2x100x128xf32, #tpu.memory_space<vmem>> -> memref<1x100x128xf32, #tpu.memory_space<vmem>>
    %dma_start3A_117 = tpu.memref_squeeze %dma_start3A_116 : memref<1x100x128xf32, #tpu.memory_space<vmem>> -> memref<100x128xf32, #tpu.memory_space<vmem>>
    %dma_start3A_118 = arith.constant 0 : i32
    %dma_start3A_119 = tpu.memref_slice %arg6[%dma_start3A_112, %dma_start3A_118] : memref<2x100xi32, #tpu.memory_space<vmem>> -> memref<1x100xi32, #tpu.memory_space<vmem>>
    %dma_start3A_120 = tpu.memref_squeeze %dma_start3A_119 : memref<1x100xi32, #tpu.memory_space<vmem>> -> memref<100xi32, #tpu.memory_space<vmem>>
    %dma_start3A_121 = arith.constant 0 : i32
    %dma_start3A_122 = arith.constant 0 : i32
    %dma_start3A_123 = tpu.memref_slice %arg2[%dma_start3A_121, %dma_start3A_122] : memref<217600x128xf32, #tpu.memory_space<hbm>> -> memref<217600x128xf32, #tpu.memory_space<hbm>>
    tpu.enqueue_indirect_dma source(%dma_start3A_123 : memref<217600x128xf32, #tpu.memory_space<hbm>>) target(%dma_start3A_117 : memref<100x128xf32, #tpu.memory_space<vmem>>) offsets(%dma_start3A_120 : memref<100xi32, #tpu.memory_space<vmem>>) semaphore(%arg22 : memref<!tpu.dma_semaphore, #tpu.memory_space<semaphore_mem>>)
    %dma_start3A_124 = arith.constant 1 : i32
    %dma_start3A_125 = arith.constant 1 : i32
    %dma_start3A_126 = arith.constant 0 : i32
    %dma_start3A_127 = arith.constant 0 : i32
    %dma_start3A_128 = tpu.memref_slice %arg14[%dma_start3A_125, %dma_start3A_126, %dma_start3A_127] : memref<2x100x128xf32, #tpu.memory_space<vmem>> -> memref<1x100x128xf32, #tpu.memory_space<vmem>>
    %dma_start3A_129 = tpu.memref_squeeze %dma_start3A_128 : memref<1x100x128xf32, #tpu.memory_space<vmem>> -> memref<100x128xf32, #tpu.memory_space<vmem>>
    %dma_start3A_130 = arith.constant 0 : i32
    %dma_start3A_131 = tpu.memref_slice %arg6[%dma_start3A_124, %dma_start3A_130] : memref<2x100xi32, #tpu.memory_space<vmem>> -> memref<1x100xi32, #tpu.memory_space<vmem>>
    %dma_start3A_132 = tpu.memref_squeeze %dma_start3A_131 : memref<1x100xi32, #tpu.memory_space<vmem>> -> memref<100xi32, #tpu.memory_space<vmem>>
    %dma_start3A_133 = arith.constant 0 : i32
    %dma_start3A_134 = arith.constant 0 : i32
    %dma_start3A_135 = tpu.memref_slice %arg2[%dma_start3A_133, %dma_start3A_134] : memref<217600x128xf32, #tpu.memory_space<hbm>> -> memref<217600x128xf32, #tpu.memory_space<hbm>>
    tpu.enqueue_indirect_dma source(%dma_start3A_135 : memref<217600x128xf32, #tpu.memory_space<hbm>>) target(%dma_start3A_129 : memref<100x128xf32, #tpu.memory_space<vmem>>) offsets(%dma_start3A_132 : memref<100xi32, #tpu.memory_space<vmem>>) semaphore(%arg22 : memref<!tpu.dma_semaphore, #tpu.memory_space<semaphore_mem>>)
    %scan3A = arith.constant 0 : i32
    %scan3A_136 = arith.constant 0 : i32
    %scan3A_137 = arith.constant 40 : i32
    %scan3A_138 = arith.addi %scan3A_136, %scan3A_137 : i32
    %scan3A_139 = arith.constant 1 : i32
    scf.for %scan3A_161 = %scan3A_136 to %scan3A_138 step %scan3A_139  : i32 {
      %mul3A_162 = arith.constant 4 : i32
      %mul3A_163 = arith.muli %mul3A_162, %scan3A_161 : i32
      %add3A_164 = arith.constant 0 : i32
      %add3A_165 = arith.addi %mul3A_163, %add3A_164 : i32
      %dma_wait3A_166 = arith.constant 0 : i32
      %dma_wait3A_167 = arith.constant 0 : i32
      %dma_wait3A_168 = arith.constant 0 : i32
      %dma_wait3A_169 = arith.constant 0 : i32
      %dma_wait3A_170 = tpu.memref_slice %arg14[%dma_wait3A_167, %dma_wait3A_168, %dma_wait3A_169] : memref<2x100x128xf32, #tpu.memory_space<vmem>> -> memref<1x100x128xf32, #tpu.memory_space<vmem>>
      %dma_wait3A_171 = tpu.memref_squeeze %dma_wait3A_170 : memref<1x100x128xf32, #tpu.memory_space<vmem>> -> memref<100x128xf32, #tpu.memory_space<vmem>>
      %dma_wait3A_172 = arith.constant 0 : i32
      %dma_wait3A_173 = tpu.memref_slice %arg6[%dma_wait3A_166, %dma_wait3A_172] : memref<2x100xi32, #tpu.memory_space<vmem>> -> memref<1x100xi32, #tpu.memory_space<vmem>>
      %dma_wait3A_174 = tpu.memref_squeeze %dma_wait3A_173 : memref<1x100xi32, #tpu.memory_space<vmem>> -> memref<100xi32, #tpu.memory_space<vmem>>
      %dma_wait3A_175 = arith.constant 0 : i32
      %dma_wait3A_176 = arith.constant 0 : i32
      %dma_wait3A_177 = tpu.memref_slice %arg2[%dma_wait3A_175, %dma_wait3A_176] : memref<217600x128xf32, #tpu.memory_space<hbm>> -> memref<217600x128xf32, #tpu.memory_space<hbm>>
      tpu.wait_indirect_dma semaphore(%arg22 : memref<!tpu.dma_semaphore, #tpu.memory_space<semaphore_mem>>) src(%dma_wait3A_177 : memref<217600x128xf32, #tpu.memory_space<hbm>>) dst(%dma_wait3A_171 : memref<100x128xf32, #tpu.memory_space<vmem>>)
      %dma_wait3A_178 = arith.constant 1 : i32
      %dma_wait3A_179 = arith.constant 1 : i32
      %dma_wait3A_180 = arith.constant 0 : i32
      %dma_wait3A_181 = arith.constant 0 : i32
      %dma_wait3A_182 = tpu.memref_slice %arg14[%dma_wait3A_179, %dma_wait3A_180, %dma_wait3A_181] : memref<2x100x128xf32, #tpu.memory_space<vmem>> -> memref<1x100x128xf32, #tpu.memory_space<vmem>>
      %dma_wait3A_183 = tpu.memref_squeeze %dma_wait3A_182 : memref<1x100x128xf32, #tpu.memory_space<vmem>> -> memref<100x128xf32, #tpu.memory_space<vmem>>
      %dma_wait3A_184 = arith.constant 0 : i32
      %dma_wait3A_185 = tpu.memref_slice %arg6[%dma_wait3A_178, %dma_wait3A_184] : memref<2x100xi32, #tpu.memory_space<vmem>> -> memref<1x100xi32, #tpu.memory_space<vmem>>
      %dma_wait3A_186 = tpu.memref_squeeze %dma_wait3A_185 : memref<1x100xi32, #tpu.memory_space<vmem>> -> memref<100xi32, #tpu.memory_space<vmem>>
      %dma_wait3A_187 = arith.constant 0 : i32
      %dma_wait3A_188 = arith.constant 0 : i32
      %dma_wait3A_189 = tpu.memref_slice %arg2[%dma_wait3A_187, %dma_wait3A_188] : memref<217600x128xf32, #tpu.memory_space<hbm>> -> memref<217600x128xf32, #tpu.memory_space<hbm>>
      tpu.wait_indirect_dma semaphore(%arg22 : memref<!tpu.dma_semaphore, #tpu.memory_space<semaphore_mem>>) src(%dma_wait3A_189 : memref<217600x128xf32, #tpu.memory_space<hbm>>) dst(%dma_wait3A_183 : memref<100x128xf32, #tpu.memory_space<vmem>>)
      %add3A_190 = arith.constant 1 : i32
      %add3A_191 = arith.addi %add3A_165, %add3A_190 : i32
      %add3A_192 = arith.addi %min3A_3, %add3A_191 : i32
      %dma_wait3A_193 = arith.constant 0 : i32
      %dma_wait3A_194 = arith.constant 0 : i32
      %dma_wait3A_195 = tpu.memref_slice %arg3[%add3A_192, %dma_wait3A_193, %dma_wait3A_194] : memref<5000x2x100xi32, #tpu.memory_space<hbm>> -> memref<1x2x100xi32, #tpu.memory_space<hbm>>
      %dma_wait3A_196 = tpu.memref_squeeze %dma_wait3A_195 : memref<1x2x100xi32, #tpu.memory_space<hbm>> -> memref<2x100xi32, #tpu.memory_space<hbm>>
      %dma_wait3A_197 = arith.constant 0 : i32
      %dma_wait3A_198 = arith.constant 0 : i32
      %dma_wait3A_199 = tpu.memref_slice %arg3[%add3A_192, %dma_wait3A_197, %dma_wait3A_198] : memref<5000x2x100xi32, #tpu.memory_space<hbm>> -> memref<1x2x100xi32, #tpu.memory_space<hbm>>
      %dma_wait3A_200 = tpu.memref_squeeze %dma_wait3A_199 : memref<1x2x100xi32, #tpu.memory_space<hbm>> -> memref<2x100xi32, #tpu.memory_space<hbm>>
      tpu.wait_dma2 semaphore(%arg19 : memref<!tpu.dma_semaphore, #tpu.memory_space<semaphore_mem>>) src(%dma_wait3A_200 : memref<2x100xi32, #tpu.memory_space<hbm>>) dst(%arg7 : memref<2x100xi32, #tpu.memory_space<vmem>>)
      %add3A_201 = arith.addi %min3A_3, %add3A_191 : i32
      %dma_wait3A_202 = arith.constant 0 : i32
      %dma_wait3A_203 = tpu.memref_slice %arg11[%dma_wait3A_202] : memref<216xf32, #tpu.memory_space<vmem>> -> memref<200xf32, #tpu.memory_space<vmem>>
      %dma_wait3A_204 = arith.constant 0 : i32
      %dma_wait3A_205 = tpu.memref_slice %arg4[%add3A_201, %dma_wait3A_204] : memref<5000x200xf32, #tpu.memory_space<hbm>> -> memref<1x200xf32, #tpu.memory_space<hbm>>
      %dma_wait3A_206 = tpu.memref_squeeze %dma_wait3A_205 : memref<1x200xf32, #tpu.memory_space<hbm>> -> memref<200xf32, #tpu.memory_space<hbm>>
      %dma_wait3A_207 = arith.constant 0 : i32
      %dma_wait3A_208 = tpu.memref_slice %arg11[%dma_wait3A_207] : memref<216xf32, #tpu.memory_space<vmem>> -> memref<200xf32, #tpu.memory_space<vmem>>
      %dma_wait3A_209 = arith.constant 0 : i32
      %dma_wait3A_210 = tpu.memref_slice %arg4[%add3A_201, %dma_wait3A_209] : memref<5000x200xf32, #tpu.memory_space<hbm>> -> memref<1x200xf32, #tpu.memory_space<hbm>>
      %dma_wait3A_211 = tpu.memref_squeeze %dma_wait3A_210 : memref<1x200xf32, #tpu.memory_space<hbm>> -> memref<200xf32, #tpu.memory_space<hbm>>
      tpu.wait_dma2 semaphore(%arg19 : memref<!tpu.dma_semaphore, #tpu.memory_space<semaphore_mem>>) src(%dma_wait3A_211 : memref<200xf32, #tpu.memory_space<hbm>>) dst(%dma_wait3A_208 : memref<200xf32, #tpu.memory_space<vmem>>)
      %dma_start3A_212 = arith.constant 0 : i32
      %dma_start3A_213 = arith.constant 0 : i32
      %dma_start3A_214 = arith.constant 0 : i32
      %dma_start3A_215 = arith.constant 0 : i32
      %dma_start3A_216 = tpu.memref_slice %arg15[%dma_start3A_213, %dma_start3A_214, %dma_start3A_215] : memref<2x100x128xf32, #tpu.memory_space<vmem>> -> memref<1x100x128xf32, #tpu.memory_space<vmem>>
      %dma_start3A_217 = tpu.memref_squeeze %dma_start3A_216 : memref<1x100x128xf32, #tpu.memory_space<vmem>> -> memref<100x128xf32, #tpu.memory_space<vmem>>
      %dma_start3A_218 = arith.constant 0 : i32
      %dma_start3A_219 = tpu.memref_slice %arg7[%dma_start3A_212, %dma_start3A_218] : memref<2x100xi32, #tpu.memory_space<vmem>> -> memref<1x100xi32, #tpu.memory_space<vmem>>
      %dma_start3A_220 = tpu.memref_squeeze %dma_start3A_219 : memref<1x100xi32, #tpu.memory_space<vmem>> -> memref<100xi32, #tpu.memory_space<vmem>>
      %dma_start3A_221 = arith.constant 0 : i32
      %dma_start3A_222 = arith.constant 0 : i32
      %dma_start3A_223 = tpu.memref_slice %arg2[%dma_start3A_221, %dma_start3A_222] : memref<217600x128xf32, #tpu.memory_space<hbm>> -> memref<217600x128xf32, #tpu.memory_space<hbm>>
      tpu.enqueue_indirect_dma source(%dma_start3A_223 : memref<217600x128xf32, #tpu.memory_space<hbm>>) target(%dma_start3A_217 : memref<100x128xf32, #tpu.memory_space<vmem>>) offsets(%dma_start3A_220 : memref<100xi32, #tpu.memory_space<vmem>>) semaphore(%arg23 : memref<!tpu.dma_semaphore, #tpu.memory_space<semaphore_mem>>)
      %dma_start3A_224 = arith.constant 1 : i32
      %dma_start3A_225 = arith.constant 1 : i32
      %dma_start3A_226 = arith.constant 0 : i32
      %dma_start3A_227 = arith.constant 0 : i32
      %dma_start3A_228 = tpu.memref_slice %arg15[%dma_start3A_225, %dma_start3A_226, %dma_start3A_227] : memref<2x100x128xf32, #tpu.memory_space<vmem>> -> memref<1x100x128xf32, #tpu.memory_space<vmem>>
      %dma_start3A_229 = tpu.memref_squeeze %dma_start3A_228 : memref<1x100x128xf32, #tpu.memory_space<vmem>> -> memref<100x128xf32, #tpu.memory_space<vmem>>
      %dma_start3A_230 = arith.constant 0 : i32
      %dma_start3A_231 = tpu.memref_slice %arg7[%dma_start3A_224, %dma_start3A_230] : memref<2x100xi32, #tpu.memory_space<vmem>> -> memref<1x100xi32, #tpu.memory_space<vmem>>
      %dma_start3A_232 = tpu.memref_squeeze %dma_start3A_231 : memref<1x100xi32, #tpu.memory_space<vmem>> -> memref<100xi32, #tpu.memory_space<vmem>>
      %dma_start3A_233 = arith.constant 0 : i32
      %dma_start3A_234 = arith.constant 0 : i32
      %dma_start3A_235 = tpu.memref_slice %arg2[%dma_start3A_233, %dma_start3A_234] : memref<217600x128xf32, #tpu.memory_space<hbm>> -> memref<217600x128xf32, #tpu.memory_space<hbm>>
      tpu.enqueue_indirect_dma source(%dma_start3A_235 : memref<217600x128xf32, #tpu.memory_space<hbm>>) target(%dma_start3A_229 : memref<100x128xf32, #tpu.memory_space<vmem>>) offsets(%dma_start3A_232 : memref<100xi32, #tpu.memory_space<vmem>>) semaphore(%arg23 : memref<!tpu.dma_semaphore, #tpu.memory_space<semaphore_mem>>)
      %gt3A = arith.constant 0 : i32
      %gt3A_236 = arith.cmpi sgt, %scan3A_161, %gt3A : i32
      %convert_element_type3A = arith.extui %gt3A_236 : i1 to i32
      %cond3A = arith.constant 0 : i32
      %cond3A_237 = arith.cmpi ne, %convert_element_type3A, %cond3A : i32
      scf.if %cond3A_237 {
        %sub3A_675 = arith.constant 2 : i32
        %sub3A_676 = arith.subi %add3A_165, %sub3A_675 : i32
        %add3A_677 = arith.addi %min3A_3, %sub3A_676 : i32
        %dma_wait3A_678 = arith.constant 0 : i32
        %dma_wait3A_679 = arith.constant 0 : i32
        %dma_wait3A_680 = tpu.memref_slice %arg5[%add3A_677, %dma_wait3A_678, %dma_wait3A_679] : memref<5000x128x49xf32, #tpu.memory_space<hbm>> -> memref<1x128x49xf32, #tpu.memory_space<hbm>>
        %dma_wait3A_681 = tpu.memref_squeeze %dma_wait3A_680 : memref<1x128x49xf32, #tpu.memory_space<hbm>> -> memref<128x49xf32, #tpu.memory_space<hbm>>
        %dma_wait3A_682 = arith.constant 0 : i32
        %dma_wait3A_683 = arith.constant 0 : i32
        %dma_wait3A_684 = tpu.memref_slice %arg5[%add3A_677, %dma_wait3A_682, %dma_wait3A_683] : memref<5000x128x49xf32, #tpu.memory_space<hbm>> -> memref<1x128x49xf32, #tpu.memory_space<hbm>>
        %dma_wait3A_685 = tpu.memref_squeeze %dma_wait3A_684 : memref<1x128x49xf32, #tpu.memory_space<hbm>> -> memref<128x49xf32, #tpu.memory_space<hbm>>
        tpu.wait_dma2 semaphore(%arg24 : memref<!tpu.dma_semaphore, #tpu.memory_space<semaphore_mem>>) src(%arg16 : memref<128x49xf32, #tpu.memory_space<vmem>>) dst(%dma_wait3A_685 : memref<128x49xf32, #tpu.memory_space<hbm>>)
      } else {
      }
      %iota3A = tpu.iota {dimensions = array<i32: 0>} : vector<16xi32>
      %add3A_238 = arith.constant 0 : i32
      %add3A_239 = vector.broadcast %add3A_238 : i32 to vector<16xi32>
      %add3A_240 = arith.addi %iota3A, %add3A_239 : vector<16xi32>
      %iota3A_241 = tpu.iota {dimensions = array<i32: 0>} : vector<16xi32>
      %add3A_242 = arith.constant 16 : i32
      %add3A_243 = vector.broadcast %add3A_242 : i32 to vector<16xi32>
      %add3A_244 = arith.addi %iota3A_241, %add3A_243 : vector<16xi32>
      %iota3A_245 = tpu.iota {dimensions = array<i32: 0>} : vector<16xi32>
      %add3A_246 = arith.constant 32 : i32
      %add3A_247 = vector.broadcast %add3A_246 : i32 to vector<16xi32>
      %add3A_248 = arith.addi %iota3A_245, %add3A_247 : vector<16xi32>
      %iota3A_249 = tpu.iota {dimensions = array<i32: 0>} : vector<16xi32>
      %add3A_250 = arith.constant 48 : i32
      %add3A_251 = vector.broadcast %add3A_250 : i32 to vector<16xi32>
      %add3A_252 = arith.addi %iota3A_249, %add3A_251 : vector<16xi32>
      %iota3A_253 = tpu.iota {dimensions = array<i32: 0>} : vector<16xi32>
      %add3A_254 = arith.constant 64 : i32
      %add3A_255 = vector.broadcast %add3A_254 : i32 to vector<16xi32>
      %add3A_256 = arith.addi %iota3A_253, %add3A_255 : vector<16xi32>
      %iota3A_257 = tpu.iota {dimensions = array<i32: 0>} : vector<16xi32>
      %add3A_258 = arith.constant 80 : i32
      %add3A_259 = vector.broadcast %add3A_258 : i32 to vector<16xi32>
      %add3A_260 = arith.addi %iota3A_257, %add3A_259 : vector<16xi32>
      %iota3A_261 = tpu.iota {dimensions = array<i32: 0>} : vector<16xi32>
      %add3A_262 = arith.constant 96 : i32
      %add3A_263 = vector.broadcast %add3A_262 : i32 to vector<16xi32>
      %add3A_264 = arith.addi %iota3A_261, %add3A_263 : vector<16xi32>
      %iota3A_265 = tpu.iota {dimensions = array<i32: 0>} : vector<16xi32>
      %add3A_266 = arith.constant 112 : i32
      %add3A_267 = vector.broadcast %add3A_266 : i32 to vector<16xi32>
      %add3A_268 = arith.addi %iota3A_265, %add3A_267 : vector<16xi32>
      %scan3A_269 = arith.constant 0 : i32
      %scan3A_270 = arith.constant 0 : i32
      %scan3A_271 = arith.constant 25 : i32
      %scan3A_272 = arith.addi %scan3A_270, %scan3A_271 : i32
      %scan3A_273 = arith.constant 1 : i32
      scf.for %scan3A_675 = %scan3A_270 to %scan3A_272 step %scan3A_273  : i32 {
        %mul3A_676 = arith.constant 4 : i32
        %mul3A_677 = arith.muli %scan3A_675, %mul3A_676 : i32
        %add3A_678 = arith.constant 0 : i32
        %add3A_679 = arith.addi %add3A_678, %mul3A_677 : i32
        %add3A_680 = arith.constant 0 : i32
        %add3A_681 = arith.addi %add3A_679, %add3A_680 : i32
        %broadcast_in_dim3A = vector.broadcast %add3A_681 : i32 to vector<16xi32>
        %gather3A = tpu.vector_load_idx %arg10[%broadcast_in_dim3A] : memref<216xf32, #tpu.memory_space<vmem>>[vector<16xi32>], vector<16xf32>,
        %mul3A_682 = arith.constant 4 : i32
        %mul3A_683 = arith.muli %scan3A_675, %mul3A_682 : i32
        %add3A_684 = arith.constant 0 : i32
        %add3A_685 = arith.addi %add3A_684, %mul3A_683 : i32
        %add3A_686 = arith.constant 1 : i32
        %add3A_687 = arith.addi %add3A_685, %add3A_686 : i32
        %broadcast_in_dim3A_688 = vector.broadcast %add3A_687 : i32 to vector<16xi32>
        %gather3A_689 = tpu.vector_load_idx %arg10[%broadcast_in_dim3A_688] : memref<216xf32, #tpu.memory_space<vmem>>[vector<16xi32>], vector<16xf32>,
        %mul3A_690 = arith.constant 4 : i32
        %mul3A_691 = arith.muli %scan3A_675, %mul3A_690 : i32
        %add3A_692 = arith.constant 0 : i32
        %add3A_693 = arith.addi %add3A_692, %mul3A_691 : i32
        %add3A_694 = arith.constant 2 : i32
        %add3A_695 = arith.addi %add3A_693, %add3A_694 : i32
        %broadcast_in_dim3A_696 = vector.broadcast %add3A_695 : i32 to vector<16xi32>
        %gather3A_697 = tpu.vector_load_idx %arg10[%broadcast_in_dim3A_696] : memref<216xf32, #tpu.memory_space<vmem>>[vector<16xi32>], vector<16xf32>,
        %mul3A_698 = arith.constant 4 : i32
        %mul3A_699 = arith.muli %scan3A_675, %mul3A_698 : i32
        %add3A_700 = arith.constant 0 : i32
        %add3A_701 = arith.addi %add3A_700, %mul3A_699 : i32
        %add3A_702 = arith.constant 3 : i32
        %add3A_703 = arith.addi %add3A_701, %add3A_702 : i32
        %broadcast_in_dim3A_704 = vector.broadcast %add3A_703 : i32 to vector<16xi32>
        %gather3A_705 = tpu.vector_load_idx %arg10[%broadcast_in_dim3A_704] : memref<216xf32, #tpu.memory_space<vmem>>[vector<16xi32>], vector<16xf32>,
        %add3A_706 = arith.constant 0 : i32
        %add3A_707 = arith.addi %add3A_706, %scan3A_675 : i32
        %broadcast_in_dim3A_708 = vector.broadcast %add3A_707 : i32 to vector<16xi32>
        %mul3A_709 = arith.constant 4 : i32
        %mul3A_710 = arith.muli %scan3A_675, %mul3A_709 : i32
        %add3A_711 = arith.constant 0 : i32
        %add3A_712 = arith.addi %mul3A_710, %add3A_711 : i32
        %get3A = arith.constant 0 : i32
        %get3A_713 = arith.index_cast %get3A : i32 to index
        %get3A_714 = arith.index_cast %add3A_712 : i32 to index
        %get3A_715 = arith.constant 0 : index
        %get3A_716 = tpu.vector_load %arg14[%get3A_713, %get3A_714, %get3A_715] {strides = array<i32>} : memref<2x100x128xf32, #tpu.memory_space<vmem>>, vector<16xf32>,
        %mul3A_717 = arith.constant 4 : i32
        %mul3A_718 = arith.muli %scan3A_675, %mul3A_717 : i32
        %add3A_719 = arith.constant 1 : i32
        %add3A_720 = arith.addi %mul3A_718, %add3A_719 : i32
        %get3A_721 = arith.constant 0 : i32
        %get3A_722 = arith.index_cast %get3A_721 : i32 to index
        %get3A_723 = arith.index_cast %add3A_720 : i32 to index
        %get3A_724 = arith.constant 0 : index
        %get3A_725 = tpu.vector_load %arg14[%get3A_722, %get3A_723, %get3A_724] {strides = array<i32>} : memref<2x100x128xf32, #tpu.memory_space<vmem>>, vector<16xf32>,
        %mul3A_726 = arith.constant 4 : i32
        %mul3A_727 = arith.muli %scan3A_675, %mul3A_726 : i32
        %add3A_728 = arith.constant 2 : i32
        %add3A_729 = arith.addi %mul3A_727, %add3A_728 : i32
        %get3A_730 = arith.constant 0 : i32
        %get3A_731 = arith.index_cast %get3A_730 : i32 to index
        %get3A_732 = arith.index_cast %add3A_729 : i32 to index
        %get3A_733 = arith.constant 0 : index
        %get3A_734 = tpu.vector_load %arg14[%get3A_731, %get3A_732, %get3A_733] {strides = array<i32>} : memref<2x100x128xf32, #tpu.memory_space<vmem>>, vector<16xf32>,
        %mul3A_735 = arith.constant 4 : i32
        %mul3A_736 = arith.muli %scan3A_675, %mul3A_735 : i32
        %add3A_737 = arith.constant 3 : i32
        %add3A_738 = arith.addi %mul3A_736, %add3A_737 : i32
        %get3A_739 = arith.constant 0 : i32
        %get3A_740 = arith.index_cast %get3A_739 : i32 to index
        %get3A_741 = arith.index_cast %add3A_738 : i32 to index
        %get3A_742 = arith.constant 0 : index
        %get3A_743 = tpu.vector_load %arg14[%get3A_740, %get3A_741, %get3A_742] {strides = array<i32>} : memref<2x100x128xf32, #tpu.memory_space<vmem>>, vector<16xf32>,
        %mul3A_744 = arith.constant 4 : i32
        %mul3A_745 = arith.muli %scan3A_675, %mul3A_744 : i32
        %add3A_746 = arith.constant 0 : i32
        %add3A_747 = arith.addi %mul3A_745, %add3A_746 : i32
        %get3A_748 = arith.constant 0 : i32
        %get3A_749 = arith.index_cast %get3A_748 : i32 to index
        %get3A_750 = arith.index_cast %add3A_747 : i32 to index
        %get3A_751 = arith.constant 16 : index
        %get3A_752 = tpu.vector_load %arg14[%get3A_749, %get3A_750, %get3A_751] {strides = array<i32>} : memref<2x100x128xf32, #tpu.memory_space<vmem>>, vector<16xf32>,
        %mul3A_753 = arith.constant 4 : i32
        %mul3A_754 = arith.muli %scan3A_675, %mul3A_753 : i32
        %add3A_755 = arith.constant 1 : i32
        %add3A_756 = arith.addi %mul3A_754, %add3A_755 : i32
        %get3A_757 = arith.constant 0 : i32
        %get3A_758 = arith.index_cast %get3A_757 : i32 to index
        %get3A_759 = arith.index_cast %add3A_756 : i32 to index
        %get3A_760 = arith.constant 16 : index
        %get3A_761 = tpu.vector_load %arg14[%get3A_758, %get3A_759, %get3A_760] {strides = array<i32>} : memref<2x100x128xf32, #tpu.memory_space<vmem>>, vector<16xf32>,
        %mul3A_762 = arith.constant 4 : i32
        %mul3A_763 = arith.muli %scan3A_675, %mul3A_762 : i32
        %add3A_764 = arith.constant 2 : i32
        %add3A_765 = arith.addi %mul3A_763, %add3A_764 : i32
        %get3A_766 = arith.constant 0 : i32
        %get3A_767 = arith.index_cast %get3A_766 : i32 to index
        %get3A_768 = arith.index_cast %add3A_765 : i32 to index
        %get3A_769 = arith.constant 16 : index
        %get3A_770 = tpu.vector_load %arg14[%get3A_767, %get3A_768, %get3A_769] {strides = array<i32>} : memref<2x100x128xf32, #tpu.memory_space<vmem>>, vector<16xf32>,
        %mul3A_771 = arith.constant 4 : i32
        %mul3A_772 = arith.muli %scan3A_675, %mul3A_771 : i32
        %add3A_773 = arith.constant 3 : i32
        %add3A_774 = arith.addi %mul3A_772, %add3A_773 : i32
        %get3A_775 = arith.constant 0 : i32
        %get3A_776 = arith.index_cast %get3A_775 : i32 to index
        %get3A_777 = arith.index_cast %add3A_774 : i32 to index
        %get3A_778 = arith.constant 16 : index
        %get3A_779 = tpu.vector_load %arg14[%get3A_776, %get3A_777, %get3A_778] {strides = array<i32>} : memref<2x100x128xf32, #tpu.memory_space<vmem>>, vector<16xf32>,
        %mul3A_780 = arith.mulf %get3A_716, %gather3A : vector<16xf32>
        %mul3A_781 = arith.mulf %get3A_725, %gather3A_689 : vector<16xf32>
        %add3A_782 = arith.addf %mul3A_780, %mul3A_781 : vector<16xf32>
        %mul3A_783 = arith.mulf %get3A_734, %gather3A_697 : vector<16xf32>
        %mul3A_784 = arith.mulf %get3A_743, %gather3A_705 : vector<16xf32>
        %add3A_785 = arith.addf %mul3A_783, %mul3A_784 : vector<16xf32>
        %add3A_786 = arith.addf %add3A_782, %add3A_785 : vector<16xf32>
        %mul3A_787 = arith.mulf %get3A_752, %gather3A : vector<16xf32>
        %mul3A_788 = arith.mulf %get3A_761, %gather3A_689 : vector<16xf32>
        %add3A_789 = arith.addf %mul3A_787, %mul3A_788 : vector<16xf32>
        %mul3A_790 = arith.mulf %get3A_770, %gather3A_697 : vector<16xf32>
        %mul3A_791 = arith.mulf %get3A_779, %gather3A_705 : vector<16xf32>
        %add3A_792 = arith.addf %mul3A_790, %mul3A_791 : vector<16xf32>
        %add3A_793 = arith.addf %add3A_789, %add3A_792 : vector<16xf32>
        tpu.vector_store_idx %arg16[%add3A_240, %broadcast_in_dim3A_708], %add3A_786 : memref<128x49xf32, #tpu.memory_space<vmem>>[vector<16xi32>, vector<16xi32>], vector<16xf32>,
        tpu.vector_store_idx %arg16[%add3A_244, %broadcast_in_dim3A_708], %add3A_793 : memref<128x49xf32, #tpu.memory_space<vmem>>[vector<16xi32>, vector<16xi32>], vector<16xf32>,
        %mul3A_794 = arith.constant 4 : i32
        %mul3A_795 = arith.muli %scan3A_675, %mul3A_794 : i32
        %add3A_796 = arith.constant 0 : i32
        %add3A_797 = arith.addi %mul3A_795, %add3A_796 : i32
        %get3A_798 = arith.constant 0 : i32
        %get3A_799 = arith.index_cast %get3A_798 : i32 to index
        %get3A_800 = arith.index_cast %add3A_797 : i32 to index
        %get3A_801 = arith.constant 32 : index
        %get3A_802 = tpu.vector_load %arg14[%get3A_799, %get3A_800, %get3A_801] {strides = array<i32>} : memref<2x100x128xf32, #tpu.memory_space<vmem>>, vector<16xf32>,
        %mul3A_803 = arith.constant 4 : i32
        %mul3A_804 = arith.muli %scan3A_675, %mul3A_803 : i32
        %add3A_805 = arith.constant 1 : i32
        %add3A_806 = arith.addi %mul3A_804, %add3A_805 : i32
        %get3A_807 = arith.constant 0 : i32
        %get3A_808 = arith.index_cast %get3A_807 : i32 to index
        %get3A_809 = arith.index_cast %add3A_806 : i32 to index
        %get3A_810 = arith.constant 32 : index
        %get3A_811 = tpu.vector_load %arg14[%get3A_808, %get3A_809, %get3A_810] {strides = array<i32>} : memref<2x100x128xf32, #tpu.memory_space<vmem>>, vector<16xf32>,
        %mul3A_812 = arith.constant 4 : i32
        %mul3A_813 = arith.muli %scan3A_675, %mul3A_812 : i32
        %add3A_814 = arith.constant 2 : i32
        %add3A_815 = arith.addi %mul3A_813, %add3A_814 : i32
        %get3A_816 = arith.constant 0 : i32
        %get3A_817 = arith.index_cast %get3A_816 : i32 to index
        %get3A_818 = arith.index_cast %add3A_815 : i32 to index
        %get3A_819 = arith.constant 32 : index
        %get3A_820 = tpu.vector_load %arg14[%get3A_817, %get3A_818, %get3A_819] {strides = array<i32>} : memref<2x100x128xf32, #tpu.memory_space<vmem>>, vector<16xf32>,
        %mul3A_821 = arith.constant 4 : i32
        %mul3A_822 = arith.muli %scan3A_675, %mul3A_821 : i32
        %add3A_823 = arith.constant 3 : i32
        %add3A_824 = arith.addi %mul3A_822, %add3A_823 : i32
        %get3A_825 = arith.constant 0 : i32
        %get3A_826 = arith.index_cast %get3A_825 : i32 to index
        %get3A_827 = arith.index_cast %add3A_824 : i32 to index
        %get3A_828 = arith.constant 32 : index
        %get3A_829 = tpu.vector_load %arg14[%get3A_826, %get3A_827, %get3A_828] {strides = array<i32>} : memref<2x100x128xf32, #tpu.memory_space<vmem>>, vector<16xf32>,
        %mul3A_830 = arith.constant 4 : i32
        %mul3A_831 = arith.muli %scan3A_675, %mul3A_830 : i32
        %add3A_832 = arith.constant 0 : i32
        %add3A_833 = arith.addi %mul3A_831, %add3A_832 : i32
        %get3A_834 = arith.constant 0 : i32
        %get3A_835 = arith.index_cast %get3A_834 : i32 to index
        %get3A_836 = arith.index_cast %add3A_833 : i32 to index
        %get3A_837 = arith.constant 48 : index
        %get3A_838 = tpu.vector_load %arg14[%get3A_835, %get3A_836, %get3A_837] {strides = array<i32>} : memref<2x100x128xf32, #tpu.memory_space<vmem>>, vector<16xf32>,
        %mul3A_839 = arith.constant 4 : i32
        %mul3A_840 = arith.muli %scan3A_675, %mul3A_839 : i32
        %add3A_841 = arith.constant 1 : i32
        %add3A_842 = arith.addi %mul3A_840, %add3A_841 : i32
        %get3A_843 = arith.constant 0 : i32
        %get3A_844 = arith.index_cast %get3A_843 : i32 to index
        %get3A_845 = arith.index_cast %add3A_842 : i32 to index
        %get3A_846 = arith.constant 48 : index
        %get3A_847 = tpu.vector_load %arg14[%get3A_844, %get3A_845, %get3A_846] {strides = array<i32>} : memref<2x100x128xf32, #tpu.memory_space<vmem>>, vector<16xf32>,
        %mul3A_848 = arith.constant 4 : i32
        %mul3A_849 = arith.muli %scan3A_675, %mul3A_848 : i32
        %add3A_850 = arith.constant 2 : i32
        %add3A_851 = arith.addi %mul3A_849, %add3A_850 : i32
        %get3A_852 = arith.constant 0 : i32
        %get3A_853 = arith.index_cast %get3A_852 : i32 to index
        %get3A_854 = arith.index_cast %add3A_851 : i32 to index
        %get3A_855 = arith.constant 48 : index
        %get3A_856 = tpu.vector_load %arg14[%get3A_853, %get3A_854, %get3A_855] {strides = array<i32>} : memref<2x100x128xf32, #tpu.memory_space<vmem>>, vector<16xf32>,
        %mul3A_857 = arith.constant 4 : i32
        %mul3A_858 = arith.muli %scan3A_675, %mul3A_857 : i32
        %add3A_859 = arith.constant 3 : i32
        %add3A_860 = arith.addi %mul3A_858, %add3A_859 : i32
        %get3A_861 = arith.constant 0 : i32
        %get3A_862 = arith.index_cast %get3A_861 : i32 to index
        %get3A_863 = arith.index_cast %add3A_860 : i32 to index
        %get3A_864 = arith.constant 48 : index
        %get3A_865 = tpu.vector_load %arg14[%get3A_862, %get3A_863, %get3A_864] {strides = array<i32>} : memref<2x100x128xf32, #tpu.memory_space<vmem>>, vector<16xf32>,
        %mul3A_866 = arith.mulf %get3A_802, %gather3A : vector<16xf32>
        %mul3A_867 = arith.mulf %get3A_811, %gather3A_689 : vector<16xf32>
        %add3A_868 = arith.addf %mul3A_866, %mul3A_867 : vector<16xf32>
        %mul3A_869 = arith.mulf %get3A_820, %gather3A_697 : vector<16xf32>
        %mul3A_870 = arith.mulf %get3A_829, %gather3A_705 : vector<16xf32>
        %add3A_871 = arith.addf %mul3A_869, %mul3A_870 : vector<16xf32>
        %add3A_872 = arith.addf %add3A_868, %add3A_871 : vector<16xf32>
        %mul3A_873 = arith.mulf %get3A_838, %gather3A : vector<16xf32>
        %mul3A_874 = arith.mulf %get3A_847, %gather3A_689 : vector<16xf32>
        %add3A_875 = arith.addf %mul3A_873, %mul3A_874 : vector<16xf32>
        %mul3A_876 = arith.mulf %get3A_856, %gather3A_697 : vector<16xf32>
        %mul3A_877 = arith.mulf %get3A_865, %gather3A_705 : vector<16xf32>
        %add3A_878 = arith.addf %mul3A_876, %mul3A_877 : vector<16xf32>
        %add3A_879 = arith.addf %add3A_875, %add3A_878 : vector<16xf32>
        tpu.vector_store_idx %arg16[%add3A_248, %broadcast_in_dim3A_708], %add3A_872 : memref<128x49xf32, #tpu.memory_space<vmem>>[vector<16xi32>, vector<16xi32>], vector<16xf32>,
        tpu.vector_store_idx %arg16[%add3A_252, %broadcast_in_dim3A_708], %add3A_879 : memref<128x49xf32, #tpu.memory_space<vmem>>[vector<16xi32>, vector<16xi32>], vector<16xf32>,
        %mul3A_880 = arith.constant 4 : i32
        %mul3A_881 = arith.muli %scan3A_675, %mul3A_880 : i32
        %add3A_882 = arith.constant 0 : i32
        %add3A_883 = arith.addi %mul3A_881, %add3A_882 : i32
        %get3A_884 = arith.constant 0 : i32
        %get3A_885 = arith.index_cast %get3A_884 : i32 to index
        %get3A_886 = arith.index_cast %add3A_883 : i32 to index
        %get3A_887 = arith.constant 64 : index
        %get3A_888 = tpu.vector_load %arg14[%get3A_885, %get3A_886, %get3A_887] {strides = array<i32>} : memref<2x100x128xf32, #tpu.memory_space<vmem>>, vector<16xf32>,
        %mul3A_889 = arith.constant 4 : i32
        %mul3A_890 = arith.muli %scan3A_675, %mul3A_889 : i32
        %add3A_891 = arith.constant 1 : i32
        %add3A_892 = arith.addi %mul3A_890, %add3A_891 : i32
        %get3A_893 = arith.constant 0 : i32
        %get3A_894 = arith.index_cast %get3A_893 : i32 to index
        %get3A_895 = arith.index_cast %add3A_892 : i32 to index
        %get3A_896 = arith.constant 64 : index
        %get3A_897 = tpu.vector_load %arg14[%get3A_894, %get3A_895, %get3A_896] {strides = array<i32>} : memref<2x100x128xf32, #tpu.memory_space<vmem>>, vector<16xf32>,
        %mul3A_898 = arith.constant 4 : i32
        %mul3A_899 = arith.muli %scan3A_675, %mul3A_898 : i32
        %add3A_900 = arith.constant 2 : i32
        %add3A_901 = arith.addi %mul3A_899, %add3A_900 : i32
        %get3A_902 = arith.constant 0 : i32
        %get3A_903 = arith.index_cast %get3A_902 : i32 to index
        %get3A_904 = arith.index_cast %add3A_901 : i32 to index
        %get3A_905 = arith.constant 64 : index
        %get3A_906 = tpu.vector_load %arg14[%get3A_903, %get3A_904, %get3A_905] {strides = array<i32>} : memref<2x100x128xf32, #tpu.memory_space<vmem>>, vector<16xf32>,
        %mul3A_907 = arith.constant 4 : i32
        %mul3A_908 = arith.muli %scan3A_675, %mul3A_907 : i32
        %add3A_909 = arith.constant 3 : i32
        %add3A_910 = arith.addi %mul3A_908, %add3A_909 : i32
        %get3A_911 = arith.constant 0 : i32
        %get3A_912 = arith.index_cast %get3A_911 : i32 to index
        %get3A_913 = arith.index_cast %add3A_910 : i32 to index
        %get3A_914 = arith.constant 64 : index
        %get3A_915 = tpu.vector_load %arg14[%get3A_912, %get3A_913, %get3A_914] {strides = array<i32>} : memref<2x100x128xf32, #tpu.memory_space<vmem>>, vector<16xf32>,
        %mul3A_916 = arith.constant 4 : i32
        %mul3A_917 = arith.muli %scan3A_675, %mul3A_916 : i32
        %add3A_918 = arith.constant 0 : i32
        %add3A_919 = arith.addi %mul3A_917, %add3A_918 : i32
        %get3A_920 = arith.constant 0 : i32
        %get3A_921 = arith.index_cast %get3A_920 : i32 to index
        %get3A_922 = arith.index_cast %add3A_919 : i32 to index
        %get3A_923 = arith.constant 80 : index
        %get3A_924 = tpu.vector_load %arg14[%get3A_921, %get3A_922, %get3A_923] {strides = array<i32>} : memref<2x100x128xf32, #tpu.memory_space<vmem>>, vector<16xf32>,
        %mul3A_925 = arith.constant 4 : i32
        %mul3A_926 = arith.muli %scan3A_675, %mul3A_925 : i32
        %add3A_927 = arith.constant 1 : i32
        %add3A_928 = arith.addi %mul3A_926, %add3A_927 : i32
        %get3A_929 = arith.constant 0 : i32
        %get3A_930 = arith.index_cast %get3A_929 : i32 to index
        %get3A_931 = arith.index_cast %add3A_928 : i32 to index
        %get3A_932 = arith.constant 80 : index
        %get3A_933 = tpu.vector_load %arg14[%get3A_930, %get3A_931, %get3A_932] {strides = array<i32>} : memref<2x100x128xf32, #tpu.memory_space<vmem>>, vector<16xf32>,
        %mul3A_934 = arith.constant 4 : i32
        %mul3A_935 = arith.muli %scan3A_675, %mul3A_934 : i32
        %add3A_936 = arith.constant 2 : i32
        %add3A_937 = arith.addi %mul3A_935, %add3A_936 : i32
        %get3A_938 = arith.constant 0 : i32
        %get3A_939 = arith.index_cast %get3A_938 : i32 to index
        %get3A_940 = arith.index_cast %add3A_937 : i32 to index
        %get3A_941 = arith.constant 80 : index
        %get3A_942 = tpu.vector_load %arg14[%get3A_939, %get3A_940, %get3A_941] {strides = array<i32>} : memref<2x100x128xf32, #tpu.memory_space<vmem>>, vector<16xf32>,
        %mul3A_943 = arith.constant 4 : i32
        %mul3A_944 = arith.muli %scan3A_675, %mul3A_943 : i32
        %add3A_945 = arith.constant 3 : i32
        %add3A_946 = arith.addi %mul3A_944, %add3A_945 : i32
        %get3A_947 = arith.constant 0 : i32
        %get3A_948 = arith.index_cast %get3A_947 : i32 to index
        %get3A_949 = arith.index_cast %add3A_946 : i32 to index
        %get3A_950 = arith.constant 80 : index
        %get3A_951 = tpu.vector_load %arg14[%get3A_948, %get3A_949, %get3A_950] {strides = array<i32>} : memref<2x100x128xf32, #tpu.memory_space<vmem>>, vector<16xf32>,
        %mul3A_952 = arith.mulf %get3A_888, %gather3A : vector<16xf32>
        %mul3A_953 = arith.mulf %get3A_897, %gather3A_689 : vector<16xf32>
        %add3A_954 = arith.addf %mul3A_952, %mul3A_953 : vector<16xf32>
        %mul3A_955 = arith.mulf %get3A_906, %gather3A_697 : vector<16xf32>
        %mul3A_956 = arith.mulf %get3A_915, %gather3A_705 : vector<16xf32>
        %add3A_957 = arith.addf %mul3A_955, %mul3A_956 : vector<16xf32>
        %add3A_958 = arith.addf %add3A_954, %add3A_957 : vector<16xf32>
        %mul3A_959 = arith.mulf %get3A_924, %gather3A : vector<16xf32>
        %mul3A_960 = arith.mulf %get3A_933, %gather3A_689 : vector<16xf32>
        %add3A_961 = arith.addf %mul3A_959, %mul3A_960 : vector<16xf32>
        %mul3A_962 = arith.mulf %get3A_942, %gather3A_697 : vector<16xf32>
        %mul3A_963 = arith.mulf %get3A_951, %gather3A_705 : vector<16xf32>
        %add3A_964 = arith.addf %mul3A_962, %mul3A_963 : vector<16xf32>
        %add3A_965 = arith.addf %add3A_961, %add3A_964 : vector<16xf32>
        tpu.vector_store_idx %arg16[%add3A_256, %broadcast_in_dim3A_708], %add3A_958 : memref<128x49xf32, #tpu.memory_space<vmem>>[vector<16xi32>, vector<16xi32>], vector<16xf32>,
        tpu.vector_store_idx %arg16[%add3A_260, %broadcast_in_dim3A_708], %add3A_965 : memref<128x49xf32, #tpu.memory_space<vmem>>[vector<16xi32>, vector<16xi32>], vector<16xf32>,
        %mul3A_966 = arith.constant 4 : i32
        %mul3A_967 = arith.muli %scan3A_675, %mul3A_966 : i32
        %add3A_968 = arith.constant 0 : i32
        %add3A_969 = arith.addi %mul3A_967, %add3A_968 : i32
        %get3A_970 = arith.constant 0 : i32
        %get3A_971 = arith.index_cast %get3A_970 : i32 to index
        %get3A_972 = arith.index_cast %add3A_969 : i32 to index
        %get3A_973 = arith.constant 96 : index
        %get3A_974 = tpu.vector_load %arg14[%get3A_971, %get3A_972, %get3A_973] {strides = array<i32>} : memref<2x100x128xf32, #tpu.memory_space<vmem>>, vector<16xf32>,
        %mul3A_975 = arith.constant 4 : i32
        %mul3A_976 = arith.muli %scan3A_675, %mul3A_975 : i32
        %add3A_977 = arith.constant 1 : i32
        %add3A_978 = arith.addi %mul3A_976, %add3A_977 : i32
        %get3A_979 = arith.constant 0 : i32
        %get3A_980 = arith.index_cast %get3A_979 : i32 to index
        %get3A_981 = arith.index_cast %add3A_978 : i32 to index
        %get3A_982 = arith.constant 96 : index
        %get3A_983 = tpu.vector_load %arg14[%get3A_980, %get3A_981, %get3A_982] {strides = array<i32>} : memref<2x100x128xf32, #tpu.memory_space<vmem>>, vector<16xf32>,
        %mul3A_984 = arith.constant 4 : i32
        %mul3A_985 = arith.muli %scan3A_675, %mul3A_984 : i32
        %add3A_986 = arith.constant 2 : i32
        %add3A_987 = arith.addi %mul3A_985, %add3A_986 : i32
        %get3A_988 = arith.constant 0 : i32
        %get3A_989 = arith.index_cast %get3A_988 : i32 to index
        %get3A_990 = arith.index_cast %add3A_987 : i32 to index
        %get3A_991 = arith.constant 96 : index
        %get3A_992 = tpu.vector_load %arg14[%get3A_989, %get3A_990, %get3A_991] {strides = array<i32>} : memref<2x100x128xf32, #tpu.memory_space<vmem>>, vector<16xf32>,
        %mul3A_993 = arith.constant 4 : i32
        %mul3A_994 = arith.muli %scan3A_675, %mul3A_993 : i32
        %add3A_995 = arith.constant 3 : i32
        %add3A_996 = arith.addi %mul3A_994, %add3A_995 : i32
        %get3A_997 = arith.constant 0 : i32
        %get3A_998 = arith.index_cast %get3A_997 : i32 to index
        %get3A_999 = arith.index_cast %add3A_996 : i32 to index
        %get3A_1000 = arith.constant 96 : index
        %get3A_1001 = tpu.vector_load %arg14[%get3A_998, %get3A_999, %get3A_1000] {strides = array<i32>} : memref<2x100x128xf32, #tpu.memory_space<vmem>>, vector<16xf32>,
        %mul3A_1002 = arith.constant 4 : i32
        %mul3A_1003 = arith.muli %scan3A_675, %mul3A_1002 : i32
        %add3A_1004 = arith.constant 0 : i32
        %add3A_1005 = arith.addi %mul3A_1003, %add3A_1004 : i32
        %get3A_1006 = arith.constant 0 : i32
        %get3A_1007 = arith.index_cast %get3A_1006 : i32 to index
        %get3A_1008 = arith.index_cast %add3A_1005 : i32 to index
        %get3A_1009 = arith.constant 112 : index
        %get3A_1010 = tpu.vector_load %arg14[%get3A_1007, %get3A_1008, %get3A_1009] {strides = array<i32>} : memref<2x100x128xf32, #tpu.memory_space<vmem>>, vector<16xf32>,
        %mul3A_1011 = arith.constant 4 : i32
        %mul3A_1012 = arith.muli %scan3A_675, %mul3A_1011 : i32
        %add3A_1013 = arith.constant 1 : i32
        %add3A_1014 = arith.addi %mul3A_1012, %add3A_1013 : i32
        %get3A_1015 = arith.constant 0 : i32
        %get3A_1016 = arith.index_cast %get3A_1015 : i32 to index
        %get3A_1017 = arith.index_cast %add3A_1014 : i32 to index
        %get3A_1018 = arith.constant 112 : index
        %get3A_1019 = tpu.vector_load %arg14[%get3A_1016, %get3A_1017, %get3A_1018] {strides = array<i32>} : memref<2x100x128xf32, #tpu.memory_space<vmem>>, vector<16xf32>,
        %mul3A_1020 = arith.constant 4 : i32
        %mul3A_1021 = arith.muli %scan3A_675, %mul3A_1020 : i32
        %add3A_1022 = arith.constant 2 : i32
        %add3A_1023 = arith.addi %mul3A_1021, %add3A_1022 : i32
        %get3A_1024 = arith.constant 0 : i32
        %get3A_1025 = arith.index_cast %get3A_1024 : i32 to index
        %get3A_1026 = arith.index_cast %add3A_1023 : i32 to index
        %get3A_1027 = arith.constant 112 : index
        %get3A_1028 = tpu.vector_load %arg14[%get3A_1025, %get3A_1026, %get3A_1027] {strides = array<i32>} : memref<2x100x128xf32, #tpu.memory_space<vmem>>, vector<16xf32>,
        %mul3A_1029 = arith.constant 4 : i32
        %mul3A_1030 = arith.muli %scan3A_675, %mul3A_1029 : i32
        %add3A_1031 = arith.constant 3 : i32
        %add3A_1032 = arith.addi %mul3A_1030, %add3A_1031 : i32
        %get3A_1033 = arith.constant 0 : i32
        %get3A_1034 = arith.index_cast %get3A_1033 : i32 to index
        %get3A_1035 = arith.index_cast %add3A_1032 : i32 to index
        %get3A_1036 = arith.constant 112 : index
        %get3A_1037 = tpu.vector_load %arg14[%get3A_1034, %get3A_1035, %get3A_1036] {strides = array<i32>} : memref<2x100x128xf32, #tpu.memory_space<vmem>>, vector<16xf32>,
        %mul3A_1038 = arith.mulf %get3A_974, %gather3A : vector<16xf32>
        %mul3A_1039 = arith.mulf %get3A_983, %gather3A_689 : vector<16xf32>
        %add3A_1040 = arith.addf %mul3A_1038, %mul3A_1039 : vector<16xf32>
        %mul3A_1041 = arith.mulf %get3A_992, %gather3A_697 : vector<16xf32>
        %mul3A_1042 = arith.mulf %get3A_1001, %gather3A_705 : vector<16xf32>
        %add3A_1043 = arith.addf %mul3A_1041, %mul3A_1042 : vector<16xf32>
        %add3A_1044 = arith.addf %add3A_1040, %add3A_1043 : vector<16xf32>
        %mul3A_1045 = arith.mulf %get3A_1010, %gather3A : vector<16xf32>
        %mul3A_1046 = arith.mulf %get3A_1019, %gather3A_689 : vector<16xf32>
        %add3A_1047 = arith.addf %mul3A_1045, %mul3A_1046 : vector<16xf32>
        %mul3A_1048 = arith.mulf %get3A_1028, %gather3A_697 : vector<16xf32>
        %mul3A_1049 = arith.mulf %get3A_1037, %gather3A_705 : vector<16xf32>
        %add3A_1050 = arith.addf %mul3A_1048, %mul3A_1049 : vector<16xf32>
        %add3A_1051 = arith.addf %add3A_1047, %add3A_1050 : vector<16xf32>
        tpu.vector_store_idx %arg16[%add3A_264, %broadcast_in_dim3A_708], %add3A_1044 : memref<128x49xf32, #tpu.memory_space<vmem>>[vector<16xi32>, vector<16xi32>], vector<16xf32>,
        tpu.vector_store_idx %arg16[%add3A_268, %broadcast_in_dim3A_708], %add3A_1051 : memref<128x49xf32, #tpu.memory_space<vmem>>[vector<16xi32>, vector<16xi32>], vector<16xf32>,
      }
      %scan3A_274 = arith.constant 25 : i32
      %scan3A_275 = arith.constant 0 : i32
      %scan3A_276 = arith.constant 0 : i32
      %scan3A_277 = arith.constant 24 : i32
      %scan3A_278 = arith.addi %scan3A_276, %scan3A_277 : i32
      %scan3A_279 = arith.constant 1 : i32
      scf.for %scan3A_675 = %scan3A_276 to %scan3A_278 step %scan3A_279  : i32 {
        %mul3A_676 = arith.constant 4 : i32
        %mul3A_677 = arith.muli %scan3A_675, %mul3A_676 : i32
        %add3A_678 = arith.constant 100 : i32
        %add3A_679 = arith.addi %add3A_678, %mul3A_677 : i32
        %add3A_680 = arith.constant 0 : i32
        %add3A_681 = arith.addi %add3A_679, %add3A_680 : i32
        %broadcast_in_dim3A = vector.broadcast %add3A_681 : i32 to vector<16xi32>
        %gather3A = tpu.vector_load_idx %arg10[%broadcast_in_dim3A] : memref<216xf32, #tpu.memory_space<vmem>>[vector<16xi32>], vector<16xf32>,
        %mul3A_682 = arith.constant 4 : i32
        %mul3A_683 = arith.muli %scan3A_675, %mul3A_682 : i32
        %add3A_684 = arith.constant 100 : i32
        %add3A_685 = arith.addi %add3A_684, %mul3A_683 : i32
        %add3A_686 = arith.constant 1 : i32
        %add3A_687 = arith.addi %add3A_685, %add3A_686 : i32
        %broadcast_in_dim3A_688 = vector.broadcast %add3A_687 : i32 to vector<16xi32>
        %gather3A_689 = tpu.vector_load_idx %arg10[%broadcast_in_dim3A_688] : memref<216xf32, #tpu.memory_space<vmem>>[vector<16xi32>], vector<16xf32>,
        %mul3A_690 = arith.constant 4 : i32
        %mul3A_691 = arith.muli %scan3A_675, %mul3A_690 : i32
        %add3A_692 = arith.constant 100 : i32
        %add3A_693 = arith.addi %add3A_692, %mul3A_691 : i32
        %add3A_694 = arith.constant 2 : i32
        %add3A_695 = arith.addi %add3A_693, %add3A_694 : i32
        %broadcast_in_dim3A_696 = vector.broadcast %add3A_695 : i32 to vector<16xi32>
        %gather3A_697 = tpu.vector_load_idx %arg10[%broadcast_in_dim3A_696] : memref<216xf32, #tpu.memory_space<vmem>>[vector<16xi32>], vector<16xf32>,
        %mul3A_698 = arith.constant 4 : i32
        %mul3A_699 = arith.muli %scan3A_675, %mul3A_698 : i32
        %add3A_700 = arith.constant 100 : i32
        %add3A_701 = arith.addi %add3A_700, %mul3A_699 : i32
        %add3A_702 = arith.constant 3 : i32
        %add3A_703 = arith.addi %add3A_701, %add3A_702 : i32
        %broadcast_in_dim3A_704 = vector.broadcast %add3A_703 : i32 to vector<16xi32>
        %gather3A_705 = tpu.vector_load_idx %arg10[%broadcast_in_dim3A_704] : memref<216xf32, #tpu.memory_space<vmem>>[vector<16xi32>], vector<16xf32>,
        %add3A_706 = arith.constant 25 : i32
        %add3A_707 = arith.addi %add3A_706, %scan3A_675 : i32
        %broadcast_in_dim3A_708 = vector.broadcast %add3A_707 : i32 to vector<16xi32>
        %mul3A_709 = arith.constant 4 : i32
        %mul3A_710 = arith.muli %scan3A_675, %mul3A_709 : i32
        %add3A_711 = arith.constant 0 : i32
        %add3A_712 = arith.addi %mul3A_710, %add3A_711 : i32
        %get3A = arith.constant 1 : i32
        %get3A_713 = arith.index_cast %get3A : i32 to index
        %get3A_714 = arith.index_cast %add3A_712 : i32 to index
        %get3A_715 = arith.constant 0 : index
        %get3A_716 = tpu.vector_load %arg14[%get3A_713, %get3A_714, %get3A_715] {strides = array<i32>} : memref<2x100x128xf32, #tpu.memory_space<vmem>>, vector<16xf32>,
        %mul3A_717 = arith.constant 4 : i32
        %mul3A_718 = arith.muli %scan3A_675, %mul3A_717 : i32
        %add3A_719 = arith.constant 1 : i32
        %add3A_720 = arith.addi %mul3A_718, %add3A_719 : i32
        %get3A_721 = arith.constant 1 : i32
        %get3A_722 = arith.index_cast %get3A_721 : i32 to index
        %get3A_723 = arith.index_cast %add3A_720 : i32 to index
        %get3A_724 = arith.constant 0 : index
        %get3A_725 = tpu.vector_load %arg14[%get3A_722, %get3A_723, %get3A_724] {strides = array<i32>} : memref<2x100x128xf32, #tpu.memory_space<vmem>>, vector<16xf32>,
        %mul3A_726 = arith.constant 4 : i32
        %mul3A_727 = arith.muli %scan3A_675, %mul3A_726 : i32
        %add3A_728 = arith.constant 2 : i32
        %add3A_729 = arith.addi %mul3A_727, %add3A_728 : i32
        %get3A_730 = arith.constant 1 : i32
        %get3A_731 = arith.index_cast %get3A_730 : i32 to index
        %get3A_732 = arith.index_cast %add3A_729 : i32 to index
        %get3A_733 = arith.constant 0 : index
        %get3A_734 = tpu.vector_load %arg14[%get3A_731, %get3A_732, %get3A_733] {strides = array<i32>} : memref<2x100x128xf32, #tpu.memory_space<vmem>>, vector<16xf32>,
        %mul3A_735 = arith.constant 4 : i32
        %mul3A_736 = arith.muli %scan3A_675, %mul3A_735 : i32
        %add3A_737 = arith.constant 3 : i32
        %add3A_738 = arith.addi %mul3A_736, %add3A_737 : i32
        %get3A_739 = arith.constant 1 : i32
        %get3A_740 = arith.index_cast %get3A_739 : i32 to index
        %get3A_741 = arith.index_cast %add3A_738 : i32 to index
        %get3A_742 = arith.constant 0 : index
        %get3A_743 = tpu.vector_load %arg14[%get3A_740, %get3A_741, %get3A_742] {strides = array<i32>} : memref<2x100x128xf32, #tpu.memory_space<vmem>>, vector<16xf32>,
        %mul3A_744 = arith.constant 4 : i32
        %mul3A_745 = arith.muli %scan3A_675, %mul3A_744 : i32
        %add3A_746 = arith.constant 0 : i32
        %add3A_747 = arith.addi %mul3A_745, %add3A_746 : i32
        %get3A_748 = arith.constant 1 : i32
        %get3A_749 = arith.index_cast %get3A_748 : i32 to index
        %get3A_750 = arith.index_cast %add3A_747 : i32 to index
        %get3A_751 = arith.constant 16 : index
        %get3A_752 = tpu.vector_load %arg14[%get3A_749, %get3A_750, %get3A_751] {strides = array<i32>} : memref<2x100x128xf32, #tpu.memory_space<vmem>>, vector<16xf32>,
        %mul3A_753 = arith.constant 4 : i32
        %mul3A_754 = arith.muli %scan3A_675, %mul3A_753 : i32
        %add3A_755 = arith.constant 1 : i32
        %add3A_756 = arith.addi %mul3A_754, %add3A_755 : i32
        %get3A_757 = arith.constant 1 : i32
        %get3A_758 = arith.index_cast %get3A_757 : i32 to index
        %get3A_759 = arith.index_cast %add3A_756 : i32 to index
        %get3A_760 = arith.constant 16 : index
        %get3A_761 = tpu.vector_load %arg14[%get3A_758, %get3A_759, %get3A_760] {strides = array<i32>} : memref<2x100x128xf32, #tpu.memory_space<vmem>>, vector<16xf32>,
        %mul3A_762 = arith.constant 4 : i32
        %mul3A_763 = arith.muli %scan3A_675, %mul3A_762 : i32
        %add3A_764 = arith.constant 2 : i32
        %add3A_765 = arith.addi %mul3A_763, %add3A_764 : i32
        %get3A_766 = arith.constant 1 : i32
        %get3A_767 = arith.index_cast %get3A_766 : i32 to index
        %get3A_768 = arith.index_cast %add3A_765 : i32 to index
        %get3A_769 = arith.constant 16 : index
        %get3A_770 = tpu.vector_load %arg14[%get3A_767, %get3A_768, %get3A_769] {strides = array<i32>} : memref<2x100x128xf32, #tpu.memory_space<vmem>>, vector<16xf32>,
        %mul3A_771 = arith.constant 4 : i32
        %mul3A_772 = arith.muli %scan3A_675, %mul3A_771 : i32
        %add3A_773 = arith.constant 3 : i32
        %add3A_774 = arith.addi %mul3A_772, %add3A_773 : i32
        %get3A_775 = arith.constant 1 : i32
        %get3A_776 = arith.index_cast %get3A_775 : i32 to index
        %get3A_777 = arith.index_cast %add3A_774 : i32 to index
        %get3A_778 = arith.constant 16 : index
        %get3A_779 = tpu.vector_load %arg14[%get3A_776, %get3A_777, %get3A_778] {strides = array<i32>} : memref<2x100x128xf32, #tpu.memory_space<vmem>>, vector<16xf32>,
        %mul3A_780 = arith.mulf %get3A_716, %gather3A : vector<16xf32>
        %mul3A_781 = arith.mulf %get3A_725, %gather3A_689 : vector<16xf32>
        %add3A_782 = arith.addf %mul3A_780, %mul3A_781 : vector<16xf32>
        %mul3A_783 = arith.mulf %get3A_734, %gather3A_697 : vector<16xf32>
        %mul3A_784 = arith.mulf %get3A_743, %gather3A_705 : vector<16xf32>
        %add3A_785 = arith.addf %mul3A_783, %mul3A_784 : vector<16xf32>
        %add3A_786 = arith.addf %add3A_782, %add3A_785 : vector<16xf32>
        %mul3A_787 = arith.mulf %get3A_752, %gather3A : vector<16xf32>
        %mul3A_788 = arith.mulf %get3A_761, %gather3A_689 : vector<16xf32>
        %add3A_789 = arith.addf %mul3A_787, %mul3A_788 : vector<16xf32>
        %mul3A_790 = arith.mulf %get3A_770, %gather3A_697 : vector<16xf32>
        %mul3A_791 = arith.mulf %get3A_779, %gather3A_705 : vector<16xf32>
        %add3A_792 = arith.addf %mul3A_790, %mul3A_791 : vector<16xf32>
        %add3A_793 = arith.addf %add3A_789, %add3A_792 : vector<16xf32>
        tpu.vector_store_idx %arg16[%add3A_240, %broadcast_in_dim3A_708], %add3A_786 : memref<128x49xf32, #tpu.memory_space<vmem>>[vector<16xi32>, vector<16xi32>], vector<16xf32>,
        tpu.vector_store_idx %arg16[%add3A_244, %broadcast_in_dim3A_708], %add3A_793 : memref<128x49xf32, #tpu.memory_space<vmem>>[vector<16xi32>, vector<16xi32>], vector<16xf32>,
        %mul3A_794 = arith.constant 4 : i32
        %mul3A_795 = arith.muli %scan3A_675, %mul3A_794 : i32
        %add3A_796 = arith.constant 0 : i32
        %add3A_797 = arith.addi %mul3A_795, %add3A_796 : i32
        %get3A_798 = arith.constant 1 : i32
        %get3A_799 = arith.index_cast %get3A_798 : i32 to index
        %get3A_800 = arith.index_cast %add3A_797 : i32 to index
        %get3A_801 = arith.constant 32 : index
        %get3A_802 = tpu.vector_load %arg14[%get3A_799, %get3A_800, %get3A_801] {strides = array<i32>} : memref<2x100x128xf32, #tpu.memory_space<vmem>>, vector<16xf32>,
        %mul3A_803 = arith.constant 4 : i32
        %mul3A_804 = arith.muli %scan3A_675, %mul3A_803 : i32
        %add3A_805 = arith.constant 1 : i32
        %add3A_806 = arith.addi %mul3A_804, %add3A_805 : i32
        %get3A_807 = arith.constant 1 : i32
        %get3A_808 = arith.index_cast %get3A_807 : i32 to index
        %get3A_809 = arith.index_cast %add3A_806 : i32 to index
        %get3A_810 = arith.constant 32 : index
        %get3A_811 = tpu.vector_load %arg14[%get3A_808, %get3A_809, %get3A_810] {strides = array<i32>} : memref<2x100x128xf32, #tpu.memory_space<vmem>>, vector<16xf32>,
        %mul3A_812 = arith.constant 4 : i32
        %mul3A_813 = arith.muli %scan3A_675, %mul3A_812 : i32
        %add3A_814 = arith.constant 2 : i32
        %add3A_815 = arith.addi %mul3A_813, %add3A_814 : i32
        %get3A_816 = arith.constant 1 : i32
        %get3A_817 = arith.index_cast %get3A_816 : i32 to index
        %get3A_818 = arith.index_cast %add3A_815 : i32 to index
        %get3A_819 = arith.constant 32 : index
        %get3A_820 = tpu.vector_load %arg14[%get3A_817, %get3A_818, %get3A_819] {strides = array<i32>} : memref<2x100x128xf32, #tpu.memory_space<vmem>>, vector<16xf32>,
        %mul3A_821 = arith.constant 4 : i32
        %mul3A_822 = arith.muli %scan3A_675, %mul3A_821 : i32
        %add3A_823 = arith.constant 3 : i32
        %add3A_824 = arith.addi %mul3A_822, %add3A_823 : i32
        %get3A_825 = arith.constant 1 : i32
        %get3A_826 = arith.index_cast %get3A_825 : i32 to index
        %get3A_827 = arith.index_cast %add3A_824 : i32 to index
        %get3A_828 = arith.constant 32 : index
        %get3A_829 = tpu.vector_load %arg14[%get3A_826, %get3A_827, %get3A_828] {strides = array<i32>} : memref<2x100x128xf32, #tpu.memory_space<vmem>>, vector<16xf32>,
        %mul3A_830 = arith.constant 4 : i32
        %mul3A_831 = arith.muli %scan3A_675, %mul3A_830 : i32
        %add3A_832 = arith.constant 0 : i32
        %add3A_833 = arith.addi %mul3A_831, %add3A_832 : i32
        %get3A_834 = arith.constant 1 : i32
        %get3A_835 = arith.index_cast %get3A_834 : i32 to index
        %get3A_836 = arith.index_cast %add3A_833 : i32 to index
        %get3A_837 = arith.constant 48 : index
        %get3A_838 = tpu.vector_load %arg14[%get3A_835, %get3A_836, %get3A_837] {strides = array<i32>} : memref<2x100x128xf32, #tpu.memory_space<vmem>>, vector<16xf32>,
        %mul3A_839 = arith.constant 4 : i32
        %mul3A_840 = arith.muli %scan3A_675, %mul3A_839 : i32
        %add3A_841 = arith.constant 1 : i32
        %add3A_842 = arith.addi %mul3A_840, %add3A_841 : i32
        %get3A_843 = arith.constant 1 : i32
        %get3A_844 = arith.index_cast %get3A_843 : i32 to index
        %get3A_845 = arith.index_cast %add3A_842 : i32 to index
        %get3A_846 = arith.constant 48 : index
        %get3A_847 = tpu.vector_load %arg14[%get3A_844, %get3A_845, %get3A_846] {strides = array<i32>} : memref<2x100x128xf32, #tpu.memory_space<vmem>>, vector<16xf32>,
        %mul3A_848 = arith.constant 4 : i32
        %mul3A_849 = arith.muli %scan3A_675, %mul3A_848 : i32
        %add3A_850 = arith.constant 2 : i32
        %add3A_851 = arith.addi %mul3A_849, %add3A_850 : i32
        %get3A_852 = arith.constant 1 : i32
        %get3A_853 = arith.index_cast %get3A_852 : i32 to index
        %get3A_854 = arith.index_cast %add3A_851 : i32 to index
        %get3A_855 = arith.constant 48 : index
        %get3A_856 = tpu.vector_load %arg14[%get3A_853, %get3A_854, %get3A_855] {strides = array<i32>} : memref<2x100x128xf32, #tpu.memory_space<vmem>>, vector<16xf32>,
        %mul3A_857 = arith.constant 4 : i32
        %mul3A_858 = arith.muli %scan3A_675, %mul3A_857 : i32
        %add3A_859 = arith.constant 3 : i32
        %add3A_860 = arith.addi %mul3A_858, %add3A_859 : i32
        %get3A_861 = arith.constant 1 : i32
        %get3A_862 = arith.index_cast %get3A_861 : i32 to index
        %get3A_863 = arith.index_cast %add3A_860 : i32 to index
        %get3A_864 = arith.constant 48 : index
        %get3A_865 = tpu.vector_load %arg14[%get3A_862, %get3A_863, %get3A_864] {strides = array<i32>} : memref<2x100x128xf32, #tpu.memory_space<vmem>>, vector<16xf32>,
        %mul3A_866 = arith.mulf %get3A_802, %gather3A : vector<16xf32>
        %mul3A_867 = arith.mulf %get3A_811, %gather3A_689 : vector<16xf32>
        %add3A_868 = arith.addf %mul3A_866, %mul3A_867 : vector<16xf32>
        %mul3A_869 = arith.mulf %get3A_820, %gather3A_697 : vector<16xf32>
        %mul3A_870 = arith.mulf %get3A_829, %gather3A_705 : vector<16xf32>
        %add3A_871 = arith.addf %mul3A_869, %mul3A_870 : vector<16xf32>
        %add3A_872 = arith.addf %add3A_868, %add3A_871 : vector<16xf32>
        %mul3A_873 = arith.mulf %get3A_838, %gather3A : vector<16xf32>
        %mul3A_874 = arith.mulf %get3A_847, %gather3A_689 : vector<16xf32>
        %add3A_875 = arith.addf %mul3A_873, %mul3A_874 : vector<16xf32>
        %mul3A_876 = arith.mulf %get3A_856, %gather3A_697 : vector<16xf32>
        %mul3A_877 = arith.mulf %get3A_865, %gather3A_705 : vector<16xf32>
        %add3A_878 = arith.addf %mul3A_876, %mul3A_877 : vector<16xf32>
        %add3A_879 = arith.addf %add3A_875, %add3A_878 : vector<16xf32>
        tpu.vector_store_idx %arg16[%add3A_248, %broadcast_in_dim3A_708], %add3A_872 : memref<128x49xf32, #tpu.memory_space<vmem>>[vector<16xi32>, vector<16xi32>], vector<16xf32>,
        tpu.vector_store_idx %arg16[%add3A_252, %broadcast_in_dim3A_708], %add3A_879 : memref<128x49xf32, #tpu.memory_space<vmem>>[vector<16xi32>, vector<16xi32>], vector<16xf32>,
        %mul3A_880 = arith.constant 4 : i32
        %mul3A_881 = arith.muli %scan3A_675, %mul3A_880 : i32
        %add3A_882 = arith.constant 0 : i32
        %add3A_883 = arith.addi %mul3A_881, %add3A_882 : i32
        %get3A_884 = arith.constant 1 : i32
        %get3A_885 = arith.index_cast %get3A_884 : i32 to index
        %get3A_886 = arith.index_cast %add3A_883 : i32 to index
        %get3A_887 = arith.constant 64 : index
        %get3A_888 = tpu.vector_load %arg14[%get3A_885, %get3A_886, %get3A_887] {strides = array<i32>} : memref<2x100x128xf32, #tpu.memory_space<vmem>>, vector<16xf32>,
        %mul3A_889 = arith.constant 4 : i32
        %mul3A_890 = arith.muli %scan3A_675, %mul3A_889 : i32
        %add3A_891 = arith.constant 1 : i32
        %add3A_892 = arith.addi %mul3A_890, %add3A_891 : i32
        %get3A_893 = arith.constant 1 : i32
        %get3A_894 = arith.index_cast %get3A_893 : i32 to index
        %get3A_895 = arith.index_cast %add3A_892 : i32 to index
        %get3A_896 = arith.constant 64 : index
        %get3A_897 = tpu.vector_load %arg14[%get3A_894, %get3A_895, %get3A_896] {strides = array<i32>} : memref<2x100x128xf32, #tpu.memory_space<vmem>>, vector<16xf32>,
        %mul3A_898 = arith.constant 4 : i32
        %mul3A_899 = arith.muli %scan3A_675, %mul3A_898 : i32
        %add3A_900 = arith.constant 2 : i32
        %add3A_901 = arith.addi %mul3A_899, %add3A_900 : i32
        %get3A_902 = arith.constant 1 : i32
        %get3A_903 = arith.index_cast %get3A_902 : i32 to index
        %get3A_904 = arith.index_cast %add3A_901 : i32 to index
        %get3A_905 = arith.constant 64 : index
        %get3A_906 = tpu.vector_load %arg14[%get3A_903, %get3A_904, %get3A_905] {strides = array<i32>} : memref<2x100x128xf32, #tpu.memory_space<vmem>>, vector<16xf32>,
        %mul3A_907 = arith.constant 4 : i32
        %mul3A_908 = arith.muli %scan3A_675, %mul3A_907 : i32
        %add3A_909 = arith.constant 3 : i32
        %add3A_910 = arith.addi %mul3A_908, %add3A_909 : i32
        %get3A_911 = arith.constant 1 : i32
        %get3A_912 = arith.index_cast %get3A_911 : i32 to index
        %get3A_913 = arith.index_cast %add3A_910 : i32 to index
        %get3A_914 = arith.constant 64 : index
        %get3A_915 = tpu.vector_load %arg14[%get3A_912, %get3A_913, %get3A_914] {strides = array<i32>} : memref<2x100x128xf32, #tpu.memory_space<vmem>>, vector<16xf32>,
        %mul3A_916 = arith.constant 4 : i32
        %mul3A_917 = arith.muli %scan3A_675, %mul3A_916 : i32
        %add3A_918 = arith.constant 0 : i32
        %add3A_919 = arith.addi %mul3A_917, %add3A_918 : i32
        %get3A_920 = arith.constant 1 : i32
        %get3A_921 = arith.index_cast %get3A_920 : i32 to index
        %get3A_922 = arith.index_cast %add3A_919 : i32 to index
        %get3A_923 = arith.constant 80 : index
        %get3A_924 = tpu.vector_load %arg14[%get3A_921, %get3A_922, %get3A_923] {strides = array<i32>} : memref<2x100x128xf32, #tpu.memory_space<vmem>>, vector<16xf32>,
        %mul3A_925 = arith.constant 4 : i32
        %mul3A_926 = arith.muli %scan3A_675, %mul3A_925 : i32
        %add3A_927 = arith.constant 1 : i32
        %add3A_928 = arith.addi %mul3A_926, %add3A_927 : i32
        %get3A_929 = arith.constant 1 : i32
        %get3A_930 = arith.index_cast %get3A_929 : i32 to index
        %get3A_931 = arith.index_cast %add3A_928 : i32 to index
        %get3A_932 = arith.constant 80 : index
        %get3A_933 = tpu.vector_load %arg14[%get3A_930, %get3A_931, %get3A_932] {strides = array<i32>} : memref<2x100x128xf32, #tpu.memory_space<vmem>>, vector<16xf32>,
        %mul3A_934 = arith.constant 4 : i32
        %mul3A_935 = arith.muli %scan3A_675, %mul3A_934 : i32
        %add3A_936 = arith.constant 2 : i32
        %add3A_937 = arith.addi %mul3A_935, %add3A_936 : i32
        %get3A_938 = arith.constant 1 : i32
        %get3A_939 = arith.index_cast %get3A_938 : i32 to index
        %get3A_940 = arith.index_cast %add3A_937 : i32 to index
        %get3A_941 = arith.constant 80 : index
        %get3A_942 = tpu.vector_load %arg14[%get3A_939, %get3A_940, %get3A_941] {strides = array<i32>} : memref<2x100x128xf32, #tpu.memory_space<vmem>>, vector<16xf32>,
        %mul3A_943 = arith.constant 4 : i32
        %mul3A_944 = arith.muli %scan3A_675, %mul3A_943 : i32
        %add3A_945 = arith.constant 3 : i32
        %add3A_946 = arith.addi %mul3A_944, %add3A_945 : i32
        %get3A_947 = arith.constant 1 : i32
        %get3A_948 = arith.index_cast %get3A_947 : i32 to index
        %get3A_949 = arith.index_cast %add3A_946 : i32 to index
        %get3A_950 = arith.constant 80 : index
        %get3A_951 = tpu.vector_load %arg14[%get3A_948, %get3A_949, %get3A_950] {strides = array<i32>} : memref<2x100x128xf32, #tpu.memory_space<vmem>>, vector<16xf32>,
        %mul3A_952 = arith.mulf %get3A_888, %gather3A : vector<16xf32>
        %mul3A_953 = arith.mulf %get3A_897, %gather3A_689 : vector<16xf32>
        %add3A_954 = arith.addf %mul3A_952, %mul3A_953 : vector<16xf32>
        %mul3A_955 = arith.mulf %get3A_906, %gather3A_697 : vector<16xf32>
        %mul3A_956 = arith.mulf %get3A_915, %gather3A_705 : vector<16xf32>
        %add3A_957 = arith.addf %mul3A_955, %mul3A_956 : vector<16xf32>
        %add3A_958 = arith.addf %add3A_954, %add3A_957 : vector<16xf32>
        %mul3A_959 = arith.mulf %get3A_924, %gather3A : vector<16xf32>
        %mul3A_960 = arith.mulf %get3A_933, %gather3A_689 : vector<16xf32>
        %add3A_961 = arith.addf %mul3A_959, %mul3A_960 : vector<16xf32>
        %mul3A_962 = arith.mulf %get3A_942, %gather3A_697 : vector<16xf32>
        %mul3A_963 = arith.mulf %get3A_951, %gather3A_705 : vector<16xf32>
        %add3A_964 = arith.addf %mul3A_962, %mul3A_963 : vector<16xf32>
        %add3A_965 = arith.addf %add3A_961, %add3A_964 : vector<16xf32>
        tpu.vector_store_idx %arg16[%add3A_256, %broadcast_in_dim3A_708], %add3A_958 : memref<128x49xf32, #tpu.memory_space<vmem>>[vector<16xi32>, vector<16xi32>], vector<16xf32>,
        tpu.vector_store_idx %arg16[%add3A_260, %broadcast_in_dim3A_708], %add3A_965 : memref<128x49xf32, #tpu.memory_space<vmem>>[vector<16xi32>, vector<16xi32>], vector<16xf32>,
        %mul3A_966 = arith.constant 4 : i32
        %mul3A_967 = arith.muli %scan3A_675, %mul3A_966 : i32
        %add3A_968 = arith.constant 0 : i32
        %add3A_969 = arith.addi %mul3A_967, %add3A_968 : i32
        %get3A_970 = arith.constant 1 : i32
        %get3A_971 = arith.index_cast %get3A_970 : i32 to index
        %get3A_972 = arith.index_cast %add3A_969 : i32 to index
        %get3A_973 = arith.constant 96 : index
        %get3A_974 = tpu.vector_load %arg14[%get3A_971, %get3A_972, %get3A_973] {strides = array<i32>} : memref<2x100x128xf32, #tpu.memory_space<vmem>>, vector<16xf32>,
        %mul3A_975 = arith.constant 4 : i32
        %mul3A_976 = arith.muli %scan3A_675, %mul3A_975 : i32
        %add3A_977 = arith.constant 1 : i32
        %add3A_978 = arith.addi %mul3A_976, %add3A_977 : i32
        %get3A_979 = arith.constant 1 : i32
        %get3A_980 = arith.index_cast %get3A_979 : i32 to index
        %get3A_981 = arith.index_cast %add3A_978 : i32 to index
        %get3A_982 = arith.constant 96 : index
        %get3A_983 = tpu.vector_load %arg14[%get3A_980, %get3A_981, %get3A_982] {strides = array<i32>} : memref<2x100x128xf32, #tpu.memory_space<vmem>>, vector<16xf32>,
        %mul3A_984 = arith.constant 4 : i32
        %mul3A_985 = arith.muli %scan3A_675, %mul3A_984 : i32
        %add3A_986 = arith.constant 2 : i32
        %add3A_987 = arith.addi %mul3A_985, %add3A_986 : i32
        %get3A_988 = arith.constant 1 : i32
        %get3A_989 = arith.index_cast %get3A_988 : i32 to index
        %get3A_990 = arith.index_cast %add3A_987 : i32 to index
        %get3A_991 = arith.constant 96 : index
        %get3A_992 = tpu.vector_load %arg14[%get3A_989, %get3A_990, %get3A_991] {strides = array<i32>} : memref<2x100x128xf32, #tpu.memory_space<vmem>>, vector<16xf32>,
        %mul3A_993 = arith.constant 4 : i32
        %mul3A_994 = arith.muli %scan3A_675, %mul3A_993 : i32
        %add3A_995 = arith.constant 3 : i32
        %add3A_996 = arith.addi %mul3A_994, %add3A_995 : i32
        %get3A_997 = arith.constant 1 : i32
        %get3A_998 = arith.index_cast %get3A_997 : i32 to index
        %get3A_999 = arith.index_cast %add3A_996 : i32 to index
        %get3A_1000 = arith.constant 96 : index
        %get3A_1001 = tpu.vector_load %arg14[%get3A_998, %get3A_999, %get3A_1000] {strides = array<i32>} : memref<2x100x128xf32, #tpu.memory_space<vmem>>, vector<16xf32>,
        %mul3A_1002 = arith.constant 4 : i32
        %mul3A_1003 = arith.muli %scan3A_675, %mul3A_1002 : i32
        %add3A_1004 = arith.constant 0 : i32
        %add3A_1005 = arith.addi %mul3A_1003, %add3A_1004 : i32
        %get3A_1006 = arith.constant 1 : i32
        %get3A_1007 = arith.index_cast %get3A_1006 : i32 to index
        %get3A_1008 = arith.index_cast %add3A_1005 : i32 to index
        %get3A_1009 = arith.constant 112 : index
        %get3A_1010 = tpu.vector_load %arg14[%get3A_1007, %get3A_1008, %get3A_1009] {strides = array<i32>} : memref<2x100x128xf32, #tpu.memory_space<vmem>>, vector<16xf32>,
        %mul3A_1011 = arith.constant 4 : i32
        %mul3A_1012 = arith.muli %scan3A_675, %mul3A_1011 : i32
        %add3A_1013 = arith.constant 1 : i32
        %add3A_1014 = arith.addi %mul3A_1012, %add3A_1013 : i32
        %get3A_1015 = arith.constant 1 : i32
        %get3A_1016 = arith.index_cast %get3A_1015 : i32 to index
        %get3A_1017 = arith.index_cast %add3A_1014 : i32 to index
        %get3A_1018 = arith.constant 112 : index
        %get3A_1019 = tpu.vector_load %arg14[%get3A_1016, %get3A_1017, %get3A_1018] {strides = array<i32>} : memref<2x100x128xf32, #tpu.memory_space<vmem>>, vector<16xf32>,
        %mul3A_1020 = arith.constant 4 : i32
        %mul3A_1021 = arith.muli %scan3A_675, %mul3A_1020 : i32
        %add3A_1022 = arith.constant 2 : i32
        %add3A_1023 = arith.addi %mul3A_1021, %add3A_1022 : i32
        %get3A_1024 = arith.constant 1 : i32
        %get3A_1025 = arith.index_cast %get3A_1024 : i32 to index
        %get3A_1026 = arith.index_cast %add3A_1023 : i32 to index
        %get3A_1027 = arith.constant 112 : index
        %get3A_1028 = tpu.vector_load %arg14[%get3A_1025, %get3A_1026, %get3A_1027] {strides = array<i32>} : memref<2x100x128xf32, #tpu.memory_space<vmem>>, vector<16xf32>,
        %mul3A_1029 = arith.constant 4 : i32
        %mul3A_1030 = arith.muli %scan3A_675, %mul3A_1029 : i32
        %add3A_1031 = arith.constant 3 : i32
        %add3A_1032 = arith.addi %mul3A_1030, %add3A_1031 : i32
        %get3A_1033 = arith.constant 1 : i32
        %get3A_1034 = arith.index_cast %get3A_1033 : i32 to index
        %get3A_1035 = arith.index_cast %add3A_1032 : i32 to index
        %get3A_1036 = arith.constant 112 : index
        %get3A_1037 = tpu.vector_load %arg14[%get3A_1034, %get3A_1035, %get3A_1036] {strides = array<i32>} : memref<2x100x128xf32, #tpu.memory_space<vmem>>, vector<16xf32>,
        %mul3A_1038 = arith.mulf %get3A_974, %gather3A : vector<16xf32>
        %mul3A_1039 = arith.mulf %get3A_983, %gather3A_689 : vector<16xf32>
        %add3A_1040 = arith.addf %mul3A_1038, %mul3A_1039 : vector<16xf32>
        %mul3A_1041 = arith.mulf %get3A_992, %gather3A_697 : vector<16xf32>
        %mul3A_1042 = arith.mulf %get3A_1001, %gather3A_705 : vector<16xf32>
        %add3A_1043 = arith.addf %mul3A_1041, %mul3A_1042 : vector<16xf32>
        %add3A_1044 = arith.addf %add3A_1040, %add3A_1043 : vector<16xf32>
        %mul3A_1045 = arith.mulf %get3A_1010, %gather3A : vector<16xf32>
        %mul3A_1046 = arith.mulf %get3A_1019, %gather3A_689 : vector<16xf32>
        %add3A_1047 = arith.addf %mul3A_1045, %mul3A_1046 : vector<16xf32>
        %mul3A_1048 = arith.mulf %get3A_1028, %gather3A_697 : vector<16xf32>
        %mul3A_1049 = arith.mulf %get3A_1037, %gather3A_705 : vector<16xf32>
        %add3A_1050 = arith.addf %mul3A_1048, %mul3A_1049 : vector<16xf32>
        %add3A_1051 = arith.addf %add3A_1047, %add3A_1050 : vector<16xf32>
        tpu.vector_store_idx %arg16[%add3A_264, %broadcast_in_dim3A_708], %add3A_1044 : memref<128x49xf32, #tpu.memory_space<vmem>>[vector<16xi32>, vector<16xi32>], vector<16xf32>,
        tpu.vector_store_idx %arg16[%add3A_268, %broadcast_in_dim3A_708], %add3A_1051 : memref<128x49xf32, #tpu.memory_space<vmem>>[vector<16xi32>, vector<16xi32>], vector<16xf32>,
      }
      %scan3A_280 = arith.constant 24 : i32
      %add3A_281 = arith.addi %min3A_3, %add3A_165 : i32
      %dma_start3A_282 = arith.constant 0 : i32
      %dma_start3A_283 = arith.constant 0 : i32
      %dma_start3A_284 = tpu.memref_slice %arg5[%add3A_281, %dma_start3A_282, %dma_start3A_283] : memref<5000x128x49xf32, #tpu.memory_space<hbm>> -> memref<1x128x49xf32, #tpu.memory_space<hbm>>
      %dma_start3A_285 = tpu.memref_squeeze %dma_start3A_284 : memref<1x128x49xf32, #tpu.memory_space<hbm>> -> memref<128x49xf32, #tpu.memory_space<hbm>>
      %dma_start3A_286 = arith.constant 0 : i32
      %dma_start3A_287 = arith.constant 0 : i32
      %dma_start3A_288 = tpu.memref_slice %arg5[%add3A_281, %dma_start3A_286, %dma_start3A_287] : memref<5000x128x49xf32, #tpu.memory_space<hbm>> -> memref<1x128x49xf32, #tpu.memory_space<hbm>>
      %dma_start3A_289 = tpu.memref_squeeze %dma_start3A_288 : memref<1x128x49xf32, #tpu.memory_space<hbm>> -> memref<128x49xf32, #tpu.memory_space<hbm>>
      tpu.enqueue_dma source(%arg16 : memref<128x49xf32, #tpu.memory_space<vmem>>) target(%dma_start3A_289 : memref<128x49xf32, #tpu.memory_space<hbm>>) target_semaphore(%arg24 : memref<!tpu.dma_semaphore, #tpu.memory_space<semaphore_mem>>)
      %lt3A = arith.constant 39 : i32
      %lt3A_290 = arith.cmpi slt, %scan3A_161, %lt3A : i32
      %convert_element_type3A_291 = arith.extui %lt3A_290 : i1 to i32
      %cond3A_292 = arith.constant 0 : i32
      %cond3A_293 = arith.cmpi ne, %convert_element_type3A_291, %cond3A_292 : i32
      scf.if %cond3A_293 {
        %add3A_675 = arith.constant 4 : i32
        %add3A_676 = arith.addi %add3A_165, %add3A_675 : i32
        %add3A_677 = arith.addi %min3A_3, %add3A_676 : i32
        %dma_start3A_678 = arith.constant 0 : i32
        %dma_start3A_679 = arith.constant 0 : i32
        %dma_start3A_680 = tpu.memref_slice %arg3[%add3A_677, %dma_start3A_678, %dma_start3A_679] : memref<5000x2x100xi32, #tpu.memory_space<hbm>> -> memref<1x2x100xi32, #tpu.memory_space<hbm>>
        %dma_start3A_681 = tpu.memref_squeeze %dma_start3A_680 : memref<1x2x100xi32, #tpu.memory_space<hbm>> -> memref<2x100xi32, #tpu.memory_space<hbm>>
        %dma_start3A_682 = arith.constant 0 : i32
        %dma_start3A_683 = arith.constant 0 : i32
        %dma_start3A_684 = tpu.memref_slice %arg3[%add3A_677, %dma_start3A_682, %dma_start3A_683] : memref<5000x2x100xi32, #tpu.memory_space<hbm>> -> memref<1x2x100xi32, #tpu.memory_space<hbm>>
        %dma_start3A_685 = tpu.memref_squeeze %dma_start3A_684 : memref<1x2x100xi32, #tpu.memory_space<hbm>> -> memref<2x100xi32, #tpu.memory_space<hbm>>
        tpu.enqueue_dma source(%dma_start3A_685 : memref<2x100xi32, #tpu.memory_space<hbm>>) target(%arg6 : memref<2x100xi32, #tpu.memory_space<vmem>>) target_semaphore(%arg18 : memref<!tpu.dma_semaphore, #tpu.memory_space<semaphore_mem>>)
        %add3A_686 = arith.addi %min3A_3, %add3A_676 : i32
        %dma_start3A_687 = arith.constant 0 : i32
        %dma_start3A_688 = tpu.memref_slice %arg10[%dma_start3A_687] : memref<216xf32, #tpu.memory_space<vmem>> -> memref<200xf32, #tpu.memory_space<vmem>>
        %dma_start3A_689 = arith.constant 0 : i32
        %dma_start3A_690 = tpu.memref_slice %arg4[%add3A_686, %dma_start3A_689] : memref<5000x200xf32, #tpu.memory_space<hbm>> -> memref<1x200xf32, #tpu.memory_space<hbm>>
        %dma_start3A_691 = tpu.memref_squeeze %dma_start3A_690 : memref<1x200xf32, #tpu.memory_space<hbm>> -> memref<200xf32, #tpu.memory_space<hbm>>
        %dma_start3A_692 = arith.constant 0 : i32
        %dma_start3A_693 = tpu.memref_slice %arg10[%dma_start3A_692] : memref<216xf32, #tpu.memory_space<vmem>> -> memref<200xf32, #tpu.memory_space<vmem>>
        %dma_start3A_694 = arith.constant 0 : i32
        %dma_start3A_695 = tpu.memref_slice %arg4[%add3A_686, %dma_start3A_694] : memref<5000x200xf32, #tpu.memory_space<hbm>> -> memref<1x200xf32, #tpu.memory_space<hbm>>
        %dma_start3A_696 = tpu.memref_squeeze %dma_start3A_695 : memref<1x200xf32, #tpu.memory_space<hbm>> -> memref<200xf32, #tpu.memory_space<hbm>>
        tpu.enqueue_dma source(%dma_start3A_696 : memref<200xf32, #tpu.memory_space<hbm>>) target(%dma_start3A_693 : memref<200xf32, #tpu.memory_space<vmem>>) target_semaphore(%arg18 : memref<!tpu.dma_semaphore, #tpu.memory_space<semaphore_mem>>)
      } else {
      }
      %mul3A_294 = arith.constant 4 : i32
      %mul3A_295 = arith.muli %mul3A_294, %scan3A_161 : i32
      %add3A_296 = arith.constant 1 : i32
      %add3A_297 = arith.addi %mul3A_295, %add3A_296 : i32
      %dma_wait3A_298 = arith.constant 0 : i32
      %dma_wait3A_299 = arith.constant 0 : i32
      %dma_wait3A_300 = arith.constant 0 : i32
      %dma_wait3A_301 = arith.constant 0 : i32
      %dma_wait3A_302 = tpu.memref_slice %arg15[%dma_wait3A_299, %dma_wait3A_300, %dma_wait3A_301] : memref<2x100x128xf32, #tpu.memory_space<vmem>> -> memref<1x100x128xf32, #tpu.memory_space<vmem>>
      %dma_wait3A_303 = tpu.memref_squeeze %dma_wait3A_302 : memref<1x100x128xf32, #tpu.memory_space<vmem>> -> memref<100x128xf32, #tpu.memory_space<vmem>>
      %dma_wait3A_304 = arith.constant 0 : i32
      %dma_wait3A_305 = tpu.memref_slice %arg7[%dma_wait3A_298, %dma_wait3A_304] : memref<2x100xi32, #tpu.memory_space<vmem>> -> memref<1x100xi32, #tpu.memory_space<vmem>>
      %dma_wait3A_306 = tpu.memref_squeeze %dma_wait3A_305 : memref<1x100xi32, #tpu.memory_space<vmem>> -> memref<100xi32, #tpu.memory_space<vmem>>
      %dma_wait3A_307 = arith.constant 0 : i32
      %dma_wait3A_308 = arith.constant 0 : i32
      %dma_wait3A_309 = tpu.memref_slice %arg2[%dma_wait3A_307, %dma_wait3A_308] : memref<217600x128xf32, #tpu.memory_space<hbm>> -> memref<217600x128xf32, #tpu.memory_space<hbm>>
      tpu.wait_indirect_dma semaphore(%arg23 : memref<!tpu.dma_semaphore, #tpu.memory_space<semaphore_mem>>) src(%dma_wait3A_309 : memref<217600x128xf32, #tpu.memory_space<hbm>>) dst(%dma_wait3A_303 : memref<100x128xf32, #tpu.memory_space<vmem>>)
      %dma_wait3A_310 = arith.constant 1 : i32
      %dma_wait3A_311 = arith.constant 1 : i32
      %dma_wait3A_312 = arith.constant 0 : i32
      %dma_wait3A_313 = arith.constant 0 : i32
      %dma_wait3A_314 = tpu.memref_slice %arg15[%dma_wait3A_311, %dma_wait3A_312, %dma_wait3A_313] : memref<2x100x128xf32, #tpu.memory_space<vmem>> -> memref<1x100x128xf32, #tpu.memory_space<vmem>>
      %dma_wait3A_315 = tpu.memref_squeeze %dma_wait3A_314 : memref<1x100x128xf32, #tpu.memory_space<vmem>> -> memref<100x128xf32, #tpu.memory_space<vmem>>
      %dma_wait3A_316 = arith.constant 0 : i32
      %dma_wait3A_317 = tpu.memref_slice %arg7[%dma_wait3A_310, %dma_wait3A_316] : memref<2x100xi32, #tpu.memory_space<vmem>> -> memref<1x100xi32, #tpu.memory_space<vmem>>
      %dma_wait3A_318 = tpu.memref_squeeze %dma_wait3A_317 : memref<1x100xi32, #tpu.memory_space<vmem>> -> memref<100xi32, #tpu.memory_space<vmem>>
      %dma_wait3A_319 = arith.constant 0 : i32
      %dma_wait3A_320 = arith.constant 0 : i32
      %dma_wait3A_321 = tpu.memref_slice %arg2[%dma_wait3A_319, %dma_wait3A_320] : memref<217600x128xf32, #tpu.memory_space<hbm>> -> memref<217600x128xf32, #tpu.memory_space<hbm>>
      tpu.wait_indirect_dma semaphore(%arg23 : memref<!tpu.dma_semaphore, #tpu.memory_space<semaphore_mem>>) src(%dma_wait3A_321 : memref<217600x128xf32, #tpu.memory_space<hbm>>) dst(%dma_wait3A_315 : memref<100x128xf32, #tpu.memory_space<vmem>>)
      %add3A_322 = arith.constant 1 : i32
      %add3A_323 = arith.addi %add3A_297, %add3A_322 : i32
      %add3A_324 = arith.addi %min3A_3, %add3A_323 : i32
      %dma_wait3A_325 = arith.constant 0 : i32
      %dma_wait3A_326 = arith.constant 0 : i32
      %dma_wait3A_327 = tpu.memref_slice %arg3[%add3A_324, %dma_wait3A_325, %dma_wait3A_326] : memref<5000x2x100xi32, #tpu.memory_space<hbm>> -> memref<1x2x100xi32, #tpu.memory_space<hbm>>
      %dma_wait3A_328 = tpu.memref_squeeze %dma_wait3A_327 : memref<1x2x100xi32, #tpu.memory_space<hbm>> -> memref<2x100xi32, #tpu.memory_space<hbm>>
      %dma_wait3A_329 = arith.constant 0 : i32
      %dma_wait3A_330 = arith.constant 0 : i32
      %dma_wait3A_331 = tpu.memref_slice %arg3[%add3A_324, %dma_wait3A_329, %dma_wait3A_330] : memref<5000x2x100xi32, #tpu.memory_space<hbm>> -> memref<1x2x100xi32, #tpu.memory_space<hbm>>
      %dma_wait3A_332 = tpu.memref_squeeze %dma_wait3A_331 : memref<1x2x100xi32, #tpu.memory_space<hbm>> -> memref<2x100xi32, #tpu.memory_space<hbm>>
      tpu.wait_dma2 semaphore(%arg20 : memref<!tpu.dma_semaphore, #tpu.memory_space<semaphore_mem>>) src(%dma_wait3A_332 : memref<2x100xi32, #tpu.memory_space<hbm>>) dst(%arg8 : memref<2x100xi32, #tpu.memory_space<vmem>>)
      %add3A_333 = arith.addi %min3A_3, %add3A_323 : i32
      %dma_wait3A_334 = arith.constant 0 : i32
      %dma_wait3A_335 = tpu.memref_slice %arg12[%dma_wait3A_334] : memref<216xf32, #tpu.memory_space<vmem>> -> memref<200xf32, #tpu.memory_space<vmem>>
      %dma_wait3A_336 = arith.constant 0 : i32
      %dma_wait3A_337 = tpu.memref_slice %arg4[%add3A_333, %dma_wait3A_336] : memref<5000x200xf32, #tpu.memory_space<hbm>> -> memref<1x200xf32, #tpu.memory_space<hbm>>
      %dma_wait3A_338 = tpu.memref_squeeze %dma_wait3A_337 : memref<1x200xf32, #tpu.memory_space<hbm>> -> memref<200xf32, #tpu.memory_space<hbm>>
      %dma_wait3A_339 = arith.constant 0 : i32
      %dma_wait3A_340 = tpu.memref_slice %arg12[%dma_wait3A_339] : memref<216xf32, #tpu.memory_space<vmem>> -> memref<200xf32, #tpu.memory_space<vmem>>
      %dma_wait3A_341 = arith.constant 0 : i32
      %dma_wait3A_342 = tpu.memref_slice %arg4[%add3A_333, %dma_wait3A_341] : memref<5000x200xf32, #tpu.memory_space<hbm>> -> memref<1x200xf32, #tpu.memory_space<hbm>>
      %dma_wait3A_343 = tpu.memref_squeeze %dma_wait3A_342 : memref<1x200xf32, #tpu.memory_space<hbm>> -> memref<200xf32, #tpu.memory_space<hbm>>
      tpu.wait_dma2 semaphore(%arg20 : memref<!tpu.dma_semaphore, #tpu.memory_space<semaphore_mem>>) src(%dma_wait3A_343 : memref<200xf32, #tpu.memory_space<hbm>>) dst(%dma_wait3A_340 : memref<200xf32, #tpu.memory_space<vmem>>)
      %dma_start3A_344 = arith.constant 0 : i32
      %dma_start3A_345 = arith.constant 0 : i32
      %dma_start3A_346 = arith.constant 0 : i32
      %dma_start3A_347 = arith.constant 0 : i32
      %dma_start3A_348 = tpu.memref_slice %arg14[%dma_start3A_345, %dma_start3A_346, %dma_start3A_347] : memref<2x100x128xf32, #tpu.memory_space<vmem>> -> memref<1x100x128xf32, #tpu.memory_space<vmem>>
      %dma_start3A_349 = tpu.memref_squeeze %dma_start3A_348 : memref<1x100x128xf32, #tpu.memory_space<vmem>> -> memref<100x128xf32, #tpu.memory_space<vmem>>
      %dma_start3A_350 = arith.constant 0 : i32
      %dma_start3A_351 = tpu.memref_slice %arg8[%dma_start3A_344, %dma_start3A_350] : memref<2x100xi32, #tpu.memory_space<vmem>> -> memref<1x100xi32, #tpu.memory_space<vmem>>
      %dma_start3A_352 = tpu.memref_squeeze %dma_start3A_351 : memref<1x100xi32, #tpu.memory_space<vmem>> -> memref<100xi32, #tpu.memory_space<vmem>>
      %dma_start3A_353 = arith.constant 0 : i32
      %dma_start3A_354 = arith.constant 0 : i32
      %dma_start3A_355 = tpu.memref_slice %arg2[%dma_start3A_353, %dma_start3A_354] : memref<217600x128xf32, #tpu.memory_space<hbm>> -> memref<217600x128xf32, #tpu.memory_space<hbm>>
      tpu.enqueue_indirect_dma source(%dma_start3A_355 : memref<217600x128xf32, #tpu.memory_space<hbm>>) target(%dma_start3A_349 : memref<100x128xf32, #tpu.memory_space<vmem>>) offsets(%dma_start3A_352 : memref<100xi32, #tpu.memory_space<vmem>>) semaphore(%arg22 : memref<!tpu.dma_semaphore, #tpu.memory_space<semaphore_mem>>)
      %dma_start3A_356 = arith.constant 1 : i32
      %dma_start3A_357 = arith.constant 1 : i32
      %dma_start3A_358 = arith.constant 0 : i32
      %dma_start3A_359 = arith.constant 0 : i32
      %dma_start3A_360 = tpu.memref_slice %arg14[%dma_start3A_357, %dma_start3A_358, %dma_start3A_359] : memref<2x100x128xf32, #tpu.memory_space<vmem>> -> memref<1x100x128xf32, #tpu.memory_space<vmem>>
      %dma_start3A_361 = tpu.memref_squeeze %dma_start3A_360 : memref<1x100x128xf32, #tpu.memory_space<vmem>> -> memref<100x128xf32, #tpu.memory_space<vmem>>
      %dma_start3A_362 = arith.constant 0 : i32
      %dma_start3A_363 = tpu.memref_slice %arg8[%dma_start3A_356, %dma_start3A_362] : memref<2x100xi32, #tpu.memory_space<vmem>> -> memref<1x100xi32, #tpu.memory_space<vmem>>
      %dma_start3A_364 = tpu.memref_squeeze %dma_start3A_363 : memref<1x100xi32, #tpu.memory_space<vmem>> -> memref<100xi32, #tpu.memory_space<vmem>>
      %dma_start3A_365 = arith.constant 0 : i32
      %dma_start3A_366 = arith.constant 0 : i32
      %dma_start3A_367 = tpu.memref_slice %arg2[%dma_start3A_365, %dma_start3A_366] : memref<217600x128xf32, #tpu.memory_space<hbm>> -> memref<217600x128xf32, #tpu.memory_space<hbm>>
      tpu.enqueue_indirect_dma source(%dma_start3A_367 : memref<217600x128xf32, #tpu.memory_space<hbm>>) target(%dma_start3A_361 : memref<100x128xf32, #tpu.memory_space<vmem>>) offsets(%dma_start3A_364 : memref<100xi32, #tpu.memory_space<vmem>>) semaphore(%arg22 : memref<!tpu.dma_semaphore, #tpu.memory_space<semaphore_mem>>)
      %gt3A_368 = arith.constant 0 : i32
      %gt3A_369 = arith.cmpi sgt, %scan3A_161, %gt3A_368 : i32
      %convert_element_type3A_370 = arith.extui %gt3A_369 : i1 to i32
      %cond3A_371 = arith.constant 0 : i32
      %cond3A_372 = arith.cmpi ne, %convert_element_type3A_370, %cond3A_371 : i32
      scf.if %cond3A_372 {
        %sub3A_675 = arith.constant 2 : i32
        %sub3A_676 = arith.subi %add3A_297, %sub3A_675 : i32
        %add3A_677 = arith.addi %min3A_3, %sub3A_676 : i32
        %dma_wait3A_678 = arith.constant 0 : i32
        %dma_wait3A_679 = arith.constant 0 : i32
        %dma_wait3A_680 = tpu.memref_slice %arg5[%add3A_677, %dma_wait3A_678, %dma_wait3A_679] : memref<5000x128x49xf32, #tpu.memory_space<hbm>> -> memref<1x128x49xf32, #tpu.memory_space<hbm>>
        %dma_wait3A_681 = tpu.memref_squeeze %dma_wait3A_680 : memref<1x128x49xf32, #tpu.memory_space<hbm>> -> memref<128x49xf32, #tpu.memory_space<hbm>>
        %dma_wait3A_682 = arith.constant 0 : i32
        %dma_wait3A_683 = arith.constant 0 : i32
        %dma_wait3A_684 = tpu.memref_slice %arg5[%add3A_677, %dma_wait3A_682, %dma_wait3A_683] : memref<5000x128x49xf32, #tpu.memory_space<hbm>> -> memref<1x128x49xf32, #tpu.memory_space<hbm>>
        %dma_wait3A_685 = tpu.memref_squeeze %dma_wait3A_684 : memref<1x128x49xf32, #tpu.memory_space<hbm>> -> memref<128x49xf32, #tpu.memory_space<hbm>>
        tpu.wait_dma2 semaphore(%arg25 : memref<!tpu.dma_semaphore, #tpu.memory_space<semaphore_mem>>) src(%arg17 : memref<128x49xf32, #tpu.memory_space<vmem>>) dst(%dma_wait3A_685 : memref<128x49xf32, #tpu.memory_space<hbm>>)
      } else {
      }
      %iota3A_373 = tpu.iota {dimensions = array<i32: 0>} : vector<16xi32>
      %add3A_374 = arith.constant 0 : i32
      %add3A_375 = vector.broadcast %add3A_374 : i32 to vector<16xi32>
      %add3A_376 = arith.addi %iota3A_373, %add3A_375 : vector<16xi32>
      %iota3A_377 = tpu.iota {dimensions = array<i32: 0>} : vector<16xi32>
      %add3A_378 = arith.constant 16 : i32
      %add3A_379 = vector.broadcast %add3A_378 : i32 to vector<16xi32>
      %add3A_380 = arith.addi %iota3A_377, %add3A_379 : vector<16xi32>
      %iota3A_381 = tpu.iota {dimensions = array<i32: 0>} : vector<16xi32>
      %add3A_382 = arith.constant 32 : i32
      %add3A_383 = vector.broadcast %add3A_382 : i32 to vector<16xi32>
      %add3A_384 = arith.addi %iota3A_381, %add3A_383 : vector<16xi32>
      %iota3A_385 = tpu.iota {dimensions = array<i32: 0>} : vector<16xi32>
      %add3A_386 = arith.constant 48 : i32
      %add3A_387 = vector.broadcast %add3A_386 : i32 to vector<16xi32>
      %add3A_388 = arith.addi %iota3A_385, %add3A_387 : vector<16xi32>
      %iota3A_389 = tpu.iota {dimensions = array<i32: 0>} : vector<16xi32>
      %add3A_390 = arith.constant 64 : i32
      %add3A_391 = vector.broadcast %add3A_390 : i32 to vector<16xi32>
      %add3A_392 = arith.addi %iota3A_389, %add3A_391 : vector<16xi32>
      %iota3A_393 = tpu.iota {dimensions = array<i32: 0>} : vector<16xi32>
      %add3A_394 = arith.constant 80 : i32
      %add3A_395 = vector.broadcast %add3A_394 : i32 to vector<16xi32>
      %add3A_396 = arith.addi %iota3A_393, %add3A_395 : vector<16xi32>
      %iota3A_397 = tpu.iota {dimensions = array<i32: 0>} : vector<16xi32>
      %add3A_398 = arith.constant 96 : i32
      %add3A_399 = vector.broadcast %add3A_398 : i32 to vector<16xi32>
      %add3A_400 = arith.addi %iota3A_397, %add3A_399 : vector<16xi32>
      %iota3A_401 = tpu.iota {dimensions = array<i32: 0>} : vector<16xi32>
      %add3A_402 = arith.constant 112 : i32
      %add3A_403 = vector.broadcast %add3A_402 : i32 to vector<16xi32>
      %add3A_404 = arith.addi %iota3A_401, %add3A_403 : vector<16xi32>
      %scan3A_405 = arith.constant 0 : i32
      %scan3A_406 = arith.constant 0 : i32
      %scan3A_407 = arith.constant 25 : i32
      %scan3A_408 = arith.addi %scan3A_406, %scan3A_407 : i32
      %scan3A_409 = arith.constant 1 : i32
      scf.for %scan3A_675 = %scan3A_406 to %scan3A_408 step %scan3A_409  : i32 {
        %mul3A_676 = arith.constant 4 : i32
        %mul3A_677 = arith.muli %scan3A_675, %mul3A_676 : i32
        %add3A_678 = arith.constant 0 : i32
        %add3A_679 = arith.addi %add3A_678, %mul3A_677 : i32
        %add3A_680 = arith.constant 0 : i32
        %add3A_681 = arith.addi %add3A_679, %add3A_680 : i32
        %broadcast_in_dim3A = vector.broadcast %add3A_681 : i32 to vector<16xi32>
        %gather3A = tpu.vector_load_idx %arg11[%broadcast_in_dim3A] : memref<216xf32, #tpu.memory_space<vmem>>[vector<16xi32>], vector<16xf32>,
        %mul3A_682 = arith.constant 4 : i32
        %mul3A_683 = arith.muli %scan3A_675, %mul3A_682 : i32
        %add3A_684 = arith.constant 0 : i32
        %add3A_685 = arith.addi %add3A_684, %mul3A_683 : i32
        %add3A_686 = arith.constant 1 : i32
        %add3A_687 = arith.addi %add3A_685, %add3A_686 : i32
        %broadcast_in_dim3A_688 = vector.broadcast %add3A_687 : i32 to vector<16xi32>
        %gather3A_689 = tpu.vector_load_idx %arg11[%broadcast_in_dim3A_688] : memref<216xf32, #tpu.memory_space<vmem>>[vector<16xi32>], vector<16xf32>,
        %mul3A_690 = arith.constant 4 : i32
        %mul3A_691 = arith.muli %scan3A_675, %mul3A_690 : i32
        %add3A_692 = arith.constant 0 : i32
        %add3A_693 = arith.addi %add3A_692, %mul3A_691 : i32
        %add3A_694 = arith.constant 2 : i32
        %add3A_695 = arith.addi %add3A_693, %add3A_694 : i32
        %broadcast_in_dim3A_696 = vector.broadcast %add3A_695 : i32 to vector<16xi32>
        %gather3A_697 = tpu.vector_load_idx %arg11[%broadcast_in_dim3A_696] : memref<216xf32, #tpu.memory_space<vmem>>[vector<16xi32>], vector<16xf32>,
        %mul3A_698 = arith.constant 4 : i32
        %mul3A_699 = arith.muli %scan3A_675, %mul3A_698 : i32
        %add3A_700 = arith.constant 0 : i32
        %add3A_701 = arith.addi %add3A_700, %mul3A_699 : i32
        %add3A_702 = arith.constant 3 : i32
        %add3A_703 = arith.addi %add3A_701, %add3A_702 : i32
        %broadcast_in_dim3A_704 = vector.broadcast %add3A_703 : i32 to vector<16xi32>
        %gather3A_705 = tpu.vector_load_idx %arg11[%broadcast_in_dim3A_704] : memref<216xf32, #tpu.memory_space<vmem>>[vector<16xi32>], vector<16xf32>,
        %add3A_706 = arith.constant 0 : i32
        %add3A_707 = arith.addi %add3A_706, %scan3A_675 : i32
        %broadcast_in_dim3A_708 = vector.broadcast %add3A_707 : i32 to vector<16xi32>
        %mul3A_709 = arith.constant 4 : i32
        %mul3A_710 = arith.muli %scan3A_675, %mul3A_709 : i32
        %add3A_711 = arith.constant 0 : i32
        %add3A_712 = arith.addi %mul3A_710, %add3A_711 : i32
        %get3A = arith.constant 0 : i32
        %get3A_713 = arith.index_cast %get3A : i32 to index
        %get3A_714 = arith.index_cast %add3A_712 : i32 to index
        %get3A_715 = arith.constant 0 : index
        %get3A_716 = tpu.vector_load %arg15[%get3A_713, %get3A_714, %get3A_715] {strides = array<i32>} : memref<2x100x128xf32, #tpu.memory_space<vmem>>, vector<16xf32>,
        %mul3A_717 = arith.constant 4 : i32
        %mul3A_718 = arith.muli %scan3A_675, %mul3A_717 : i32
        %add3A_719 = arith.constant 1 : i32
        %add3A_720 = arith.addi %mul3A_718, %add3A_719 : i32
        %get3A_721 = arith.constant 0 : i32
        %get3A_722 = arith.index_cast %get3A_721 : i32 to index
        %get3A_723 = arith.index_cast %add3A_720 : i32 to index
        %get3A_724 = arith.constant 0 : index
        %get3A_725 = tpu.vector_load %arg15[%get3A_722, %get3A_723, %get3A_724] {strides = array<i32>} : memref<2x100x128xf32, #tpu.memory_space<vmem>>, vector<16xf32>,
        %mul3A_726 = arith.constant 4 : i32
        %mul3A_727 = arith.muli %scan3A_675, %mul3A_726 : i32
        %add3A_728 = arith.constant 2 : i32
        %add3A_729 = arith.addi %mul3A_727, %add3A_728 : i32
        %get3A_730 = arith.constant 0 : i32
        %get3A_731 = arith.index_cast %get3A_730 : i32 to index
        %get3A_732 = arith.index_cast %add3A_729 : i32 to index
        %get3A_733 = arith.constant 0 : index
        %get3A_734 = tpu.vector_load %arg15[%get3A_731, %get3A_732, %get3A_733] {strides = array<i32>} : memref<2x100x128xf32, #tpu.memory_space<vmem>>, vector<16xf32>,
        %mul3A_735 = arith.constant 4 : i32
        %mul3A_736 = arith.muli %scan3A_675, %mul3A_735 : i32
        %add3A_737 = arith.constant 3 : i32
        %add3A_738 = arith.addi %mul3A_736, %add3A_737 : i32
        %get3A_739 = arith.constant 0 : i32
        %get3A_740 = arith.index_cast %get3A_739 : i32 to index
        %get3A_741 = arith.index_cast %add3A_738 : i32 to index
        %get3A_742 = arith.constant 0 : index
        %get3A_743 = tpu.vector_load %arg15[%get3A_740, %get3A_741, %get3A_742] {strides = array<i32>} : memref<2x100x128xf32, #tpu.memory_space<vmem>>, vector<16xf32>,
        %mul3A_744 = arith.constant 4 : i32
        %mul3A_745 = arith.muli %scan3A_675, %mul3A_744 : i32
        %add3A_746 = arith.constant 0 : i32
        %add3A_747 = arith.addi %mul3A_745, %add3A_746 : i32
        %get3A_748 = arith.constant 0 : i32
        %get3A_749 = arith.index_cast %get3A_748 : i32 to index
        %get3A_750 = arith.index_cast %add3A_747 : i32 to index
        %get3A_751 = arith.constant 16 : index
        %get3A_752 = tpu.vector_load %arg15[%get3A_749, %get3A_750, %get3A_751] {strides = array<i32>} : memref<2x100x128xf32, #tpu.memory_space<vmem>>, vector<16xf32>,
        %mul3A_753 = arith.constant 4 : i32
        %mul3A_754 = arith.muli %scan3A_675, %mul3A_753 : i32
        %add3A_755 = arith.constant 1 : i32
        %add3A_756 = arith.addi %mul3A_754, %add3A_755 : i32
        %get3A_757 = arith.constant 0 : i32
        %get3A_758 = arith.index_cast %get3A_757 : i32 to index
        %get3A_759 = arith.index_cast %add3A_756 : i32 to index
        %get3A_760 = arith.constant 16 : index
        %get3A_761 = tpu.vector_load %arg15[%get3A_758, %get3A_759, %get3A_760] {strides = array<i32>} : memref<2x100x128xf32, #tpu.memory_space<vmem>>, vector<16xf32>,
        %mul3A_762 = arith.constant 4 : i32
        %mul3A_763 = arith.muli %scan3A_675, %mul3A_762 : i32
        %add3A_764 = arith.constant 2 : i32
        %add3A_765 = arith.addi %mul3A_763, %add3A_764 : i32
        %get3A_766 = arith.constant 0 : i32
        %get3A_767 = arith.index_cast %get3A_766 : i32 to index
        %get3A_768 = arith.index_cast %add3A_765 : i32 to index
        %get3A_769 = arith.constant 16 : index
        %get3A_770 = tpu.vector_load %arg15[%get3A_767, %get3A_768, %get3A_769] {strides = array<i32>} : memref<2x100x128xf32, #tpu.memory_space<vmem>>, vector<16xf32>,
        %mul3A_771 = arith.constant 4 : i32
        %mul3A_772 = arith.muli %scan3A_675, %mul3A_771 : i32
        %add3A_773 = arith.constant 3 : i32
        %add3A_774 = arith.addi %mul3A_772, %add3A_773 : i32
        %get3A_775 = arith.constant 0 : i32
        %get3A_776 = arith.index_cast %get3A_775 : i32 to index
        %get3A_777 = arith.index_cast %add3A_774 : i32 to index
        %get3A_778 = arith.constant 16 : index
        %get3A_779 = tpu.vector_load %arg15[%get3A_776, %get3A_777, %get3A_778] {strides = array<i32>} : memref<2x100x128xf32, #tpu.memory_space<vmem>>, vector<16xf32>,
        %mul3A_780 = arith.mulf %get3A_716, %gather3A : vector<16xf32>
        %mul3A_781 = arith.mulf %get3A_725, %gather3A_689 : vector<16xf32>
        %add3A_782 = arith.addf %mul3A_780, %mul3A_781 : vector<16xf32>
        %mul3A_783 = arith.mulf %get3A_734, %gather3A_697 : vector<16xf32>
        %mul3A_784 = arith.mulf %get3A_743, %gather3A_705 : vector<16xf32>
        %add3A_785 = arith.addf %mul3A_783, %mul3A_784 : vector<16xf32>
        %add3A_786 = arith.addf %add3A_782, %add3A_785 : vector<16xf32>
        %mul3A_787 = arith.mulf %get3A_752, %gather3A : vector<16xf32>
        %mul3A_788 = arith.mulf %get3A_761, %gather3A_689 : vector<16xf32>
        %add3A_789 = arith.addf %mul3A_787, %mul3A_788 : vector<16xf32>
        %mul3A_790 = arith.mulf %get3A_770, %gather3A_697 : vector<16xf32>
        %mul3A_791 = arith.mulf %get3A_779, %gather3A_705 : vector<16xf32>
        %add3A_792 = arith.addf %mul3A_790, %mul3A_791 : vector<16xf32>
        %add3A_793 = arith.addf %add3A_789, %add3A_792 : vector<16xf32>
        tpu.vector_store_idx %arg17[%add3A_376, %broadcast_in_dim3A_708], %add3A_786 : memref<128x49xf32, #tpu.memory_space<vmem>>[vector<16xi32>, vector<16xi32>], vector<16xf32>,
        tpu.vector_store_idx %arg17[%add3A_380, %broadcast_in_dim3A_708], %add3A_793 : memref<128x49xf32, #tpu.memory_space<vmem>>[vector<16xi32>, vector<16xi32>], vector<16xf32>,
        %mul3A_794 = arith.constant 4 : i32
        %mul3A_795 = arith.muli %scan3A_675, %mul3A_794 : i32
        %add3A_796 = arith.constant 0 : i32
        %add3A_797 = arith.addi %mul3A_795, %add3A_796 : i32
        %get3A_798 = arith.constant 0 : i32
        %get3A_799 = arith.index_cast %get3A_798 : i32 to index
        %get3A_800 = arith.index_cast %add3A_797 : i32 to index
        %get3A_801 = arith.constant 32 : index
        %get3A_802 = tpu.vector_load %arg15[%get3A_799, %get3A_800, %get3A_801] {strides = array<i32>} : memref<2x100x128xf32, #tpu.memory_space<vmem>>, vector<16xf32>,
        %mul3A_803 = arith.constant 4 : i32
        %mul3A_804 = arith.muli %scan3A_675, %mul3A_803 : i32
        %add3A_805 = arith.constant 1 : i32
        %add3A_806 = arith.addi %mul3A_804, %add3A_805 : i32
        %get3A_807 = arith.constant 0 : i32
        %get3A_808 = arith.index_cast %get3A_807 : i32 to index
        %get3A_809 = arith.index_cast %add3A_806 : i32 to index
        %get3A_810 = arith.constant 32 : index
        %get3A_811 = tpu.vector_load %arg15[%get3A_808, %get3A_809, %get3A_810] {strides = array<i32>} : memref<2x100x128xf32, #tpu.memory_space<vmem>>, vector<16xf32>,
        %mul3A_812 = arith.constant 4 : i32
        %mul3A_813 = arith.muli %scan3A_675, %mul3A_812 : i32
        %add3A_814 = arith.constant 2 : i32
        %add3A_815 = arith.addi %mul3A_813, %add3A_814 : i32
        %get3A_816 = arith.constant 0 : i32
        %get3A_817 = arith.index_cast %get3A_816 : i32 to index
        %get3A_818 = arith.index_cast %add3A_815 : i32 to index
        %get3A_819 = arith.constant 32 : index
        %get3A_820 = tpu.vector_load %arg15[%get3A_817, %get3A_818, %get3A_819] {strides = array<i32>} : memref<2x100x128xf32, #tpu.memory_space<vmem>>, vector<16xf32>,
        %mul3A_821 = arith.constant 4 : i32
        %mul3A_822 = arith.muli %scan3A_675, %mul3A_821 : i32
        %add3A_823 = arith.constant 3 : i32
        %add3A_824 = arith.addi %mul3A_822, %add3A_823 : i32
        %get3A_825 = arith.constant 0 : i32
        %get3A_826 = arith.index_cast %get3A_825 : i32 to index
        %get3A_827 = arith.index_cast %add3A_824 : i32 to index
        %get3A_828 = arith.constant 32 : index
        %get3A_829 = tpu.vector_load %arg15[%get3A_826, %get3A_827, %get3A_828] {strides = array<i32>} : memref<2x100x128xf32, #tpu.memory_space<vmem>>, vector<16xf32>,
        %mul3A_830 = arith.constant 4 : i32
        %mul3A_831 = arith.muli %scan3A_675, %mul3A_830 : i32
        %add3A_832 = arith.constant 0 : i32
        %add3A_833 = arith.addi %mul3A_831, %add3A_832 : i32
        %get3A_834 = arith.constant 0 : i32
        %get3A_835 = arith.index_cast %get3A_834 : i32 to index
        %get3A_836 = arith.index_cast %add3A_833 : i32 to index
        %get3A_837 = arith.constant 48 : index
        %get3A_838 = tpu.vector_load %arg15[%get3A_835, %get3A_836, %get3A_837] {strides = array<i32>} : memref<2x100x128xf32, #tpu.memory_space<vmem>>, vector<16xf32>,
        %mul3A_839 = arith.constant 4 : i32
        %mul3A_840 = arith.muli %scan3A_675, %mul3A_839 : i32
        %add3A_841 = arith.constant 1 : i32
        %add3A_842 = arith.addi %mul3A_840, %add3A_841 : i32
        %get3A_843 = arith.constant 0 : i32
        %get3A_844 = arith.index_cast %get3A_843 : i32 to index
        %get3A_845 = arith.index_cast %add3A_842 : i32 to index
        %get3A_846 = arith.constant 48 : index
        %get3A_847 = tpu.vector_load %arg15[%get3A_844, %get3A_845, %get3A_846] {strides = array<i32>} : memref<2x100x128xf32, #tpu.memory_space<vmem>>, vector<16xf32>,
        %mul3A_848 = arith.constant 4 : i32
        %mul3A_849 = arith.muli %scan3A_675, %mul3A_848 : i32
        %add3A_850 = arith.constant 2 : i32
        %add3A_851 = arith.addi %mul3A_849, %add3A_850 : i32
        %get3A_852 = arith.constant 0 : i32
        %get3A_853 = arith.index_cast %get3A_852 : i32 to index
        %get3A_854 = arith.index_cast %add3A_851 : i32 to index
        %get3A_855 = arith.constant 48 : index
        %get3A_856 = tpu.vector_load %arg15[%get3A_853, %get3A_854, %get3A_855] {strides = array<i32>} : memref<2x100x128xf32, #tpu.memory_space<vmem>>, vector<16xf32>,
        %mul3A_857 = arith.constant 4 : i32
        %mul3A_858 = arith.muli %scan3A_675, %mul3A_857 : i32
        %add3A_859 = arith.constant 3 : i32
        %add3A_860 = arith.addi %mul3A_858, %add3A_859 : i32
        %get3A_861 = arith.constant 0 : i32
        %get3A_862 = arith.index_cast %get3A_861 : i32 to index
        %get3A_863 = arith.index_cast %add3A_860 : i32 to index
        %get3A_864 = arith.constant 48 : index
        %get3A_865 = tpu.vector_load %arg15[%get3A_862, %get3A_863, %get3A_864] {strides = array<i32>} : memref<2x100x128xf32, #tpu.memory_space<vmem>>, vector<16xf32>,
        %mul3A_866 = arith.mulf %get3A_802, %gather3A : vector<16xf32>
        %mul3A_867 = arith.mulf %get3A_811, %gather3A_689 : vector<16xf32>
        %add3A_868 = arith.addf %mul3A_866, %mul3A_867 : vector<16xf32>
        %mul3A_869 = arith.mulf %get3A_820, %gather3A_697 : vector<16xf32>
        %mul3A_870 = arith.mulf %get3A_829, %gather3A_705 : vector<16xf32>
        %add3A_871 = arith.addf %mul3A_869, %mul3A_870 : vector<16xf32>
        %add3A_872 = arith.addf %add3A_868, %add3A_871 : vector<16xf32>
        %mul3A_873 = arith.mulf %get3A_838, %gather3A : vector<16xf32>
        %mul3A_874 = arith.mulf %get3A_847, %gather3A_689 : vector<16xf32>
        %add3A_875 = arith.addf %mul3A_873, %mul3A_874 : vector<16xf32>
        %mul3A_876 = arith.mulf %get3A_856, %gather3A_697 : vector<16xf32>
        %mul3A_877 = arith.mulf %get3A_865, %gather3A_705 : vector<16xf32>
        %add3A_878 = arith.addf %mul3A_876, %mul3A_877 : vector<16xf32>
        %add3A_879 = arith.addf %add3A_875, %add3A_878 : vector<16xf32>
        tpu.vector_store_idx %arg17[%add3A_384, %broadcast_in_dim3A_708], %add3A_872 : memref<128x49xf32, #tpu.memory_space<vmem>>[vector<16xi32>, vector<16xi32>], vector<16xf32>,
        tpu.vector_store_idx %arg17[%add3A_388, %broadcast_in_dim3A_708], %add3A_879 : memref<128x49xf32, #tpu.memory_space<vmem>>[vector<16xi32>, vector<16xi32>], vector<16xf32>,
        %mul3A_880 = arith.constant 4 : i32
        %mul3A_881 = arith.muli %scan3A_675, %mul3A_880 : i32
        %add3A_882 = arith.constant 0 : i32
        %add3A_883 = arith.addi %mul3A_881, %add3A_882 : i32
        %get3A_884 = arith.constant 0 : i32
        %get3A_885 = arith.index_cast %get3A_884 : i32 to index
        %get3A_886 = arith.index_cast %add3A_883 : i32 to index
        %get3A_887 = arith.constant 64 : index
        %get3A_888 = tpu.vector_load %arg15[%get3A_885, %get3A_886, %get3A_887] {strides = array<i32>} : memref<2x100x128xf32, #tpu.memory_space<vmem>>, vector<16xf32>,
        %mul3A_889 = arith.constant 4 : i32
        %mul3A_890 = arith.muli %scan3A_675, %mul3A_889 : i32
        %add3A_891 = arith.constant 1 : i32
        %add3A_892 = arith.addi %mul3A_890, %add3A_891 : i32
        %get3A_893 = arith.constant 0 : i32
        %get3A_894 = arith.index_cast %get3A_893 : i32 to index
        %get3A_895 = arith.index_cast %add3A_892 : i32 to index
        %get3A_896 = arith.constant 64 : index
        %get3A_897 = tpu.vector_load %arg15[%get3A_894, %get3A_895, %get3A_896] {strides = array<i32>} : memref<2x100x128xf32, #tpu.memory_space<vmem>>, vector<16xf32>,
        %mul3A_898 = arith.constant 4 : i32
        %mul3A_899 = arith.muli %scan3A_675, %mul3A_898 : i32
        %add3A_900 = arith.constant 2 : i32
        %add3A_901 = arith.addi %mul3A_899, %add3A_900 : i32
        %get3A_902 = arith.constant 0 : i32
        %get3A_903 = arith.index_cast %get3A_902 : i32 to index
        %get3A_904 = arith.index_cast %add3A_901 : i32 to index
        %get3A_905 = arith.constant 64 : index
        %get3A_906 = tpu.vector_load %arg15[%get3A_903, %get3A_904, %get3A_905] {strides = array<i32>} : memref<2x100x128xf32, #tpu.memory_space<vmem>>, vector<16xf32>,
        %mul3A_907 = arith.constant 4 : i32
        %mul3A_908 = arith.muli %scan3A_675, %mul3A_907 : i32
        %add3A_909 = arith.constant 3 : i32
        %add3A_910 = arith.addi %mul3A_908, %add3A_909 : i32
        %get3A_911 = arith.constant 0 : i32
        %get3A_912 = arith.index_cast %get3A_911 : i32 to index
        %get3A_913 = arith.index_cast %add3A_910 : i32 to index
        %get3A_914 = arith.constant 64 : index
        %get3A_915 = tpu.vector_load %arg15[%get3A_912, %get3A_913, %get3A_914] {strides = array<i32>} : memref<2x100x128xf32, #tpu.memory_space<vmem>>, vector<16xf32>,
        %mul3A_916 = arith.constant 4 : i32
        %mul3A_917 = arith.muli %scan3A_675, %mul3A_916 : i32
        %add3A_918 = arith.constant 0 : i32
        %add3A_919 = arith.addi %mul3A_917, %add3A_918 : i32
        %get3A_920 = arith.constant 0 : i32
        %get3A_921 = arith.index_cast %get3A_920 : i32 to index
        %get3A_922 = arith.index_cast %add3A_919 : i32 to index
        %get3A_923 = arith.constant 80 : index
        %get3A_924 = tpu.vector_load %arg15[%get3A_921, %get3A_922, %get3A_923] {strides = array<i32>} : memref<2x100x128xf32, #tpu.memory_space<vmem>>, vector<16xf32>,
        %mul3A_925 = arith.constant 4 : i32
        %mul3A_926 = arith.muli %scan3A_675, %mul3A_925 : i32
        %add3A_927 = arith.constant 1 : i32
        %add3A_928 = arith.addi %mul3A_926, %add3A_927 : i32
        %get3A_929 = arith.constant 0 : i32
        %get3A_930 = arith.index_cast %get3A_929 : i32 to index
        %get3A_931 = arith.index_cast %add3A_928 : i32 to index
        %get3A_932 = arith.constant 80 : index
        %get3A_933 = tpu.vector_load %arg15[%get3A_930, %get3A_931, %get3A_932] {strides = array<i32>} : memref<2x100x128xf32, #tpu.memory_space<vmem>>, vector<16xf32>,
        %mul3A_934 = arith.constant 4 : i32
        %mul3A_935 = arith.muli %scan3A_675, %mul3A_934 : i32
        %add3A_936 = arith.constant 2 : i32
        %add3A_937 = arith.addi %mul3A_935, %add3A_936 : i32
        %get3A_938 = arith.constant 0 : i32
        %get3A_939 = arith.index_cast %get3A_938 : i32 to index
        %get3A_940 = arith.index_cast %add3A_937 : i32 to index
        %get3A_941 = arith.constant 80 : index
        %get3A_942 = tpu.vector_load %arg15[%get3A_939, %get3A_940, %get3A_941] {strides = array<i32>} : memref<2x100x128xf32, #tpu.memory_space<vmem>>, vector<16xf32>,
        %mul3A_943 = arith.constant 4 : i32
        %mul3A_944 = arith.muli %scan3A_675, %mul3A_943 : i32
        %add3A_945 = arith.constant 3 : i32
        %add3A_946 = arith.addi %mul3A_944, %add3A_945 : i32
        %get3A_947 = arith.constant 0 : i32
        %get3A_948 = arith.index_cast %get3A_947 : i32 to index
        %get3A_949 = arith.index_cast %add3A_946 : i32 to index
        %get3A_950 = arith.constant 80 : index
        %get3A_951 = tpu.vector_load %arg15[%get3A_948, %get3A_949, %get3A_950] {strides = array<i32>} : memref<2x100x128xf32, #tpu.memory_space<vmem>>, vector<16xf32>,
        %mul3A_952 = arith.mulf %get3A_888, %gather3A : vector<16xf32>
        %mul3A_953 = arith.mulf %get3A_897, %gather3A_689 : vector<16xf32>
        %add3A_954 = arith.addf %mul3A_952, %mul3A_953 : vector<16xf32>
        %mul3A_955 = arith.mulf %get3A_906, %gather3A_697 : vector<16xf32>
        %mul3A_956 = arith.mulf %get3A_915, %gather3A_705 : vector<16xf32>
        %add3A_957 = arith.addf %mul3A_955, %mul3A_956 : vector<16xf32>
        %add3A_958 = arith.addf %add3A_954, %add3A_957 : vector<16xf32>
        %mul3A_959 = arith.mulf %get3A_924, %gather3A : vector<16xf32>
        %mul3A_960 = arith.mulf %get3A_933, %gather3A_689 : vector<16xf32>
        %add3A_961 = arith.addf %mul3A_959, %mul3A_960 : vector<16xf32>
        %mul3A_962 = arith.mulf %get3A_942, %gather3A_697 : vector<16xf32>
        %mul3A_963 = arith.mulf %get3A_951, %gather3A_705 : vector<16xf32>
        %add3A_964 = arith.addf %mul3A_962, %mul3A_963 : vector<16xf32>
        %add3A_965 = arith.addf %add3A_961, %add3A_964 : vector<16xf32>
        tpu.vector_store_idx %arg17[%add3A_392, %broadcast_in_dim3A_708], %add3A_958 : memref<128x49xf32, #tpu.memory_space<vmem>>[vector<16xi32>, vector<16xi32>], vector<16xf32>,
        tpu.vector_store_idx %arg17[%add3A_396, %broadcast_in_dim3A_708], %add3A_965 : memref<128x49xf32, #tpu.memory_space<vmem>>[vector<16xi32>, vector<16xi32>], vector<16xf32>,
        %mul3A_966 = arith.constant 4 : i32
        %mul3A_967 = arith.muli %scan3A_675, %mul3A_966 : i32
        %add3A_968 = arith.constant 0 : i32
        %add3A_969 = arith.addi %mul3A_967, %add3A_968 : i32
        %get3A_970 = arith.constant 0 : i32
        %get3A_971 = arith.index_cast %get3A_970 : i32 to index
        %get3A_972 = arith.index_cast %add3A_969 : i32 to index
        %get3A_973 = arith.constant 96 : index
        %get3A_974 = tpu.vector_load %arg15[%get3A_971, %get3A_972, %get3A_973] {strides = array<i32>} : memref<2x100x128xf32, #tpu.memory_space<vmem>>, vector<16xf32>,
        %mul3A_975 = arith.constant 4 : i32
        %mul3A_976 = arith.muli %scan3A_675, %mul3A_975 : i32
        %add3A_977 = arith.constant 1 : i32
        %add3A_978 = arith.addi %mul3A_976, %add3A_977 : i32
        %get3A_979 = arith.constant 0 : i32
        %get3A_980 = arith.index_cast %get3A_979 : i32 to index
        %get3A_981 = arith.index_cast %add3A_978 : i32 to index
        %get3A_982 = arith.constant 96 : index
        %get3A_983 = tpu.vector_load %arg15[%get3A_980, %get3A_981, %get3A_982] {strides = array<i32>} : memref<2x100x128xf32, #tpu.memory_space<vmem>>, vector<16xf32>,
        %mul3A_984 = arith.constant 4 : i32
        %mul3A_985 = arith.muli %scan3A_675, %mul3A_984 : i32
        %add3A_986 = arith.constant 2 : i32
        %add3A_987 = arith.addi %mul3A_985, %add3A_986 : i32
        %get3A_988 = arith.constant 0 : i32
        %get3A_989 = arith.index_cast %get3A_988 : i32 to index
        %get3A_990 = arith.index_cast %add3A_987 : i32 to index
        %get3A_991 = arith.constant 96 : index
        %get3A_992 = tpu.vector_load %arg15[%get3A_989, %get3A_990, %get3A_991] {strides = array<i32>} : memref<2x100x128xf32, #tpu.memory_space<vmem>>, vector<16xf32>,
        %mul3A_993 = arith.constant 4 : i32
        %mul3A_994 = arith.muli %scan3A_675, %mul3A_993 : i32
        %add3A_995 = arith.constant 3 : i32
        %add3A_996 = arith.addi %mul3A_994, %add3A_995 : i32
        %get3A_997 = arith.constant 0 : i32
        %get3A_998 = arith.index_cast %get3A_997 : i32 to index
        %get3A_999 = arith.index_cast %add3A_996 : i32 to index
        %get3A_1000 = arith.constant 96 : index
        %get3A_1001 = tpu.vector_load %arg15[%get3A_998, %get3A_999, %get3A_1000] {strides = array<i32>} : memref<2x100x128xf32, #tpu.memory_space<vmem>>, vector<16xf32>,
        %mul3A_1002 = arith.constant 4 : i32
        %mul3A_1003 = arith.muli %scan3A_675, %mul3A_1002 : i32
        %add3A_1004 = arith.constant 0 : i32
        %add3A_1005 = arith.addi %mul3A_1003, %add3A_1004 : i32
        %get3A_1006 = arith.constant 0 : i32
        %get3A_1007 = arith.index_cast %get3A_1006 : i32 to index
        %get3A_1008 = arith.index_cast %add3A_1005 : i32 to index
        %get3A_1009 = arith.constant 112 : index
        %get3A_1010 = tpu.vector_load %arg15[%get3A_1007, %get3A_1008, %get3A_1009] {strides = array<i32>} : memref<2x100x128xf32, #tpu.memory_space<vmem>>, vector<16xf32>,
        %mul3A_1011 = arith.constant 4 : i32
        %mul3A_1012 = arith.muli %scan3A_675, %mul3A_1011 : i32
        %add3A_1013 = arith.constant 1 : i32
        %add3A_1014 = arith.addi %mul3A_1012, %add3A_1013 : i32
        %get3A_1015 = arith.constant 0 : i32
        %get3A_1016 = arith.index_cast %get3A_1015 : i32 to index
        %get3A_1017 = arith.index_cast %add3A_1014 : i32 to index
        %get3A_1018 = arith.constant 112 : index
        %get3A_1019 = tpu.vector_load %arg15[%get3A_1016, %get3A_1017, %get3A_1018] {strides = array<i32>} : memref<2x100x128xf32, #tpu.memory_space<vmem>>, vector<16xf32>,
        %mul3A_1020 = arith.constant 4 : i32
        %mul3A_1021 = arith.muli %scan3A_675, %mul3A_1020 : i32
        %add3A_1022 = arith.constant 2 : i32
        %add3A_1023 = arith.addi %mul3A_1021, %add3A_1022 : i32
        %get3A_1024 = arith.constant 0 : i32
        %get3A_1025 = arith.index_cast %get3A_1024 : i32 to index
        %get3A_1026 = arith.index_cast %add3A_1023 : i32 to index
        %get3A_1027 = arith.constant 112 : index
        %get3A_1028 = tpu.vector_load %arg15[%get3A_1025, %get3A_1026, %get3A_1027] {strides = array<i32>} : memref<2x100x128xf32, #tpu.memory_space<vmem>>, vector<16xf32>,
        %mul3A_1029 = arith.constant 4 : i32
        %mul3A_1030 = arith.muli %scan3A_675, %mul3A_1029 : i32
        %add3A_1031 = arith.constant 3 : i32
        %add3A_1032 = arith.addi %mul3A_1030, %add3A_1031 : i32
        %get3A_1033 = arith.constant 0 : i32
        %get3A_1034 = arith.index_cast %get3A_1033 : i32 to index
        %get3A_1035 = arith.index_cast %add3A_1032 : i32 to index
        %get3A_1036 = arith.constant 112 : index
        %get3A_1037 = tpu.vector_load %arg15[%get3A_1034, %get3A_1035, %get3A_1036] {strides = array<i32>} : memref<2x100x128xf32, #tpu.memory_space<vmem>>, vector<16xf32>,
        %mul3A_1038 = arith.mulf %get3A_974, %gather3A : vector<16xf32>
        %mul3A_1039 = arith.mulf %get3A_983, %gather3A_689 : vector<16xf32>
        %add3A_1040 = arith.addf %mul3A_1038, %mul3A_1039 : vector<16xf32>
        %mul3A_1041 = arith.mulf %get3A_992, %gather3A_697 : vector<16xf32>
        %mul3A_1042 = arith.mulf %get3A_1001, %gather3A_705 : vector<16xf32>
        %add3A_1043 = arith.addf %mul3A_1041, %mul3A_1042 : vector<16xf32>
        %add3A_1044 = arith.addf %add3A_1040, %add3A_1043 : vector<16xf32>
        %mul3A_1045 = arith.mulf %get3A_1010, %gather3A : vector<16xf32>
        %mul3A_1046 = arith.mulf %get3A_1019, %gather3A_689 : vector<16xf32>
        %add3A_1047 = arith.addf %mul3A_1045, %mul3A_1046 : vector<16xf32>
        %mul3A_1048 = arith.mulf %get3A_1028, %gather3A_697 : vector<16xf32>
        %mul3A_1049 = arith.mulf %get3A_1037, %gather3A_705 : vector<16xf32>
        %add3A_1050 = arith.addf %mul3A_1048, %mul3A_1049 : vector<16xf32>
        %add3A_1051 = arith.addf %add3A_1047, %add3A_1050 : vector<16xf32>
        tpu.vector_store_idx %arg17[%add3A_400, %broadcast_in_dim3A_708], %add3A_1044 : memref<128x49xf32, #tpu.memory_space<vmem>>[vector<16xi32>, vector<16xi32>], vector<16xf32>,
        tpu.vector_store_idx %arg17[%add3A_404, %broadcast_in_dim3A_708], %add3A_1051 : memref<128x49xf32, #tpu.memory_space<vmem>>[vector<16xi32>, vector<16xi32>], vector<16xf32>,
      }
      %scan3A_410 = arith.constant 25 : i32
      %scan3A_411 = arith.constant 0 : i32
      %scan3A_412 = arith.constant 0 : i32
      %scan3A_413 = arith.constant 24 : i32
      %scan3A_414 = arith.addi %scan3A_412, %scan3A_413 : i32
      %scan3A_415 = arith.constant 1 : i32
      scf.for %scan3A_675 = %scan3A_412 to %scan3A_414 step %scan3A_415  : i32 {
        %mul3A_676 = arith.constant 4 : i32
        %mul3A_677 = arith.muli %scan3A_675, %mul3A_676 : i32
        %add3A_678 = arith.constant 100 : i32
        %add3A_679 = arith.addi %add3A_678, %mul3A_677 : i32
        %add3A_680 = arith.constant 0 : i32
        %add3A_681 = arith.addi %add3A_679, %add3A_680 : i32
        %broadcast_in_dim3A = vector.broadcast %add3A_681 : i32 to vector<16xi32>
        %gather3A = tpu.vector_load_idx %arg11[%broadcast_in_dim3A] : memref<216xf32, #tpu.memory_space<vmem>>[vector<16xi32>], vector<16xf32>,
        %mul3A_682 = arith.constant 4 : i32
        %mul3A_683 = arith.muli %scan3A_675, %mul3A_682 : i32
        %add3A_684 = arith.constant 100 : i32
        %add3A_685 = arith.addi %add3A_684, %mul3A_683 : i32
        %add3A_686 = arith.constant 1 : i32
        %add3A_687 = arith.addi %add3A_685, %add3A_686 : i32
        %broadcast_in_dim3A_688 = vector.broadcast %add3A_687 : i32 to vector<16xi32>
        %gather3A_689 = tpu.vector_load_idx %arg11[%broadcast_in_dim3A_688] : memref<216xf32, #tpu.memory_space<vmem>>[vector<16xi32>], vector<16xf32>,
        %mul3A_690 = arith.constant 4 : i32
        %mul3A_691 = arith.muli %scan3A_675, %mul3A_690 : i32
        %add3A_692 = arith.constant 100 : i32
        %add3A_693 = arith.addi %add3A_692, %mul3A_691 : i32
        %add3A_694 = arith.constant 2 : i32
        %add3A_695 = arith.addi %add3A_693, %add3A_694 : i32
        %broadcast_in_dim3A_696 = vector.broadcast %add3A_695 : i32 to vector<16xi32>
        %gather3A_697 = tpu.vector_load_idx %arg11[%broadcast_in_dim3A_696] : memref<216xf32, #tpu.memory_space<vmem>>[vector<16xi32>], vector<16xf32>,
        %mul3A_698 = arith.constant 4 : i32
        %mul3A_699 = arith.muli %scan3A_675, %mul3A_698 : i32
        %add3A_700 = arith.constant 100 : i32
        %add3A_701 = arith.addi %add3A_700, %mul3A_699 : i32
        %add3A_702 = arith.constant 3 : i32
        %add3A_703 = arith.addi %add3A_701, %add3A_702 : i32
        %broadcast_in_dim3A_704 = vector.broadcast %add3A_703 : i32 to vector<16xi32>
        %gather3A_705 = tpu.vector_load_idx %arg11[%broadcast_in_dim3A_704] : memref<216xf32, #tpu.memory_space<vmem>>[vector<16xi32>], vector<16xf32>,
        %add3A_706 = arith.constant 25 : i32
        %add3A_707 = arith.addi %add3A_706, %scan3A_675 : i32
        %broadcast_in_dim3A_708 = vector.broadcast %add3A_707 : i32 to vector<16xi32>
        %mul3A_709 = arith.constant 4 : i32
        %mul3A_710 = arith.muli %scan3A_675, %mul3A_709 : i32
        %add3A_711 = arith.constant 0 : i32
        %add3A_712 = arith.addi %mul3A_710, %add3A_711 : i32
        %get3A = arith.constant 1 : i32
        %get3A_713 = arith.index_cast %get3A : i32 to index
        %get3A_714 = arith.index_cast %add3A_712 : i32 to index
        %get3A_715 = arith.constant 0 : index
        %get3A_716 = tpu.vector_load %arg15[%get3A_713, %get3A_714, %get3A_715] {strides = array<i32>} : memref<2x100x128xf32, #tpu.memory_space<vmem>>, vector<16xf32>,
        %mul3A_717 = arith.constant 4 : i32
        %mul3A_718 = arith.muli %scan3A_675, %mul3A_717 : i32
        %add3A_719 = arith.constant 1 : i32
        %add3A_720 = arith.addi %mul3A_718, %add3A_719 : i32
        %get3A_721 = arith.constant 1 : i32
        %get3A_722 = arith.index_cast %get3A_721 : i32 to index
        %get3A_723 = arith.index_cast %add3A_720 : i32 to index
        %get3A_724 = arith.constant 0 : index
        %get3A_725 = tpu.vector_load %arg15[%get3A_722, %get3A_723, %get3A_724] {strides = array<i32>} : memref<2x100x128xf32, #tpu.memory_space<vmem>>, vector<16xf32>,
        %mul3A_726 = arith.constant 4 : i32
        %mul3A_727 = arith.muli %scan3A_675, %mul3A_726 : i32
        %add3A_728 = arith.constant 2 : i32
        %add3A_729 = arith.addi %mul3A_727, %add3A_728 : i32
        %get3A_730 = arith.constant 1 : i32
        %get3A_731 = arith.index_cast %get3A_730 : i32 to index
        %get3A_732 = arith.index_cast %add3A_729 : i32 to index
        %get3A_733 = arith.constant 0 : index
        %get3A_734 = tpu.vector_load %arg15[%get3A_731, %get3A_732, %get3A_733] {strides = array<i32>} : memref<2x100x128xf32, #tpu.memory_space<vmem>>, vector<16xf32>,
        %mul3A_735 = arith.constant 4 : i32
        %mul3A_736 = arith.muli %scan3A_675, %mul3A_735 : i32
        %add3A_737 = arith.constant 3 : i32
        %add3A_738 = arith.addi %mul3A_736, %add3A_737 : i32
        %get3A_739 = arith.constant 1 : i32
        %get3A_740 = arith.index_cast %get3A_739 : i32 to index
        %get3A_741 = arith.index_cast %add3A_738 : i32 to index
        %get3A_742 = arith.constant 0 : index
        %get3A_743 = tpu.vector_load %arg15[%get3A_740, %get3A_741, %get3A_742] {strides = array<i32>} : memref<2x100x128xf32, #tpu.memory_space<vmem>>, vector<16xf32>,
        %mul3A_744 = arith.constant 4 : i32
        %mul3A_745 = arith.muli %scan3A_675, %mul3A_744 : i32
        %add3A_746 = arith.constant 0 : i32
        %add3A_747 = arith.addi %mul3A_745, %add3A_746 : i32
        %get3A_748 = arith.constant 1 : i32
        %get3A_749 = arith.index_cast %get3A_748 : i32 to index
        %get3A_750 = arith.index_cast %add3A_747 : i32 to index
        %get3A_751 = arith.constant 16 : index
        %get3A_752 = tpu.vector_load %arg15[%get3A_749, %get3A_750, %get3A_751] {strides = array<i32>} : memref<2x100x128xf32, #tpu.memory_space<vmem>>, vector<16xf32>,
        %mul3A_753 = arith.constant 4 : i32
        %mul3A_754 = arith.muli %scan3A_675, %mul3A_753 : i32
        %add3A_755 = arith.constant 1 : i32
        %add3A_756 = arith.addi %mul3A_754, %add3A_755 : i32
        %get3A_757 = arith.constant 1 : i32
        %get3A_758 = arith.index_cast %get3A_757 : i32 to index
        %get3A_759 = arith.index_cast %add3A_756 : i32 to index
        %get3A_760 = arith.constant 16 : index
        %get3A_761 = tpu.vector_load %arg15[%get3A_758, %get3A_759, %get3A_760] {strides = array<i32>} : memref<2x100x128xf32, #tpu.memory_space<vmem>>, vector<16xf32>,
        %mul3A_762 = arith.constant 4 : i32
        %mul3A_763 = arith.muli %scan3A_675, %mul3A_762 : i32
        %add3A_764 = arith.constant 2 : i32
        %add3A_765 = arith.addi %mul3A_763, %add3A_764 : i32
        %get3A_766 = arith.constant 1 : i32
        %get3A_767 = arith.index_cast %get3A_766 : i32 to index
        %get3A_768 = arith.index_cast %add3A_765 : i32 to index
        %get3A_769 = arith.constant 16 : index
        %get3A_770 = tpu.vector_load %arg15[%get3A_767, %get3A_768, %get3A_769] {strides = array<i32>} : memref<2x100x128xf32, #tpu.memory_space<vmem>>, vector<16xf32>,
        %mul3A_771 = arith.constant 4 : i32
        %mul3A_772 = arith.muli %scan3A_675, %mul3A_771 : i32
        %add3A_773 = arith.constant 3 : i32
        %add3A_774 = arith.addi %mul3A_772, %add3A_773 : i32
        %get3A_775 = arith.constant 1 : i32
        %get3A_776 = arith.index_cast %get3A_775 : i32 to index
        %get3A_777 = arith.index_cast %add3A_774 : i32 to index
        %get3A_778 = arith.constant 16 : index
        %get3A_779 = tpu.vector_load %arg15[%get3A_776, %get3A_777, %get3A_778] {strides = array<i32>} : memref<2x100x128xf32, #tpu.memory_space<vmem>>, vector<16xf32>,
        %mul3A_780 = arith.mulf %get3A_716, %gather3A : vector<16xf32>
        %mul3A_781 = arith.mulf %get3A_725, %gather3A_689 : vector<16xf32>
        %add3A_782 = arith.addf %mul3A_780, %mul3A_781 : vector<16xf32>
        %mul3A_783 = arith.mulf %get3A_734, %gather3A_697 : vector<16xf32>
        %mul3A_784 = arith.mulf %get3A_743, %gather3A_705 : vector<16xf32>
        %add3A_785 = arith.addf %mul3A_783, %mul3A_784 : vector<16xf32>
        %add3A_786 = arith.addf %add3A_782, %add3A_785 : vector<16xf32>
        %mul3A_787 = arith.mulf %get3A_752, %gather3A : vector<16xf32>
        %mul3A_788 = arith.mulf %get3A_761, %gather3A_689 : vector<16xf32>
        %add3A_789 = arith.addf %mul3A_787, %mul3A_788 : vector<16xf32>
        %mul3A_790 = arith.mulf %get3A_770, %gather3A_697 : vector<16xf32>
        %mul3A_791 = arith.mulf %get3A_779, %gather3A_705 : vector<16xf32>
        %add3A_792 = arith.addf %mul3A_790, %mul3A_791 : vector<16xf32>
        %add3A_793 = arith.addf %add3A_789, %add3A_792 : vector<16xf32>
        tpu.vector_store_idx %arg17[%add3A_376, %broadcast_in_dim3A_708], %add3A_786 : memref<128x49xf32, #tpu.memory_space<vmem>>[vector<16xi32>, vector<16xi32>], vector<16xf32>,
        tpu.vector_store_idx %arg17[%add3A_380, %broadcast_in_dim3A_708], %add3A_793 : memref<128x49xf32, #tpu.memory_space<vmem>>[vector<16xi32>, vector<16xi32>], vector<16xf32>,
        %mul3A_794 = arith.constant 4 : i32
        %mul3A_795 = arith.muli %scan3A_675, %mul3A_794 : i32
        %add3A_796 = arith.constant 0 : i32
        %add3A_797 = arith.addi %mul3A_795, %add3A_796 : i32
        %get3A_798 = arith.constant 1 : i32
        %get3A_799 = arith.index_cast %get3A_798 : i32 to index
        %get3A_800 = arith.index_cast %add3A_797 : i32 to index
        %get3A_801 = arith.constant 32 : index
        %get3A_802 = tpu.vector_load %arg15[%get3A_799, %get3A_800, %get3A_801] {strides = array<i32>} : memref<2x100x128xf32, #tpu.memory_space<vmem>>, vector<16xf32>,
        %mul3A_803 = arith.constant 4 : i32
        %mul3A_804 = arith.muli %scan3A_675, %mul3A_803 : i32
        %add3A_805 = arith.constant 1 : i32
        %add3A_806 = arith.addi %mul3A_804, %add3A_805 : i32
        %get3A_807 = arith.constant 1 : i32
        %get3A_808 = arith.index_cast %get3A_807 : i32 to index
        %get3A_809 = arith.index_cast %add3A_806 : i32 to index
        %get3A_810 = arith.constant 32 : index
        %get3A_811 = tpu.vector_load %arg15[%get3A_808, %get3A_809, %get3A_810] {strides = array<i32>} : memref<2x100x128xf32, #tpu.memory_space<vmem>>, vector<16xf32>,
        %mul3A_812 = arith.constant 4 : i32
        %mul3A_813 = arith.muli %scan3A_675, %mul3A_812 : i32
        %add3A_814 = arith.constant 2 : i32
        %add3A_815 = arith.addi %mul3A_813, %add3A_814 : i32
        %get3A_816 = arith.constant 1 : i32
        %get3A_817 = arith.index_cast %get3A_816 : i32 to index
        %get3A_818 = arith.index_cast %add3A_815 : i32 to index
        %get3A_819 = arith.constant 32 : index
        %get3A_820 = tpu.vector_load %arg15[%get3A_817, %get3A_818, %get3A_819] {strides = array<i32>} : memref<2x100x128xf32, #tpu.memory_space<vmem>>, vector<16xf32>,
        %mul3A_821 = arith.constant 4 : i32
        %mul3A_822 = arith.muli %scan3A_675, %mul3A_821 : i32
        %add3A_823 = arith.constant 3 : i32
        %add3A_824 = arith.addi %mul3A_822, %add3A_823 : i32
        %get3A_825 = arith.constant 1 : i32
        %get3A_826 = arith.index_cast %get3A_825 : i32 to index
        %get3A_827 = arith.index_cast %add3A_824 : i32 to index
        %get3A_828 = arith.constant 32 : index
        %get3A_829 = tpu.vector_load %arg15[%get3A_826, %get3A_827, %get3A_828] {strides = array<i32>} : memref<2x100x128xf32, #tpu.memory_space<vmem>>, vector<16xf32>,
        %mul3A_830 = arith.constant 4 : i32
        %mul3A_831 = arith.muli %scan3A_675, %mul3A_830 : i32
        %add3A_832 = arith.constant 0 : i32
        %add3A_833 = arith.addi %mul3A_831, %add3A_832 : i32
        %get3A_834 = arith.constant 1 : i32
        %get3A_835 = arith.index_cast %get3A_834 : i32 to index
        %get3A_836 = arith.index_cast %add3A_833 : i32 to index
        %get3A_837 = arith.constant 48 : index
        %get3A_838 = tpu.vector_load %arg15[%get3A_835, %get3A_836, %get3A_837] {strides = array<i32>} : memref<2x100x128xf32, #tpu.memory_space<vmem>>, vector<16xf32>,
        %mul3A_839 = arith.constant 4 : i32
        %mul3A_840 = arith.muli %scan3A_675, %mul3A_839 : i32
        %add3A_841 = arith.constant 1 : i32
        %add3A_842 = arith.addi %mul3A_840, %add3A_841 : i32
        %get3A_843 = arith.constant 1 : i32
        %get3A_844 = arith.index_cast %get3A_843 : i32 to index
        %get3A_845 = arith.index_cast %add3A_842 : i32 to index
        %get3A_846 = arith.constant 48 : index
        %get3A_847 = tpu.vector_load %arg15[%get3A_844, %get3A_845, %get3A_846] {strides = array<i32>} : memref<2x100x128xf32, #tpu.memory_space<vmem>>, vector<16xf32>,
        %mul3A_848 = arith.constant 4 : i32
        %mul3A_849 = arith.muli %scan3A_675, %mul3A_848 : i32
        %add3A_850 = arith.constant 2 : i32
        %add3A_851 = arith.addi %mul3A_849, %add3A_850 : i32
        %get3A_852 = arith.constant 1 : i32
        %get3A_853 = arith.index_cast %get3A_852 : i32 to index
        %get3A_854 = arith.index_cast %add3A_851 : i32 to index
        %get3A_855 = arith.constant 48 : index
        %get3A_856 = tpu.vector_load %arg15[%get3A_853, %get3A_854, %get3A_855] {strides = array<i32>} : memref<2x100x128xf32, #tpu.memory_space<vmem>>, vector<16xf32>,
        %mul3A_857 = arith.constant 4 : i32
        %mul3A_858 = arith.muli %scan3A_675, %mul3A_857 : i32
        %add3A_859 = arith.constant 3 : i32
        %add3A_860 = arith.addi %mul3A_858, %add3A_859 : i32
        %get3A_861 = arith.constant 1 : i32
        %get3A_862 = arith.index_cast %get3A_861 : i32 to index
        %get3A_863 = arith.index_cast %add3A_860 : i32 to index
        %get3A_864 = arith.constant 48 : index
        %get3A_865 = tpu.vector_load %arg15[%get3A_862, %get3A_863, %get3A_864] {strides = array<i32>} : memref<2x100x128xf32, #tpu.memory_space<vmem>>, vector<16xf32>,
        %mul3A_866 = arith.mulf %get3A_802, %gather3A : vector<16xf32>
        %mul3A_867 = arith.mulf %get3A_811, %gather3A_689 : vector<16xf32>
        %add3A_868 = arith.addf %mul3A_866, %mul3A_867 : vector<16xf32>
        %mul3A_869 = arith.mulf %get3A_820, %gather3A_697 : vector<16xf32>
        %mul3A_870 = arith.mulf %get3A_829, %gather3A_705 : vector<16xf32>
        %add3A_871 = arith.addf %mul3A_869, %mul3A_870 : vector<16xf32>
        %add3A_872 = arith.addf %add3A_868, %add3A_871 : vector<16xf32>
        %mul3A_873 = arith.mulf %get3A_838, %gather3A : vector<16xf32>
        %mul3A_874 = arith.mulf %get3A_847, %gather3A_689 : vector<16xf32>
        %add3A_875 = arith.addf %mul3A_873, %mul3A_874 : vector<16xf32>
        %mul3A_876 = arith.mulf %get3A_856, %gather3A_697 : vector<16xf32>
        %mul3A_877 = arith.mulf %get3A_865, %gather3A_705 : vector<16xf32>
        %add3A_878 = arith.addf %mul3A_876, %mul3A_877 : vector<16xf32>
        %add3A_879 = arith.addf %add3A_875, %add3A_878 : vector<16xf32>
        tpu.vector_store_idx %arg17[%add3A_384, %broadcast_in_dim3A_708], %add3A_872 : memref<128x49xf32, #tpu.memory_space<vmem>>[vector<16xi32>, vector<16xi32>], vector<16xf32>,
        tpu.vector_store_idx %arg17[%add3A_388, %broadcast_in_dim3A_708], %add3A_879 : memref<128x49xf32, #tpu.memory_space<vmem>>[vector<16xi32>, vector<16xi32>], vector<16xf32>,
        %mul3A_880 = arith.constant 4 : i32
        %mul3A_881 = arith.muli %scan3A_675, %mul3A_880 : i32
        %add3A_882 = arith.constant 0 : i32
        %add3A_883 = arith.addi %mul3A_881, %add3A_882 : i32
        %get3A_884 = arith.constant 1 : i32
        %get3A_885 = arith.index_cast %get3A_884 : i32 to index
        %get3A_886 = arith.index_cast %add3A_883 : i32 to index
        %get3A_887 = arith.constant 64 : index
        %get3A_888 = tpu.vector_load %arg15[%get3A_885, %get3A_886, %get3A_887] {strides = array<i32>} : memref<2x100x128xf32, #tpu.memory_space<vmem>>, vector<16xf32>,
        %mul3A_889 = arith.constant 4 : i32
        %mul3A_890 = arith.muli %scan3A_675, %mul3A_889 : i32
        %add3A_891 = arith.constant 1 : i32
        %add3A_892 = arith.addi %mul3A_890, %add3A_891 : i32
        %get3A_893 = arith.constant 1 : i32
        %get3A_894 = arith.index_cast %get3A_893 : i32 to index
        %get3A_895 = arith.index_cast %add3A_892 : i32 to index
        %get3A_896 = arith.constant 64 : index
        %get3A_897 = tpu.vector_load %arg15[%get3A_894, %get3A_895, %get3A_896] {strides = array<i32>} : memref<2x100x128xf32, #tpu.memory_space<vmem>>, vector<16xf32>,
        %mul3A_898 = arith.constant 4 : i32
        %mul3A_899 = arith.muli %scan3A_675, %mul3A_898 : i32
        %add3A_900 = arith.constant 2 : i32
        %add3A_901 = arith.addi %mul3A_899, %add3A_900 : i32
        %get3A_902 = arith.constant 1 : i32
        %get3A_903 = arith.index_cast %get3A_902 : i32 to index
        %get3A_904 = arith.index_cast %add3A_901 : i32 to index
        %get3A_905 = arith.constant 64 : index
        %get3A_906 = tpu.vector_load %arg15[%get3A_903, %get3A_904, %get3A_905] {strides = array<i32>} : memref<2x100x128xf32, #tpu.memory_space<vmem>>, vector<16xf32>,
        %mul3A_907 = arith.constant 4 : i32
        %mul3A_908 = arith.muli %scan3A_675, %mul3A_907 : i32
        %add3A_909 = arith.constant 3 : i32
        %add3A_910 = arith.addi %mul3A_908, %add3A_909 : i32
        %get3A_911 = arith.constant 1 : i32
        %get3A_912 = arith.index_cast %get3A_911 : i32 to index
        %get3A_913 = arith.index_cast %add3A_910 : i32 to index
        %get3A_914 = arith.constant 64 : index
        %get3A_915 = tpu.vector_load %arg15[%get3A_912, %get3A_913, %get3A_914] {strides = array<i32>} : memref<2x100x128xf32, #tpu.memory_space<vmem>>, vector<16xf32>,
        %mul3A_916 = arith.constant 4 : i32
        %mul3A_917 = arith.muli %scan3A_675, %mul3A_916 : i32
        %add3A_918 = arith.constant 0 : i32
        %add3A_919 = arith.addi %mul3A_917, %add3A_918 : i32
        %get3A_920 = arith.constant 1 : i32
        %get3A_921 = arith.index_cast %get3A_920 : i32 to index
        %get3A_922 = arith.index_cast %add3A_919 : i32 to index
        %get3A_923 = arith.constant 80 : index
        %get3A_924 = tpu.vector_load %arg15[%get3A_921, %get3A_922, %get3A_923] {strides = array<i32>} : memref<2x100x128xf32, #tpu.memory_space<vmem>>, vector<16xf32>,
        %mul3A_925 = arith.constant 4 : i32
        %mul3A_926 = arith.muli %scan3A_675, %mul3A_925 : i32
        %add3A_927 = arith.constant 1 : i32
        %add3A_928 = arith.addi %mul3A_926, %add3A_927 : i32
        %get3A_929 = arith.constant 1 : i32
        %get3A_930 = arith.index_cast %get3A_929 : i32 to index
        %get3A_931 = arith.index_cast %add3A_928 : i32 to index
        %get3A_932 = arith.constant 80 : index
        %get3A_933 = tpu.vector_load %arg15[%get3A_930, %get3A_931, %get3A_932] {strides = array<i32>} : memref<2x100x128xf32, #tpu.memory_space<vmem>>, vector<16xf32>,
        %mul3A_934 = arith.constant 4 : i32
        %mul3A_935 = arith.muli %scan3A_675, %mul3A_934 : i32
        %add3A_936 = arith.constant 2 : i32
        %add3A_937 = arith.addi %mul3A_935, %add3A_936 : i32
        %get3A_938 = arith.constant 1 : i32
        %get3A_939 = arith.index_cast %get3A_938 : i32 to index
        %get3A_940 = arith.index_cast %add3A_937 : i32 to index
        %get3A_941 = arith.constant 80 : index
        %get3A_942 = tpu.vector_load %arg15[%get3A_939, %get3A_940, %get3A_941] {strides = array<i32>} : memref<2x100x128xf32, #tpu.memory_space<vmem>>, vector<16xf32>,
        %mul3A_943 = arith.constant 4 : i32
        %mul3A_944 = arith.muli %scan3A_675, %mul3A_943 : i32
        %add3A_945 = arith.constant 3 : i32
        %add3A_946 = arith.addi %mul3A_944, %add3A_945 : i32
        %get3A_947 = arith.constant 1 : i32
        %get3A_948 = arith.index_cast %get3A_947 : i32 to index
        %get3A_949 = arith.index_cast %add3A_946 : i32 to index
        %get3A_950 = arith.constant 80 : index
        %get3A_951 = tpu.vector_load %arg15[%get3A_948, %get3A_949, %get3A_950] {strides = array<i32>} : memref<2x100x128xf32, #tpu.memory_space<vmem>>, vector<16xf32>,
        %mul3A_952 = arith.mulf %get3A_888, %gather3A : vector<16xf32>
        %mul3A_953 = arith.mulf %get3A_897, %gather3A_689 : vector<16xf32>
        %add3A_954 = arith.addf %mul3A_952, %mul3A_953 : vector<16xf32>
        %mul3A_955 = arith.mulf %get3A_906, %gather3A_697 : vector<16xf32>
        %mul3A_956 = arith.mulf %get3A_915, %gather3A_705 : vector<16xf32>
        %add3A_957 = arith.addf %mul3A_955, %mul3A_956 : vector<16xf32>
        %add3A_958 = arith.addf %add3A_954, %add3A_957 : vector<16xf32>
        %mul3A_959 = arith.mulf %get3A_924, %gather3A : vector<16xf32>
        %mul3A_960 = arith.mulf %get3A_933, %gather3A_689 : vector<16xf32>
        %add3A_961 = arith.addf %mul3A_959, %mul3A_960 : vector<16xf32>
        %mul3A_962 = arith.mulf %get3A_942, %gather3A_697 : vector<16xf32>
        %mul3A_963 = arith.mulf %get3A_951, %gather3A_705 : vector<16xf32>
        %add3A_964 = arith.addf %mul3A_962, %mul3A_963 : vector<16xf32>
        %add3A_965 = arith.addf %add3A_961, %add3A_964 : vector<16xf32>
        tpu.vector_store_idx %arg17[%add3A_392, %broadcast_in_dim3A_708], %add3A_958 : memref<128x49xf32, #tpu.memory_space<vmem>>[vector<16xi32>, vector<16xi32>], vector<16xf32>,
        tpu.vector_store_idx %arg17[%add3A_396, %broadcast_in_dim3A_708], %add3A_965 : memref<128x49xf32, #tpu.memory_space<vmem>>[vector<16xi32>, vector<16xi32>], vector<16xf32>,
        %mul3A_966 = arith.constant 4 : i32
        %mul3A_967 = arith.muli %scan3A_675, %mul3A_966 : i32
        %add3A_968 = arith.constant 0 : i32
        %add3A_969 = arith.addi %mul3A_967, %add3A_968 : i32
        %get3A_970 = arith.constant 1 : i32
        %get3A_971 = arith.index_cast %get3A_970 : i32 to index
        %get3A_972 = arith.index_cast %add3A_969 : i32 to index
        %get3A_973 = arith.constant 96 : index
        %get3A_974 = tpu.vector_load %arg15[%get3A_971, %get3A_972, %get3A_973] {strides = array<i32>} : memref<2x100x128xf32, #tpu.memory_space<vmem>>, vector<16xf32>,
        %mul3A_975 = arith.constant 4 : i32
        %mul3A_976 = arith.muli %scan3A_675, %mul3A_975 : i32
        %add3A_977 = arith.constant 1 : i32
        %add3A_978 = arith.addi %mul3A_976, %add3A_977 : i32
        %get3A_979 = arith.constant 1 : i32
        %get3A_980 = arith.index_cast %get3A_979 : i32 to index
        %get3A_981 = arith.index_cast %add3A_978 : i32 to index
        %get3A_982 = arith.constant 96 : index
        %get3A_983 = tpu.vector_load %arg15[%get3A_980, %get3A_981, %get3A_982] {strides = array<i32>} : memref<2x100x128xf32, #tpu.memory_space<vmem>>, vector<16xf32>,
        %mul3A_984 = arith.constant 4 : i32
        %mul3A_985 = arith.muli %scan3A_675, %mul3A_984 : i32
        %add3A_986 = arith.constant 2 : i32
        %add3A_987 = arith.addi %mul3A_985, %add3A_986 : i32
        %get3A_988 = arith.constant 1 : i32
        %get3A_989 = arith.index_cast %get3A_988 : i32 to index
        %get3A_990 = arith.index_cast %add3A_987 : i32 to index
        %get3A_991 = arith.constant 96 : index
        %get3A_992 = tpu.vector_load %arg15[%get3A_989, %get3A_990, %get3A_991] {strides = array<i32>} : memref<2x100x128xf32, #tpu.memory_space<vmem>>, vector<16xf32>,
        %mul3A_993 = arith.constant 4 : i32
        %mul3A_994 = arith.muli %scan3A_675, %mul3A_993 : i32
        %add3A_995 = arith.constant 3 : i32
        %add3A_996 = arith.addi %mul3A_994, %add3A_995 : i32
        %get3A_997 = arith.constant 1 : i32
        %get3A_998 = arith.index_cast %get3A_997 : i32 to index
        %get3A_999 = arith.index_cast %add3A_996 : i32 to index
        %get3A_1000 = arith.constant 96 : index
        %get3A_1001 = tpu.vector_load %arg15[%get3A_998, %get3A_999, %get3A_1000] {strides = array<i32>} : memref<2x100x128xf32, #tpu.memory_space<vmem>>, vector<16xf32>,
        %mul3A_1002 = arith.constant 4 : i32
        %mul3A_1003 = arith.muli %scan3A_675, %mul3A_1002 : i32
        %add3A_1004 = arith.constant 0 : i32
        %add3A_1005 = arith.addi %mul3A_1003, %add3A_1004 : i32
        %get3A_1006 = arith.constant 1 : i32
        %get3A_1007 = arith.index_cast %get3A_1006 : i32 to index
        %get3A_1008 = arith.index_cast %add3A_1005 : i32 to index
        %get3A_1009 = arith.constant 112 : index
        %get3A_1010 = tpu.vector_load %arg15[%get3A_1007, %get3A_1008, %get3A_1009] {strides = array<i32>} : memref<2x100x128xf32, #tpu.memory_space<vmem>>, vector<16xf32>,
        %mul3A_1011 = arith.constant 4 : i32
        %mul3A_1012 = arith.muli %scan3A_675, %mul3A_1011 : i32
        %add3A_1013 = arith.constant 1 : i32
        %add3A_1014 = arith.addi %mul3A_1012, %add3A_1013 : i32
        %get3A_1015 = arith.constant 1 : i32
        %get3A_1016 = arith.index_cast %get3A_1015 : i32 to index
        %get3A_1017 = arith.index_cast %add3A_1014 : i32 to index
        %get3A_1018 = arith.constant 112 : index
        %get3A_1019 = tpu.vector_load %arg15[%get3A_1016, %get3A_1017, %get3A_1018] {strides = array<i32>} : memref<2x100x128xf32, #tpu.memory_space<vmem>>, vector<16xf32>,
        %mul3A_1020 = arith.constant 4 : i32
        %mul3A_1021 = arith.muli %scan3A_675, %mul3A_1020 : i32
        %add3A_1022 = arith.constant 2 : i32
        %add3A_1023 = arith.addi %mul3A_1021, %add3A_1022 : i32
        %get3A_1024 = arith.constant 1 : i32
        %get3A_1025 = arith.index_cast %get3A_1024 : i32 to index
        %get3A_1026 = arith.index_cast %add3A_1023 : i32 to index
        %get3A_1027 = arith.constant 112 : index
        %get3A_1028 = tpu.vector_load %arg15[%get3A_1025, %get3A_1026, %get3A_1027] {strides = array<i32>} : memref<2x100x128xf32, #tpu.memory_space<vmem>>, vector<16xf32>,
        %mul3A_1029 = arith.constant 4 : i32
        %mul3A_1030 = arith.muli %scan3A_675, %mul3A_1029 : i32
        %add3A_1031 = arith.constant 3 : i32
        %add3A_1032 = arith.addi %mul3A_1030, %add3A_1031 : i32
        %get3A_1033 = arith.constant 1 : i32
        %get3A_1034 = arith.index_cast %get3A_1033 : i32 to index
        %get3A_1035 = arith.index_cast %add3A_1032 : i32 to index
        %get3A_1036 = arith.constant 112 : index
        %get3A_1037 = tpu.vector_load %arg15[%get3A_1034, %get3A_1035, %get3A_1036] {strides = array<i32>} : memref<2x100x128xf32, #tpu.memory_space<vmem>>, vector<16xf32>,
        %mul3A_1038 = arith.mulf %get3A_974, %gather3A : vector<16xf32>
        %mul3A_1039 = arith.mulf %get3A_983, %gather3A_689 : vector<16xf32>
        %add3A_1040 = arith.addf %mul3A_1038, %mul3A_1039 : vector<16xf32>
        %mul3A_1041 = arith.mulf %get3A_992, %gather3A_697 : vector<16xf32>
        %mul3A_1042 = arith.mulf %get3A_1001, %gather3A_705 : vector<16xf32>
        %add3A_1043 = arith.addf %mul3A_1041, %mul3A_1042 : vector<16xf32>
        %add3A_1044 = arith.addf %add3A_1040, %add3A_1043 : vector<16xf32>
        %mul3A_1045 = arith.mulf %get3A_1010, %gather3A : vector<16xf32>
        %mul3A_1046 = arith.mulf %get3A_1019, %gather3A_689 : vector<16xf32>
        %add3A_1047 = arith.addf %mul3A_1045, %mul3A_1046 : vector<16xf32>
        %mul3A_1048 = arith.mulf %get3A_1028, %gather3A_697 : vector<16xf32>
        %mul3A_1049 = arith.mulf %get3A_1037, %gather3A_705 : vector<16xf32>
        %add3A_1050 = arith.addf %mul3A_1048, %mul3A_1049 : vector<16xf32>
        %add3A_1051 = arith.addf %add3A_1047, %add3A_1050 : vector<16xf32>
        tpu.vector_store_idx %arg17[%add3A_400, %broadcast_in_dim3A_708], %add3A_1044 : memref<128x49xf32, #tpu.memory_space<vmem>>[vector<16xi32>, vector<16xi32>], vector<16xf32>,
        tpu.vector_store_idx %arg17[%add3A_404, %broadcast_in_dim3A_708], %add3A_1051 : memref<128x49xf32, #tpu.memory_space<vmem>>[vector<16xi32>, vector<16xi32>], vector<16xf32>,
      }
      %scan3A_416 = arith.constant 24 : i32
      %add3A_417 = arith.addi %min3A_3, %add3A_297 : i32
      %dma_start3A_418 = arith.constant 0 : i32
      %dma_start3A_419 = arith.constant 0 : i32
      %dma_start3A_420 = tpu.memref_slice %arg5[%add3A_417, %dma_start3A_418, %dma_start3A_419] : memref<5000x128x49xf32, #tpu.memory_space<hbm>> -> memref<1x128x49xf32, #tpu.memory_space<hbm>>
      %dma_start3A_421 = tpu.memref_squeeze %dma_start3A_420 : memref<1x128x49xf32, #tpu.memory_space<hbm>> -> memref<128x49xf32, #tpu.memory_space<hbm>>
      %dma_start3A_422 = arith.constant 0 : i32
      %dma_start3A_423 = arith.constant 0 : i32
      %dma_start3A_424 = tpu.memref_slice %arg5[%add3A_417, %dma_start3A_422, %dma_start3A_423] : memref<5000x128x49xf32, #tpu.memory_space<hbm>> -> memref<1x128x49xf32, #tpu.memory_space<hbm>>
      %dma_start3A_425 = tpu.memref_squeeze %dma_start3A_424 : memref<1x128x49xf32, #tpu.memory_space<hbm>> -> memref<128x49xf32, #tpu.memory_space<hbm>>
      tpu.enqueue_dma source(%arg17 : memref<128x49xf32, #tpu.memory_space<vmem>>) target(%dma_start3A_425 : memref<128x49xf32, #tpu.memory_space<hbm>>) target_semaphore(%arg25 : memref<!tpu.dma_semaphore, #tpu.memory_space<semaphore_mem>>)
      %lt3A_426 = arith.constant 39 : i32
      %lt3A_427 = arith.cmpi slt, %scan3A_161, %lt3A_426 : i32
      %convert_element_type3A_428 = arith.extui %lt3A_427 : i1 to i32
      %cond3A_429 = arith.constant 0 : i32
      %cond3A_430 = arith.cmpi ne, %convert_element_type3A_428, %cond3A_429 : i32
      scf.if %cond3A_430 {
        %add3A_675 = arith.constant 4 : i32
        %add3A_676 = arith.addi %add3A_297, %add3A_675 : i32
        %add3A_677 = arith.addi %min3A_3, %add3A_676 : i32
        %dma_start3A_678 = arith.constant 0 : i32
        %dma_start3A_679 = arith.constant 0 : i32
        %dma_start3A_680 = tpu.memref_slice %arg3[%add3A_677, %dma_start3A_678, %dma_start3A_679] : memref<5000x2x100xi32, #tpu.memory_space<hbm>> -> memref<1x2x100xi32, #tpu.memory_space<hbm>>
        %dma_start3A_681 = tpu.memref_squeeze %dma_start3A_680 : memref<1x2x100xi32, #tpu.memory_space<hbm>> -> memref<2x100xi32, #tpu.memory_space<hbm>>
        %dma_start3A_682 = arith.constant 0 : i32
        %dma_start3A_683 = arith.constant 0 : i32
        %dma_start3A_684 = tpu.memref_slice %arg3[%add3A_677, %dma_start3A_682, %dma_start3A_683] : memref<5000x2x100xi32, #tpu.memory_space<hbm>> -> memref<1x2x100xi32, #tpu.memory_space<hbm>>
        %dma_start3A_685 = tpu.memref_squeeze %dma_start3A_684 : memref<1x2x100xi32, #tpu.memory_space<hbm>> -> memref<2x100xi32, #tpu.memory_space<hbm>>
        tpu.enqueue_dma source(%dma_start3A_685 : memref<2x100xi32, #tpu.memory_space<hbm>>) target(%arg7 : memref<2x100xi32, #tpu.memory_space<vmem>>) target_semaphore(%arg19 : memref<!tpu.dma_semaphore, #tpu.memory_space<semaphore_mem>>)
        %add3A_686 = arith.addi %min3A_3, %add3A_676 : i32
        %dma_start3A_687 = arith.constant 0 : i32
        %dma_start3A_688 = tpu.memref_slice %arg11[%dma_start3A_687] : memref<216xf32, #tpu.memory_space<vmem>> -> memref<200xf32, #tpu.memory_space<vmem>>
        %dma_start3A_689 = arith.constant 0 : i32
        %dma_start3A_690 = tpu.memref_slice %arg4[%add3A_686, %dma_start3A_689] : memref<5000x200xf32, #tpu.memory_space<hbm>> -> memref<1x200xf32, #tpu.memory_space<hbm>>
        %dma_start3A_691 = tpu.memref_squeeze %dma_start3A_690 : memref<1x200xf32, #tpu.memory_space<hbm>> -> memref<200xf32, #tpu.memory_space<hbm>>
        %dma_start3A_692 = arith.constant 0 : i32
        %dma_start3A_693 = tpu.memref_slice %arg11[%dma_start3A_692] : memref<216xf32, #tpu.memory_space<vmem>> -> memref<200xf32, #tpu.memory_space<vmem>>
        %dma_start3A_694 = arith.constant 0 : i32
        %dma_start3A_695 = tpu.memref_slice %arg4[%add3A_686, %dma_start3A_694] : memref<5000x200xf32, #tpu.memory_space<hbm>> -> memref<1x200xf32, #tpu.memory_space<hbm>>
        %dma_start3A_696 = tpu.memref_squeeze %dma_start3A_695 : memref<1x200xf32, #tpu.memory_space<hbm>> -> memref<200xf32, #tpu.memory_space<hbm>>
        tpu.enqueue_dma source(%dma_start3A_696 : memref<200xf32, #tpu.memory_space<hbm>>) target(%dma_start3A_693 : memref<200xf32, #tpu.memory_space<vmem>>) target_semaphore(%arg19 : memref<!tpu.dma_semaphore, #tpu.memory_space<semaphore_mem>>)
      } else {
      }
      %mul3A_431 = arith.constant 4 : i32
      %mul3A_432 = arith.muli %mul3A_431, %scan3A_161 : i32
      %add3A_433 = arith.constant 2 : i32
      %add3A_434 = arith.addi %mul3A_432, %add3A_433 : i32
      %dma_wait3A_435 = arith.constant 0 : i32
      %dma_wait3A_436 = arith.constant 0 : i32
      %dma_wait3A_437 = arith.constant 0 : i32
      %dma_wait3A_438 = arith.constant 0 : i32
      %dma_wait3A_439 = tpu.memref_slice %arg14[%dma_wait3A_436, %dma_wait3A_437, %dma_wait3A_438] : memref<2x100x128xf32, #tpu.memory_space<vmem>> -> memref<1x100x128xf32, #tpu.memory_space<vmem>>
      %dma_wait3A_440 = tpu.memref_squeeze %dma_wait3A_439 : memref<1x100x128xf32, #tpu.memory_space<vmem>> -> memref<100x128xf32, #tpu.memory_space<vmem>>
      %dma_wait3A_441 = arith.constant 0 : i32
      %dma_wait3A_442 = tpu.memref_slice %arg8[%dma_wait3A_435, %dma_wait3A_441] : memref<2x100xi32, #tpu.memory_space<vmem>> -> memref<1x100xi32, #tpu.memory_space<vmem>>
      %dma_wait3A_443 = tpu.memref_squeeze %dma_wait3A_442 : memref<1x100xi32, #tpu.memory_space<vmem>> -> memref<100xi32, #tpu.memory_space<vmem>>
      %dma_wait3A_444 = arith.constant 0 : i32
      %dma_wait3A_445 = arith.constant 0 : i32
      %dma_wait3A_446 = tpu.memref_slice %arg2[%dma_wait3A_444, %dma_wait3A_445] : memref<217600x128xf32, #tpu.memory_space<hbm>> -> memref<217600x128xf32, #tpu.memory_space<hbm>>
      tpu.wait_indirect_dma semaphore(%arg22 : memref<!tpu.dma_semaphore, #tpu.memory_space<semaphore_mem>>) src(%dma_wait3A_446 : memref<217600x128xf32, #tpu.memory_space<hbm>>) dst(%dma_wait3A_440 : memref<100x128xf32, #tpu.memory_space<vmem>>)
      %dma_wait3A_447 = arith.constant 1 : i32
      %dma_wait3A_448 = arith.constant 1 : i32
      %dma_wait3A_449 = arith.constant 0 : i32
      %dma_wait3A_450 = arith.constant 0 : i32
      %dma_wait3A_451 = tpu.memref_slice %arg14[%dma_wait3A_448, %dma_wait3A_449, %dma_wait3A_450] : memref<2x100x128xf32, #tpu.memory_space<vmem>> -> memref<1x100x128xf32, #tpu.memory_space<vmem>>
      %dma_wait3A_452 = tpu.memref_squeeze %dma_wait3A_451 : memref<1x100x128xf32, #tpu.memory_space<vmem>> -> memref<100x128xf32, #tpu.memory_space<vmem>>
      %dma_wait3A_453 = arith.constant 0 : i32
      %dma_wait3A_454 = tpu.memref_slice %arg8[%dma_wait3A_447, %dma_wait3A_453] : memref<2x100xi32, #tpu.memory_space<vmem>> -> memref<1x100xi32, #tpu.memory_space<vmem>>
      %dma_wait3A_455 = tpu.memref_squeeze %dma_wait3A_454 : memref<1x100xi32, #tpu.memory_space<vmem>> -> memref<100xi32, #tpu.memory_space<vmem>>
      %dma_wait3A_456 = arith.constant 0 : i32
      %dma_wait3A_457 = arith.constant 0 : i32
      %dma_wait3A_458 = tpu.memref_slice %arg2[%dma_wait3A_456, %dma_wait3A_457] : memref<217600x128xf32, #tpu.memory_space<hbm>> -> memref<217600x128xf32, #tpu.memory_space<hbm>>
      tpu.wait_indirect_dma semaphore(%arg22 : memref<!tpu.dma_semaphore, #tpu.memory_space<semaphore_mem>>) src(%dma_wait3A_458 : memref<217600x128xf32, #tpu.memory_space<hbm>>) dst(%dma_wait3A_452 : memref<100x128xf32, #tpu.memory_space<vmem>>)
      %add3A_459 = arith.constant 1 : i32
      %add3A_460 = arith.addi %add3A_434, %add3A_459 : i32
      %add3A_461 = arith.addi %min3A_3, %add3A_460 : i32
      %dma_wait3A_462 = arith.constant 0 : i32
      %dma_wait3A_463 = arith.constant 0 : i32
      %dma_wait3A_464 = tpu.memref_slice %arg3[%add3A_461, %dma_wait3A_462, %dma_wait3A_463] : memref<5000x2x100xi32, #tpu.memory_space<hbm>> -> memref<1x2x100xi32, #tpu.memory_space<hbm>>
      %dma_wait3A_465 = tpu.memref_squeeze %dma_wait3A_464 : memref<1x2x100xi32, #tpu.memory_space<hbm>> -> memref<2x100xi32, #tpu.memory_space<hbm>>
      %dma_wait3A_466 = arith.constant 0 : i32
      %dma_wait3A_467 = arith.constant 0 : i32
      %dma_wait3A_468 = tpu.memref_slice %arg3[%add3A_461, %dma_wait3A_466, %dma_wait3A_467] : memref<5000x2x100xi32, #tpu.memory_space<hbm>> -> memref<1x2x100xi32, #tpu.memory_space<hbm>>
      %dma_wait3A_469 = tpu.memref_squeeze %dma_wait3A_468 : memref<1x2x100xi32, #tpu.memory_space<hbm>> -> memref<2x100xi32, #tpu.memory_space<hbm>>
      tpu.wait_dma2 semaphore(%arg21 : memref<!tpu.dma_semaphore, #tpu.memory_space<semaphore_mem>>) src(%dma_wait3A_469 : memref<2x100xi32, #tpu.memory_space<hbm>>) dst(%arg9 : memref<2x100xi32, #tpu.memory_space<vmem>>)
      %add3A_470 = arith.addi %min3A_3, %add3A_460 : i32
      %dma_wait3A_471 = arith.constant 0 : i32
      %dma_wait3A_472 = tpu.memref_slice %arg13[%dma_wait3A_471] : memref<216xf32, #tpu.memory_space<vmem>> -> memref<200xf32, #tpu.memory_space<vmem>>
      %dma_wait3A_473 = arith.constant 0 : i32
      %dma_wait3A_474 = tpu.memref_slice %arg4[%add3A_470, %dma_wait3A_473] : memref<5000x200xf32, #tpu.memory_space<hbm>> -> memref<1x200xf32, #tpu.memory_space<hbm>>
      %dma_wait3A_475 = tpu.memref_squeeze %dma_wait3A_474 : memref<1x200xf32, #tpu.memory_space<hbm>> -> memref<200xf32, #tpu.memory_space<hbm>>
      %dma_wait3A_476 = arith.constant 0 : i32
      %dma_wait3A_477 = tpu.memref_slice %arg13[%dma_wait3A_476] : memref<216xf32, #tpu.memory_space<vmem>> -> memref<200xf32, #tpu.memory_space<vmem>>
      %dma_wait3A_478 = arith.constant 0 : i32
      %dma_wait3A_479 = tpu.memref_slice %arg4[%add3A_470, %dma_wait3A_478] : memref<5000x200xf32, #tpu.memory_space<hbm>> -> memref<1x200xf32, #tpu.memory_space<hbm>>
      %dma_wait3A_480 = tpu.memref_squeeze %dma_wait3A_479 : memref<1x200xf32, #tpu.memory_space<hbm>> -> memref<200xf32, #tpu.memory_space<hbm>>
      tpu.wait_dma2 semaphore(%arg21 : memref<!tpu.dma_semaphore, #tpu.memory_space<semaphore_mem>>) src(%dma_wait3A_480 : memref<200xf32, #tpu.memory_space<hbm>>) dst(%dma_wait3A_477 : memref<200xf32, #tpu.memory_space<vmem>>)
      %dma_start3A_481 = arith.constant 0 : i32
      %dma_start3A_482 = arith.constant 0 : i32
      %dma_start3A_483 = arith.constant 0 : i32
      %dma_start3A_484 = arith.constant 0 : i32
      %dma_start3A_485 = tpu.memref_slice %arg15[%dma_start3A_482, %dma_start3A_483, %dma_start3A_484] : memref<2x100x128xf32, #tpu.memory_space<vmem>> -> memref<1x100x128xf32, #tpu.memory_space<vmem>>
      %dma_start3A_486 = tpu.memref_squeeze %dma_start3A_485 : memref<1x100x128xf32, #tpu.memory_space<vmem>> -> memref<100x128xf32, #tpu.memory_space<vmem>>
      %dma_start3A_487 = arith.constant 0 : i32
      %dma_start3A_488 = tpu.memref_slice %arg9[%dma_start3A_481, %dma_start3A_487] : memref<2x100xi32, #tpu.memory_space<vmem>> -> memref<1x100xi32, #tpu.memory_space<vmem>>
      %dma_start3A_489 = tpu.memref_squeeze %dma_start3A_488 : memref<1x100xi32, #tpu.memory_space<vmem>> -> memref<100xi32, #tpu.memory_space<vmem>>
      %dma_start3A_490 = arith.constant 0 : i32
      %dma_start3A_491 = arith.constant 0 : i32
      %dma_start3A_492 = tpu.memref_slice %arg2[%dma_start3A_490, %dma_start3A_491] : memref<217600x128xf32, #tpu.memory_space<hbm>> -> memref<217600x128xf32, #tpu.memory_space<hbm>>
      tpu.enqueue_indirect_dma source(%dma_start3A_492 : memref<217600x128xf32, #tpu.memory_space<hbm>>) target(%dma_start3A_486 : memref<100x128xf32, #tpu.memory_space<vmem>>) offsets(%dma_start3A_489 : memref<100xi32, #tpu.memory_space<vmem>>) semaphore(%arg23 : memref<!tpu.dma_semaphore, #tpu.memory_space<semaphore_mem>>)
      %dma_start3A_493 = arith.constant 1 : i32
      %dma_start3A_494 = arith.constant 1 : i32
      %dma_start3A_495 = arith.constant 0 : i32
      %dma_start3A_496 = arith.constant 0 : i32
      %dma_start3A_497 = tpu.memref_slice %arg15[%dma_start3A_494, %dma_start3A_495, %dma_start3A_496] : memref<2x100x128xf32, #tpu.memory_space<vmem>> -> memref<1x100x128xf32, #tpu.memory_space<vmem>>
      %dma_start3A_498 = tpu.memref_squeeze %dma_start3A_497 : memref<1x100x128xf32, #tpu.memory_space<vmem>> -> memref<100x128xf32, #tpu.memory_space<vmem>>
      %dma_start3A_499 = arith.constant 0 : i32
      %dma_start3A_500 = tpu.memref_slice %arg9[%dma_start3A_493, %dma_start3A_499] : memref<2x100xi32, #tpu.memory_space<vmem>> -> memref<1x100xi32, #tpu.memory_space<vmem>>
      %dma_start3A_501 = tpu.memref_squeeze %dma_start3A_500 : memref<1x100xi32, #tpu.memory_space<vmem>> -> memref<100xi32, #tpu.memory_space<vmem>>
      %dma_start3A_502 = arith.constant 0 : i32
      %dma_start3A_503 = arith.constant 0 : i32
      %dma_start3A_504 = tpu.memref_slice %arg2[%dma_start3A_502, %dma_start3A_503] : memref<217600x128xf32, #tpu.memory_space<hbm>> -> memref<217600x128xf32, #tpu.memory_space<hbm>>
      tpu.enqueue_indirect_dma source(%dma_start3A_504 : memref<217600x128xf32, #tpu.memory_space<hbm>>) target(%dma_start3A_498 : memref<100x128xf32, #tpu.memory_space<vmem>>) offsets(%dma_start3A_501 : memref<100xi32, #tpu.memory_space<vmem>>) semaphore(%arg23 : memref<!tpu.dma_semaphore, #tpu.memory_space<semaphore_mem>>)
      %sub3A = arith.constant 2 : i32
      %sub3A_505 = arith.subi %add3A_434, %sub3A : i32
      %add3A_506 = arith.addi %min3A_3, %sub3A_505 : i32
      %dma_wait3A_507 = arith.constant 0 : i32
      %dma_wait3A_508 = arith.constant 0 : i32
      %dma_wait3A_509 = tpu.memref_slice %arg5[%add3A_506, %dma_wait3A_507, %dma_wait3A_508] : memref<5000x128x49xf32, #tpu.memory_space<hbm>> -> memref<1x128x49xf32, #tpu.memory_space<hbm>>
      %dma_wait3A_510 = tpu.memref_squeeze %dma_wait3A_509 : memref<1x128x49xf32, #tpu.memory_space<hbm>> -> memref<128x49xf32, #tpu.memory_space<hbm>>
      %dma_wait3A_511 = arith.constant 0 : i32
      %dma_wait3A_512 = arith.constant 0 : i32
      %dma_wait3A_513 = tpu.memref_slice %arg5[%add3A_506, %dma_wait3A_511, %dma_wait3A_512] : memref<5000x128x49xf32, #tpu.memory_space<hbm>> -> memref<1x128x49xf32, #tpu.memory_space<hbm>>
      %dma_wait3A_514 = tpu.memref_squeeze %dma_wait3A_513 : memref<1x128x49xf32, #tpu.memory_space<hbm>> -> memref<128x49xf32, #tpu.memory_space<hbm>>
      tpu.wait_dma2 semaphore(%arg24 : memref<!tpu.dma_semaphore, #tpu.memory_space<semaphore_mem>>) src(%arg16 : memref<128x49xf32, #tpu.memory_space<vmem>>) dst(%dma_wait3A_514 : memref<128x49xf32, #tpu.memory_space<hbm>>)
      %iota3A_515 = tpu.iota {dimensions = array<i32: 0>} : vector<16xi32>
      %add3A_516 = arith.constant 0 : i32
      %add3A_517 = vector.broadcast %add3A_516 : i32 to vector<16xi32>
      %add3A_518 = arith.addi %iota3A_515, %add3A_517 : vector<16xi32>
      %iota3A_519 = tpu.iota {dimensions = array<i32: 0>} : vector<16xi32>
      %add3A_520 = arith.constant 16 : i32
      %add3A_521 = vector.broadcast %add3A_520 : i32 to vector<16xi32>
      %add3A_522 = arith.addi %iota3A_519, %add3A_521 : vector<16xi32>
      %iota3A_523 = tpu.iota {dimensions = array<i32: 0>} : vector<16xi32>
      %add3A_524 = arith.constant 32 : i32
      %add3A_525 = vector.broadcast %add3A_524 : i32 to vector<16xi32>
      %add3A_526 = arith.addi %iota3A_523, %add3A_525 : vector<16xi32>
      %iota3A_527 = tpu.iota {dimensions = array<i32: 0>} : vector<16xi32>
      %add3A_528 = arith.constant 48 : i32
      %add3A_529 = vector.broadcast %add3A_528 : i32 to vector<16xi32>
      %add3A_530 = arith.addi %iota3A_527, %add3A_529 : vector<16xi32>
      %iota3A_531 = tpu.iota {dimensions = array<i32: 0>} : vector<16xi32>
      %add3A_532 = arith.constant 64 : i32
      %add3A_533 = vector.broadcast %add3A_532 : i32 to vector<16xi32>
      %add3A_534 = arith.addi %iota3A_531, %add3A_533 : vector<16xi32>
      %iota3A_535 = tpu.iota {dimensions = array<i32: 0>} : vector<16xi32>
      %add3A_536 = arith.constant 80 : i32
      %add3A_537 = vector.broadcast %add3A_536 : i32 to vector<16xi32>
      %add3A_538 = arith.addi %iota3A_535, %add3A_537 : vector<16xi32>
      %iota3A_539 = tpu.iota {dimensions = array<i32: 0>} : vector<16xi32>
      %add3A_540 = arith.constant 96 : i32
      %add3A_541 = vector.broadcast %add3A_540 : i32 to vector<16xi32>
      %add3A_542 = arith.addi %iota3A_539, %add3A_541 : vector<16xi32>
      %iota3A_543 = tpu.iota {dimensions = array<i32: 0>} : vector<16xi32>
      %add3A_544 = arith.constant 112 : i32
      %add3A_545 = vector.broadcast %add3A_544 : i32 to vector<16xi32>
      %add3A_546 = arith.addi %iota3A_543, %add3A_545 : vector<16xi32>
      %scan3A_547 = arith.constant 0 : i32
      %scan3A_548 = arith.constant 0 : i32
      %scan3A_549 = arith.constant 25 : i32
      %scan3A_550 = arith.addi %scan3A_548, %scan3A_549 : i32
      %scan3A_551 = arith.constant 1 : i32
      scf.for %scan3A_675 = %scan3A_548 to %scan3A_550 step %scan3A_551  : i32 {
        %mul3A_676 = arith.constant 4 : i32
        %mul3A_677 = arith.muli %scan3A_675, %mul3A_676 : i32
        %add3A_678 = arith.constant 0 : i32
        %add3A_679 = arith.addi %add3A_678, %mul3A_677 : i32
        %add3A_680 = arith.constant 0 : i32
        %add3A_681 = arith.addi %add3A_679, %add3A_680 : i32
        %broadcast_in_dim3A = vector.broadcast %add3A_681 : i32 to vector<16xi32>
        %gather3A = tpu.vector_load_idx %arg12[%broadcast_in_dim3A] : memref<216xf32, #tpu.memory_space<vmem>>[vector<16xi32>], vector<16xf32>,
        %mul3A_682 = arith.constant 4 : i32
        %mul3A_683 = arith.muli %scan3A_675, %mul3A_682 : i32
        %add3A_684 = arith.constant 0 : i32
        %add3A_685 = arith.addi %add3A_684, %mul3A_683 : i32
        %add3A_686 = arith.constant 1 : i32
        %add3A_687 = arith.addi %add3A_685, %add3A_686 : i32
        %broadcast_in_dim3A_688 = vector.broadcast %add3A_687 : i32 to vector<16xi32>
        %gather3A_689 = tpu.vector_load_idx %arg12[%broadcast_in_dim3A_688] : memref<216xf32, #tpu.memory_space<vmem>>[vector<16xi32>], vector<16xf32>,
        %mul3A_690 = arith.constant 4 : i32
        %mul3A_691 = arith.muli %scan3A_675, %mul3A_690 : i32
        %add3A_692 = arith.constant 0 : i32
        %add3A_693 = arith.addi %add3A_692, %mul3A_691 : i32
        %add3A_694 = arith.constant 2 : i32
        %add3A_695 = arith.addi %add3A_693, %add3A_694 : i32
        %broadcast_in_dim3A_696 = vector.broadcast %add3A_695 : i32 to vector<16xi32>
        %gather3A_697 = tpu.vector_load_idx %arg12[%broadcast_in_dim3A_696] : memref<216xf32, #tpu.memory_space<vmem>>[vector<16xi32>], vector<16xf32>,
        %mul3A_698 = arith.constant 4 : i32
        %mul3A_699 = arith.muli %scan3A_675, %mul3A_698 : i32
        %add3A_700 = arith.constant 0 : i32
        %add3A_701 = arith.addi %add3A_700, %mul3A_699 : i32
        %add3A_702 = arith.constant 3 : i32
        %add3A_703 = arith.addi %add3A_701, %add3A_702 : i32
        %broadcast_in_dim3A_704 = vector.broadcast %add3A_703 : i32 to vector<16xi32>
        %gather3A_705 = tpu.vector_load_idx %arg12[%broadcast_in_dim3A_704] : memref<216xf32, #tpu.memory_space<vmem>>[vector<16xi32>], vector<16xf32>,
        %add3A_706 = arith.constant 0 : i32
        %add3A_707 = arith.addi %add3A_706, %scan3A_675 : i32
        %broadcast_in_dim3A_708 = vector.broadcast %add3A_707 : i32 to vector<16xi32>
        %mul3A_709 = arith.constant 4 : i32
        %mul3A_710 = arith.muli %scan3A_675, %mul3A_709 : i32
        %add3A_711 = arith.constant 0 : i32
        %add3A_712 = arith.addi %mul3A_710, %add3A_711 : i32
        %get3A = arith.constant 0 : i32
        %get3A_713 = arith.index_cast %get3A : i32 to index
        %get3A_714 = arith.index_cast %add3A_712 : i32 to index
        %get3A_715 = arith.constant 0 : index
        %get3A_716 = tpu.vector_load %arg14[%get3A_713, %get3A_714, %get3A_715] {strides = array<i32>} : memref<2x100x128xf32, #tpu.memory_space<vmem>>, vector<16xf32>,
        %mul3A_717 = arith.constant 4 : i32
        %mul3A_718 = arith.muli %scan3A_675, %mul3A_717 : i32
        %add3A_719 = arith.constant 1 : i32
        %add3A_720 = arith.addi %mul3A_718, %add3A_719 : i32
        %get3A_721 = arith.constant 0 : i32
        %get3A_722 = arith.index_cast %get3A_721 : i32 to index
        %get3A_723 = arith.index_cast %add3A_720 : i32 to index
        %get3A_724 = arith.constant 0 : index
        %get3A_725 = tpu.vector_load %arg14[%get3A_722, %get3A_723, %get3A_724] {strides = array<i32>} : memref<2x100x128xf32, #tpu.memory_space<vmem>>, vector<16xf32>,
        %mul3A_726 = arith.constant 4 : i32
        %mul3A_727 = arith.muli %scan3A_675, %mul3A_726 : i32
        %add3A_728 = arith.constant 2 : i32
        %add3A_729 = arith.addi %mul3A_727, %add3A_728 : i32
        %get3A_730 = arith.constant 0 : i32
        %get3A_731 = arith.index_cast %get3A_730 : i32 to index
        %get3A_732 = arith.index_cast %add3A_729 : i32 to index
        %get3A_733 = arith.constant 0 : index
        %get3A_734 = tpu.vector_load %arg14[%get3A_731, %get3A_732, %get3A_733] {strides = array<i32>} : memref<2x100x128xf32, #tpu.memory_space<vmem>>, vector<16xf32>,
        %mul3A_735 = arith.constant 4 : i32
        %mul3A_736 = arith.muli %scan3A_675, %mul3A_735 : i32
        %add3A_737 = arith.constant 3 : i32
        %add3A_738 = arith.addi %mul3A_736, %add3A_737 : i32
        %get3A_739 = arith.constant 0 : i32
        %get3A_740 = arith.index_cast %get3A_739 : i32 to index
        %get3A_741 = arith.index_cast %add3A_738 : i32 to index
        %get3A_742 = arith.constant 0 : index
        %get3A_743 = tpu.vector_load %arg14[%get3A_740, %get3A_741, %get3A_742] {strides = array<i32>} : memref<2x100x128xf32, #tpu.memory_space<vmem>>, vector<16xf32>,
        %mul3A_744 = arith.constant 4 : i32
        %mul3A_745 = arith.muli %scan3A_675, %mul3A_744 : i32
        %add3A_746 = arith.constant 0 : i32
        %add3A_747 = arith.addi %mul3A_745, %add3A_746 : i32
        %get3A_748 = arith.constant 0 : i32
        %get3A_749 = arith.index_cast %get3A_748 : i32 to index
        %get3A_750 = arith.index_cast %add3A_747 : i32 to index
        %get3A_751 = arith.constant 16 : index
        %get3A_752 = tpu.vector_load %arg14[%get3A_749, %get3A_750, %get3A_751] {strides = array<i32>} : memref<2x100x128xf32, #tpu.memory_space<vmem>>, vector<16xf32>,
        %mul3A_753 = arith.constant 4 : i32
        %mul3A_754 = arith.muli %scan3A_675, %mul3A_753 : i32
        %add3A_755 = arith.constant 1 : i32
        %add3A_756 = arith.addi %mul3A_754, %add3A_755 : i32
        %get3A_757 = arith.constant 0 : i32
        %get3A_758 = arith.index_cast %get3A_757 : i32 to index
        %get3A_759 = arith.index_cast %add3A_756 : i32 to index
        %get3A_760 = arith.constant 16 : index
        %get3A_761 = tpu.vector_load %arg14[%get3A_758, %get3A_759, %get3A_760] {strides = array<i32>} : memref<2x100x128xf32, #tpu.memory_space<vmem>>, vector<16xf32>,
        %mul3A_762 = arith.constant 4 : i32
        %mul3A_763 = arith.muli %scan3A_675, %mul3A_762 : i32
        %add3A_764 = arith.constant 2 : i32
        %add3A_765 = arith.addi %mul3A_763, %add3A_764 : i32
        %get3A_766 = arith.constant 0 : i32
        %get3A_767 = arith.index_cast %get3A_766 : i32 to index
        %get3A_768 = arith.index_cast %add3A_765 : i32 to index
        %get3A_769 = arith.constant 16 : index
        %get3A_770 = tpu.vector_load %arg14[%get3A_767, %get3A_768, %get3A_769] {strides = array<i32>} : memref<2x100x128xf32, #tpu.memory_space<vmem>>, vector<16xf32>,
        %mul3A_771 = arith.constant 4 : i32
        %mul3A_772 = arith.muli %scan3A_675, %mul3A_771 : i32
        %add3A_773 = arith.constant 3 : i32
        %add3A_774 = arith.addi %mul3A_772, %add3A_773 : i32
        %get3A_775 = arith.constant 0 : i32
        %get3A_776 = arith.index_cast %get3A_775 : i32 to index
        %get3A_777 = arith.index_cast %add3A_774 : i32 to index
        %get3A_778 = arith.constant 16 : index
        %get3A_779 = tpu.vector_load %arg14[%get3A_776, %get3A_777, %get3A_778] {strides = array<i32>} : memref<2x100x128xf32, #tpu.memory_space<vmem>>, vector<16xf32>,
        %mul3A_780 = arith.mulf %get3A_716, %gather3A : vector<16xf32>
        %mul3A_781 = arith.mulf %get3A_725, %gather3A_689 : vector<16xf32>
        %add3A_782 = arith.addf %mul3A_780, %mul3A_781 : vector<16xf32>
        %mul3A_783 = arith.mulf %get3A_734, %gather3A_697 : vector<16xf32>
        %mul3A_784 = arith.mulf %get3A_743, %gather3A_705 : vector<16xf32>
        %add3A_785 = arith.addf %mul3A_783, %mul3A_784 : vector<16xf32>
        %add3A_786 = arith.addf %add3A_782, %add3A_785 : vector<16xf32>
        %mul3A_787 = arith.mulf %get3A_752, %gather3A : vector<16xf32>
        %mul3A_788 = arith.mulf %get3A_761, %gather3A_689 : vector<16xf32>
        %add3A_789 = arith.addf %mul3A_787, %mul3A_788 : vector<16xf32>
        %mul3A_790 = arith.mulf %get3A_770, %gather3A_697 : vector<16xf32>
        %mul3A_791 = arith.mulf %get3A_779, %gather3A_705 : vector<16xf32>
        %add3A_792 = arith.addf %mul3A_790, %mul3A_791 : vector<16xf32>
        %add3A_793 = arith.addf %add3A_789, %add3A_792 : vector<16xf32>
        tpu.vector_store_idx %arg16[%add3A_518, %broadcast_in_dim3A_708], %add3A_786 : memref<128x49xf32, #tpu.memory_space<vmem>>[vector<16xi32>, vector<16xi32>], vector<16xf32>,
        tpu.vector_store_idx %arg16[%add3A_522, %broadcast_in_dim3A_708], %add3A_793 : memref<128x49xf32, #tpu.memory_space<vmem>>[vector<16xi32>, vector<16xi32>], vector<16xf32>,
        %mul3A_794 = arith.constant 4 : i32
        %mul3A_795 = arith.muli %scan3A_675, %mul3A_794 : i32
        %add3A_796 = arith.constant 0 : i32
        %add3A_797 = arith.addi %mul3A_795, %add3A_796 : i32
        %get3A_798 = arith.constant 0 : i32
        %get3A_799 = arith.index_cast %get3A_798 : i32 to index
        %get3A_800 = arith.index_cast %add3A_797 : i32 to index
        %get3A_801 = arith.constant 32 : index
        %get3A_802 = tpu.vector_load %arg14[%get3A_799, %get3A_800, %get3A_801] {strides = array<i32>} : memref<2x100x128xf32, #tpu.memory_space<vmem>>, vector<16xf32>,
        %mul3A_803 = arith.constant 4 : i32
        %mul3A_804 = arith.muli %scan3A_675, %mul3A_803 : i32
        %add3A_805 = arith.constant 1 : i32
        %add3A_806 = arith.addi %mul3A_804, %add3A_805 : i32
        %get3A_807 = arith.constant 0 : i32
        %get3A_808 = arith.index_cast %get3A_807 : i32 to index
        %get3A_809 = arith.index_cast %add3A_806 : i32 to index
        %get3A_810 = arith.constant 32 : index
        %get3A_811 = tpu.vector_load %arg14[%get3A_808, %get3A_809, %get3A_810] {strides = array<i32>} : memref<2x100x128xf32, #tpu.memory_space<vmem>>, vector<16xf32>,
        %mul3A_812 = arith.constant 4 : i32
        %mul3A_813 = arith.muli %scan3A_675, %mul3A_812 : i32
        %add3A_814 = arith.constant 2 : i32
        %add3A_815 = arith.addi %mul3A_813, %add3A_814 : i32
        %get3A_816 = arith.constant 0 : i32
        %get3A_817 = arith.index_cast %get3A_816 : i32 to index
        %get3A_818 = arith.index_cast %add3A_815 : i32 to index
        %get3A_819 = arith.constant 32 : index
        %get3A_820 = tpu.vector_load %arg14[%get3A_817, %get3A_818, %get3A_819] {strides = array<i32>} : memref<2x100x128xf32, #tpu.memory_space<vmem>>, vector<16xf32>,
        %mul3A_821 = arith.constant 4 : i32
        %mul3A_822 = arith.muli %scan3A_675, %mul3A_821 : i32
        %add3A_823 = arith.constant 3 : i32
        %add3A_824 = arith.addi %mul3A_822, %add3A_823 : i32
        %get3A_825 = arith.constant 0 : i32
        %get3A_826 = arith.index_cast %get3A_825 : i32 to index
        %get3A_827 = arith.index_cast %add3A_824 : i32 to index
        %get3A_828 = arith.constant 32 : index
        %get3A_829 = tpu.vector_load %arg14[%get3A_826, %get3A_827, %get3A_828] {strides = array<i32>} : memref<2x100x128xf32, #tpu.memory_space<vmem>>, vector<16xf32>,
        %mul3A_830 = arith.constant 4 : i32
        %mul3A_831 = arith.muli %scan3A_675, %mul3A_830 : i32
        %add3A_832 = arith.constant 0 : i32
        %add3A_833 = arith.addi %mul3A_831, %add3A_832 : i32
        %get3A_834 = arith.constant 0 : i32
        %get3A_835 = arith.index_cast %get3A_834 : i32 to index
        %get3A_836 = arith.index_cast %add3A_833 : i32 to index
        %get3A_837 = arith.constant 48 : index
        %get3A_838 = tpu.vector_load %arg14[%get3A_835, %get3A_836, %get3A_837] {strides = array<i32>} : memref<2x100x128xf32, #tpu.memory_space<vmem>>, vector<16xf32>,
        %mul3A_839 = arith.constant 4 : i32
        %mul3A_840 = arith.muli %scan3A_675, %mul3A_839 : i32
        %add3A_841 = arith.constant 1 : i32
        %add3A_842 = arith.addi %mul3A_840, %add3A_841 : i32
        %get3A_843 = arith.constant 0 : i32
        %get3A_844 = arith.index_cast %get3A_843 : i32 to index
        %get3A_845 = arith.index_cast %add3A_842 : i32 to index
        %get3A_846 = arith.constant 48 : index
        %get3A_847 = tpu.vector_load %arg14[%get3A_844, %get3A_845, %get3A_846] {strides = array<i32>} : memref<2x100x128xf32, #tpu.memory_space<vmem>>, vector<16xf32>,
        %mul3A_848 = arith.constant 4 : i32
        %mul3A_849 = arith.muli %scan3A_675, %mul3A_848 : i32
        %add3A_850 = arith.constant 2 : i32
        %add3A_851 = arith.addi %mul3A_849, %add3A_850 : i32
        %get3A_852 = arith.constant 0 : i32
        %get3A_853 = arith.index_cast %get3A_852 : i32 to index
        %get3A_854 = arith.index_cast %add3A_851 : i32 to index
        %get3A_855 = arith.constant 48 : index
        %get3A_856 = tpu.vector_load %arg14[%get3A_853, %get3A_854, %get3A_855] {strides = array<i32>} : memref<2x100x128xf32, #tpu.memory_space<vmem>>, vector<16xf32>,
        %mul3A_857 = arith.constant 4 : i32
        %mul3A_858 = arith.muli %scan3A_675, %mul3A_857 : i32
        %add3A_859 = arith.constant 3 : i32
        %add3A_860 = arith.addi %mul3A_858, %add3A_859 : i32
        %get3A_861 = arith.constant 0 : i32
        %get3A_862 = arith.index_cast %get3A_861 : i32 to index
        %get3A_863 = arith.index_cast %add3A_860 : i32 to index
        %get3A_864 = arith.constant 48 : index
        %get3A_865 = tpu.vector_load %arg14[%get3A_862, %get3A_863, %get3A_864] {strides = array<i32>} : memref<2x100x128xf32, #tpu.memory_space<vmem>>, vector<16xf32>,
        %mul3A_866 = arith.mulf %get3A_802, %gather3A : vector<16xf32>
        %mul3A_867 = arith.mulf %get3A_811, %gather3A_689 : vector<16xf32>
        %add3A_868 = arith.addf %mul3A_866, %mul3A_867 : vector<16xf32>
        %mul3A_869 = arith.mulf %get3A_820, %gather3A_697 : vector<16xf32>
        %mul3A_870 = arith.mulf %get3A_829, %gather3A_705 : vector<16xf32>
        %add3A_871 = arith.addf %mul3A_869, %mul3A_870 : vector<16xf32>
        %add3A_872 = arith.addf %add3A_868, %add3A_871 : vector<16xf32>
        %mul3A_873 = arith.mulf %get3A_838, %gather3A : vector<16xf32>
        %mul3A_874 = arith.mulf %get3A_847, %gather3A_689 : vector<16xf32>
        %add3A_875 = arith.addf %mul3A_873, %mul3A_874 : vector<16xf32>
        %mul3A_876 = arith.mulf %get3A_856, %gather3A_697 : vector<16xf32>
        %mul3A_877 = arith.mulf %get3A_865, %gather3A_705 : vector<16xf32>
        %add3A_878 = arith.addf %mul3A_876, %mul3A_877 : vector<16xf32>
        %add3A_879 = arith.addf %add3A_875, %add3A_878 : vector<16xf32>
        tpu.vector_store_idx %arg16[%add3A_526, %broadcast_in_dim3A_708], %add3A_872 : memref<128x49xf32, #tpu.memory_space<vmem>>[vector<16xi32>, vector<16xi32>], vector<16xf32>,
        tpu.vector_store_idx %arg16[%add3A_530, %broadcast_in_dim3A_708], %add3A_879 : memref<128x49xf32, #tpu.memory_space<vmem>>[vector<16xi32>, vector<16xi32>], vector<16xf32>,
        %mul3A_880 = arith.constant 4 : i32
        %mul3A_881 = arith.muli %scan3A_675, %mul3A_880 : i32
        %add3A_882 = arith.constant 0 : i32
        %add3A_883 = arith.addi %mul3A_881, %add3A_882 : i32
        %get3A_884 = arith.constant 0 : i32
        %get3A_885 = arith.index_cast %get3A_884 : i32 to index
        %get3A_886 = arith.index_cast %add3A_883 : i32 to index
        %get3A_887 = arith.constant 64 : index
        %get3A_888 = tpu.vector_load %arg14[%get3A_885, %get3A_886, %get3A_887] {strides = array<i32>} : memref<2x100x128xf32, #tpu.memory_space<vmem>>, vector<16xf32>,
        %mul3A_889 = arith.constant 4 : i32
        %mul3A_890 = arith.muli %scan3A_675, %mul3A_889 : i32
        %add3A_891 = arith.constant 1 : i32
        %add3A_892 = arith.addi %mul3A_890, %add3A_891 : i32
        %get3A_893 = arith.constant 0 : i32
        %get3A_894 = arith.index_cast %get3A_893 : i32 to index
        %get3A_895 = arith.index_cast %add3A_892 : i32 to index
        %get3A_896 = arith.constant 64 : index
        %get3A_897 = tpu.vector_load %arg14[%get3A_894, %get3A_895, %get3A_896] {strides = array<i32>} : memref<2x100x128xf32, #tpu.memory_space<vmem>>, vector<16xf32>,
        %mul3A_898 = arith.constant 4 : i32
        %mul3A_899 = arith.muli %scan3A_675, %mul3A_898 : i32
        %add3A_900 = arith.constant 2 : i32
        %add3A_901 = arith.addi %mul3A_899, %add3A_900 : i32
        %get3A_902 = arith.constant 0 : i32
        %get3A_903 = arith.index_cast %get3A_902 : i32 to index
        %get3A_904 = arith.index_cast %add3A_901 : i32 to index
        %get3A_905 = arith.constant 64 : index
        %get3A_906 = tpu.vector_load %arg14[%get3A_903, %get3A_904, %get3A_905] {strides = array<i32>} : memref<2x100x128xf32, #tpu.memory_space<vmem>>, vector<16xf32>,
        %mul3A_907 = arith.constant 4 : i32
        %mul3A_908 = arith.muli %scan3A_675, %mul3A_907 : i32
        %add3A_909 = arith.constant 3 : i32
        %add3A_910 = arith.addi %mul3A_908, %add3A_909 : i32
        %get3A_911 = arith.constant 0 : i32
        %get3A_912 = arith.index_cast %get3A_911 : i32 to index
        %get3A_913 = arith.index_cast %add3A_910 : i32 to index
        %get3A_914 = arith.constant 64 : index
        %get3A_915 = tpu.vector_load %arg14[%get3A_912, %get3A_913, %get3A_914] {strides = array<i32>} : memref<2x100x128xf32, #tpu.memory_space<vmem>>, vector<16xf32>,
        %mul3A_916 = arith.constant 4 : i32
        %mul3A_917 = arith.muli %scan3A_675, %mul3A_916 : i32
        %add3A_918 = arith.constant 0 : i32
        %add3A_919 = arith.addi %mul3A_917, %add3A_918 : i32
        %get3A_920 = arith.constant 0 : i32
        %get3A_921 = arith.index_cast %get3A_920 : i32 to index
        %get3A_922 = arith.index_cast %add3A_919 : i32 to index
        %get3A_923 = arith.constant 80 : index
        %get3A_924 = tpu.vector_load %arg14[%get3A_921, %get3A_922, %get3A_923] {strides = array<i32>} : memref<2x100x128xf32, #tpu.memory_space<vmem>>, vector<16xf32>,
        %mul3A_925 = arith.constant 4 : i32
        %mul3A_926 = arith.muli %scan3A_675, %mul3A_925 : i32
        %add3A_927 = arith.constant 1 : i32
        %add3A_928 = arith.addi %mul3A_926, %add3A_927 : i32
        %get3A_929 = arith.constant 0 : i32
        %get3A_930 = arith.index_cast %get3A_929 : i32 to index
        %get3A_931 = arith.index_cast %add3A_928 : i32 to index
        %get3A_932 = arith.constant 80 : index
        %get3A_933 = tpu.vector_load %arg14[%get3A_930, %get3A_931, %get3A_932] {strides = array<i32>} : memref<2x100x128xf32, #tpu.memory_space<vmem>>, vector<16xf32>,
        %mul3A_934 = arith.constant 4 : i32
        %mul3A_935 = arith.muli %scan3A_675, %mul3A_934 : i32
        %add3A_936 = arith.constant 2 : i32
        %add3A_937 = arith.addi %mul3A_935, %add3A_936 : i32
        %get3A_938 = arith.constant 0 : i32
        %get3A_939 = arith.index_cast %get3A_938 : i32 to index
        %get3A_940 = arith.index_cast %add3A_937 : i32 to index
        %get3A_941 = arith.constant 80 : index
        %get3A_942 = tpu.vector_load %arg14[%get3A_939, %get3A_940, %get3A_941] {strides = array<i32>} : memref<2x100x128xf32, #tpu.memory_space<vmem>>, vector<16xf32>,
        %mul3A_943 = arith.constant 4 : i32
        %mul3A_944 = arith.muli %scan3A_675, %mul3A_943 : i32
        %add3A_945 = arith.constant 3 : i32
        %add3A_946 = arith.addi %mul3A_944, %add3A_945 : i32
        %get3A_947 = arith.constant 0 : i32
        %get3A_948 = arith.index_cast %get3A_947 : i32 to index
        %get3A_949 = arith.index_cast %add3A_946 : i32 to index
        %get3A_950 = arith.constant 80 : index
        %get3A_951 = tpu.vector_load %arg14[%get3A_948, %get3A_949, %get3A_950] {strides = array<i32>} : memref<2x100x128xf32, #tpu.memory_space<vmem>>, vector<16xf32>,
        %mul3A_952 = arith.mulf %get3A_888, %gather3A : vector<16xf32>
        %mul3A_953 = arith.mulf %get3A_897, %gather3A_689 : vector<16xf32>
        %add3A_954 = arith.addf %mul3A_952, %mul3A_953 : vector<16xf32>
        %mul3A_955 = arith.mulf %get3A_906, %gather3A_697 : vector<16xf32>
        %mul3A_956 = arith.mulf %get3A_915, %gather3A_705 : vector<16xf32>
        %add3A_957 = arith.addf %mul3A_955, %mul3A_956 : vector<16xf32>
        %add3A_958 = arith.addf %add3A_954, %add3A_957 : vector<16xf32>
        %mul3A_959 = arith.mulf %get3A_924, %gather3A : vector<16xf32>
        %mul3A_960 = arith.mulf %get3A_933, %gather3A_689 : vector<16xf32>
        %add3A_961 = arith.addf %mul3A_959, %mul3A_960 : vector<16xf32>
        %mul3A_962 = arith.mulf %get3A_942, %gather3A_697 : vector<16xf32>
        %mul3A_963 = arith.mulf %get3A_951, %gather3A_705 : vector<16xf32>
        %add3A_964 = arith.addf %mul3A_962, %mul3A_963 : vector<16xf32>
        %add3A_965 = arith.addf %add3A_961, %add3A_964 : vector<16xf32>
        tpu.vector_store_idx %arg16[%add3A_534, %broadcast_in_dim3A_708], %add3A_958 : memref<128x49xf32, #tpu.memory_space<vmem>>[vector<16xi32>, vector<16xi32>], vector<16xf32>,
        tpu.vector_store_idx %arg16[%add3A_538, %broadcast_in_dim3A_708], %add3A_965 : memref<128x49xf32, #tpu.memory_space<vmem>>[vector<16xi32>, vector<16xi32>], vector<16xf32>,
        %mul3A_966 = arith.constant 4 : i32
        %mul3A_967 = arith.muli %scan3A_675, %mul3A_966 : i32
        %add3A_968 = arith.constant 0 : i32
        %add3A_969 = arith.addi %mul3A_967, %add3A_968 : i32
        %get3A_970 = arith.constant 0 : i32
        %get3A_971 = arith.index_cast %get3A_970 : i32 to index
        %get3A_972 = arith.index_cast %add3A_969 : i32 to index
        %get3A_973 = arith.constant 96 : index
        %get3A_974 = tpu.vector_load %arg14[%get3A_971, %get3A_972, %get3A_973] {strides = array<i32>} : memref<2x100x128xf32, #tpu.memory_space<vmem>>, vector<16xf32>,
        %mul3A_975 = arith.constant 4 : i32
        %mul3A_976 = arith.muli %scan3A_675, %mul3A_975 : i32
        %add3A_977 = arith.constant 1 : i32
        %add3A_978 = arith.addi %mul3A_976, %add3A_977 : i32
        %get3A_979 = arith.constant 0 : i32
        %get3A_980 = arith.index_cast %get3A_979 : i32 to index
        %get3A_981 = arith.index_cast %add3A_978 : i32 to index
        %get3A_982 = arith.constant 96 : index
        %get3A_983 = tpu.vector_load %arg14[%get3A_980, %get3A_981, %get3A_982] {strides = array<i32>} : memref<2x100x128xf32, #tpu.memory_space<vmem>>, vector<16xf32>,
        %mul3A_984 = arith.constant 4 : i32
        %mul3A_985 = arith.muli %scan3A_675, %mul3A_984 : i32
        %add3A_986 = arith.constant 2 : i32
        %add3A_987 = arith.addi %mul3A_985, %add3A_986 : i32
        %get3A_988 = arith.constant 0 : i32
        %get3A_989 = arith.index_cast %get3A_988 : i32 to index
        %get3A_990 = arith.index_cast %add3A_987 : i32 to index
        %get3A_991 = arith.constant 96 : index
        %get3A_992 = tpu.vector_load %arg14[%get3A_989, %get3A_990, %get3A_991] {strides = array<i32>} : memref<2x100x128xf32, #tpu.memory_space<vmem>>, vector<16xf32>,
        %mul3A_993 = arith.constant 4 : i32
        %mul3A_994 = arith.muli %scan3A_675, %mul3A_993 : i32
        %add3A_995 = arith.constant 3 : i32
        %add3A_996 = arith.addi %mul3A_994, %add3A_995 : i32
        %get3A_997 = arith.constant 0 : i32
        %get3A_998 = arith.index_cast %get3A_997 : i32 to index
        %get3A_999 = arith.index_cast %add3A_996 : i32 to index
        %get3A_1000 = arith.constant 96 : index
        %get3A_1001 = tpu.vector_load %arg14[%get3A_998, %get3A_999, %get3A_1000] {strides = array<i32>} : memref<2x100x128xf32, #tpu.memory_space<vmem>>, vector<16xf32>,
        %mul3A_1002 = arith.constant 4 : i32
        %mul3A_1003 = arith.muli %scan3A_675, %mul3A_1002 : i32
        %add3A_1004 = arith.constant 0 : i32
        %add3A_1005 = arith.addi %mul3A_1003, %add3A_1004 : i32
        %get3A_1006 = arith.constant 0 : i32
        %get3A_1007 = arith.index_cast %get3A_1006 : i32 to index
        %get3A_1008 = arith.index_cast %add3A_1005 : i32 to index
        %get3A_1009 = arith.constant 112 : index
        %get3A_1010 = tpu.vector_load %arg14[%get3A_1007, %get3A_1008, %get3A_1009] {strides = array<i32>} : memref<2x100x128xf32, #tpu.memory_space<vmem>>, vector<16xf32>,
        %mul3A_1011 = arith.constant 4 : i32
        %mul3A_1012 = arith.muli %scan3A_675, %mul3A_1011 : i32
        %add3A_1013 = arith.constant 1 : i32
        %add3A_1014 = arith.addi %mul3A_1012, %add3A_1013 : i32
        %get3A_1015 = arith.constant 0 : i32
        %get3A_1016 = arith.index_cast %get3A_1015 : i32 to index
        %get3A_1017 = arith.index_cast %add3A_1014 : i32 to index
        %get3A_1018 = arith.constant 112 : index
        %get3A_1019 = tpu.vector_load %arg14[%get3A_1016, %get3A_1017, %get3A_1018] {strides = array<i32>} : memref<2x100x128xf32, #tpu.memory_space<vmem>>, vector<16xf32>,
        %mul3A_1020 = arith.constant 4 : i32
        %mul3A_1021 = arith.muli %scan3A_675, %mul3A_1020 : i32
        %add3A_1022 = arith.constant 2 : i32
        %add3A_1023 = arith.addi %mul3A_1021, %add3A_1022 : i32
        %get3A_1024 = arith.constant 0 : i32
        %get3A_1025 = arith.index_cast %get3A_1024 : i32 to index
        %get3A_1026 = arith.index_cast %add3A_1023 : i32 to index
        %get3A_1027 = arith.constant 112 : index
        %get3A_1028 = tpu.vector_load %arg14[%get3A_1025, %get3A_1026, %get3A_1027] {strides = array<i32>} : memref<2x100x128xf32, #tpu.memory_space<vmem>>, vector<16xf32>,
        %mul3A_1029 = arith.constant 4 : i32
        %mul3A_1030 = arith.muli %scan3A_675, %mul3A_1029 : i32
        %add3A_1031 = arith.constant 3 : i32
        %add3A_1032 = arith.addi %mul3A_1030, %add3A_1031 : i32
        %get3A_1033 = arith.constant 0 : i32
        %get3A_1034 = arith.index_cast %get3A_1033 : i32 to index
        %get3A_1035 = arith.index_cast %add3A_1032 : i32 to index
        %get3A_1036 = arith.constant 112 : index
        %get3A_1037 = tpu.vector_load %arg14[%get3A_1034, %get3A_1035, %get3A_1036] {strides = array<i32>} : memref<2x100x128xf32, #tpu.memory_space<vmem>>, vector<16xf32>,
        %mul3A_1038 = arith.mulf %get3A_974, %gather3A : vector<16xf32>
        %mul3A_1039 = arith.mulf %get3A_983, %gather3A_689 : vector<16xf32>
        %add3A_1040 = arith.addf %mul3A_1038, %mul3A_1039 : vector<16xf32>
        %mul3A_1041 = arith.mulf %get3A_992, %gather3A_697 : vector<16xf32>
        %mul3A_1042 = arith.mulf %get3A_1001, %gather3A_705 : vector<16xf32>
        %add3A_1043 = arith.addf %mul3A_1041, %mul3A_1042 : vector<16xf32>
        %add3A_1044 = arith.addf %add3A_1040, %add3A_1043 : vector<16xf32>
        %mul3A_1045 = arith.mulf %get3A_1010, %gather3A : vector<16xf32>
        %mul3A_1046 = arith.mulf %get3A_1019, %gather3A_689 : vector<16xf32>
        %add3A_1047 = arith.addf %mul3A_1045, %mul3A_1046 : vector<16xf32>
        %mul3A_1048 = arith.mulf %get3A_1028, %gather3A_697 : vector<16xf32>
        %mul3A_1049 = arith.mulf %get3A_1037, %gather3A_705 : vector<16xf32>
        %add3A_1050 = arith.addf %mul3A_1048, %mul3A_1049 : vector<16xf32>
        %add3A_1051 = arith.addf %add3A_1047, %add3A_1050 : vector<16xf32>
        tpu.vector_store_idx %arg16[%add3A_542, %broadcast_in_dim3A_708], %add3A_1044 : memref<128x49xf32, #tpu.memory_space<vmem>>[vector<16xi32>, vector<16xi32>], vector<16xf32>,
        tpu.vector_store_idx %arg16[%add3A_546, %broadcast_in_dim3A_708], %add3A_1051 : memref<128x49xf32, #tpu.memory_space<vmem>>[vector<16xi32>, vector<16xi32>], vector<16xf32>,
      }
      %scan3A_552 = arith.constant 25 : i32
      %scan3A_553 = arith.constant 0 : i32
      %scan3A_554 = arith.constant 0 : i32
      %scan3A_555 = arith.constant 24 : i32
      %scan3A_556 = arith.addi %scan3A_554, %scan3A_555 : i32
      %scan3A_557 = arith.constant 1 : i32
      scf.for %scan3A_675 = %scan3A_554 to %scan3A_556 step %scan3A_557  : i32 {
        %mul3A_676 = arith.constant 4 : i32
        %mul3A_677 = arith.muli %scan3A_675, %mul3A_676 : i32
        %add3A_678 = arith.constant 100 : i32
        %add3A_679 = arith.addi %add3A_678, %mul3A_677 : i32
        %add3A_680 = arith.constant 0 : i32
        %add3A_681 = arith.addi %add3A_679, %add3A_680 : i32
        %broadcast_in_dim3A = vector.broadcast %add3A_681 : i32 to vector<16xi32>
        %gather3A = tpu.vector_load_idx %arg12[%broadcast_in_dim3A] : memref<216xf32, #tpu.memory_space<vmem>>[vector<16xi32>], vector<16xf32>,
        %mul3A_682 = arith.constant 4 : i32
        %mul3A_683 = arith.muli %scan3A_675, %mul3A_682 : i32
        %add3A_684 = arith.constant 100 : i32
        %add3A_685 = arith.addi %add3A_684, %mul3A_683 : i32
        %add3A_686 = arith.constant 1 : i32
        %add3A_687 = arith.addi %add3A_685, %add3A_686 : i32
        %broadcast_in_dim3A_688 = vector.broadcast %add3A_687 : i32 to vector<16xi32>
        %gather3A_689 = tpu.vector_load_idx %arg12[%broadcast_in_dim3A_688] : memref<216xf32, #tpu.memory_space<vmem>>[vector<16xi32>], vector<16xf32>,
        %mul3A_690 = arith.constant 4 : i32
        %mul3A_691 = arith.muli %scan3A_675, %mul3A_690 : i32
        %add3A_692 = arith.constant 100 : i32
        %add3A_693 = arith.addi %add3A_692, %mul3A_691 : i32
        %add3A_694 = arith.constant 2 : i32
        %add3A_695 = arith.addi %add3A_693, %add3A_694 : i32
        %broadcast_in_dim3A_696 = vector.broadcast %add3A_695 : i32 to vector<16xi32>
        %gather3A_697 = tpu.vector_load_idx %arg12[%broadcast_in_dim3A_696] : memref<216xf32, #tpu.memory_space<vmem>>[vector<16xi32>], vector<16xf32>,
        %mul3A_698 = arith.constant 4 : i32
        %mul3A_699 = arith.muli %scan3A_675, %mul3A_698 : i32
        %add3A_700 = arith.constant 100 : i32
        %add3A_701 = arith.addi %add3A_700, %mul3A_699 : i32
        %add3A_702 = arith.constant 3 : i32
        %add3A_703 = arith.addi %add3A_701, %add3A_702 : i32
        %broadcast_in_dim3A_704 = vector.broadcast %add3A_703 : i32 to vector<16xi32>
        %gather3A_705 = tpu.vector_load_idx %arg12[%broadcast_in_dim3A_704] : memref<216xf32, #tpu.memory_space<vmem>>[vector<16xi32>], vector<16xf32>,
        %add3A_706 = arith.constant 25 : i32
        %add3A_707 = arith.addi %add3A_706, %scan3A_675 : i32
        %broadcast_in_dim3A_708 = vector.broadcast %add3A_707 : i32 to vector<16xi32>
        %mul3A_709 = arith.constant 4 : i32
        %mul3A_710 = arith.muli %scan3A_675, %mul3A_709 : i32
        %add3A_711 = arith.constant 0 : i32
        %add3A_712 = arith.addi %mul3A_710, %add3A_711 : i32
        %get3A = arith.constant 1 : i32
        %get3A_713 = arith.index_cast %get3A : i32 to index
        %get3A_714 = arith.index_cast %add3A_712 : i32 to index
        %get3A_715 = arith.constant 0 : index
        %get3A_716 = tpu.vector_load %arg14[%get3A_713, %get3A_714, %get3A_715] {strides = array<i32>} : memref<2x100x128xf32, #tpu.memory_space<vmem>>, vector<16xf32>,
        %mul3A_717 = arith.constant 4 : i32
        %mul3A_718 = arith.muli %scan3A_675, %mul3A_717 : i32
        %add3A_719 = arith.constant 1 : i32
        %add3A_720 = arith.addi %mul3A_718, %add3A_719 : i32
        %get3A_721 = arith.constant 1 : i32
        %get3A_722 = arith.index_cast %get3A_721 : i32 to index
        %get3A_723 = arith.index_cast %add3A_720 : i32 to index
        %get3A_724 = arith.constant 0 : index
        %get3A_725 = tpu.vector_load %arg14[%get3A_722, %get3A_723, %get3A_724] {strides = array<i32>} : memref<2x100x128xf32, #tpu.memory_space<vmem>>, vector<16xf32>,
        %mul3A_726 = arith.constant 4 : i32
        %mul3A_727 = arith.muli %scan3A_675, %mul3A_726 : i32
        %add3A_728 = arith.constant 2 : i32
        %add3A_729 = arith.addi %mul3A_727, %add3A_728 : i32
        %get3A_730 = arith.constant 1 : i32
        %get3A_731 = arith.index_cast %get3A_730 : i32 to index
        %get3A_732 = arith.index_cast %add3A_729 : i32 to index
        %get3A_733 = arith.constant 0 : index
        %get3A_734 = tpu.vector_load %arg14[%get3A_731, %get3A_732, %get3A_733] {strides = array<i32>} : memref<2x100x128xf32, #tpu.memory_space<vmem>>, vector<16xf32>,
        %mul3A_735 = arith.constant 4 : i32
        %mul3A_736 = arith.muli %scan3A_675, %mul3A_735 : i32
        %add3A_737 = arith.constant 3 : i32
        %add3A_738 = arith.addi %mul3A_736, %add3A_737 : i32
        %get3A_739 = arith.constant 1 : i32
        %get3A_740 = arith.index_cast %get3A_739 : i32 to index
        %get3A_741 = arith.index_cast %add3A_738 : i32 to index
        %get3A_742 = arith.constant 0 : index
        %get3A_743 = tpu.vector_load %arg14[%get3A_740, %get3A_741, %get3A_742] {strides = array<i32>} : memref<2x100x128xf32, #tpu.memory_space<vmem>>, vector<16xf32>,
        %mul3A_744 = arith.constant 4 : i32
        %mul3A_745 = arith.muli %scan3A_675, %mul3A_744 : i32
        %add3A_746 = arith.constant 0 : i32
        %add3A_747 = arith.addi %mul3A_745, %add3A_746 : i32
        %get3A_748 = arith.constant 1 : i32
        %get3A_749 = arith.index_cast %get3A_748 : i32 to index
        %get3A_750 = arith.index_cast %add3A_747 : i32 to index
        %get3A_751 = arith.constant 16 : index
        %get3A_752 = tpu.vector_load %arg14[%get3A_749, %get3A_750, %get3A_751] {strides = array<i32>} : memref<2x100x128xf32, #tpu.memory_space<vmem>>, vector<16xf32>,
        %mul3A_753 = arith.constant 4 : i32
        %mul3A_754 = arith.muli %scan3A_675, %mul3A_753 : i32
        %add3A_755 = arith.constant 1 : i32
        %add3A_756 = arith.addi %mul3A_754, %add3A_755 : i32
        %get3A_757 = arith.constant 1 : i32
        %get3A_758 = arith.index_cast %get3A_757 : i32 to index
        %get3A_759 = arith.index_cast %add3A_756 : i32 to index
        %get3A_760 = arith.constant 16 : index
        %get3A_761 = tpu.vector_load %arg14[%get3A_758, %get3A_759, %get3A_760] {strides = array<i32>} : memref<2x100x128xf32, #tpu.memory_space<vmem>>, vector<16xf32>,
        %mul3A_762 = arith.constant 4 : i32
        %mul3A_763 = arith.muli %scan3A_675, %mul3A_762 : i32
        %add3A_764 = arith.constant 2 : i32
        %add3A_765 = arith.addi %mul3A_763, %add3A_764 : i32
        %get3A_766 = arith.constant 1 : i32
        %get3A_767 = arith.index_cast %get3A_766 : i32 to index
        %get3A_768 = arith.index_cast %add3A_765 : i32 to index
        %get3A_769 = arith.constant 16 : index
        %get3A_770 = tpu.vector_load %arg14[%get3A_767, %get3A_768, %get3A_769] {strides = array<i32>} : memref<2x100x128xf32, #tpu.memory_space<vmem>>, vector<16xf32>,
        %mul3A_771 = arith.constant 4 : i32
        %mul3A_772 = arith.muli %scan3A_675, %mul3A_771 : i32
        %add3A_773 = arith.constant 3 : i32
        %add3A_774 = arith.addi %mul3A_772, %add3A_773 : i32
        %get3A_775 = arith.constant 1 : i32
        %get3A_776 = arith.index_cast %get3A_775 : i32 to index
        %get3A_777 = arith.index_cast %add3A_774 : i32 to index
        %get3A_778 = arith.constant 16 : index
        %get3A_779 = tpu.vector_load %arg14[%get3A_776, %get3A_777, %get3A_778] {strides = array<i32>} : memref<2x100x128xf32, #tpu.memory_space<vmem>>, vector<16xf32>,
        %mul3A_780 = arith.mulf %get3A_716, %gather3A : vector<16xf32>
        %mul3A_781 = arith.mulf %get3A_725, %gather3A_689 : vector<16xf32>
        %add3A_782 = arith.addf %mul3A_780, %mul3A_781 : vector<16xf32>
        %mul3A_783 = arith.mulf %get3A_734, %gather3A_697 : vector<16xf32>
        %mul3A_784 = arith.mulf %get3A_743, %gather3A_705 : vector<16xf32>
        %add3A_785 = arith.addf %mul3A_783, %mul3A_784 : vector<16xf32>
        %add3A_786 = arith.addf %add3A_782, %add3A_785 : vector<16xf32>
        %mul3A_787 = arith.mulf %get3A_752, %gather3A : vector<16xf32>
        %mul3A_788 = arith.mulf %get3A_761, %gather3A_689 : vector<16xf32>
        %add3A_789 = arith.addf %mul3A_787, %mul3A_788 : vector<16xf32>
        %mul3A_790 = arith.mulf %get3A_770, %gather3A_697 : vector<16xf32>
        %mul3A_791 = arith.mulf %get3A_779, %gather3A_705 : vector<16xf32>
        %add3A_792 = arith.addf %mul3A_790, %mul3A_791 : vector<16xf32>
        %add3A_793 = arith.addf %add3A_789, %add3A_792 : vector<16xf32>
        tpu.vector_store_idx %arg16[%add3A_518, %broadcast_in_dim3A_708], %add3A_786 : memref<128x49xf32, #tpu.memory_space<vmem>>[vector<16xi32>, vector<16xi32>], vector<16xf32>,
        tpu.vector_store_idx %arg16[%add3A_522, %broadcast_in_dim3A_708], %add3A_793 : memref<128x49xf32, #tpu.memory_space<vmem>>[vector<16xi32>, vector<16xi32>], vector<16xf32>,
        %mul3A_794 = arith.constant 4 : i32
        %mul3A_795 = arith.muli %scan3A_675, %mul3A_794 : i32
        %add3A_796 = arith.constant 0 : i32
        %add3A_797 = arith.addi %mul3A_795, %add3A_796 : i32
        %get3A_798 = arith.constant 1 : i32
        %get3A_799 = arith.index_cast %get3A_798 : i32 to index
        %get3A_800 = arith.index_cast %add3A_797 : i32 to index
        %get3A_801 = arith.constant 32 : index
        %get3A_802 = tpu.vector_load %arg14[%get3A_799, %get3A_800, %get3A_801] {strides = array<i32>} : memref<2x100x128xf32, #tpu.memory_space<vmem>>, vector<16xf32>,
        %mul3A_803 = arith.constant 4 : i32
        %mul3A_804 = arith.muli %scan3A_675, %mul3A_803 : i32
        %add3A_805 = arith.constant 1 : i32
        %add3A_806 = arith.addi %mul3A_804, %add3A_805 : i32
        %get3A_807 = arith.constant 1 : i32
        %get3A_808 = arith.index_cast %get3A_807 : i32 to index
        %get3A_809 = arith.index_cast %add3A_806 : i32 to index
        %get3A_810 = arith.constant 32 : index
        %get3A_811 = tpu.vector_load %arg14[%get3A_808, %get3A_809, %get3A_810] {strides = array<i32>} : memref<2x100x128xf32, #tpu.memory_space<vmem>>, vector<16xf32>,
        %mul3A_812 = arith.constant 4 : i32
        %mul3A_813 = arith.muli %scan3A_675, %mul3A_812 : i32
        %add3A_814 = arith.constant 2 : i32
        %add3A_815 = arith.addi %mul3A_813, %add3A_814 : i32
        %get3A_816 = arith.constant 1 : i32
        %get3A_817 = arith.index_cast %get3A_816 : i32 to index
        %get3A_818 = arith.index_cast %add3A_815 : i32 to index
        %get3A_819 = arith.constant 32 : index
        %get3A_820 = tpu.vector_load %arg14[%get3A_817, %get3A_818, %get3A_819] {strides = array<i32>} : memref<2x100x128xf32, #tpu.memory_space<vmem>>, vector<16xf32>,
        %mul3A_821 = arith.constant 4 : i32
        %mul3A_822 = arith.muli %scan3A_675, %mul3A_821 : i32
        %add3A_823 = arith.constant 3 : i32
        %add3A_824 = arith.addi %mul3A_822, %add3A_823 : i32
        %get3A_825 = arith.constant 1 : i32
        %get3A_826 = arith.index_cast %get3A_825 : i32 to index
        %get3A_827 = arith.index_cast %add3A_824 : i32 to index
        %get3A_828 = arith.constant 32 : index
        %get3A_829 = tpu.vector_load %arg14[%get3A_826, %get3A_827, %get3A_828] {strides = array<i32>} : memref<2x100x128xf32, #tpu.memory_space<vmem>>, vector<16xf32>,
        %mul3A_830 = arith.constant 4 : i32
        %mul3A_831 = arith.muli %scan3A_675, %mul3A_830 : i32
        %add3A_832 = arith.constant 0 : i32
        %add3A_833 = arith.addi %mul3A_831, %add3A_832 : i32
        %get3A_834 = arith.constant 1 : i32
        %get3A_835 = arith.index_cast %get3A_834 : i32 to index
        %get3A_836 = arith.index_cast %add3A_833 : i32 to index
        %get3A_837 = arith.constant 48 : index
        %get3A_838 = tpu.vector_load %arg14[%get3A_835, %get3A_836, %get3A_837] {strides = array<i32>} : memref<2x100x128xf32, #tpu.memory_space<vmem>>, vector<16xf32>,
        %mul3A_839 = arith.constant 4 : i32
        %mul3A_840 = arith.muli %scan3A_675, %mul3A_839 : i32
        %add3A_841 = arith.constant 1 : i32
        %add3A_842 = arith.addi %mul3A_840, %add3A_841 : i32
        %get3A_843 = arith.constant 1 : i32
        %get3A_844 = arith.index_cast %get3A_843 : i32 to index
        %get3A_845 = arith.index_cast %add3A_842 : i32 to index
        %get3A_846 = arith.constant 48 : index
        %get3A_847 = tpu.vector_load %arg14[%get3A_844, %get3A_845, %get3A_846] {strides = array<i32>} : memref<2x100x128xf32, #tpu.memory_space<vmem>>, vector<16xf32>,
        %mul3A_848 = arith.constant 4 : i32
        %mul3A_849 = arith.muli %scan3A_675, %mul3A_848 : i32
        %add3A_850 = arith.constant 2 : i32
        %add3A_851 = arith.addi %mul3A_849, %add3A_850 : i32
        %get3A_852 = arith.constant 1 : i32
        %get3A_853 = arith.index_cast %get3A_852 : i32 to index
        %get3A_854 = arith.index_cast %add3A_851 : i32 to index
        %get3A_855 = arith.constant 48 : index
        %get3A_856 = tpu.vector_load %arg14[%get3A_853, %get3A_854, %get3A_855] {strides = array<i32>} : memref<2x100x128xf32, #tpu.memory_space<vmem>>, vector<16xf32>,
        %mul3A_857 = arith.constant 4 : i32
        %mul3A_858 = arith.muli %scan3A_675, %mul3A_857 : i32
        %add3A_859 = arith.constant 3 : i32
        %add3A_860 = arith.addi %mul3A_858, %add3A_859 : i32
        %get3A_861 = arith.constant 1 : i32
        %get3A_862 = arith.index_cast %get3A_861 : i32 to index
        %get3A_863 = arith.index_cast %add3A_860 : i32 to index
        %get3A_864 = arith.constant 48 : index
        %get3A_865 = tpu.vector_load %arg14[%get3A_862, %get3A_863, %get3A_864] {strides = array<i32>} : memref<2x100x128xf32, #tpu.memory_space<vmem>>, vector<16xf32>,
        %mul3A_866 = arith.mulf %get3A_802, %gather3A : vector<16xf32>
        %mul3A_867 = arith.mulf %get3A_811, %gather3A_689 : vector<16xf32>
        %add3A_868 = arith.addf %mul3A_866, %mul3A_867 : vector<16xf32>
        %mul3A_869 = arith.mulf %get3A_820, %gather3A_697 : vector<16xf32>
        %mul3A_870 = arith.mulf %get3A_829, %gather3A_705 : vector<16xf32>
        %add3A_871 = arith.addf %mul3A_869, %mul3A_870 : vector<16xf32>
        %add3A_872 = arith.addf %add3A_868, %add3A_871 : vector<16xf32>
        %mul3A_873 = arith.mulf %get3A_838, %gather3A : vector<16xf32>
        %mul3A_874 = arith.mulf %get3A_847, %gather3A_689 : vector<16xf32>
        %add3A_875 = arith.addf %mul3A_873, %mul3A_874 : vector<16xf32>
        %mul3A_876 = arith.mulf %get3A_856, %gather3A_697 : vector<16xf32>
        %mul3A_877 = arith.mulf %get3A_865, %gather3A_705 : vector<16xf32>
        %add3A_878 = arith.addf %mul3A_876, %mul3A_877 : vector<16xf32>
        %add3A_879 = arith.addf %add3A_875, %add3A_878 : vector<16xf32>
        tpu.vector_store_idx %arg16[%add3A_526, %broadcast_in_dim3A_708], %add3A_872 : memref<128x49xf32, #tpu.memory_space<vmem>>[vector<16xi32>, vector<16xi32>], vector<16xf32>,
        tpu.vector_store_idx %arg16[%add3A_530, %broadcast_in_dim3A_708], %add3A_879 : memref<128x49xf32, #tpu.memory_space<vmem>>[vector<16xi32>, vector<16xi32>], vector<16xf32>,
        %mul3A_880 = arith.constant 4 : i32
        %mul3A_881 = arith.muli %scan3A_675, %mul3A_880 : i32
        %add3A_882 = arith.constant 0 : i32
        %add3A_883 = arith.addi %mul3A_881, %add3A_882 : i32
        %get3A_884 = arith.constant 1 : i32
        %get3A_885 = arith.index_cast %get3A_884 : i32 to index
        %get3A_886 = arith.index_cast %add3A_883 : i32 to index
        %get3A_887 = arith.constant 64 : index
        %get3A_888 = tpu.vector_load %arg14[%get3A_885, %get3A_886, %get3A_887] {strides = array<i32>} : memref<2x100x128xf32, #tpu.memory_space<vmem>>, vector<16xf32>,
        %mul3A_889 = arith.constant 4 : i32
        %mul3A_890 = arith.muli %scan3A_675, %mul3A_889 : i32
        %add3A_891 = arith.constant 1 : i32
        %add3A_892 = arith.addi %mul3A_890, %add3A_891 : i32
        %get3A_893 = arith.constant 1 : i32
        %get3A_894 = arith.index_cast %get3A_893 : i32 to index
        %get3A_895 = arith.index_cast %add3A_892 : i32 to index
        %get3A_896 = arith.constant 64 : index
        %get3A_897 = tpu.vector_load %arg14[%get3A_894, %get3A_895, %get3A_896] {strides = array<i32>} : memref<2x100x128xf32, #tpu.memory_space<vmem>>, vector<16xf32>,
        %mul3A_898 = arith.constant 4 : i32
        %mul3A_899 = arith.muli %scan3A_675, %mul3A_898 : i32
        %add3A_900 = arith.constant 2 : i32
        %add3A_901 = arith.addi %mul3A_899, %add3A_900 : i32
        %get3A_902 = arith.constant 1 : i32
        %get3A_903 = arith.index_cast %get3A_902 : i32 to index
        %get3A_904 = arith.index_cast %add3A_901 : i32 to index
        %get3A_905 = arith.constant 64 : index
        %get3A_906 = tpu.vector_load %arg14[%get3A_903, %get3A_904, %get3A_905] {strides = array<i32>} : memref<2x100x128xf32, #tpu.memory_space<vmem>>, vector<16xf32>,
        %mul3A_907 = arith.constant 4 : i32
        %mul3A_908 = arith.muli %scan3A_675, %mul3A_907 : i32
        %add3A_909 = arith.constant 3 : i32
        %add3A_910 = arith.addi %mul3A_908, %add3A_909 : i32
        %get3A_911 = arith.constant 1 : i32
        %get3A_912 = arith.index_cast %get3A_911 : i32 to index
        %get3A_913 = arith.index_cast %add3A_910 : i32 to index
        %get3A_914 = arith.constant 64 : index
        %get3A_915 = tpu.vector_load %arg14[%get3A_912, %get3A_913, %get3A_914] {strides = array<i32>} : memref<2x100x128xf32, #tpu.memory_space<vmem>>, vector<16xf32>,
        %mul3A_916 = arith.constant 4 : i32
        %mul3A_917 = arith.muli %scan3A_675, %mul3A_916 : i32
        %add3A_918 = arith.constant 0 : i32
        %add3A_919 = arith.addi %mul3A_917, %add3A_918 : i32
        %get3A_920 = arith.constant 1 : i32
        %get3A_921 = arith.index_cast %get3A_920 : i32 to index
        %get3A_922 = arith.index_cast %add3A_919 : i32 to index
        %get3A_923 = arith.constant 80 : index
        %get3A_924 = tpu.vector_load %arg14[%get3A_921, %get3A_922, %get3A_923] {strides = array<i32>} : memref<2x100x128xf32, #tpu.memory_space<vmem>>, vector<16xf32>,
        %mul3A_925 = arith.constant 4 : i32
        %mul3A_926 = arith.muli %scan3A_675, %mul3A_925 : i32
        %add3A_927 = arith.constant 1 : i32
        %add3A_928 = arith.addi %mul3A_926, %add3A_927 : i32
        %get3A_929 = arith.constant 1 : i32
        %get3A_930 = arith.index_cast %get3A_929 : i32 to index
        %get3A_931 = arith.index_cast %add3A_928 : i32 to index
        %get3A_932 = arith.constant 80 : index
        %get3A_933 = tpu.vector_load %arg14[%get3A_930, %get3A_931, %get3A_932] {strides = array<i32>} : memref<2x100x128xf32, #tpu.memory_space<vmem>>, vector<16xf32>,
        %mul3A_934 = arith.constant 4 : i32
        %mul3A_935 = arith.muli %scan3A_675, %mul3A_934 : i32
        %add3A_936 = arith.constant 2 : i32
        %add3A_937 = arith.addi %mul3A_935, %add3A_936 : i32
        %get3A_938 = arith.constant 1 : i32
        %get3A_939 = arith.index_cast %get3A_938 : i32 to index
        %get3A_940 = arith.index_cast %add3A_937 : i32 to index
        %get3A_941 = arith.constant 80 : index
        %get3A_942 = tpu.vector_load %arg14[%get3A_939, %get3A_940, %get3A_941] {strides = array<i32>} : memref<2x100x128xf32, #tpu.memory_space<vmem>>, vector<16xf32>,
        %mul3A_943 = arith.constant 4 : i32
        %mul3A_944 = arith.muli %scan3A_675, %mul3A_943 : i32
        %add3A_945 = arith.constant 3 : i32
        %add3A_946 = arith.addi %mul3A_944, %add3A_945 : i32
        %get3A_947 = arith.constant 1 : i32
        %get3A_948 = arith.index_cast %get3A_947 : i32 to index
        %get3A_949 = arith.index_cast %add3A_946 : i32 to index
        %get3A_950 = arith.constant 80 : index
        %get3A_951 = tpu.vector_load %arg14[%get3A_948, %get3A_949, %get3A_950] {strides = array<i32>} : memref<2x100x128xf32, #tpu.memory_space<vmem>>, vector<16xf32>,
        %mul3A_952 = arith.mulf %get3A_888, %gather3A : vector<16xf32>
        %mul3A_953 = arith.mulf %get3A_897, %gather3A_689 : vector<16xf32>
        %add3A_954 = arith.addf %mul3A_952, %mul3A_953 : vector<16xf32>
        %mul3A_955 = arith.mulf %get3A_906, %gather3A_697 : vector<16xf32>
        %mul3A_956 = arith.mulf %get3A_915, %gather3A_705 : vector<16xf32>
        %add3A_957 = arith.addf %mul3A_955, %mul3A_956 : vector<16xf32>
        %add3A_958 = arith.addf %add3A_954, %add3A_957 : vector<16xf32>
        %mul3A_959 = arith.mulf %get3A_924, %gather3A : vector<16xf32>
        %mul3A_960 = arith.mulf %get3A_933, %gather3A_689 : vector<16xf32>
        %add3A_961 = arith.addf %mul3A_959, %mul3A_960 : vector<16xf32>
        %mul3A_962 = arith.mulf %get3A_942, %gather3A_697 : vector<16xf32>
        %mul3A_963 = arith.mulf %get3A_951, %gather3A_705 : vector<16xf32>
        %add3A_964 = arith.addf %mul3A_962, %mul3A_963 : vector<16xf32>
        %add3A_965 = arith.addf %add3A_961, %add3A_964 : vector<16xf32>
        tpu.vector_store_idx %arg16[%add3A_534, %broadcast_in_dim3A_708], %add3A_958 : memref<128x49xf32, #tpu.memory_space<vmem>>[vector<16xi32>, vector<16xi32>], vector<16xf32>,
        tpu.vector_store_idx %arg16[%add3A_538, %broadcast_in_dim3A_708], %add3A_965 : memref<128x49xf32, #tpu.memory_space<vmem>>[vector<16xi32>, vector<16xi32>], vector<16xf32>,
        %mul3A_966 = arith.constant 4 : i32
        %mul3A_967 = arith.muli %scan3A_675, %mul3A_966 : i32
        %add3A_968 = arith.constant 0 : i32
        %add3A_969 = arith.addi %mul3A_967, %add3A_968 : i32
        %get3A_970 = arith.constant 1 : i32
        %get3A_971 = arith.index_cast %get3A_970 : i32 to index
        %get3A_972 = arith.index_cast %add3A_969 : i32 to index
        %get3A_973 = arith.constant 96 : index
        %get3A_974 = tpu.vector_load %arg14[%get3A_971, %get3A_972, %get3A_973] {strides = array<i32>} : memref<2x100x128xf32, #tpu.memory_space<vmem>>, vector<16xf32>,
        %mul3A_975 = arith.constant 4 : i32
        %mul3A_976 = arith.muli %scan3A_675, %mul3A_975 : i32
        %add3A_977 = arith.constant 1 : i32
        %add3A_978 = arith.addi %mul3A_976, %add3A_977 : i32
        %get3A_979 = arith.constant 1 : i32
        %get3A_980 = arith.index_cast %get3A_979 : i32 to index
        %get3A_981 = arith.index_cast %add3A_978 : i32 to index
        %get3A_982 = arith.constant 96 : index
        %get3A_983 = tpu.vector_load %arg14[%get3A_980, %get3A_981, %get3A_982] {strides = array<i32>} : memref<2x100x128xf32, #tpu.memory_space<vmem>>, vector<16xf32>,
        %mul3A_984 = arith.constant 4 : i32
        %mul3A_985 = arith.muli %scan3A_675, %mul3A_984 : i32
        %add3A_986 = arith.constant 2 : i32
        %add3A_987 = arith.addi %mul3A_985, %add3A_986 : i32
        %get3A_988 = arith.constant 1 : i32
        %get3A_989 = arith.index_cast %get3A_988 : i32 to index
        %get3A_990 = arith.index_cast %add3A_987 : i32 to index
        %get3A_991 = arith.constant 96 : index
        %get3A_992 = tpu.vector_load %arg14[%get3A_989, %get3A_990, %get3A_991] {strides = array<i32>} : memref<2x100x128xf32, #tpu.memory_space<vmem>>, vector<16xf32>,
        %mul3A_993 = arith.constant 4 : i32
        %mul3A_994 = arith.muli %scan3A_675, %mul3A_993 : i32
        %add3A_995 = arith.constant 3 : i32
        %add3A_996 = arith.addi %mul3A_994, %add3A_995 : i32
        %get3A_997 = arith.constant 1 : i32
        %get3A_998 = arith.index_cast %get3A_997 : i32 to index
        %get3A_999 = arith.index_cast %add3A_996 : i32 to index
        %get3A_1000 = arith.constant 96 : index
        %get3A_1001 = tpu.vector_load %arg14[%get3A_998, %get3A_999, %get3A_1000] {strides = array<i32>} : memref<2x100x128xf32, #tpu.memory_space<vmem>>, vector<16xf32>,
        %mul3A_1002 = arith.constant 4 : i32
        %mul3A_1003 = arith.muli %scan3A_675, %mul3A_1002 : i32
        %add3A_1004 = arith.constant 0 : i32
        %add3A_1005 = arith.addi %mul3A_1003, %add3A_1004 : i32
        %get3A_1006 = arith.constant 1 : i32
        %get3A_1007 = arith.index_cast %get3A_1006 : i32 to index
        %get3A_1008 = arith.index_cast %add3A_1005 : i32 to index
        %get3A_1009 = arith.constant 112 : index
        %get3A_1010 = tpu.vector_load %arg14[%get3A_1007, %get3A_1008, %get3A_1009] {strides = array<i32>} : memref<2x100x128xf32, #tpu.memory_space<vmem>>, vector<16xf32>,
        %mul3A_1011 = arith.constant 4 : i32
        %mul3A_1012 = arith.muli %scan3A_675, %mul3A_1011 : i32
        %add3A_1013 = arith.constant 1 : i32
        %add3A_1014 = arith.addi %mul3A_1012, %add3A_1013 : i32
        %get3A_1015 = arith.constant 1 : i32
        %get3A_1016 = arith.index_cast %get3A_1015 : i32 to index
        %get3A_1017 = arith.index_cast %add3A_1014 : i32 to index
        %get3A_1018 = arith.constant 112 : index
        %get3A_1019 = tpu.vector_load %arg14[%get3A_1016, %get3A_1017, %get3A_1018] {strides = array<i32>} : memref<2x100x128xf32, #tpu.memory_space<vmem>>, vector<16xf32>,
        %mul3A_1020 = arith.constant 4 : i32
        %mul3A_1021 = arith.muli %scan3A_675, %mul3A_1020 : i32
        %add3A_1022 = arith.constant 2 : i32
        %add3A_1023 = arith.addi %mul3A_1021, %add3A_1022 : i32
        %get3A_1024 = arith.constant 1 : i32
        %get3A_1025 = arith.index_cast %get3A_1024 : i32 to index
        %get3A_1026 = arith.index_cast %add3A_1023 : i32 to index
        %get3A_1027 = arith.constant 112 : index
        %get3A_1028 = tpu.vector_load %arg14[%get3A_1025, %get3A_1026, %get3A_1027] {strides = array<i32>} : memref<2x100x128xf32, #tpu.memory_space<vmem>>, vector<16xf32>,
        %mul3A_1029 = arith.constant 4 : i32
        %mul3A_1030 = arith.muli %scan3A_675, %mul3A_1029 : i32
        %add3A_1031 = arith.constant 3 : i32
        %add3A_1032 = arith.addi %mul3A_1030, %add3A_1031 : i32
        %get3A_1033 = arith.constant 1 : i32
        %get3A_1034 = arith.index_cast %get3A_1033 : i32 to index
        %get3A_1035 = arith.index_cast %add3A_1032 : i32 to index
        %get3A_1036 = arith.constant 112 : index
        %get3A_1037 = tpu.vector_load %arg14[%get3A_1034, %get3A_1035, %get3A_1036] {strides = array<i32>} : memref<2x100x128xf32, #tpu.memory_space<vmem>>, vector<16xf32>,
        %mul3A_1038 = arith.mulf %get3A_974, %gather3A : vector<16xf32>
        %mul3A_1039 = arith.mulf %get3A_983, %gather3A_689 : vector<16xf32>
        %add3A_1040 = arith.addf %mul3A_1038, %mul3A_1039 : vector<16xf32>
        %mul3A_1041 = arith.mulf %get3A_992, %gather3A_697 : vector<16xf32>
        %mul3A_1042 = arith.mulf %get3A_1001, %gather3A_705 : vector<16xf32>
        %add3A_1043 = arith.addf %mul3A_1041, %mul3A_1042 : vector<16xf32>
        %add3A_1044 = arith.addf %add3A_1040, %add3A_1043 : vector<16xf32>
        %mul3A_1045 = arith.mulf %get3A_1010, %gather3A : vector<16xf32>
        %mul3A_1046 = arith.mulf %get3A_1019, %gather3A_689 : vector<16xf32>
        %add3A_1047 = arith.addf %mul3A_1045, %mul3A_1046 : vector<16xf32>
        %mul3A_1048 = arith.mulf %get3A_1028, %gather3A_697 : vector<16xf32>
        %mul3A_1049 = arith.mulf %get3A_1037, %gather3A_705 : vector<16xf32>
        %add3A_1050 = arith.addf %mul3A_1048, %mul3A_1049 : vector<16xf32>
        %add3A_1051 = arith.addf %add3A_1047, %add3A_1050 : vector<16xf32>
        tpu.vector_store_idx %arg16[%add3A_542, %broadcast_in_dim3A_708], %add3A_1044 : memref<128x49xf32, #tpu.memory_space<vmem>>[vector<16xi32>, vector<16xi32>], vector<16xf32>,
        tpu.vector_store_idx %arg16[%add3A_546, %broadcast_in_dim3A_708], %add3A_1051 : memref<128x49xf32, #tpu.memory_space<vmem>>[vector<16xi32>, vector<16xi32>], vector<16xf32>,
      }
      %scan3A_558 = arith.constant 24 : i32
      %add3A_559 = arith.addi %min3A_3, %add3A_434 : i32
      %dma_start3A_560 = arith.constant 0 : i32
      %dma_start3A_561 = arith.constant 0 : i32
      %dma_start3A_562 = tpu.memref_slice %arg5[%add3A_559, %dma_start3A_560, %dma_start3A_561] : memref<5000x128x49xf32, #tpu.memory_space<hbm>> -> memref<1x128x49xf32, #tpu.memory_space<hbm>>
      %dma_start3A_563 = tpu.memref_squeeze %dma_start3A_562 : memref<1x128x49xf32, #tpu.memory_space<hbm>> -> memref<128x49xf32, #tpu.memory_space<hbm>>
      %dma_start3A_564 = arith.constant 0 : i32
      %dma_start3A_565 = arith.constant 0 : i32
      %dma_start3A_566 = tpu.memref_slice %arg5[%add3A_559, %dma_start3A_564, %dma_start3A_565] : memref<5000x128x49xf32, #tpu.memory_space<hbm>> -> memref<1x128x49xf32, #tpu.memory_space<hbm>>
      %dma_start3A_567 = tpu.memref_squeeze %dma_start3A_566 : memref<1x128x49xf32, #tpu.memory_space<hbm>> -> memref<128x49xf32, #tpu.memory_space<hbm>>
      tpu.enqueue_dma source(%arg16 : memref<128x49xf32, #tpu.memory_space<vmem>>) target(%dma_start3A_567 : memref<128x49xf32, #tpu.memory_space<hbm>>) target_semaphore(%arg24 : memref<!tpu.dma_semaphore, #tpu.memory_space<semaphore_mem>>)
      %lt3A_568 = arith.constant 39 : i32
      %lt3A_569 = arith.cmpi slt, %scan3A_161, %lt3A_568 : i32
      %convert_element_type3A_570 = arith.extui %lt3A_569 : i1 to i32
      %cond3A_571 = arith.constant 0 : i32
      %cond3A_572 = arith.cmpi ne, %convert_element_type3A_570, %cond3A_571 : i32
      scf.if %cond3A_572 {
        %add3A_675 = arith.constant 4 : i32
        %add3A_676 = arith.addi %add3A_434, %add3A_675 : i32
        %add3A_677 = arith.addi %min3A_3, %add3A_676 : i32
        %dma_start3A_678 = arith.constant 0 : i32
        %dma_start3A_679 = arith.constant 0 : i32
        %dma_start3A_680 = tpu.memref_slice %arg3[%add3A_677, %dma_start3A_678, %dma_start3A_679] : memref<5000x2x100xi32, #tpu.memory_space<hbm>> -> memref<1x2x100xi32, #tpu.memory_space<hbm>>
        %dma_start3A_681 = tpu.memref_squeeze %dma_start3A_680 : memref<1x2x100xi32, #tpu.memory_space<hbm>> -> memref<2x100xi32, #tpu.memory_space<hbm>>
        %dma_start3A_682 = arith.constant 0 : i32
        %dma_start3A_683 = arith.constant 0 : i32
        %dma_start3A_684 = tpu.memref_slice %arg3[%add3A_677, %dma_start3A_682, %dma_start3A_683] : memref<5000x2x100xi32, #tpu.memory_space<hbm>> -> memref<1x2x100xi32, #tpu.memory_space<hbm>>
        %dma_start3A_685 = tpu.memref_squeeze %dma_start3A_684 : memref<1x2x100xi32, #tpu.memory_space<hbm>> -> memref<2x100xi32, #tpu.memory_space<hbm>>
        tpu.enqueue_dma source(%dma_start3A_685 : memref<2x100xi32, #tpu.memory_space<hbm>>) target(%arg8 : memref<2x100xi32, #tpu.memory_space<vmem>>) target_semaphore(%arg20 : memref<!tpu.dma_semaphore, #tpu.memory_space<semaphore_mem>>)
        %add3A_686 = arith.addi %min3A_3, %add3A_676 : i32
        %dma_start3A_687 = arith.constant 0 : i32
        %dma_start3A_688 = tpu.memref_slice %arg12[%dma_start3A_687] : memref<216xf32, #tpu.memory_space<vmem>> -> memref<200xf32, #tpu.memory_space<vmem>>
        %dma_start3A_689 = arith.constant 0 : i32
        %dma_start3A_690 = tpu.memref_slice %arg4[%add3A_686, %dma_start3A_689] : memref<5000x200xf32, #tpu.memory_space<hbm>> -> memref<1x200xf32, #tpu.memory_space<hbm>>
        %dma_start3A_691 = tpu.memref_squeeze %dma_start3A_690 : memref<1x200xf32, #tpu.memory_space<hbm>> -> memref<200xf32, #tpu.memory_space<hbm>>
        %dma_start3A_692 = arith.constant 0 : i32
        %dma_start3A_693 = tpu.memref_slice %arg12[%dma_start3A_692] : memref<216xf32, #tpu.memory_space<vmem>> -> memref<200xf32, #tpu.memory_space<vmem>>
        %dma_start3A_694 = arith.constant 0 : i32
        %dma_start3A_695 = tpu.memref_slice %arg4[%add3A_686, %dma_start3A_694] : memref<5000x200xf32, #tpu.memory_space<hbm>> -> memref<1x200xf32, #tpu.memory_space<hbm>>
        %dma_start3A_696 = tpu.memref_squeeze %dma_start3A_695 : memref<1x200xf32, #tpu.memory_space<hbm>> -> memref<200xf32, #tpu.memory_space<hbm>>
        tpu.enqueue_dma source(%dma_start3A_696 : memref<200xf32, #tpu.memory_space<hbm>>) target(%dma_start3A_693 : memref<200xf32, #tpu.memory_space<vmem>>) target_semaphore(%arg20 : memref<!tpu.dma_semaphore, #tpu.memory_space<semaphore_mem>>)
      } else {
      }
      %mul3A_573 = arith.constant 4 : i32
      %mul3A_574 = arith.muli %mul3A_573, %scan3A_161 : i32
      %add3A_575 = arith.constant 3 : i32
      %add3A_576 = arith.addi %mul3A_574, %add3A_575 : i32
      %dma_wait3A_577 = arith.constant 0 : i32
      %dma_wait3A_578 = arith.constant 0 : i32
      %dma_wait3A_579 = arith.constant 0 : i32
      %dma_wait3A_580 = arith.constant 0 : i32
      %dma_wait3A_581 = tpu.memref_slice %arg15[%dma_wait3A_578, %dma_wait3A_579, %dma_wait3A_580] : memref<2x100x128xf32, #tpu.memory_space<vmem>> -> memref<1x100x128xf32, #tpu.memory_space<vmem>>
      %dma_wait3A_582 = tpu.memref_squeeze %dma_wait3A_581 : memref<1x100x128xf32, #tpu.memory_space<vmem>> -> memref<100x128xf32, #tpu.memory_space<vmem>>
      %dma_wait3A_583 = arith.constant 0 : i32
      %dma_wait3A_584 = tpu.memref_slice %arg9[%dma_wait3A_577, %dma_wait3A_583] : memref<2x100xi32, #tpu.memory_space<vmem>> -> memref<1x100xi32, #tpu.memory_space<vmem>>
      %dma_wait3A_585 = tpu.memref_squeeze %dma_wait3A_584 : memref<1x100xi32, #tpu.memory_space<vmem>> -> memref<100xi32, #tpu.memory_space<vmem>>
      %dma_wait3A_586 = arith.constant 0 : i32
      %dma_wait3A_587 = arith.constant 0 : i32
      %dma_wait3A_588 = tpu.memref_slice %arg2[%dma_wait3A_586, %dma_wait3A_587] : memref<217600x128xf32, #tpu.memory_space<hbm>> -> memref<217600x128xf32, #tpu.memory_space<hbm>>
      tpu.wait_indirect_dma semaphore(%arg23 : memref<!tpu.dma_semaphore, #tpu.memory_space<semaphore_mem>>) src(%dma_wait3A_588 : memref<217600x128xf32, #tpu.memory_space<hbm>>) dst(%dma_wait3A_582 : memref<100x128xf32, #tpu.memory_space<vmem>>)
      %dma_wait3A_589 = arith.constant 1 : i32
      %dma_wait3A_590 = arith.constant 1 : i32
      %dma_wait3A_591 = arith.constant 0 : i32
      %dma_wait3A_592 = arith.constant 0 : i32
      %dma_wait3A_593 = tpu.memref_slice %arg15[%dma_wait3A_590, %dma_wait3A_591, %dma_wait3A_592] : memref<2x100x128xf32, #tpu.memory_space<vmem>> -> memref<1x100x128xf32, #tpu.memory_space<vmem>>
      %dma_wait3A_594 = tpu.memref_squeeze %dma_wait3A_593 : memref<1x100x128xf32, #tpu.memory_space<vmem>> -> memref<100x128xf32, #tpu.memory_space<vmem>>
      %dma_wait3A_595 = arith.constant 0 : i32
      %dma_wait3A_596 = tpu.memref_slice %arg9[%dma_wait3A_589, %dma_wait3A_595] : memref<2x100xi32, #tpu.memory_space<vmem>> -> memref<1x100xi32, #tpu.memory_space<vmem>>
      %dma_wait3A_597 = tpu.memref_squeeze %dma_wait3A_596 : memref<1x100xi32, #tpu.memory_space<vmem>> -> memref<100xi32, #tpu.memory_space<vmem>>
      %dma_wait3A_598 = arith.constant 0 : i32
      %dma_wait3A_599 = arith.constant 0 : i32
      %dma_wait3A_600 = tpu.memref_slice %arg2[%dma_wait3A_598, %dma_wait3A_599] : memref<217600x128xf32, #tpu.memory_space<hbm>> -> memref<217600x128xf32, #tpu.memory_space<hbm>>
      tpu.wait_indirect_dma semaphore(%arg23 : memref<!tpu.dma_semaphore, #tpu.memory_space<semaphore_mem>>) src(%dma_wait3A_600 : memref<217600x128xf32, #tpu.memory_space<hbm>>) dst(%dma_wait3A_594 : memref<100x128xf32, #tpu.memory_space<vmem>>)
      %lt3A_601 = arith.constant 39 : i32
      %lt3A_602 = arith.cmpi slt, %scan3A_161, %lt3A_601 : i32
      %convert_element_type3A_603 = arith.extui %lt3A_602 : i1 to i32
      %cond3A_604 = arith.constant 0 : i32
      %cond3A_605 = arith.cmpi ne, %convert_element_type3A_603, %cond3A_604 : i32
      scf.if %cond3A_605 {
        %add3A_675 = arith.constant 1 : i32
        %add3A_676 = arith.addi %add3A_576, %add3A_675 : i32
        %add3A_677 = arith.addi %min3A_3, %add3A_676 : i32
        %dma_wait3A_678 = arith.constant 0 : i32
        %dma_wait3A_679 = arith.constant 0 : i32
        %dma_wait3A_680 = tpu.memref_slice %arg3[%add3A_677, %dma_wait3A_678, %dma_wait3A_679] : memref<5000x2x100xi32, #tpu.memory_space<hbm>> -> memref<1x2x100xi32, #tpu.memory_space<hbm>>
        %dma_wait3A_681 = tpu.memref_squeeze %dma_wait3A_680 : memref<1x2x100xi32, #tpu.memory_space<hbm>> -> memref<2x100xi32, #tpu.memory_space<hbm>>
        %dma_wait3A_682 = arith.constant 0 : i32
        %dma_wait3A_683 = arith.constant 0 : i32
        %dma_wait3A_684 = tpu.memref_slice %arg3[%add3A_677, %dma_wait3A_682, %dma_wait3A_683] : memref<5000x2x100xi32, #tpu.memory_space<hbm>> -> memref<1x2x100xi32, #tpu.memory_space<hbm>>
        %dma_wait3A_685 = tpu.memref_squeeze %dma_wait3A_684 : memref<1x2x100xi32, #tpu.memory_space<hbm>> -> memref<2x100xi32, #tpu.memory_space<hbm>>
        tpu.wait_dma2 semaphore(%arg18 : memref<!tpu.dma_semaphore, #tpu.memory_space<semaphore_mem>>) src(%dma_wait3A_685 : memref<2x100xi32, #tpu.memory_space<hbm>>) dst(%arg6 : memref<2x100xi32, #tpu.memory_space<vmem>>)
        %add3A_686 = arith.addi %min3A_3, %add3A_676 : i32
        %dma_wait3A_687 = arith.constant 0 : i32
        %dma_wait3A_688 = tpu.memref_slice %arg10[%dma_wait3A_687] : memref<216xf32, #tpu.memory_space<vmem>> -> memref<200xf32, #tpu.memory_space<vmem>>
        %dma_wait3A_689 = arith.constant 0 : i32
        %dma_wait3A_690 = tpu.memref_slice %arg4[%add3A_686, %dma_wait3A_689] : memref<5000x200xf32, #tpu.memory_space<hbm>> -> memref<1x200xf32, #tpu.memory_space<hbm>>
        %dma_wait3A_691 = tpu.memref_squeeze %dma_wait3A_690 : memref<1x200xf32, #tpu.memory_space<hbm>> -> memref<200xf32, #tpu.memory_space<hbm>>
        %dma_wait3A_692 = arith.constant 0 : i32
        %dma_wait3A_693 = tpu.memref_slice %arg10[%dma_wait3A_692] : memref<216xf32, #tpu.memory_space<vmem>> -> memref<200xf32, #tpu.memory_space<vmem>>
        %dma_wait3A_694 = arith.constant 0 : i32
        %dma_wait3A_695 = tpu.memref_slice %arg4[%add3A_686, %dma_wait3A_694] : memref<5000x200xf32, #tpu.memory_space<hbm>> -> memref<1x200xf32, #tpu.memory_space<hbm>>
        %dma_wait3A_696 = tpu.memref_squeeze %dma_wait3A_695 : memref<1x200xf32, #tpu.memory_space<hbm>> -> memref<200xf32, #tpu.memory_space<hbm>>
        tpu.wait_dma2 semaphore(%arg18 : memref<!tpu.dma_semaphore, #tpu.memory_space<semaphore_mem>>) src(%dma_wait3A_696 : memref<200xf32, #tpu.memory_space<hbm>>) dst(%dma_wait3A_693 : memref<200xf32, #tpu.memory_space<vmem>>)
        %dma_start3A_697 = arith.constant 0 : i32
        %dma_start3A_698 = arith.constant 0 : i32
        %dma_start3A_699 = arith.constant 0 : i32
        %dma_start3A_700 = arith.constant 0 : i32
        %dma_start3A_701 = tpu.memref_slice %arg14[%dma_start3A_698, %dma_start3A_699, %dma_start3A_700] : memref<2x100x128xf32, #tpu.memory_space<vmem>> -> memref<1x100x128xf32, #tpu.memory_space<vmem>>
        %dma_start3A_702 = tpu.memref_squeeze %dma_start3A_701 : memref<1x100x128xf32, #tpu.memory_space<vmem>> -> memref<100x128xf32, #tpu.memory_space<vmem>>
        %dma_start3A_703 = arith.constant 0 : i32
        %dma_start3A_704 = tpu.memref_slice %arg6[%dma_start3A_697, %dma_start3A_703] : memref<2x100xi32, #tpu.memory_space<vmem>> -> memref<1x100xi32, #tpu.memory_space<vmem>>
        %dma_start3A_705 = tpu.memref_squeeze %dma_start3A_704 : memref<1x100xi32, #tpu.memory_space<vmem>> -> memref<100xi32, #tpu.memory_space<vmem>>
        %dma_start3A_706 = arith.constant 0 : i32
        %dma_start3A_707 = arith.constant 0 : i32
        %dma_start3A_708 = tpu.memref_slice %arg2[%dma_start3A_706, %dma_start3A_707] : memref<217600x128xf32, #tpu.memory_space<hbm>> -> memref<217600x128xf32, #tpu.memory_space<hbm>>
        tpu.enqueue_indirect_dma source(%dma_start3A_708 : memref<217600x128xf32, #tpu.memory_space<hbm>>) target(%dma_start3A_702 : memref<100x128xf32, #tpu.memory_space<vmem>>) offsets(%dma_start3A_705 : memref<100xi32, #tpu.memory_space<vmem>>) semaphore(%arg22 : memref<!tpu.dma_semaphore, #tpu.memory_space<semaphore_mem>>)
        %dma_start3A_709 = arith.constant 1 : i32
        %dma_start3A_710 = arith.constant 1 : i32
        %dma_start3A_711 = arith.constant 0 : i32
        %dma_start3A_712 = arith.constant 0 : i32
        %dma_start3A_713 = tpu.memref_slice %arg14[%dma_start3A_710, %dma_start3A_711, %dma_start3A_712] : memref<2x100x128xf32, #tpu.memory_space<vmem>> -> memref<1x100x128xf32, #tpu.memory_space<vmem>>
        %dma_start3A_714 = tpu.memref_squeeze %dma_start3A_713 : memref<1x100x128xf32, #tpu.memory_space<vmem>> -> memref<100x128xf32, #tpu.memory_space<vmem>>
        %dma_start3A_715 = arith.constant 0 : i32
        %dma_start3A_716 = tpu.memref_slice %arg6[%dma_start3A_709, %dma_start3A_715] : memref<2x100xi32, #tpu.memory_space<vmem>> -> memref<1x100xi32, #tpu.memory_space<vmem>>
        %dma_start3A_717 = tpu.memref_squeeze %dma_start3A_716 : memref<1x100xi32, #tpu.memory_space<vmem>> -> memref<100xi32, #tpu.memory_space<vmem>>
        %dma_start3A_718 = arith.constant 0 : i32
        %dma_start3A_719 = arith.constant 0 : i32
        %dma_start3A_720 = tpu.memref_slice %arg2[%dma_start3A_718, %dma_start3A_719] : memref<217600x128xf32, #tpu.memory_space<hbm>> -> memref<217600x128xf32, #tpu.memory_space<hbm>>
        tpu.enqueue_indirect_dma source(%dma_start3A_720 : memref<217600x128xf32, #tpu.memory_space<hbm>>) target(%dma_start3A_714 : memref<100x128xf32, #tpu.memory_space<vmem>>) offsets(%dma_start3A_717 : memref<100xi32, #tpu.memory_space<vmem>>) semaphore(%arg22 : memref<!tpu.dma_semaphore, #tpu.memory_space<semaphore_mem>>)
      } else {
      }
      %sub3A_606 = arith.constant 2 : i32
      %sub3A_607 = arith.subi %add3A_576, %sub3A_606 : i32
      %add3A_608 = arith.addi %min3A_3, %sub3A_607 : i32
      %dma_wait3A_609 = arith.constant 0 : i32
      %dma_wait3A_610 = arith.constant 0 : i32
      %dma_wait3A_611 = tpu.memref_slice %arg5[%add3A_608, %dma_wait3A_609, %dma_wait3A_610] : memref<5000x128x49xf32, #tpu.memory_space<hbm>> -> memref<1x128x49xf32, #tpu.memory_space<hbm>>
      %dma_wait3A_612 = tpu.memref_squeeze %dma_wait3A_611 : memref<1x128x49xf32, #tpu.memory_space<hbm>> -> memref<128x49xf32, #tpu.memory_space<hbm>>
      %dma_wait3A_613 = arith.constant 0 : i32
      %dma_wait3A_614 = arith.constant 0 : i32
      %dma_wait3A_615 = tpu.memref_slice %arg5[%add3A_608, %dma_wait3A_613, %dma_wait3A_614] : memref<5000x128x49xf32, #tpu.memory_space<hbm>> -> memref<1x128x49xf32, #tpu.memory_space<hbm>>
      %dma_wait3A_616 = tpu.memref_squeeze %dma_wait3A_615 : memref<1x128x49xf32, #tpu.memory_space<hbm>> -> memref<128x49xf32, #tpu.memory_space<hbm>>
      tpu.wait_dma2 semaphore(%arg25 : memref<!tpu.dma_semaphore, #tpu.memory_space<semaphore_mem>>) src(%arg17 : memref<128x49xf32, #tpu.memory_space<vmem>>) dst(%dma_wait3A_616 : memref<128x49xf32, #tpu.memory_space<hbm>>)
      %iota3A_617 = tpu.iota {dimensions = array<i32: 0>} : vector<16xi32>
      %add3A_618 = arith.constant 0 : i32
      %add3A_619 = vector.broadcast %add3A_618 : i32 to vector<16xi32>
      %add3A_620 = arith.addi %iota3A_617, %add3A_619 : vector<16xi32>
      %iota3A_621 = tpu.iota {dimensions = array<i32: 0>} : vector<16xi32>
      %add3A_622 = arith.constant 16 : i32
      %add3A_623 = vector.broadcast %add3A_622 : i32 to vector<16xi32>
      %add3A_624 = arith.addi %iota3A_621, %add3A_623 : vector<16xi32>
      %iota3A_625 = tpu.iota {dimensions = array<i32: 0>} : vector<16xi32>
      %add3A_626 = arith.constant 32 : i32
      %add3A_627 = vector.broadcast %add3A_626 : i32 to vector<16xi32>
      %add3A_628 = arith.addi %iota3A_625, %add3A_627 : vector<16xi32>
      %iota3A_629 = tpu.iota {dimensions = array<i32: 0>} : vector<16xi32>
      %add3A_630 = arith.constant 48 : i32
      %add3A_631 = vector.broadcast %add3A_630 : i32 to vector<16xi32>
      %add3A_632 = arith.addi %iota3A_629, %add3A_631 : vector<16xi32>
      %iota3A_633 = tpu.iota {dimensions = array<i32: 0>} : vector<16xi32>
      %add3A_634 = arith.constant 64 : i32
      %add3A_635 = vector.broadcast %add3A_634 : i32 to vector<16xi32>
      %add3A_636 = arith.addi %iota3A_633, %add3A_635 : vector<16xi32>
      %iota3A_637 = tpu.iota {dimensions = array<i32: 0>} : vector<16xi32>
      %add3A_638 = arith.constant 80 : i32
      %add3A_639 = vector.broadcast %add3A_638 : i32 to vector<16xi32>
      %add3A_640 = arith.addi %iota3A_637, %add3A_639 : vector<16xi32>
      %iota3A_641 = tpu.iota {dimensions = array<i32: 0>} : vector<16xi32>
      %add3A_642 = arith.constant 96 : i32
      %add3A_643 = vector.broadcast %add3A_642 : i32 to vector<16xi32>
      %add3A_644 = arith.addi %iota3A_641, %add3A_643 : vector<16xi32>
      %iota3A_645 = tpu.iota {dimensions = array<i32: 0>} : vector<16xi32>
      %add3A_646 = arith.constant 112 : i32
      %add3A_647 = vector.broadcast %add3A_646 : i32 to vector<16xi32>
      %add3A_648 = arith.addi %iota3A_645, %add3A_647 : vector<16xi32>
      %scan3A_649 = arith.constant 0 : i32
      %scan3A_650 = arith.constant 0 : i32
      %scan3A_651 = arith.constant 25 : i32
      %scan3A_652 = arith.addi %scan3A_650, %scan3A_651 : i32
      %scan3A_653 = arith.constant 1 : i32
      scf.for %scan3A_675 = %scan3A_650 to %scan3A_652 step %scan3A_653  : i32 {
        %mul3A_676 = arith.constant 4 : i32
        %mul3A_677 = arith.muli %scan3A_675, %mul3A_676 : i32
        %add3A_678 = arith.constant 0 : i32
        %add3A_679 = arith.addi %add3A_678, %mul3A_677 : i32
        %add3A_680 = arith.constant 0 : i32
        %add3A_681 = arith.addi %add3A_679, %add3A_680 : i32
        %broadcast_in_dim3A = vector.broadcast %add3A_681 : i32 to vector<16xi32>
        %gather3A = tpu.vector_load_idx %arg13[%broadcast_in_dim3A] : memref<216xf32, #tpu.memory_space<vmem>>[vector<16xi32>], vector<16xf32>,
        %mul3A_682 = arith.constant 4 : i32
        %mul3A_683 = arith.muli %scan3A_675, %mul3A_682 : i32
        %add3A_684 = arith.constant 0 : i32
        %add3A_685 = arith.addi %add3A_684, %mul3A_683 : i32
        %add3A_686 = arith.constant 1 : i32
        %add3A_687 = arith.addi %add3A_685, %add3A_686 : i32
        %broadcast_in_dim3A_688 = vector.broadcast %add3A_687 : i32 to vector<16xi32>
        %gather3A_689 = tpu.vector_load_idx %arg13[%broadcast_in_dim3A_688] : memref<216xf32, #tpu.memory_space<vmem>>[vector<16xi32>], vector<16xf32>,
        %mul3A_690 = arith.constant 4 : i32
        %mul3A_691 = arith.muli %scan3A_675, %mul3A_690 : i32
        %add3A_692 = arith.constant 0 : i32
        %add3A_693 = arith.addi %add3A_692, %mul3A_691 : i32
        %add3A_694 = arith.constant 2 : i32
        %add3A_695 = arith.addi %add3A_693, %add3A_694 : i32
        %broadcast_in_dim3A_696 = vector.broadcast %add3A_695 : i32 to vector<16xi32>
        %gather3A_697 = tpu.vector_load_idx %arg13[%broadcast_in_dim3A_696] : memref<216xf32, #tpu.memory_space<vmem>>[vector<16xi32>], vector<16xf32>,
        %mul3A_698 = arith.constant 4 : i32
        %mul3A_699 = arith.muli %scan3A_675, %mul3A_698 : i32
        %add3A_700 = arith.constant 0 : i32
        %add3A_701 = arith.addi %add3A_700, %mul3A_699 : i32
        %add3A_702 = arith.constant 3 : i32
        %add3A_703 = arith.addi %add3A_701, %add3A_702 : i32
        %broadcast_in_dim3A_704 = vector.broadcast %add3A_703 : i32 to vector<16xi32>
        %gather3A_705 = tpu.vector_load_idx %arg13[%broadcast_in_dim3A_704] : memref<216xf32, #tpu.memory_space<vmem>>[vector<16xi32>], vector<16xf32>,
        %add3A_706 = arith.constant 0 : i32
        %add3A_707 = arith.addi %add3A_706, %scan3A_675 : i32
        %broadcast_in_dim3A_708 = vector.broadcast %add3A_707 : i32 to vector<16xi32>
        %mul3A_709 = arith.constant 4 : i32
        %mul3A_710 = arith.muli %scan3A_675, %mul3A_709 : i32
        %add3A_711 = arith.constant 0 : i32
        %add3A_712 = arith.addi %mul3A_710, %add3A_711 : i32
        %get3A = arith.constant 0 : i32
        %get3A_713 = arith.index_cast %get3A : i32 to index
        %get3A_714 = arith.index_cast %add3A_712 : i32 to index
        %get3A_715 = arith.constant 0 : index
        %get3A_716 = tpu.vector_load %arg15[%get3A_713, %get3A_714, %get3A_715] {strides = array<i32>} : memref<2x100x128xf32, #tpu.memory_space<vmem>>, vector<16xf32>,
        %mul3A_717 = arith.constant 4 : i32
        %mul3A_718 = arith.muli %scan3A_675, %mul3A_717 : i32
        %add3A_719 = arith.constant 1 : i32
        %add3A_720 = arith.addi %mul3A_718, %add3A_719 : i32
        %get3A_721 = arith.constant 0 : i32
        %get3A_722 = arith.index_cast %get3A_721 : i32 to index
        %get3A_723 = arith.index_cast %add3A_720 : i32 to index
        %get3A_724 = arith.constant 0 : index
        %get3A_725 = tpu.vector_load %arg15[%get3A_722, %get3A_723, %get3A_724] {strides = array<i32>} : memref<2x100x128xf32, #tpu.memory_space<vmem>>, vector<16xf32>,
        %mul3A_726 = arith.constant 4 : i32
        %mul3A_727 = arith.muli %scan3A_675, %mul3A_726 : i32
        %add3A_728 = arith.constant 2 : i32
        %add3A_729 = arith.addi %mul3A_727, %add3A_728 : i32
        %get3A_730 = arith.constant 0 : i32
        %get3A_731 = arith.index_cast %get3A_730 : i32 to index
        %get3A_732 = arith.index_cast %add3A_729 : i32 to index
        %get3A_733 = arith.constant 0 : index
        %get3A_734 = tpu.vector_load %arg15[%get3A_731, %get3A_732, %get3A_733] {strides = array<i32>} : memref<2x100x128xf32, #tpu.memory_space<vmem>>, vector<16xf32>,
        %mul3A_735 = arith.constant 4 : i32
        %mul3A_736 = arith.muli %scan3A_675, %mul3A_735 : i32
        %add3A_737 = arith.constant 3 : i32
        %add3A_738 = arith.addi %mul3A_736, %add3A_737 : i32
        %get3A_739 = arith.constant 0 : i32
        %get3A_740 = arith.index_cast %get3A_739 : i32 to index
        %get3A_741 = arith.index_cast %add3A_738 : i32 to index
        %get3A_742 = arith.constant 0 : index
        %get3A_743 = tpu.vector_load %arg15[%get3A_740, %get3A_741, %get3A_742] {strides = array<i32>} : memref<2x100x128xf32, #tpu.memory_space<vmem>>, vector<16xf32>,
        %mul3A_744 = arith.constant 4 : i32
        %mul3A_745 = arith.muli %scan3A_675, %mul3A_744 : i32
        %add3A_746 = arith.constant 0 : i32
        %add3A_747 = arith.addi %mul3A_745, %add3A_746 : i32
        %get3A_748 = arith.constant 0 : i32
        %get3A_749 = arith.index_cast %get3A_748 : i32 to index
        %get3A_750 = arith.index_cast %add3A_747 : i32 to index
        %get3A_751 = arith.constant 16 : index
        %get3A_752 = tpu.vector_load %arg15[%get3A_749, %get3A_750, %get3A_751] {strides = array<i32>} : memref<2x100x128xf32, #tpu.memory_space<vmem>>, vector<16xf32>,
        %mul3A_753 = arith.constant 4 : i32
        %mul3A_754 = arith.muli %scan3A_675, %mul3A_753 : i32
        %add3A_755 = arith.constant 1 : i32
        %add3A_756 = arith.addi %mul3A_754, %add3A_755 : i32
        %get3A_757 = arith.constant 0 : i32
        %get3A_758 = arith.index_cast %get3A_757 : i32 to index
        %get3A_759 = arith.index_cast %add3A_756 : i32 to index
        %get3A_760 = arith.constant 16 : index
        %get3A_761 = tpu.vector_load %arg15[%get3A_758, %get3A_759, %get3A_760] {strides = array<i32>} : memref<2x100x128xf32, #tpu.memory_space<vmem>>, vector<16xf32>,
        %mul3A_762 = arith.constant 4 : i32
        %mul3A_763 = arith.muli %scan3A_675, %mul3A_762 : i32
        %add3A_764 = arith.constant 2 : i32
        %add3A_765 = arith.addi %mul3A_763, %add3A_764 : i32
        %get3A_766 = arith.constant 0 : i32
        %get3A_767 = arith.index_cast %get3A_766 : i32 to index
        %get3A_768 = arith.index_cast %add3A_765 : i32 to index
        %get3A_769 = arith.constant 16 : index
        %get3A_770 = tpu.vector_load %arg15[%get3A_767, %get3A_768, %get3A_769] {strides = array<i32>} : memref<2x100x128xf32, #tpu.memory_space<vmem>>, vector<16xf32>,
        %mul3A_771 = arith.constant 4 : i32
        %mul3A_772 = arith.muli %scan3A_675, %mul3A_771 : i32
        %add3A_773 = arith.constant 3 : i32
        %add3A_774 = arith.addi %mul3A_772, %add3A_773 : i32
        %get3A_775 = arith.constant 0 : i32
        %get3A_776 = arith.index_cast %get3A_775 : i32 to index
        %get3A_777 = arith.index_cast %add3A_774 : i32 to index
        %get3A_778 = arith.constant 16 : index
        %get3A_779 = tpu.vector_load %arg15[%get3A_776, %get3A_777, %get3A_778] {strides = array<i32>} : memref<2x100x128xf32, #tpu.memory_space<vmem>>, vector<16xf32>,
        %mul3A_780 = arith.mulf %get3A_716, %gather3A : vector<16xf32>
        %mul3A_781 = arith.mulf %get3A_725, %gather3A_689 : vector<16xf32>
        %add3A_782 = arith.addf %mul3A_780, %mul3A_781 : vector<16xf32>
        %mul3A_783 = arith.mulf %get3A_734, %gather3A_697 : vector<16xf32>
        %mul3A_784 = arith.mulf %get3A_743, %gather3A_705 : vector<16xf32>
        %add3A_785 = arith.addf %mul3A_783, %mul3A_784 : vector<16xf32>
        %add3A_786 = arith.addf %add3A_782, %add3A_785 : vector<16xf32>
        %mul3A_787 = arith.mulf %get3A_752, %gather3A : vector<16xf32>
        %mul3A_788 = arith.mulf %get3A_761, %gather3A_689 : vector<16xf32>
        %add3A_789 = arith.addf %mul3A_787, %mul3A_788 : vector<16xf32>
        %mul3A_790 = arith.mulf %get3A_770, %gather3A_697 : vector<16xf32>
        %mul3A_791 = arith.mulf %get3A_779, %gather3A_705 : vector<16xf32>
        %add3A_792 = arith.addf %mul3A_790, %mul3A_791 : vector<16xf32>
        %add3A_793 = arith.addf %add3A_789, %add3A_792 : vector<16xf32>
        tpu.vector_store_idx %arg17[%add3A_620, %broadcast_in_dim3A_708], %add3A_786 : memref<128x49xf32, #tpu.memory_space<vmem>>[vector<16xi32>, vector<16xi32>], vector<16xf32>,
        tpu.vector_store_idx %arg17[%add3A_624, %broadcast_in_dim3A_708], %add3A_793 : memref<128x49xf32, #tpu.memory_space<vmem>>[vector<16xi32>, vector<16xi32>], vector<16xf32>,
        %mul3A_794 = arith.constant 4 : i32
        %mul3A_795 = arith.muli %scan3A_675, %mul3A_794 : i32
        %add3A_796 = arith.constant 0 : i32
        %add3A_797 = arith.addi %mul3A_795, %add3A_796 : i32
        %get3A_798 = arith.constant 0 : i32
        %get3A_799 = arith.index_cast %get3A_798 : i32 to index
        %get3A_800 = arith.index_cast %add3A_797 : i32 to index
        %get3A_801 = arith.constant 32 : index
        %get3A_802 = tpu.vector_load %arg15[%get3A_799, %get3A_800, %get3A_801] {strides = array<i32>} : memref<2x100x128xf32, #tpu.memory_space<vmem>>, vector<16xf32>,
        %mul3A_803 = arith.constant 4 : i32
        %mul3A_804 = arith.muli %scan3A_675, %mul3A_803 : i32
        %add3A_805 = arith.constant 1 : i32
        %add3A_806 = arith.addi %mul3A_804, %add3A_805 : i32
        %get3A_807 = arith.constant 0 : i32
        %get3A_808 = arith.index_cast %get3A_807 : i32 to index
        %get3A_809 = arith.index_cast %add3A_806 : i32 to index
        %get3A_810 = arith.constant 32 : index
        %get3A_811 = tpu.vector_load %arg15[%get3A_808, %get3A_809, %get3A_810] {strides = array<i32>} : memref<2x100x128xf32, #tpu.memory_space<vmem>>, vector<16xf32>,
        %mul3A_812 = arith.constant 4 : i32
        %mul3A_813 = arith.muli %scan3A_675, %mul3A_812 : i32
        %add3A_814 = arith.constant 2 : i32
        %add3A_815 = arith.addi %mul3A_813, %add3A_814 : i32
        %get3A_816 = arith.constant 0 : i32
        %get3A_817 = arith.index_cast %get3A_816 : i32 to index
        %get3A_818 = arith.index_cast %add3A_815 : i32 to index
        %get3A_819 = arith.constant 32 : index
        %get3A_820 = tpu.vector_load %arg15[%get3A_817, %get3A_818, %get3A_819] {strides = array<i32>} : memref<2x100x128xf32, #tpu.memory_space<vmem>>, vector<16xf32>,
        %mul3A_821 = arith.constant 4 : i32
        %mul3A_822 = arith.muli %scan3A_675, %mul3A_821 : i32
        %add3A_823 = arith.constant 3 : i32
        %add3A_824 = arith.addi %mul3A_822, %add3A_823 : i32
        %get3A_825 = arith.constant 0 : i32
        %get3A_826 = arith.index_cast %get3A_825 : i32 to index
        %get3A_827 = arith.index_cast %add3A_824 : i32 to index
        %get3A_828 = arith.constant 32 : index
        %get3A_829 = tpu.vector_load %arg15[%get3A_826, %get3A_827, %get3A_828] {strides = array<i32>} : memref<2x100x128xf32, #tpu.memory_space<vmem>>, vector<16xf32>,
        %mul3A_830 = arith.constant 4 : i32
        %mul3A_831 = arith.muli %scan3A_675, %mul3A_830 : i32
        %add3A_832 = arith.constant 0 : i32
        %add3A_833 = arith.addi %mul3A_831, %add3A_832 : i32
        %get3A_834 = arith.constant 0 : i32
        %get3A_835 = arith.index_cast %get3A_834 : i32 to index
        %get3A_836 = arith.index_cast %add3A_833 : i32 to index
        %get3A_837 = arith.constant 48 : index
        %get3A_838 = tpu.vector_load %arg15[%get3A_835, %get3A_836, %get3A_837] {strides = array<i32>} : memref<2x100x128xf32, #tpu.memory_space<vmem>>, vector<16xf32>,
        %mul3A_839 = arith.constant 4 : i32
        %mul3A_840 = arith.muli %scan3A_675, %mul3A_839 : i32
        %add3A_841 = arith.constant 1 : i32
        %add3A_842 = arith.addi %mul3A_840, %add3A_841 : i32
        %get3A_843 = arith.constant 0 : i32
        %get3A_844 = arith.index_cast %get3A_843 : i32 to index
        %get3A_845 = arith.index_cast %add3A_842 : i32 to index
        %get3A_846 = arith.constant 48 : index
        %get3A_847 = tpu.vector_load %arg15[%get3A_844, %get3A_845, %get3A_846] {strides = array<i32>} : memref<2x100x128xf32, #tpu.memory_space<vmem>>, vector<16xf32>,
        %mul3A_848 = arith.constant 4 : i32
        %mul3A_849 = arith.muli %scan3A_675, %mul3A_848 : i32
        %add3A_850 = arith.constant 2 : i32
        %add3A_851 = arith.addi %mul3A_849, %add3A_850 : i32
        %get3A_852 = arith.constant 0 : i32
        %get3A_853 = arith.index_cast %get3A_852 : i32 to index
        %get3A_854 = arith.index_cast %add3A_851 : i32 to index
        %get3A_855 = arith.constant 48 : index
        %get3A_856 = tpu.vector_load %arg15[%get3A_853, %get3A_854, %get3A_855] {strides = array<i32>} : memref<2x100x128xf32, #tpu.memory_space<vmem>>, vector<16xf32>,
        %mul3A_857 = arith.constant 4 : i32
        %mul3A_858 = arith.muli %scan3A_675, %mul3A_857 : i32
        %add3A_859 = arith.constant 3 : i32
        %add3A_860 = arith.addi %mul3A_858, %add3A_859 : i32
        %get3A_861 = arith.constant 0 : i32
        %get3A_862 = arith.index_cast %get3A_861 : i32 to index
        %get3A_863 = arith.index_cast %add3A_860 : i32 to index
        %get3A_864 = arith.constant 48 : index
        %get3A_865 = tpu.vector_load %arg15[%get3A_862, %get3A_863, %get3A_864] {strides = array<i32>} : memref<2x100x128xf32, #tpu.memory_space<vmem>>, vector<16xf32>,
        %mul3A_866 = arith.mulf %get3A_802, %gather3A : vector<16xf32>
        %mul3A_867 = arith.mulf %get3A_811, %gather3A_689 : vector<16xf32>
        %add3A_868 = arith.addf %mul3A_866, %mul3A_867 : vector<16xf32>
        %mul3A_869 = arith.mulf %get3A_820, %gather3A_697 : vector<16xf32>
        %mul3A_870 = arith.mulf %get3A_829, %gather3A_705 : vector<16xf32>
        %add3A_871 = arith.addf %mul3A_869, %mul3A_870 : vector<16xf32>
        %add3A_872 = arith.addf %add3A_868, %add3A_871 : vector<16xf32>
        %mul3A_873 = arith.mulf %get3A_838, %gather3A : vector<16xf32>
        %mul3A_874 = arith.mulf %get3A_847, %gather3A_689 : vector<16xf32>
        %add3A_875 = arith.addf %mul3A_873, %mul3A_874 : vector<16xf32>
        %mul3A_876 = arith.mulf %get3A_856, %gather3A_697 : vector<16xf32>
        %mul3A_877 = arith.mulf %get3A_865, %gather3A_705 : vector<16xf32>
        %add3A_878 = arith.addf %mul3A_876, %mul3A_877 : vector<16xf32>
        %add3A_879 = arith.addf %add3A_875, %add3A_878 : vector<16xf32>
        tpu.vector_store_idx %arg17[%add3A_628, %broadcast_in_dim3A_708], %add3A_872 : memref<128x49xf32, #tpu.memory_space<vmem>>[vector<16xi32>, vector<16xi32>], vector<16xf32>,
        tpu.vector_store_idx %arg17[%add3A_632, %broadcast_in_dim3A_708], %add3A_879 : memref<128x49xf32, #tpu.memory_space<vmem>>[vector<16xi32>, vector<16xi32>], vector<16xf32>,
        %mul3A_880 = arith.constant 4 : i32
        %mul3A_881 = arith.muli %scan3A_675, %mul3A_880 : i32
        %add3A_882 = arith.constant 0 : i32
        %add3A_883 = arith.addi %mul3A_881, %add3A_882 : i32
        %get3A_884 = arith.constant 0 : i32
        %get3A_885 = arith.index_cast %get3A_884 : i32 to index
        %get3A_886 = arith.index_cast %add3A_883 : i32 to index
        %get3A_887 = arith.constant 64 : index
        %get3A_888 = tpu.vector_load %arg15[%get3A_885, %get3A_886, %get3A_887] {strides = array<i32>} : memref<2x100x128xf32, #tpu.memory_space<vmem>>, vector<16xf32>,
        %mul3A_889 = arith.constant 4 : i32
        %mul3A_890 = arith.muli %scan3A_675, %mul3A_889 : i32
        %add3A_891 = arith.constant 1 : i32
        %add3A_892 = arith.addi %mul3A_890, %add3A_891 : i32
        %get3A_893 = arith.constant 0 : i32
        %get3A_894 = arith.index_cast %get3A_893 : i32 to index
        %get3A_895 = arith.index_cast %add3A_892 : i32 to index
        %get3A_896 = arith.constant 64 : index
        %get3A_897 = tpu.vector_load %arg15[%get3A_894, %get3A_895, %get3A_896] {strides = array<i32>} : memref<2x100x128xf32, #tpu.memory_space<vmem>>, vector<16xf32>,
        %mul3A_898 = arith.constant 4 : i32
        %mul3A_899 = arith.muli %scan3A_675, %mul3A_898 : i32
        %add3A_900 = arith.constant 2 : i32
        %add3A_901 = arith.addi %mul3A_899, %add3A_900 : i32
        %get3A_902 = arith.constant 0 : i32
        %get3A_903 = arith.index_cast %get3A_902 : i32 to index
        %get3A_904 = arith.index_cast %add3A_901 : i32 to index
        %get3A_905 = arith.constant 64 : index
        %get3A_906 = tpu.vector_load %arg15[%get3A_903, %get3A_904, %get3A_905] {strides = array<i32>} : memref<2x100x128xf32, #tpu.memory_space<vmem>>, vector<16xf32>,
        %mul3A_907 = arith.constant 4 : i32
        %mul3A_908 = arith.muli %scan3A_675, %mul3A_907 : i32
        %add3A_909 = arith.constant 3 : i32
        %add3A_910 = arith.addi %mul3A_908, %add3A_909 : i32
        %get3A_911 = arith.constant 0 : i32
        %get3A_912 = arith.index_cast %get3A_911 : i32 to index
        %get3A_913 = arith.index_cast %add3A_910 : i32 to index
        %get3A_914 = arith.constant 64 : index
        %get3A_915 = tpu.vector_load %arg15[%get3A_912, %get3A_913, %get3A_914] {strides = array<i32>} : memref<2x100x128xf32, #tpu.memory_space<vmem>>, vector<16xf32>,
        %mul3A_916 = arith.constant 4 : i32
        %mul3A_917 = arith.muli %scan3A_675, %mul3A_916 : i32
        %add3A_918 = arith.constant 0 : i32
        %add3A_919 = arith.addi %mul3A_917, %add3A_918 : i32
        %get3A_920 = arith.constant 0 : i32
        %get3A_921 = arith.index_cast %get3A_920 : i32 to index
        %get3A_922 = arith.index_cast %add3A_919 : i32 to index
        %get3A_923 = arith.constant 80 : index
        %get3A_924 = tpu.vector_load %arg15[%get3A_921, %get3A_922, %get3A_923] {strides = array<i32>} : memref<2x100x128xf32, #tpu.memory_space<vmem>>, vector<16xf32>,
        %mul3A_925 = arith.constant 4 : i32
        %mul3A_926 = arith.muli %scan3A_675, %mul3A_925 : i32
        %add3A_927 = arith.constant 1 : i32
        %add3A_928 = arith.addi %mul3A_926, %add3A_927 : i32
        %get3A_929 = arith.constant 0 : i32
        %get3A_930 = arith.index_cast %get3A_929 : i32 to index
        %get3A_931 = arith.index_cast %add3A_928 : i32 to index
        %get3A_932 = arith.constant 80 : index
        %get3A_933 = tpu.vector_load %arg15[%get3A_930, %get3A_931, %get3A_932] {strides = array<i32>} : memref<2x100x128xf32, #tpu.memory_space<vmem>>, vector<16xf32>,
        %mul3A_934 = arith.constant 4 : i32
        %mul3A_935 = arith.muli %scan3A_675, %mul3A_934 : i32
        %add3A_936 = arith.constant 2 : i32
        %add3A_937 = arith.addi %mul3A_935, %add3A_936 : i32
        %get3A_938 = arith.constant 0 : i32
        %get3A_939 = arith.index_cast %get3A_938 : i32 to index
        %get3A_940 = arith.index_cast %add3A_937 : i32 to index
        %get3A_941 = arith.constant 80 : index
        %get3A_942 = tpu.vector_load %arg15[%get3A_939, %get3A_940, %get3A_941] {strides = array<i32>} : memref<2x100x128xf32, #tpu.memory_space<vmem>>, vector<16xf32>,
        %mul3A_943 = arith.constant 4 : i32
        %mul3A_944 = arith.muli %scan3A_675, %mul3A_943 : i32
        %add3A_945 = arith.constant 3 : i32
        %add3A_946 = arith.addi %mul3A_944, %add3A_945 : i32
        %get3A_947 = arith.constant 0 : i32
        %get3A_948 = arith.index_cast %get3A_947 : i32 to index
        %get3A_949 = arith.index_cast %add3A_946 : i32 to index
        %get3A_950 = arith.constant 80 : index
        %get3A_951 = tpu.vector_load %arg15[%get3A_948, %get3A_949, %get3A_950] {strides = array<i32>} : memref<2x100x128xf32, #tpu.memory_space<vmem>>, vector<16xf32>,
        %mul3A_952 = arith.mulf %get3A_888, %gather3A : vector<16xf32>
        %mul3A_953 = arith.mulf %get3A_897, %gather3A_689 : vector<16xf32>
        %add3A_954 = arith.addf %mul3A_952, %mul3A_953 : vector<16xf32>
        %mul3A_955 = arith.mulf %get3A_906, %gather3A_697 : vector<16xf32>
        %mul3A_956 = arith.mulf %get3A_915, %gather3A_705 : vector<16xf32>
        %add3A_957 = arith.addf %mul3A_955, %mul3A_956 : vector<16xf32>
        %add3A_958 = arith.addf %add3A_954, %add3A_957 : vector<16xf32>
        %mul3A_959 = arith.mulf %get3A_924, %gather3A : vector<16xf32>
        %mul3A_960 = arith.mulf %get3A_933, %gather3A_689 : vector<16xf32>
        %add3A_961 = arith.addf %mul3A_959, %mul3A_960 : vector<16xf32>
        %mul3A_962 = arith.mulf %get3A_942, %gather3A_697 : vector<16xf32>
        %mul3A_963 = arith.mulf %get3A_951, %gather3A_705 : vector<16xf32>
        %add3A_964 = arith.addf %mul3A_962, %mul3A_963 : vector<16xf32>
        %add3A_965 = arith.addf %add3A_961, %add3A_964 : vector<16xf32>
        tpu.vector_store_idx %arg17[%add3A_636, %broadcast_in_dim3A_708], %add3A_958 : memref<128x49xf32, #tpu.memory_space<vmem>>[vector<16xi32>, vector<16xi32>], vector<16xf32>,
        tpu.vector_store_idx %arg17[%add3A_640, %broadcast_in_dim3A_708], %add3A_965 : memref<128x49xf32, #tpu.memory_space<vmem>>[vector<16xi32>, vector<16xi32>], vector<16xf32>,
        %mul3A_966 = arith.constant 4 : i32
        %mul3A_967 = arith.muli %scan3A_675, %mul3A_966 : i32
        %add3A_968 = arith.constant 0 : i32
        %add3A_969 = arith.addi %mul3A_967, %add3A_968 : i32
        %get3A_970 = arith.constant 0 : i32
        %get3A_971 = arith.index_cast %get3A_970 : i32 to index
        %get3A_972 = arith.index_cast %add3A_969 : i32 to index
        %get3A_973 = arith.constant 96 : index
        %get3A_974 = tpu.vector_load %arg15[%get3A_971, %get3A_972, %get3A_973] {strides = array<i32>} : memref<2x100x128xf32, #tpu.memory_space<vmem>>, vector<16xf32>,
        %mul3A_975 = arith.constant 4 : i32
        %mul3A_976 = arith.muli %scan3A_675, %mul3A_975 : i32
        %add3A_977 = arith.constant 1 : i32
        %add3A_978 = arith.addi %mul3A_976, %add3A_977 : i32
        %get3A_979 = arith.constant 0 : i32
        %get3A_980 = arith.index_cast %get3A_979 : i32 to index
        %get3A_981 = arith.index_cast %add3A_978 : i32 to index
        %get3A_982 = arith.constant 96 : index
        %get3A_983 = tpu.vector_load %arg15[%get3A_980, %get3A_981, %get3A_982] {strides = array<i32>} : memref<2x100x128xf32, #tpu.memory_space<vmem>>, vector<16xf32>,
        %mul3A_984 = arith.constant 4 : i32
        %mul3A_985 = arith.muli %scan3A_675, %mul3A_984 : i32
        %add3A_986 = arith.constant 2 : i32
        %add3A_987 = arith.addi %mul3A_985, %add3A_986 : i32
        %get3A_988 = arith.constant 0 : i32
        %get3A_989 = arith.index_cast %get3A_988 : i32 to index
        %get3A_990 = arith.index_cast %add3A_987 : i32 to index
        %get3A_991 = arith.constant 96 : index
        %get3A_992 = tpu.vector_load %arg15[%get3A_989, %get3A_990, %get3A_991] {strides = array<i32>} : memref<2x100x128xf32, #tpu.memory_space<vmem>>, vector<16xf32>,
        %mul3A_993 = arith.constant 4 : i32
        %mul3A_994 = arith.muli %scan3A_675, %mul3A_993 : i32
        %add3A_995 = arith.constant 3 : i32
        %add3A_996 = arith.addi %mul3A_994, %add3A_995 : i32
        %get3A_997 = arith.constant 0 : i32
        %get3A_998 = arith.index_cast %get3A_997 : i32 to index
        %get3A_999 = arith.index_cast %add3A_996 : i32 to index
        %get3A_1000 = arith.constant 96 : index
        %get3A_1001 = tpu.vector_load %arg15[%get3A_998, %get3A_999, %get3A_1000] {strides = array<i32>} : memref<2x100x128xf32, #tpu.memory_space<vmem>>, vector<16xf32>,
        %mul3A_1002 = arith.constant 4 : i32
        %mul3A_1003 = arith.muli %scan3A_675, %mul3A_1002 : i32
        %add3A_1004 = arith.constant 0 : i32
        %add3A_1005 = arith.addi %mul3A_1003, %add3A_1004 : i32
        %get3A_1006 = arith.constant 0 : i32
        %get3A_1007 = arith.index_cast %get3A_1006 : i32 to index
        %get3A_1008 = arith.index_cast %add3A_1005 : i32 to index
        %get3A_1009 = arith.constant 112 : index
        %get3A_1010 = tpu.vector_load %arg15[%get3A_1007, %get3A_1008, %get3A_1009] {strides = array<i32>} : memref<2x100x128xf32, #tpu.memory_space<vmem>>, vector<16xf32>,
        %mul3A_1011 = arith.constant 4 : i32
        %mul3A_1012 = arith.muli %scan3A_675, %mul3A_1011 : i32
        %add3A_1013 = arith.constant 1 : i32
        %add3A_1014 = arith.addi %mul3A_1012, %add3A_1013 : i32
        %get3A_1015 = arith.constant 0 : i32
        %get3A_1016 = arith.index_cast %get3A_1015 : i32 to index
        %get3A_1017 = arith.index_cast %add3A_1014 : i32 to index
        %get3A_1018 = arith.constant 112 : index
        %get3A_1019 = tpu.vector_load %arg15[%get3A_1016, %get3A_1017, %get3A_1018] {strides = array<i32>} : memref<2x100x128xf32, #tpu.memory_space<vmem>>, vector<16xf32>,
        %mul3A_1020 = arith.constant 4 : i32
        %mul3A_1021 = arith.muli %scan3A_675, %mul3A_1020 : i32
        %add3A_1022 = arith.constant 2 : i32
        %add3A_1023 = arith.addi %mul3A_1021, %add3A_1022 : i32
        %get3A_1024 = arith.constant 0 : i32
        %get3A_1025 = arith.index_cast %get3A_1024 : i32 to index
        %get3A_1026 = arith.index_cast %add3A_1023 : i32 to index
        %get3A_1027 = arith.constant 112 : index
        %get3A_1028 = tpu.vector_load %arg15[%get3A_1025, %get3A_1026, %get3A_1027] {strides = array<i32>} : memref<2x100x128xf32, #tpu.memory_space<vmem>>, vector<16xf32>,
        %mul3A_1029 = arith.constant 4 : i32
        %mul3A_1030 = arith.muli %scan3A_675, %mul3A_1029 : i32
        %add3A_1031 = arith.constant 3 : i32
        %add3A_1032 = arith.addi %mul3A_1030, %add3A_1031 : i32
        %get3A_1033 = arith.constant 0 : i32
        %get3A_1034 = arith.index_cast %get3A_1033 : i32 to index
        %get3A_1035 = arith.index_cast %add3A_1032 : i32 to index
        %get3A_1036 = arith.constant 112 : index
        %get3A_1037 = tpu.vector_load %arg15[%get3A_1034, %get3A_1035, %get3A_1036] {strides = array<i32>} : memref<2x100x128xf32, #tpu.memory_space<vmem>>, vector<16xf32>,
        %mul3A_1038 = arith.mulf %get3A_974, %gather3A : vector<16xf32>
        %mul3A_1039 = arith.mulf %get3A_983, %gather3A_689 : vector<16xf32>
        %add3A_1040 = arith.addf %mul3A_1038, %mul3A_1039 : vector<16xf32>
        %mul3A_1041 = arith.mulf %get3A_992, %gather3A_697 : vector<16xf32>
        %mul3A_1042 = arith.mulf %get3A_1001, %gather3A_705 : vector<16xf32>
        %add3A_1043 = arith.addf %mul3A_1041, %mul3A_1042 : vector<16xf32>
        %add3A_1044 = arith.addf %add3A_1040, %add3A_1043 : vector<16xf32>
        %mul3A_1045 = arith.mulf %get3A_1010, %gather3A : vector<16xf32>
        %mul3A_1046 = arith.mulf %get3A_1019, %gather3A_689 : vector<16xf32>
        %add3A_1047 = arith.addf %mul3A_1045, %mul3A_1046 : vector<16xf32>
        %mul3A_1048 = arith.mulf %get3A_1028, %gather3A_697 : vector<16xf32>
        %mul3A_1049 = arith.mulf %get3A_1037, %gather3A_705 : vector<16xf32>
        %add3A_1050 = arith.addf %mul3A_1048, %mul3A_1049 : vector<16xf32>
        %add3A_1051 = arith.addf %add3A_1047, %add3A_1050 : vector<16xf32>
        tpu.vector_store_idx %arg17[%add3A_644, %broadcast_in_dim3A_708], %add3A_1044 : memref<128x49xf32, #tpu.memory_space<vmem>>[vector<16xi32>, vector<16xi32>], vector<16xf32>,
        tpu.vector_store_idx %arg17[%add3A_648, %broadcast_in_dim3A_708], %add3A_1051 : memref<128x49xf32, #tpu.memory_space<vmem>>[vector<16xi32>, vector<16xi32>], vector<16xf32>,
      }
      %scan3A_654 = arith.constant 25 : i32
      %scan3A_655 = arith.constant 0 : i32
      %scan3A_656 = arith.constant 0 : i32
      %scan3A_657 = arith.constant 24 : i32
      %scan3A_658 = arith.addi %scan3A_656, %scan3A_657 : i32
      %scan3A_659 = arith.constant 1 : i32
      scf.for %scan3A_675 = %scan3A_656 to %scan3A_658 step %scan3A_659  : i32 {
        %mul3A_676 = arith.constant 4 : i32
        %mul3A_677 = arith.muli %scan3A_675, %mul3A_676 : i32
        %add3A_678 = arith.constant 100 : i32
        %add3A_679 = arith.addi %add3A_678, %mul3A_677 : i32
        %add3A_680 = arith.constant 0 : i32
        %add3A_681 = arith.addi %add3A_679, %add3A_680 : i32
        %broadcast_in_dim3A = vector.broadcast %add3A_681 : i32 to vector<16xi32>
        %gather3A = tpu.vector_load_idx %arg13[%broadcast_in_dim3A] : memref<216xf32, #tpu.memory_space<vmem>>[vector<16xi32>], vector<16xf32>,
        %mul3A_682 = arith.constant 4 : i32
        %mul3A_683 = arith.muli %scan3A_675, %mul3A_682 : i32
        %add3A_684 = arith.constant 100 : i32
        %add3A_685 = arith.addi %add3A_684, %mul3A_683 : i32
        %add3A_686 = arith.constant 1 : i32
        %add3A_687 = arith.addi %add3A_685, %add3A_686 : i32
        %broadcast_in_dim3A_688 = vector.broadcast %add3A_687 : i32 to vector<16xi32>
        %gather3A_689 = tpu.vector_load_idx %arg13[%broadcast_in_dim3A_688] : memref<216xf32, #tpu.memory_space<vmem>>[vector<16xi32>], vector<16xf32>,
        %mul3A_690 = arith.constant 4 : i32
        %mul3A_691 = arith.muli %scan3A_675, %mul3A_690 : i32
        %add3A_692 = arith.constant 100 : i32
        %add3A_693 = arith.addi %add3A_692, %mul3A_691 : i32
        %add3A_694 = arith.constant 2 : i32
        %add3A_695 = arith.addi %add3A_693, %add3A_694 : i32
        %broadcast_in_dim3A_696 = vector.broadcast %add3A_695 : i32 to vector<16xi32>
        %gather3A_697 = tpu.vector_load_idx %arg13[%broadcast_in_dim3A_696] : memref<216xf32, #tpu.memory_space<vmem>>[vector<16xi32>], vector<16xf32>,
        %mul3A_698 = arith.constant 4 : i32
        %mul3A_699 = arith.muli %scan3A_675, %mul3A_698 : i32
        %add3A_700 = arith.constant 100 : i32
        %add3A_701 = arith.addi %add3A_700, %mul3A_699 : i32
        %add3A_702 = arith.constant 3 : i32
        %add3A_703 = arith.addi %add3A_701, %add3A_702 : i32
        %broadcast_in_dim3A_704 = vector.broadcast %add3A_703 : i32 to vector<16xi32>
        %gather3A_705 = tpu.vector_load_idx %arg13[%broadcast_in_dim3A_704] : memref<216xf32, #tpu.memory_space<vmem>>[vector<16xi32>], vector<16xf32>,
        %add3A_706 = arith.constant 25 : i32
        %add3A_707 = arith.addi %add3A_706, %scan3A_675 : i32
        %broadcast_in_dim3A_708 = vector.broadcast %add3A_707 : i32 to vector<16xi32>
        %mul3A_709 = arith.constant 4 : i32
        %mul3A_710 = arith.muli %scan3A_675, %mul3A_709 : i32
        %add3A_711 = arith.constant 0 : i32
        %add3A_712 = arith.addi %mul3A_710, %add3A_711 : i32
        %get3A = arith.constant 1 : i32
        %get3A_713 = arith.index_cast %get3A : i32 to index
        %get3A_714 = arith.index_cast %add3A_712 : i32 to index
        %get3A_715 = arith.constant 0 : index
        %get3A_716 = tpu.vector_load %arg15[%get3A_713, %get3A_714, %get3A_715] {strides = array<i32>} : memref<2x100x128xf32, #tpu.memory_space<vmem>>, vector<16xf32>,
        %mul3A_717 = arith.constant 4 : i32
        %mul3A_718 = arith.muli %scan3A_675, %mul3A_717 : i32
        %add3A_719 = arith.constant 1 : i32
        %add3A_720 = arith.addi %mul3A_718, %add3A_719 : i32
        %get3A_721 = arith.constant 1 : i32
        %get3A_722 = arith.index_cast %get3A_721 : i32 to index
        %get3A_723 = arith.index_cast %add3A_720 : i32 to index
        %get3A_724 = arith.constant 0 : index
        %get3A_725 = tpu.vector_load %arg15[%get3A_722, %get3A_723, %get3A_724] {strides = array<i32>} : memref<2x100x128xf32, #tpu.memory_space<vmem>>, vector<16xf32>,
        %mul3A_726 = arith.constant 4 : i32
        %mul3A_727 = arith.muli %scan3A_675, %mul3A_726 : i32
        %add3A_728 = arith.constant 2 : i32
        %add3A_729 = arith.addi %mul3A_727, %add3A_728 : i32
        %get3A_730 = arith.constant 1 : i32
        %get3A_731 = arith.index_cast %get3A_730 : i32 to index
        %get3A_732 = arith.index_cast %add3A_729 : i32 to index
        %get3A_733 = arith.constant 0 : index
        %get3A_734 = tpu.vector_load %arg15[%get3A_731, %get3A_732, %get3A_733] {strides = array<i32>} : memref<2x100x128xf32, #tpu.memory_space<vmem>>, vector<16xf32>,
        %mul3A_735 = arith.constant 4 : i32
        %mul3A_736 = arith.muli %scan3A_675, %mul3A_735 : i32
        %add3A_737 = arith.constant 3 : i32
        %add3A_738 = arith.addi %mul3A_736, %add3A_737 : i32
        %get3A_739 = arith.constant 1 : i32
        %get3A_740 = arith.index_cast %get3A_739 : i32 to index
        %get3A_741 = arith.index_cast %add3A_738 : i32 to index
        %get3A_742 = arith.constant 0 : index
        %get3A_743 = tpu.vector_load %arg15[%get3A_740, %get3A_741, %get3A_742] {strides = array<i32>} : memref<2x100x128xf32, #tpu.memory_space<vmem>>, vector<16xf32>,
        %mul3A_744 = arith.constant 4 : i32
        %mul3A_745 = arith.muli %scan3A_675, %mul3A_744 : i32
        %add3A_746 = arith.constant 0 : i32
        %add3A_747 = arith.addi %mul3A_745, %add3A_746 : i32
        %get3A_748 = arith.constant 1 : i32
        %get3A_749 = arith.index_cast %get3A_748 : i32 to index
        %get3A_750 = arith.index_cast %add3A_747 : i32 to index
        %get3A_751 = arith.constant 16 : index
        %get3A_752 = tpu.vector_load %arg15[%get3A_749, %get3A_750, %get3A_751] {strides = array<i32>} : memref<2x100x128xf32, #tpu.memory_space<vmem>>, vector<16xf32>,
        %mul3A_753 = arith.constant 4 : i32
        %mul3A_754 = arith.muli %scan3A_675, %mul3A_753 : i32
        %add3A_755 = arith.constant 1 : i32
        %add3A_756 = arith.addi %mul3A_754, %add3A_755 : i32
        %get3A_757 = arith.constant 1 : i32
        %get3A_758 = arith.index_cast %get3A_757 : i32 to index
        %get3A_759 = arith.index_cast %add3A_756 : i32 to index
        %get3A_760 = arith.constant 16 : index
        %get3A_761 = tpu.vector_load %arg15[%get3A_758, %get3A_759, %get3A_760] {strides = array<i32>} : memref<2x100x128xf32, #tpu.memory_space<vmem>>, vector<16xf32>,
        %mul3A_762 = arith.constant 4 : i32
        %mul3A_763 = arith.muli %scan3A_675, %mul3A_762 : i32
        %add3A_764 = arith.constant 2 : i32
        %add3A_765 = arith.addi %mul3A_763, %add3A_764 : i32
        %get3A_766 = arith.constant 1 : i32
        %get3A_767 = arith.index_cast %get3A_766 : i32 to index
        %get3A_768 = arith.index_cast %add3A_765 : i32 to index
        %get3A_769 = arith.constant 16 : index
        %get3A_770 = tpu.vector_load %arg15[%get3A_767, %get3A_768, %get3A_769] {strides = array<i32>} : memref<2x100x128xf32, #tpu.memory_space<vmem>>, vector<16xf32>,
        %mul3A_771 = arith.constant 4 : i32
        %mul3A_772 = arith.muli %scan3A_675, %mul3A_771 : i32
        %add3A_773 = arith.constant 3 : i32
        %add3A_774 = arith.addi %mul3A_772, %add3A_773 : i32
        %get3A_775 = arith.constant 1 : i32
        %get3A_776 = arith.index_cast %get3A_775 : i32 to index
        %get3A_777 = arith.index_cast %add3A_774 : i32 to index
        %get3A_778 = arith.constant 16 : index
        %get3A_779 = tpu.vector_load %arg15[%get3A_776, %get3A_777, %get3A_778] {strides = array<i32>} : memref<2x100x128xf32, #tpu.memory_space<vmem>>, vector<16xf32>,
        %mul3A_780 = arith.mulf %get3A_716, %gather3A : vector<16xf32>
        %mul3A_781 = arith.mulf %get3A_725, %gather3A_689 : vector<16xf32>
        %add3A_782 = arith.addf %mul3A_780, %mul3A_781 : vector<16xf32>
        %mul3A_783 = arith.mulf %get3A_734, %gather3A_697 : vector<16xf32>
        %mul3A_784 = arith.mulf %get3A_743, %gather3A_705 : vector<16xf32>
        %add3A_785 = arith.addf %mul3A_783, %mul3A_784 : vector<16xf32>
        %add3A_786 = arith.addf %add3A_782, %add3A_785 : vector<16xf32>
        %mul3A_787 = arith.mulf %get3A_752, %gather3A : vector<16xf32>
        %mul3A_788 = arith.mulf %get3A_761, %gather3A_689 : vector<16xf32>
        %add3A_789 = arith.addf %mul3A_787, %mul3A_788 : vector<16xf32>
        %mul3A_790 = arith.mulf %get3A_770, %gather3A_697 : vector<16xf32>
        %mul3A_791 = arith.mulf %get3A_779, %gather3A_705 : vector<16xf32>
        %add3A_792 = arith.addf %mul3A_790, %mul3A_791 : vector<16xf32>
        %add3A_793 = arith.addf %add3A_789, %add3A_792 : vector<16xf32>
        tpu.vector_store_idx %arg17[%add3A_620, %broadcast_in_dim3A_708], %add3A_786 : memref<128x49xf32, #tpu.memory_space<vmem>>[vector<16xi32>, vector<16xi32>], vector<16xf32>,
        tpu.vector_store_idx %arg17[%add3A_624, %broadcast_in_dim3A_708], %add3A_793 : memref<128x49xf32, #tpu.memory_space<vmem>>[vector<16xi32>, vector<16xi32>], vector<16xf32>,
        %mul3A_794 = arith.constant 4 : i32
        %mul3A_795 = arith.muli %scan3A_675, %mul3A_794 : i32
        %add3A_796 = arith.constant 0 : i32
        %add3A_797 = arith.addi %mul3A_795, %add3A_796 : i32
        %get3A_798 = arith.constant 1 : i32
        %get3A_799 = arith.index_cast %get3A_798 : i32 to index
        %get3A_800 = arith.index_cast %add3A_797 : i32 to index
        %get3A_801 = arith.constant 32 : index
        %get3A_802 = tpu.vector_load %arg15[%get3A_799, %get3A_800, %get3A_801] {strides = array<i32>} : memref<2x100x128xf32, #tpu.memory_space<vmem>>, vector<16xf32>,
        %mul3A_803 = arith.constant 4 : i32
        %mul3A_804 = arith.muli %scan3A_675, %mul3A_803 : i32
        %add3A_805 = arith.constant 1 : i32
        %add3A_806 = arith.addi %mul3A_804, %add3A_805 : i32
        %get3A_807 = arith.constant 1 : i32
        %get3A_808 = arith.index_cast %get3A_807 : i32 to index
        %get3A_809 = arith.index_cast %add3A_806 : i32 to index
        %get3A_810 = arith.constant 32 : index
        %get3A_811 = tpu.vector_load %arg15[%get3A_808, %get3A_809, %get3A_810] {strides = array<i32>} : memref<2x100x128xf32, #tpu.memory_space<vmem>>, vector<16xf32>,
        %mul3A_812 = arith.constant 4 : i32
        %mul3A_813 = arith.muli %scan3A_675, %mul3A_812 : i32
        %add3A_814 = arith.constant 2 : i32
        %add3A_815 = arith.addi %mul3A_813, %add3A_814 : i32
        %get3A_816 = arith.constant 1 : i32
        %get3A_817 = arith.index_cast %get3A_816 : i32 to index
        %get3A_818 = arith.index_cast %add3A_815 : i32 to index
        %get3A_819 = arith.constant 32 : index
        %get3A_820 = tpu.vector_load %arg15[%get3A_817, %get3A_818, %get3A_819] {strides = array<i32>} : memref<2x100x128xf32, #tpu.memory_space<vmem>>, vector<16xf32>,
        %mul3A_821 = arith.constant 4 : i32
        %mul3A_822 = arith.muli %scan3A_675, %mul3A_821 : i32
        %add3A_823 = arith.constant 3 : i32
        %add3A_824 = arith.addi %mul3A_822, %add3A_823 : i32
        %get3A_825 = arith.constant 1 : i32
        %get3A_826 = arith.index_cast %get3A_825 : i32 to index
        %get3A_827 = arith.index_cast %add3A_824 : i32 to index
        %get3A_828 = arith.constant 32 : index
        %get3A_829 = tpu.vector_load %arg15[%get3A_826, %get3A_827, %get3A_828] {strides = array<i32>} : memref<2x100x128xf32, #tpu.memory_space<vmem>>, vector<16xf32>,
        %mul3A_830 = arith.constant 4 : i32
        %mul3A_831 = arith.muli %scan3A_675, %mul3A_830 : i32
        %add3A_832 = arith.constant 0 : i32
        %add3A_833 = arith.addi %mul3A_831, %add3A_832 : i32
        %get3A_834 = arith.constant 1 : i32
        %get3A_835 = arith.index_cast %get3A_834 : i32 to index
        %get3A_836 = arith.index_cast %add3A_833 : i32 to index
        %get3A_837 = arith.constant 48 : index
        %get3A_838 = tpu.vector_load %arg15[%get3A_835, %get3A_836, %get3A_837] {strides = array<i32>} : memref<2x100x128xf32, #tpu.memory_space<vmem>>, vector<16xf32>,
        %mul3A_839 = arith.constant 4 : i32
        %mul3A_840 = arith.muli %scan3A_675, %mul3A_839 : i32
        %add3A_841 = arith.constant 1 : i32
        %add3A_842 = arith.addi %mul3A_840, %add3A_841 : i32
        %get3A_843 = arith.constant 1 : i32
        %get3A_844 = arith.index_cast %get3A_843 : i32 to index
        %get3A_845 = arith.index_cast %add3A_842 : i32 to index
        %get3A_846 = arith.constant 48 : index
        %get3A_847 = tpu.vector_load %arg15[%get3A_844, %get3A_845, %get3A_846] {strides = array<i32>} : memref<2x100x128xf32, #tpu.memory_space<vmem>>, vector<16xf32>,
        %mul3A_848 = arith.constant 4 : i32
        %mul3A_849 = arith.muli %scan3A_675, %mul3A_848 : i32
        %add3A_850 = arith.constant 2 : i32
        %add3A_851 = arith.addi %mul3A_849, %add3A_850 : i32
        %get3A_852 = arith.constant 1 : i32
        %get3A_853 = arith.index_cast %get3A_852 : i32 to index
        %get3A_854 = arith.index_cast %add3A_851 : i32 to index
        %get3A_855 = arith.constant 48 : index
        %get3A_856 = tpu.vector_load %arg15[%get3A_853, %get3A_854, %get3A_855] {strides = array<i32>} : memref<2x100x128xf32, #tpu.memory_space<vmem>>, vector<16xf32>,
        %mul3A_857 = arith.constant 4 : i32
        %mul3A_858 = arith.muli %scan3A_675, %mul3A_857 : i32
        %add3A_859 = arith.constant 3 : i32
        %add3A_860 = arith.addi %mul3A_858, %add3A_859 : i32
        %get3A_861 = arith.constant 1 : i32
        %get3A_862 = arith.index_cast %get3A_861 : i32 to index
        %get3A_863 = arith.index_cast %add3A_860 : i32 to index
        %get3A_864 = arith.constant 48 : index
        %get3A_865 = tpu.vector_load %arg15[%get3A_862, %get3A_863, %get3A_864] {strides = array<i32>} : memref<2x100x128xf32, #tpu.memory_space<vmem>>, vector<16xf32>,
        %mul3A_866 = arith.mulf %get3A_802, %gather3A : vector<16xf32>
        %mul3A_867 = arith.mulf %get3A_811, %gather3A_689 : vector<16xf32>
        %add3A_868 = arith.addf %mul3A_866, %mul3A_867 : vector<16xf32>
        %mul3A_869 = arith.mulf %get3A_820, %gather3A_697 : vector<16xf32>
        %mul3A_870 = arith.mulf %get3A_829, %gather3A_705 : vector<16xf32>
        %add3A_871 = arith.addf %mul3A_869, %mul3A_870 : vector<16xf32>
        %add3A_872 = arith.addf %add3A_868, %add3A_871 : vector<16xf32>
        %mul3A_873 = arith.mulf %get3A_838, %gather3A : vector<16xf32>
        %mul3A_874 = arith.mulf %get3A_847, %gather3A_689 : vector<16xf32>
        %add3A_875 = arith.addf %mul3A_873, %mul3A_874 : vector<16xf32>
        %mul3A_876 = arith.mulf %get3A_856, %gather3A_697 : vector<16xf32>
        %mul3A_877 = arith.mulf %get3A_865, %gather3A_705 : vector<16xf32>
        %add3A_878 = arith.addf %mul3A_876, %mul3A_877 : vector<16xf32>
        %add3A_879 = arith.addf %add3A_875, %add3A_878 : vector<16xf32>
        tpu.vector_store_idx %arg17[%add3A_628, %broadcast_in_dim3A_708], %add3A_872 : memref<128x49xf32, #tpu.memory_space<vmem>>[vector<16xi32>, vector<16xi32>], vector<16xf32>,
        tpu.vector_store_idx %arg17[%add3A_632, %broadcast_in_dim3A_708], %add3A_879 : memref<128x49xf32, #tpu.memory_space<vmem>>[vector<16xi32>, vector<16xi32>], vector<16xf32>,
        %mul3A_880 = arith.constant 4 : i32
        %mul3A_881 = arith.muli %scan3A_675, %mul3A_880 : i32
        %add3A_882 = arith.constant 0 : i32
        %add3A_883 = arith.addi %mul3A_881, %add3A_882 : i32
        %get3A_884 = arith.constant 1 : i32
        %get3A_885 = arith.index_cast %get3A_884 : i32 to index
        %get3A_886 = arith.index_cast %add3A_883 : i32 to index
        %get3A_887 = arith.constant 64 : index
        %get3A_888 = tpu.vector_load %arg15[%get3A_885, %get3A_886, %get3A_887] {strides = array<i32>} : memref<2x100x128xf32, #tpu.memory_space<vmem>>, vector<16xf32>,
        %mul3A_889 = arith.constant 4 : i32
        %mul3A_890 = arith.muli %scan3A_675, %mul3A_889 : i32
        %add3A_891 = arith.constant 1 : i32
        %add3A_892 = arith.addi %mul3A_890, %add3A_891 : i32
        %get3A_893 = arith.constant 1 : i32
        %get3A_894 = arith.index_cast %get3A_893 : i32 to index
        %get3A_895 = arith.index_cast %add3A_892 : i32 to index
        %get3A_896 = arith.constant 64 : index
        %get3A_897 = tpu.vector_load %arg15[%get3A_894, %get3A_895, %get3A_896] {strides = array<i32>} : memref<2x100x128xf32, #tpu.memory_space<vmem>>, vector<16xf32>,
        %mul3A_898 = arith.constant 4 : i32
        %mul3A_899 = arith.muli %scan3A_675, %mul3A_898 : i32
        %add3A_900 = arith.constant 2 : i32
        %add3A_901 = arith.addi %mul3A_899, %add3A_900 : i32
        %get3A_902 = arith.constant 1 : i32
        %get3A_903 = arith.index_cast %get3A_902 : i32 to index
        %get3A_904 = arith.index_cast %add3A_901 : i32 to index
        %get3A_905 = arith.constant 64 : index
        %get3A_906 = tpu.vector_load %arg15[%get3A_903, %get3A_904, %get3A_905] {strides = array<i32>} : memref<2x100x128xf32, #tpu.memory_space<vmem>>, vector<16xf32>,
        %mul3A_907 = arith.constant 4 : i32
        %mul3A_908 = arith.muli %scan3A_675, %mul3A_907 : i32
        %add3A_909 = arith.constant 3 : i32
        %add3A_910 = arith.addi %mul3A_908, %add3A_909 : i32
        %get3A_911 = arith.constant 1 : i32
        %get3A_912 = arith.index_cast %get3A_911 : i32 to index
        %get3A_913 = arith.index_cast %add3A_910 : i32 to index
        %get3A_914 = arith.constant 64 : index
        %get3A_915 = tpu.vector_load %arg15[%get3A_912, %get3A_913, %get3A_914] {strides = array<i32>} : memref<2x100x128xf32, #tpu.memory_space<vmem>>, vector<16xf32>,
        %mul3A_916 = arith.constant 4 : i32
        %mul3A_917 = arith.muli %scan3A_675, %mul3A_916 : i32
        %add3A_918 = arith.constant 0 : i32
        %add3A_919 = arith.addi %mul3A_917, %add3A_918 : i32
        %get3A_920 = arith.constant 1 : i32
        %get3A_921 = arith.index_cast %get3A_920 : i32 to index
        %get3A_922 = arith.index_cast %add3A_919 : i32 to index
        %get3A_923 = arith.constant 80 : index
        %get3A_924 = tpu.vector_load %arg15[%get3A_921, %get3A_922, %get3A_923] {strides = array<i32>} : memref<2x100x128xf32, #tpu.memory_space<vmem>>, vector<16xf32>,
        %mul3A_925 = arith.constant 4 : i32
        %mul3A_926 = arith.muli %scan3A_675, %mul3A_925 : i32
        %add3A_927 = arith.constant 1 : i32
        %add3A_928 = arith.addi %mul3A_926, %add3A_927 : i32
        %get3A_929 = arith.constant 1 : i32
        %get3A_930 = arith.index_cast %get3A_929 : i32 to index
        %get3A_931 = arith.index_cast %add3A_928 : i32 to index
        %get3A_932 = arith.constant 80 : index
        %get3A_933 = tpu.vector_load %arg15[%get3A_930, %get3A_931, %get3A_932] {strides = array<i32>} : memref<2x100x128xf32, #tpu.memory_space<vmem>>, vector<16xf32>,
        %mul3A_934 = arith.constant 4 : i32
        %mul3A_935 = arith.muli %scan3A_675, %mul3A_934 : i32
        %add3A_936 = arith.constant 2 : i32
        %add3A_937 = arith.addi %mul3A_935, %add3A_936 : i32
        %get3A_938 = arith.constant 1 : i32
        %get3A_939 = arith.index_cast %get3A_938 : i32 to index
        %get3A_940 = arith.index_cast %add3A_937 : i32 to index
        %get3A_941 = arith.constant 80 : index
        %get3A_942 = tpu.vector_load %arg15[%get3A_939, %get3A_940, %get3A_941] {strides = array<i32>} : memref<2x100x128xf32, #tpu.memory_space<vmem>>, vector<16xf32>,
        %mul3A_943 = arith.constant 4 : i32
        %mul3A_944 = arith.muli %scan3A_675, %mul3A_943 : i32
        %add3A_945 = arith.constant 3 : i32
        %add3A_946 = arith.addi %mul3A_944, %add3A_945 : i32
        %get3A_947 = arith.constant 1 : i32
        %get3A_948 = arith.index_cast %get3A_947 : i32 to index
        %get3A_949 = arith.index_cast %add3A_946 : i32 to index
        %get3A_950 = arith.constant 80 : index
        %get3A_951 = tpu.vector_load %arg15[%get3A_948, %get3A_949, %get3A_950] {strides = array<i32>} : memref<2x100x128xf32, #tpu.memory_space<vmem>>, vector<16xf32>,
        %mul3A_952 = arith.mulf %get3A_888, %gather3A : vector<16xf32>
        %mul3A_953 = arith.mulf %get3A_897, %gather3A_689 : vector<16xf32>
        %add3A_954 = arith.addf %mul3A_952, %mul3A_953 : vector<16xf32>
        %mul3A_955 = arith.mulf %get3A_906, %gather3A_697 : vector<16xf32>
        %mul3A_956 = arith.mulf %get3A_915, %gather3A_705 : vector<16xf32>
        %add3A_957 = arith.addf %mul3A_955, %mul3A_956 : vector<16xf32>
        %add3A_958 = arith.addf %add3A_954, %add3A_957 : vector<16xf32>
        %mul3A_959 = arith.mulf %get3A_924, %gather3A : vector<16xf32>
        %mul3A_960 = arith.mulf %get3A_933, %gather3A_689 : vector<16xf32>
        %add3A_961 = arith.addf %mul3A_959, %mul3A_960 : vector<16xf32>
        %mul3A_962 = arith.mulf %get3A_942, %gather3A_697 : vector<16xf32>
        %mul3A_963 = arith.mulf %get3A_951, %gather3A_705 : vector<16xf32>
        %add3A_964 = arith.addf %mul3A_962, %mul3A_963 : vector<16xf32>
        %add3A_965 = arith.addf %add3A_961, %add3A_964 : vector<16xf32>
        tpu.vector_store_idx %arg17[%add3A_636, %broadcast_in_dim3A_708], %add3A_958 : memref<128x49xf32, #tpu.memory_space<vmem>>[vector<16xi32>, vector<16xi32>], vector<16xf32>,
        tpu.vector_store_idx %arg17[%add3A_640, %broadcast_in_dim3A_708], %add3A_965 : memref<128x49xf32, #tpu.memory_space<vmem>>[vector<16xi32>, vector<16xi32>], vector<16xf32>,
        %mul3A_966 = arith.constant 4 : i32
        %mul3A_967 = arith.muli %scan3A_675, %mul3A_966 : i32
        %add3A_968 = arith.constant 0 : i32
        %add3A_969 = arith.addi %mul3A_967, %add3A_968 : i32
        %get3A_970 = arith.constant 1 : i32
        %get3A_971 = arith.index_cast %get3A_970 : i32 to index
        %get3A_972 = arith.index_cast %add3A_969 : i32 to index
        %get3A_973 = arith.constant 96 : index
        %get3A_974 = tpu.vector_load %arg15[%get3A_971, %get3A_972, %get3A_973] {strides = array<i32>} : memref<2x100x128xf32, #tpu.memory_space<vmem>>, vector<16xf32>,
        %mul3A_975 = arith.constant 4 : i32
        %mul3A_976 = arith.muli %scan3A_675, %mul3A_975 : i32
        %add3A_977 = arith.constant 1 : i32
        %add3A_978 = arith.addi %mul3A_976, %add3A_977 : i32
        %get3A_979 = arith.constant 1 : i32
        %get3A_980 = arith.index_cast %get3A_979 : i32 to index
        %get3A_981 = arith.index_cast %add3A_978 : i32 to index
        %get3A_982 = arith.constant 96 : index
        %get3A_983 = tpu.vector_load %arg15[%get3A_980, %get3A_981, %get3A_982] {strides = array<i32>} : memref<2x100x128xf32, #tpu.memory_space<vmem>>, vector<16xf32>,
        %mul3A_984 = arith.constant 4 : i32
        %mul3A_985 = arith.muli %scan3A_675, %mul3A_984 : i32
        %add3A_986 = arith.constant 2 : i32
        %add3A_987 = arith.addi %mul3A_985, %add3A_986 : i32
        %get3A_988 = arith.constant 1 : i32
        %get3A_989 = arith.index_cast %get3A_988 : i32 to index
        %get3A_990 = arith.index_cast %add3A_987 : i32 to index
        %get3A_991 = arith.constant 96 : index
        %get3A_992 = tpu.vector_load %arg15[%get3A_989, %get3A_990, %get3A_991] {strides = array<i32>} : memref<2x100x128xf32, #tpu.memory_space<vmem>>, vector<16xf32>,
        %mul3A_993 = arith.constant 4 : i32
        %mul3A_994 = arith.muli %scan3A_675, %mul3A_993 : i32
        %add3A_995 = arith.constant 3 : i32
        %add3A_996 = arith.addi %mul3A_994, %add3A_995 : i32
        %get3A_997 = arith.constant 1 : i32
        %get3A_998 = arith.index_cast %get3A_997 : i32 to index
        %get3A_999 = arith.index_cast %add3A_996 : i32 to index
        %get3A_1000 = arith.constant 96 : index
        %get3A_1001 = tpu.vector_load %arg15[%get3A_998, %get3A_999, %get3A_1000] {strides = array<i32>} : memref<2x100x128xf32, #tpu.memory_space<vmem>>, vector<16xf32>,
        %mul3A_1002 = arith.constant 4 : i32
        %mul3A_1003 = arith.muli %scan3A_675, %mul3A_1002 : i32
        %add3A_1004 = arith.constant 0 : i32
        %add3A_1005 = arith.addi %mul3A_1003, %add3A_1004 : i32
        %get3A_1006 = arith.constant 1 : i32
        %get3A_1007 = arith.index_cast %get3A_1006 : i32 to index
        %get3A_1008 = arith.index_cast %add3A_1005 : i32 to index
        %get3A_1009 = arith.constant 112 : index
        %get3A_1010 = tpu.vector_load %arg15[%get3A_1007, %get3A_1008, %get3A_1009] {strides = array<i32>} : memref<2x100x128xf32, #tpu.memory_space<vmem>>, vector<16xf32>,
        %mul3A_1011 = arith.constant 4 : i32
        %mul3A_1012 = arith.muli %scan3A_675, %mul3A_1011 : i32
        %add3A_1013 = arith.constant 1 : i32
        %add3A_1014 = arith.addi %mul3A_1012, %add3A_1013 : i32
        %get3A_1015 = arith.constant 1 : i32
        %get3A_1016 = arith.index_cast %get3A_1015 : i32 to index
        %get3A_1017 = arith.index_cast %add3A_1014 : i32 to index
        %get3A_1018 = arith.constant 112 : index
        %get3A_1019 = tpu.vector_load %arg15[%get3A_1016, %get3A_1017, %get3A_1018] {strides = array<i32>} : memref<2x100x128xf32, #tpu.memory_space<vmem>>, vector<16xf32>,
        %mul3A_1020 = arith.constant 4 : i32
        %mul3A_1021 = arith.muli %scan3A_675, %mul3A_1020 : i32
        %add3A_1022 = arith.constant 2 : i32
        %add3A_1023 = arith.addi %mul3A_1021, %add3A_1022 : i32
        %get3A_1024 = arith.constant 1 : i32
        %get3A_1025 = arith.index_cast %get3A_1024 : i32 to index
        %get3A_1026 = arith.index_cast %add3A_1023 : i32 to index
        %get3A_1027 = arith.constant 112 : index
        %get3A_1028 = tpu.vector_load %arg15[%get3A_1025, %get3A_1026, %get3A_1027] {strides = array<i32>} : memref<2x100x128xf32, #tpu.memory_space<vmem>>, vector<16xf32>,
        %mul3A_1029 = arith.constant 4 : i32
        %mul3A_1030 = arith.muli %scan3A_675, %mul3A_1029 : i32
        %add3A_1031 = arith.constant 3 : i32
        %add3A_1032 = arith.addi %mul3A_1030, %add3A_1031 : i32
        %get3A_1033 = arith.constant 1 : i32
        %get3A_1034 = arith.index_cast %get3A_1033 : i32 to index
        %get3A_1035 = arith.index_cast %add3A_1032 : i32 to index
        %get3A_1036 = arith.constant 112 : index
        %get3A_1037 = tpu.vector_load %arg15[%get3A_1034, %get3A_1035, %get3A_1036] {strides = array<i32>} : memref<2x100x128xf32, #tpu.memory_space<vmem>>, vector<16xf32>,
        %mul3A_1038 = arith.mulf %get3A_974, %gather3A : vector<16xf32>
        %mul3A_1039 = arith.mulf %get3A_983, %gather3A_689 : vector<16xf32>
        %add3A_1040 = arith.addf %mul3A_1038, %mul3A_1039 : vector<16xf32>
        %mul3A_1041 = arith.mulf %get3A_992, %gather3A_697 : vector<16xf32>
        %mul3A_1042 = arith.mulf %get3A_1001, %gather3A_705 : vector<16xf32>
        %add3A_1043 = arith.addf %mul3A_1041, %mul3A_1042 : vector<16xf32>
        %add3A_1044 = arith.addf %add3A_1040, %add3A_1043 : vector<16xf32>
        %mul3A_1045 = arith.mulf %get3A_1010, %gather3A : vector<16xf32>
        %mul3A_1046 = arith.mulf %get3A_1019, %gather3A_689 : vector<16xf32>
        %add3A_1047 = arith.addf %mul3A_1045, %mul3A_1046 : vector<16xf32>
        %mul3A_1048 = arith.mulf %get3A_1028, %gather3A_697 : vector<16xf32>
        %mul3A_1049 = arith.mulf %get3A_1037, %gather3A_705 : vector<16xf32>
        %add3A_1050 = arith.addf %mul3A_1048, %mul3A_1049 : vector<16xf32>
        %add3A_1051 = arith.addf %add3A_1047, %add3A_1050 : vector<16xf32>
        tpu.vector_store_idx %arg17[%add3A_644, %broadcast_in_dim3A_708], %add3A_1044 : memref<128x49xf32, #tpu.memory_space<vmem>>[vector<16xi32>, vector<16xi32>], vector<16xf32>,
        tpu.vector_store_idx %arg17[%add3A_648, %broadcast_in_dim3A_708], %add3A_1051 : memref<128x49xf32, #tpu.memory_space<vmem>>[vector<16xi32>, vector<16xi32>], vector<16xf32>,
      }
      %scan3A_660 = arith.constant 24 : i32
      %add3A_661 = arith.addi %min3A_3, %add3A_576 : i32
      %dma_start3A_662 = arith.constant 0 : i32
      %dma_start3A_663 = arith.constant 0 : i32
      %dma_start3A_664 = tpu.memref_slice %arg5[%add3A_661, %dma_start3A_662, %dma_start3A_663] : memref<5000x128x49xf32, #tpu.memory_space<hbm>> -> memref<1x128x49xf32, #tpu.memory_space<hbm>>
      %dma_start3A_665 = tpu.memref_squeeze %dma_start3A_664 : memref<1x128x49xf32, #tpu.memory_space<hbm>> -> memref<128x49xf32, #tpu.memory_space<hbm>>
      %dma_start3A_666 = arith.constant 0 : i32
      %dma_start3A_667 = arith.constant 0 : i32
      %dma_start3A_668 = tpu.memref_slice %arg5[%add3A_661, %dma_start3A_666, %dma_start3A_667] : memref<5000x128x49xf32, #tpu.memory_space<hbm>> -> memref<1x128x49xf32, #tpu.memory_space<hbm>>
      %dma_start3A_669 = tpu.memref_squeeze %dma_start3A_668 : memref<1x128x49xf32, #tpu.memory_space<hbm>> -> memref<128x49xf32, #tpu.memory_space<hbm>>
      tpu.enqueue_dma source(%arg17 : memref<128x49xf32, #tpu.memory_space<vmem>>) target(%dma_start3A_669 : memref<128x49xf32, #tpu.memory_space<hbm>>) target_semaphore(%arg25 : memref<!tpu.dma_semaphore, #tpu.memory_space<semaphore_mem>>)
      %lt3A_670 = arith.constant 39 : i32
      %lt3A_671 = arith.cmpi slt, %scan3A_161, %lt3A_670 : i32
      %convert_element_type3A_672 = arith.extui %lt3A_671 : i1 to i32
      %cond3A_673 = arith.constant 0 : i32
      %cond3A_674 = arith.cmpi ne, %convert_element_type3A_672, %cond3A_673 : i32
      scf.if %cond3A_674 {
        %add3A_675 = arith.constant 4 : i32
        %add3A_676 = arith.addi %add3A_576, %add3A_675 : i32
        %add3A_677 = arith.addi %min3A_3, %add3A_676 : i32
        %dma_start3A_678 = arith.constant 0 : i32
        %dma_start3A_679 = arith.constant 0 : i32
        %dma_start3A_680 = tpu.memref_slice %arg3[%add3A_677, %dma_start3A_678, %dma_start3A_679] : memref<5000x2x100xi32, #tpu.memory_space<hbm>> -> memref<1x2x100xi32, #tpu.memory_space<hbm>>
        %dma_start3A_681 = tpu.memref_squeeze %dma_start3A_680 : memref<1x2x100xi32, #tpu.memory_space<hbm>> -> memref<2x100xi32, #tpu.memory_space<hbm>>
        %dma_start3A_682 = arith.constant 0 : i32
        %dma_start3A_683 = arith.constant 0 : i32
        %dma_start3A_684 = tpu.memref_slice %arg3[%add3A_677, %dma_start3A_682, %dma_start3A_683] : memref<5000x2x100xi32, #tpu.memory_space<hbm>> -> memref<1x2x100xi32, #tpu.memory_space<hbm>>
        %dma_start3A_685 = tpu.memref_squeeze %dma_start3A_684 : memref<1x2x100xi32, #tpu.memory_space<hbm>> -> memref<2x100xi32, #tpu.memory_space<hbm>>
        tpu.enqueue_dma source(%dma_start3A_685 : memref<2x100xi32, #tpu.memory_space<hbm>>) target(%arg9 : memref<2x100xi32, #tpu.memory_space<vmem>>) target_semaphore(%arg21 : memref<!tpu.dma_semaphore, #tpu.memory_space<semaphore_mem>>)
        %add3A_686 = arith.addi %min3A_3, %add3A_676 : i32
        %dma_start3A_687 = arith.constant 0 : i32
        %dma_start3A_688 = tpu.memref_slice %arg13[%dma_start3A_687] : memref<216xf32, #tpu.memory_space<vmem>> -> memref<200xf32, #tpu.memory_space<vmem>>
        %dma_start3A_689 = arith.constant 0 : i32
        %dma_start3A_690 = tpu.memref_slice %arg4[%add3A_686, %dma_start3A_689] : memref<5000x200xf32, #tpu.memory_space<hbm>> -> memref<1x200xf32, #tpu.memory_space<hbm>>
        %dma_start3A_691 = tpu.memref_squeeze %dma_start3A_690 : memref<1x200xf32, #tpu.memory_space<hbm>> -> memref<200xf32, #tpu.memory_space<hbm>>
        %dma_start3A_692 = arith.constant 0 : i32
        %dma_start3A_693 = tpu.memref_slice %arg13[%dma_start3A_692] : memref<216xf32, #tpu.memory_space<vmem>> -> memref<200xf32, #tpu.memory_space<vmem>>
        %dma_start3A_694 = arith.constant 0 : i32
        %dma_start3A_695 = tpu.memref_slice %arg4[%add3A_686, %dma_start3A_694] : memref<5000x200xf32, #tpu.memory_space<hbm>> -> memref<1x200xf32, #tpu.memory_space<hbm>>
        %dma_start3A_696 = tpu.memref_squeeze %dma_start3A_695 : memref<1x200xf32, #tpu.memory_space<hbm>> -> memref<200xf32, #tpu.memory_space<hbm>>
        tpu.enqueue_dma source(%dma_start3A_696 : memref<200xf32, #tpu.memory_space<hbm>>) target(%dma_start3A_693 : memref<200xf32, #tpu.memory_space<vmem>>) target_semaphore(%arg21 : memref<!tpu.dma_semaphore, #tpu.memory_space<semaphore_mem>>)
      } else {
      }
    }
    %scan3A_140 = arith.constant 40 : i32
    %add3A_141 = arith.constant 158 : i32
    %add3A_142 = arith.addi %min3A_3, %add3A_141 : i32
    %dma_wait3A_143 = arith.constant 0 : i32
    %dma_wait3A_144 = arith.constant 0 : i32
    %dma_wait3A_145 = tpu.memref_slice %arg5[%add3A_142, %dma_wait3A_143, %dma_wait3A_144] : memref<5000x128x49xf32, #tpu.memory_space<hbm>> -> memref<1x128x49xf32, #tpu.memory_space<hbm>>
    %dma_wait3A_146 = tpu.memref_squeeze %dma_wait3A_145 : memref<1x128x49xf32, #tpu.memory_space<hbm>> -> memref<128x49xf32, #tpu.memory_space<hbm>>
    %dma_wait3A_147 = arith.constant 0 : i32
    %dma_wait3A_148 = arith.constant 0 : i32
    %dma_wait3A_149 = tpu.memref_slice %arg5[%add3A_142, %dma_wait3A_147, %dma_wait3A_148] : memref<5000x128x49xf32, #tpu.memory_space<hbm>> -> memref<1x128x49xf32, #tpu.memory_space<hbm>>
    %dma_wait3A_150 = tpu.memref_squeeze %dma_wait3A_149 : memref<1x128x49xf32, #tpu.memory_space<hbm>> -> memref<128x49xf32, #tpu.memory_space<hbm>>
    tpu.wait_dma2 semaphore(%arg24 : memref<!tpu.dma_semaphore, #tpu.memory_space<semaphore_mem>>) src(%arg16 : memref<128x49xf32, #tpu.memory_space<vmem>>) dst(%dma_wait3A_150 : memref<128x49xf32, #tpu.memory_space<hbm>>)
    %add3A_151 = arith.constant 159 : i32
    %add3A_152 = arith.addi %min3A_3, %add3A_151 : i32
    %dma_wait3A_153 = arith.constant 0 : i32
    %dma_wait3A_154 = arith.constant 0 : i32
    %dma_wait3A_155 = tpu.memref_slice %arg5[%add3A_152, %dma_wait3A_153, %dma_wait3A_154] : memref<5000x128x49xf32, #tpu.memory_space<hbm>> -> memref<1x128x49xf32, #tpu.memory_space<hbm>>
    %dma_wait3A_156 = tpu.memref_squeeze %dma_wait3A_155 : memref<1x128x49xf32, #tpu.memory_space<hbm>> -> memref<128x49xf32, #tpu.memory_space<hbm>>
    %dma_wait3A_157 = arith.constant 0 : i32
    %dma_wait3A_158 = arith.constant 0 : i32
    %dma_wait3A_159 = tpu.memref_slice %arg5[%add3A_152, %dma_wait3A_157, %dma_wait3A_158] : memref<5000x128x49xf32, #tpu.memory_space<hbm>> -> memref<1x128x49xf32, #tpu.memory_space<hbm>>
    %dma_wait3A_160 = tpu.memref_squeeze %dma_wait3A_159 : memref<1x128x49xf32, #tpu.memory_space<hbm>> -> memref<128x49xf32, #tpu.memory_space<hbm>>
    tpu.wait_dma2 semaphore(%arg25 : memref<!tpu.dma_semaphore, #tpu.memory_space<semaphore_mem>>) src(%arg17 : memref<128x49xf32, #tpu.memory_space<vmem>>) dst(%dma_wait3A_160 : memref<128x49xf32, #tpu.memory_space<hbm>>)
    return
  }
}

</mosaic_0001>

<sc_bundles>
// kernel: kernel.3.cloned.1.call-start
scs
__scs_entry_jumppad:
0x0: {  	(pc) =	sbr.rel $0x88, $3  }
0x1: {  	(tag) =	ssettag $0x0;
	lr =	simm.s32 $0x1  }
0x2: {  	[smem:$0x3F9E] =	sst lr;
	_ =	strace $0xD0000000  }
0x3: {  	_ = 	snop  }
0x4: {  	_ = 	snop  }
0x5: {  	_ = 	snop  }
0x6: {  	_ = 	snop  }
0x7: {  	_ = 	snop  }
__scs_overlays_trampoline_lowered:
0x8: {  	[smem:$0x3FAD] =	sst s0  }
0x9: {  	[smem:$0x3FAE] =	sst s1  }
0xa: {  	[smem:$0x3FAF] =	sst s2  }
0xb: {  	[smem:$0x3FB0] =	sst s3  }
0xc: {  	[smem:$0x3FB1] =	sst s4  }
0xd: {  	[smem:$0x3FB2] =	sst s5  }
0xe: {  	[smem:$0x3FB3] =	sst s6  }
0xf: {  	[smem:$0x3FB4] =	sst s7  }
0x10: {  	[smem:$0x3FB5] =	sst s8  }
0x11: {  	[smem:$0x3FB6] =	sst s9;
	s0 =	simm.s32 @!p0 $0x0  }
0x12: {  	s1 =	sld [smem:$0x3F9C];
	s0 =	simm.s32 @p0 $0x1  }
0x13: {  	[smem:$0x3FB7] =	sst s0;
	s0 =	simm.s32 @!p1 $0x0  }
0x14: {  	s2 =	sld [smem:$0x3F9B];
	s0 =	simm.s32 @p1 $0x1  }
0x15: {  	[smem:$0x3FB8] =	sst s0;
	s0 =	simm.s32 @!p2 $0x0  }
0x16: {  	s3 =	sld [smem:$0x3FDB];
	s0 =	simm.s32 @p2 $0x1  }
0x17: {  	s4 =	simm.s32 $0x1BF5;
	[smem:$0x3FBA] =	sst s0  }
0x18: {  	s0 =	sld [smem:$0x3F9D];
	_ =	swait.ge [sflag:s4], $0x0  }
0x19: {  	s7 =	sld [smem:$0x3F9E]  }
0x1a: {  	s8 =	sadd.s32 $0xFFFFE003, lr  }
0x1b: {  	s9 =	sadd.s32 $0xFFFFFEF7, lr;
	s5 =	simm.s32 $0xFFFFFFFF;
	p2 =	slt.u32 s8, $0xFFFFF086  }
0x1c: {  	p1 =	slt.u32 s9, $0xF7A;
	s5 =	simm.s32 @!p2 $0x0  }
0x1d: {  	s5 =	simm.s32 @p1 $0x1;
	p0 =	seq.s32 s7, s2  }
0x1e: {  	s7 =	smul.u32 @!p0 $0xF7A, s2;
	p2 =	seq.s32 @!p0 s5, $0x0  }
0x1f: {  	s9 =	smul.u32 $0xF7A, s1;
	s8 =	simm.s32 @!p0 $0x1BF5;
	p2 =	por !p2, p0  }
0x20: {  	[sflag:s8] =	ssyncset.s32 @!p0 $0xFFFFF086;
	s6 =	sadd.s32 @!p0 s3, s7;
	s7 =	simm.s32 @!p0 $0x108  }
0x21: {  	s3 =	sadd.s32 s3, s9;
	s6 =	sadd.s32 @!p0 $0x88, s6;
	s7 =	simm.s32 @p2 $0x1082  }
0x22: {  	[simem:s7], [sflag:s8] =	dma.local @!p0 [hbm:s6], $0xF7A  }
0x23: {  	s9 =	sor.u32 $0xD0000000, s2;
	s6 =	simm.s32 $0x108;
	_ =	swait.ge @!p0 [sflag:s8], $0x0  }
0x24: {  	s3 =	sadd.s32 $0x88, s3;
	s6 =	simm.s32 @!p1 $0x1082;
	[sflag:s4] =	ssyncset.s32 $0xFFFFF086  }
0x25: {  	[simem:s6], [sflag:s4] =	dma.local [hbm:s3], $0xF7A  }
0x26: {  	[smem:$0x3F9E] =	sst s1;
	(tag) =	ssettag s2;
	_ =	strace s9  }
0x27: {  	s1 =	sld [smem:$0x3FAE]  }
0x28: {  	s2 =	sld [smem:$0x3FAF]  }
0x29: {  	s4 =	sld [smem:$0x3FB1]  }
0x2a: {  	p0 =	seq.s32 s5, $0x0;
	s5 =	sld [smem:$0x3FB2]  }
0x2b: {  	s6 =	sld [smem:$0x3FB3]  }
0x2c: {  	s7 =	sld [smem:$0x3FB4]  }
0x2d: {  	s3 =	simm.s32 $0x108;
	s8 =	sld [smem:$0x3FB5]  }
0x2e: {  	s3 =	simm.s32 @!p0 $0x1082;
	s9 =	sld [smem:$0x3FB6]  }
0x2f: {  	lr =	sadd.s32 s0, s3;
	s0 =	sld [smem:$0x3FAD]  }
0x30: {  	s3 =	sld [smem:$0x3FB0]  }
0x31: {  	[smem:$0x3FB9] =	sst s10  }
0x32: {  	s10 =	sld [smem:$0x3FB7];
	_ =	sdelay $0x3  }
0x33: {  	p0 =	seq.s32 s10, $0x1;
	s10 =	sld [smem:$0x3FB9];
	_ =	sdelay $0x3  }
0x34: {  	[smem:$0x3FB9] =	sst s10  }
0x35: {  	s10 =	sld [smem:$0x3FB8];
	_ =	sdelay $0x3  }
0x36: {  	p1 =	seq.s32 s10, $0x1;
	s10 =	sld [smem:$0x3FB9];
	_ =	sdelay $0x3  }
0x37: {  	[smem:$0x3FB9] =	sst s10  }
0x38: {  	s10 =	sld [smem:$0x3FBA]  }
0x39: {  	_ = 	snop;
	(pc) =	sbr.ind lr, $3  }
0x3a: {  	_ = 	snop  }
0x3b: {  	_ = 	snop  }
0x3c: {  	p2 =	seq.s32 s10, $0x1;
	s10 =	sld [smem:$0x3FB9]  }
0x3d: {  	_ =	shalt  }
0x3e: {  	_ =	shalt  }
0x3f: {  	_ =	shalt  }
0x40: {  	_ =	shalt  }
0x41: {  	_ =	shalt  }
0x42: {  	_ =	shalt  }
0x43: {  	_ =	shalt  }
0x44: {  	_ =	shalt  }
0x45: {  	_ =	shalt  }
0x46: {  	_ =	shalt  }
0x47: {  	_ =	shalt  }
0x48: {  	_ =	shalt  }
0x49: {  	_ =	shalt  }
0x4a: {  	_ =	shalt  }
0x4b: {  	_ =	shalt  }
0x4c: {  	_ =	shalt  }
0x4d: {  	_ =	shalt  }
0x4e: {  	_ =	shalt  }
0x4f: {  	_ =	shalt  }
0x50: {  	_ =	shalt  }
0x51: {  	_ =	shalt  }
0x52: {  	_ =	shalt  }
0x53: {  	_ =	shalt  }
0x54: {  	_ =	shalt  }
0x55: {  	_ =	shalt  }
0x56: {  	_ =	shalt  }
0x57: {  	_ =	shalt  }
0x58: {  	_ =	shalt  }
0x59: {  	_ =	shalt  }
0x5a: {  	_ =	shalt  }
0x5b: {  	_ =	shalt  }
0x5c: {  	_ =	shalt  }
0x5d: {  	_ =	shalt  }
0x5e: {  	_ =	shalt  }
0x5f: {  	_ =	shalt  }
0x60: {  	_ =	shalt  }
0x61: {  	_ =	shalt  }
0x62: {  	_ =	shalt  }
0x63: {  	_ =	shalt  }
0x64: {  	_ =	shalt  }
0x65: {  	_ =	shalt  }
0x66: {  	_ =	shalt  }
0x67: {  	_ =	shalt  }
0x68: {  	_ =	shalt  }
0x69: {  	_ =	shalt  }
0x6a: {  	_ =	shalt  }
0x6b: {  	_ =	shalt  }
0x6c: {  	_ =	shalt  }
0x6d: {  	_ =	shalt  }
0x6e: {  	_ =	shalt  }
0x6f: {  	_ =	shalt  }
0x70: {  	_ =	shalt  }
0x71: {  	_ =	shalt  }
0x72: {  	_ =	shalt  }
0x73: {  	_ =	shalt  }
0x74: {  	_ =	shalt  }
0x75: {  	_ =	shalt  }
0x76: {  	_ =	shalt  }
0x77: {  	_ =	shalt  }
0x78: {  	_ =	shalt  }
0x79: {  	_ =	shalt  }
0x7a: {  	_ =	shalt  }
0x7b: {  	_ =	shalt  }
0x7c: {  	_ =	shalt  }
0x7d: {  	_ =	shalt  }
0x7e: {  	_ =	shalt  }
0x7f: {  	_ =	shalt  }
0x80: {  	_ =	shalt  }
0x81: {  	_ =	shalt  }
0x82: {  	_ =	shalt  }
0x83: {  	_ =	shalt  }
0x84: {  	_ =	shalt  }
0x85: {  	_ =	shalt  }
0x86: {  	_ =	shalt  }
0x87: {  	_ =	shalt  }
.Lfunc_end0:
.L_simem_size_0:
called_computation.1_lowered:
.L_overlay_start_0:
0x88: {  	s2 =	sld [smem:$0x3FD9]  }
0x89: {  	s3 =	sld [smem:$0x3FFE];
	_ =	sdelay $0x1  }
0x8a: {  	s1 =	srdreg.scid  }
0x8b: {  	s0 =	sand.u32 $0x1, s1  }
0x8c: {  	s17 =	sshll.u32 s0, $0xA;
	s2 =	sadd.s32 s3, s2  }
0x8d: {  	s2 =	sadd.s32 s2, s17  }
0x8e: {  	[smem:$0x3FC5] =	sst s2  }
0x8f: {  	_ = 	snop  }
0x90: {  	s2 =	sld [smem:$0x3FC9]  }
0x91: {  	s18 =	sld [smem:$0x3FD0];
	(tm) =	ssettm $0x1  }
0x92: {  	s4 =	sld [smem:$0x3FFB];
	_ =	sdelay $0x3  }
0x93: {  	_ =	strace s4  }
0x94: {  	s4 =	sld [smem:$0x3FFC];
	_ =	sdelay $0x3  }
0x95: {  	_ =	strace s4  }
0x96: {  	s4 =	sld [smem:$0x3FFD];
	_ =	sdelay $0x3  }
0x97: {  	_ =	strace s4  }
0x98: {  	_ =	strace $0x8FFFFFFF  }
0x99: {  	s19 =	sld [smem:$0x3FDB];
	_ =	sdelay $0x1  }
0x9a: {  	s5 =	simm.s32 $_scs_section_size  }
0x9b: {  	s6 =	simm.s32 $_size__tile_overlayer_lowered;
	s7 =	simm.s32 $_tile_overlayer_lowered  }
0x9c: {  	s22 =	simm.s32 $0x1BFF;
	s21 =	sshll.u32 s7, $0x1;
	s4 =	sadd.s32 s5, s19  }
0x9d: {  	s8 =	simm.s32 $0x0;
	s20 =	sshll.u32 s6, $0x1;
	s6 =	sadd.s32 s21, s4  }
0x9e: {  	[timem:s8], [sflag:s22] =	dma.local [hbm:s6], s20  }
0x9f: {  	_ =	swait.ge [sflag:s22], s20  }
0xa0: {  	s5 =	ssub.s32 $0x0, s20;
	[sflag:s22] =	ssyncset.done $0x0  }
0xa1: {  	[sflag:s22] =	ssyncadd.s32 s5;
	_ =	sdelay $0x1  }
0xa2: {  	s23 =	simm.s32 $0x1B8B  }
0xa3: {  	_ =	swait.ge [sflag:s23], $0x1  }
0xa4: {  	[sflag:s23] =	ssyncset.done $0x0  }
0xa5: {  	s25 =	simm.s32 $0x1B8E;
	s24 =	sld [smem:$0x3FFE];
	[sflag:s23] =	ssyncadd.s32 $0xFFFFFFFF  }
0xa6: {  	s26 =	simm.s32 $execute0_lowered;
	[smem:$0x3FD2] =	sst s25  }
0xa7: {  	s6 =	sshll.u32 s26, $0x1;
	_ =	strace $0x80000046;
	[dreg:$0x1] =	wrdreg $0xFFFFFFFF  }
0xa8: {  	s28 =	simm.s32 $_size_execute0_lowered;
	s4 =	sadd.s32 s4, s6;
	[dreg:$0x0] =	wrdreg $0x0  }
0xa9: {  	s6 =	sshll.u32 s28, $0x1;
	[dreg:$0x2] =	wrdreg s4  }
0xaa: {  	[dreg:$0x3] =	wrdreg s6  }
0xab: {  	[dreg:$0x4] =	wrdreg $0xC0  }
0xac: {  	_ =	task [dreg:s8], $0x5FFFF  }
0xad: {  	[dreg:$0x1] =	wrdreg $0xFFFFFFFF  }
0xae: {  	[dreg:$0x0] =	wrdreg $0x60  }
0xaf: {  	[dreg:$0x2] =	wrdreg s2  }
0xb0: {  	[dreg:$0x3] =	wrdreg s18  }
0xb1: {  	[dreg:$0x4] =	wrdreg s24  }
0xb2: {  	[dreg:$0x5] =	wrdreg $0x9  }
0xb3: {  	_ =	task.clear_ibuf [dreg:s8], $0x6FFFF;
	_ =	strace $0x90000046  }
0xb4: {  	s29 =	simm.s32 $0x9;
	_ =	strace $0x80000048  }
0xb5: {  	_ =	swait.ge [sflag:s29], $0x1  }
0xb6: {  	[sflag:s29] =	ssyncadd.s32 $0xFFFFFFFF  }
0xb7: {  	_ =	strace $0x90000048  }
0xb8: {  	_ =	sfence  }
0xb9: {  	s30 =	sld [smem:$0x0];
	_ =	sdelay $0x2  }
0xba: {  	s31 =	sshll.u32 s1, $0xD;
	s1 =	sshrl.u32 s1, $0x2  }
0xbb: {  	s3 =	sand.u32 $0x4000, s31;
	s1 =	sadd.s32 s1, s30  }
0xbc: {  	s0 =	sor.u32 s3, s0;
	s1 =	sshll.u32 s1, $0x11  }
0xbd: {  	s0 =	sor.u32 s1, s0  }
0xbe: {  	s0 =	sadd.s32 $0x8F2B, s0  }
0xbf: {  	[sflag:s0] =	ssyncadd.remote.s32 $0x1  }
0xc0: {  	_ =	sfence.sel $0xFFFF  }
0xc1: {  	[dreg:$0x0] =	wrdreg $0xFFFFFFFF;
	(pc) =	sbr.abs _section_cstart, $3  }
0xc2: {  	[dreg:$0x1] =	wrdreg $0xFFFFFFFF  }
0xc3: {  	_ =	task.clear_ibuf [dreg:s8], $0x2FFFF;
	_ =	strace $0x9FFFFFFF  }
0xc4: {  	(tm) =	ssettm $0x7FFFFFFF  }
0xc5: {  	_ =	shalt  }
tec
execute0_lowered:
.L_overlay_start_1:
0x0: {  	(tag) =	ssettag $0x1  }
0x1: {  	s0 =	srdreg.scid  }
0x2: {  	s1 =	stileid.u32;
	s2 =	rddreg [dreg:$0x0]  }
0x3: {  	s3 =	rddreg [dreg:$0x1];
	s0 =	sand.u32 $0x1, s0;
	s1 =	sshll.u32 s1, $0x1  }
0x4: {  	s4 =	rddreg [dreg:$0x2];
	s5 =	simm.s32 $0x0;
	s1 =	sor.u32 s0, s1  }
0x5: {  	s29 =	simm.s32 $0x4F0;
	s30 =	simm.s32 $0x270;
	s1 =	smul.u32 $0xA0, s1  }
0x6: {  	s31 =	simm.s32 $0x5C8;
	s28 =	simm.s32 $0x7;
	s0 =	ssub.s32 $0x2, s0  }
0x7: {  	[smem:$0x7FF] =	sst s5;
	s26 =	sshrl.u32 s0, $0x1;
	s12 =	smin.u32 s1, $0x12E8  }
0x8: {  	s7 =	sadd.s32 $0x1000, s4;
	s0 =	ssub.s32 s0, s26;
	s1 =	smul.u32 $0x1A, s12  }
0x9: {  	_ =	strace $0x80000047;
	s0 =	smax.u32 s0, $0x1;
	s6 =	smul.u32 $0x19, s12  }
0xa: {  	s9 =	sor.u32 $0x1, s12;
	s13 =	sor.u32 $0x2, s12;
	[dreg:$0x13] =	wrdreg s0  }
0xb: {  	s15 =	sor.u32 $0x3, s12;
	s23 =	sor.u32 $0x4, s12;
	[dreg:$0x4] =	wrdreg s9  }
0xc: {  	s24 =	sor.u32 $0x5, s12;
	s8 =	smul.u32 $0x1A, s9;
	[dreg:$0x5] =	wrdreg s13  }
0xd: {  	s25 =	sor.u32 $0x6, s12;
	s10 =	smul.u32 $0x19, s9;
	[dreg:$0x6] =	wrdreg s15  }
0xe: {  	s26 =	sor.u32 $0x7, s12;
	s11 =	smul.u32 $0x1A, s13;
	[dreg:$0xf] =	wrdreg s23  }
0xf: {  	s0 =	simm.s32 $0x64;
	s14 =	smul.u32 $0x19, s13;
	[dreg:$0x10] =	wrdreg s24  }
0x10: {  	s9 =	sadd.s32 $0x1FA00, s4;
	s17 =	smul.u32 $0x1A, s15;
	[dreg:$0x11] =	wrdreg s25  }
0x11: {  	s20 =	smul.u32 $0x19, s15;
	[dreg:$0x12] =	wrdreg s26;
	s24 =	simm.s32 $0x340  }
0x12: {  	s26 =	simm.s32 $0x418;
	s13 =	simm.s32 $0x5;
	s1 =	sadd.s32 s3, s1  }
0x13: {  	s15 =	simm.s32 $0x6AA0;
	s16 =	sadd.s32 s7, s6;
	[dreg:$0x7] =	wrdreg s1  }
0x14: {  	s23 =	simm.s32 $0x6;
	[dreg:$0x8] =	wrdreg s16;
	s18 =	sadd.s32 s3, s8  }
0x15: {  	s25 =	simm.s32 $0x4;
	s19 =	sadd.s32 s7, s10;
	[dreg:$0x9] =	wrdreg s18  }
0x16: {  	v0 =	vlaneseq.u32;
	s6 =	simm.s32 $0x0;
	s21 =	sadd.s32 s3, s11;
	[dreg:$0xa] =	wrdreg s19  }
.Ltmp0:
0x17: {  	v0 =	vmul.u32 $0x38, v0;
	s4 =	sadd.s32 s7, s14;
	[dreg:$0xb] =	wrdreg s21;
	(pc) =	sbr.rel .LBB2_1-.Ltmp0, $4  }
0x18: {  	s1 =	sadd.s32 s3, s17;
	s22 =	sadd.s32 s7, s20;
	[dreg:$0xc] =	wrdreg s4  }
0x19: {  	v1 =	vadd.s32 $0x380, v0;
	s14 =	simm.s32 $0x2;
	s17 =	simm.s32 $0x9CA0;
	[dreg:$0xd] =	wrdreg s1  }
0x1a: {  	v2 =	vadd.s32 $0x700, v0;
	v3 =	vadd.s32 $0xA80, v0;
	v4 =	vadd.s32 $0xE00, v0;
	s16 =	simm.s32 $0xEAA0;
	s11 =	simm.s32 $0x8;
	[dreg:$0xe] =	wrdreg s22  }
0x1b: {  	v5 =	vadd.s32 $0x1180, v0;
	v6 =	vadd.s32 $0x1500, v0;
	v7 =	vadd.s32 $0x1880, v0;
	s21 =	smov.u32 s12;
	s18 =	simm.s32 $0xCEA0;
	s1 =	simm.s32 $0x3  }
.LBB2_20:
0x1c: {  	_ =	swait.ge [sflag:s28], $0x1C00  }
0x1d: {  	[sflag:s28] =	ssyncset.done $0x0  }
0x1e: {  	[sflag:s28] =	ssyncadd.s32 $0xFFFFE400  }
0x1f: {  	_ =	swait.ge [sflag:s11], $0x1C00  }
0x20: {  	s6 =	rddreg [dreg:$0x14]  }
0x21: {  	s4 =	rddreg [dreg:$0x13];
	s6 =	sadd.s32 $0x1, s6  }
0x22: {  	p0 =	sne.s32 s6, s4  }
.Ltmp1:
0x23: {  	_ = 	snop;
	(pc) =	sbr.rel @!p0 .LBB2_21-.Ltmp1, $3  }
0x24: {  	_ =	sdelay $0x1  }
0x25: {  	[sflag:s11] =	ssyncset.done $0x0  }
0x26: {  	[sflag:s11] =	ssyncadd.s32 $0xFFFFE400  }
.LBB2_1:
0x27: {  	[dreg:$0x14] =	wrdreg s6  }
0x28: {  	s4 =	rddreg [dreg:$0x7]  }
0x29: {  	[tilespmem:s5], [sflag:$0x1] =	stream.linear.gather [hbm4b:s4+s5], $0xD0, $0x38;
	[tilespmem:$0x106A0] =	vst v63  }
0x2a: {  	s8 =	rddreg [dreg:$0x8]  }
0x2b: {  	[tilespmem:s24], [sflag:$0x1] =	stream.linear.gather [hbm4b:s8+s5], $0xC8, $0x38;
	[tilespmem:$0x106A0] =	vst v63  }
0x2c: {  	s10 =	rddreg [dreg:$0x9];
	s12 =	simm.s32 $0xD0  }
0x2d: {  	[tilespmem:s12], [sflag:$0x2] =	stream.linear.gather [hbm4b:s10+s5], $0xD0, $0x38;
	[tilespmem:$0x106A0] =	vst v63  }
0x2e: {  	s19 =	rddreg [dreg:$0xa]  }
0x2f: {  	[tilespmem:s26], [sflag:$0x2] =	stream.linear.gather [hbm4b:s19+s5], $0xC8, $0x38;
	[tilespmem:$0x106A0] =	vst v63  }
0x30: {  	s20 =	rddreg [dreg:$0xb];
	s22 =	simm.s32 $0x1A0  }
0x31: {  	[tilespmem:s22], [sflag:$0x3] =	stream.linear.gather [hbm4b:s20+s5], $0xD0, $0x38;
	[tilespmem:$0x106A0] =	vst v63  }
0x32: {  	s6 =	rddreg [dreg:$0xc]  }
0x33: {  	[tilespmem:s29], [sflag:$0x3] =	stream.linear.gather [hbm4b:s6+s5], $0xC8, $0x38;
	[tilespmem:$0x106A0] =	vst v63  }
0x34: {  	s8 =	rddreg [dreg:$0xd]  }
0x35: {  	[tilespmem:s30], [sflag:$0x4] =	stream.linear.gather [hbm4b:s8+s5], $0xD0, $0x38;
	[tilespmem:$0x106A0] =	vst v63  }
0x36: {  	s10 =	rddreg [dreg:$0xe];
	s12 =	simm.s32 $0x1  }
0x37: {  	[tilespmem:s31], [sflag:$0x4] =	stream.linear.gather [hbm4b:s10+s5], $0xC8, $0x38;
	[tilespmem:$0x106A0] =	vst v63  }
0x38: {  	_ =	swait.ge [sflag:s12], $0xD0  }
0x39: {  	[sflag:s12] =	ssyncset.done $0x0  }
0x3a: {  	[sflag:s12] =	ssyncadd.s32 $0xFFFFFF30  }
0x3b: {  	_ =	swait.ge [sflag:s12], $0xC8  }
0x3c: {  	[sflag:s12] =	ssyncset.done $0x0  }
0x3d: {  	s19 =	simm.s32 $0x6A0;
	[sflag:s12] =	ssyncadd.s32 $0xFFFFFF38  }
0x3e: {  	[tilespmem:s19], [sflag:$0x5] =	stream.indirect.gather [hbm4b:s2+s0], $0x80, s5, s0, $0xb8;
	[tilespmem:$0x106A0] =	vst v63  }
0x3f: {  	s20 =	simm.s32 $0x68;
	s22 =	simm.s32 $0x38A0;
	s12 =	simm.s32 $0x0  }
0x40: {  	[tilespmem:s22], [sflag:$0x5] =	stream.indirect.gather [hbm4b:s2+s0], $0x80, s20, s0, $0xb8;
	[tilespmem:$0x106A0] =	vst v63  }
.LBB2_2:
0x41: {  	_ =	swait.ge [sflag:s13], $0x3200  }
0x42: {  	[sflag:s13] =	ssyncset.done $0x0  }
0x43: {  	[sflag:s13] =	ssyncadd.s32 $0xFFFFCE00  }
0x44: {  	_ =	swait.ge [sflag:s13], $0x3200  }
0x45: {  	[sflag:s13] =	ssyncset.done $0x0  }
0x46: {  	[sflag:s13] =	ssyncadd.s32 $0xFFFFCE00  }
0x47: {  	_ =	swait.ge [sflag:s14], $0xD0  }
0x48: {  	[sflag:s14] =	ssyncset.done $0x0  }
0x49: {  	[sflag:s14] =	ssyncadd.s32 $0xFFFFFF30  }
0x4a: {  	_ =	swait.ge [sflag:s14], $0xC8  }
0x4b: {  	[sflag:s14] =	ssyncset.done $0x0  }
0x4c: {  	s4 =	simm.s32 $0xD0;
	p1 =	seq.s32 s12, $0x0;
	[sflag:s14] =	ssyncadd.s32 $0xFFFFFF38  }
0x4d: {  	[tilespmem:s15], [sflag:$0x6] =	stream.indirect.gather [hbm4b:s2+s0], $0x80, s4, s0, $0xb8;
	[tilespmem:$0x106A0] =	vst v63  }
0x4e: {  	s22 =	simm.s32 $0x138;
	s4 =	simm.s32 @!p1 $0x7  }
0x4f: {  	[tilespmem:s17], [sflag:$0x6] =	stream.indirect.gather [hbm4b:s2+s0], $0x80, s22, s0, $0xb8;
	[tilespmem:$0x106A0] =	vst v63  }
0x50: {  	s8 =	simm.s32 $0x7A0;
	s10 =	simm.s32 $0x0;
	_ =	swait.ge @!p1 [sflag:s4], $0x1C00  }
0x51: {  	s22 =	sshll.u32 s12, $0x2;
	[sflag:s4] =	ssyncset.done @!p1 $0x0;
	s6 =	rddreg [dreg:$0x4]  }
0x52: {  	s6 =	sadd.s32 s22, s6;
	[sflag:s4] =	ssyncadd.s32 @!p1 $0xFFFFE400;
	s4 =	simm.s32 $0x0  }
.LBB2_3:
0x53: {  	v8 =	vmov s4;
	s19 =	sadd.s32 $0x1, s4;
	s20 =	sadd.s32 $0x2, s4;
	v12 =	vld [tilespmem:s8+$0xFFFFFF00]  }
0x54: {  	v13 =	vld [tilespmem:s8+$0xFFFFFF80];
	v8 =	vand.u32 $0xFFFFFFFC, v8;
	v9 =	vmov s19;
	v10 =	vmov s20;
	s20 =	sadd.s32 $0x3, s4  }
0x55: {  	v14 =	vld [tilespmem:s8+$0x0];
	v8 =	vbroadcast v8, $0x0;
	v9 =	vand.u32 $0xFFFFFFFD, v9;
	v11 =	vmov s20  }
0x56: {  	v15 =	vld [tilespmem:s8+$0x80];
	v10 =	vand.u32 $0xFFFFFFFE, v10;
	v9 =	vbroadcast v9, $0x0  }
0x57: {  	v16 =	vld [tilespmem:s8+$0xFFFFFF10];
	v10 =	vbroadcast v10, $0x0  }
0x58: {  	v17 =	vld [tilespmem:s8+$0xFFFFFF90]  }
0x59: {  	v19 =	vld [tilespmem:s8+$0x90]  }
0x5a: {  	v11 =	vld.idx.msk [tilespmem:v11+s24+$0x0], $0xffff  }
0x5b: {  	v8 =	vld.idx.msk [tilespmem:v8+s24+$0x0], $0xffff  }
0x5c: {  	v9 =	vld.idx.msk [tilespmem:v9+s24+$0x0], $0xffff  }
0x5d: {  	v10 =	vld.idx.msk [tilespmem:v10+s24+$0x0], $0xffff  }
0x5e: {  	v18 =	vld [tilespmem:s8+$0x10];
	_ =	sdelay $0x1  }
0x5f: {  	v15 =	vmul.f32 v15, v11;
	v19 =	vmul.f32 v19, v11  }
0x60: {  	v20 =	vmov s10;
	v12 =	vmul.f32 v12, v8;
	v16 =	vmul.f32 v16, v8  }
0x61: {  	v20 =	vand.u32 $0x1F, v20;
	v13 =	vmul.f32 v13, v9;
	v14 =	vmul.f32 v14, v10  }
0x62: {  	v21 =	vadd.s32 v0, v20;
	v17 =	vmul.f32 v17, v9;
	v18 =	vmul.f32 v18, v10  }
0x63: {  	v28 =	vadd.s32 v1, v20;
	v12 =	vadd.f32 v13, v12;
	v27 =	vadd.f32 v15, v14  }
0x64: {  	v29 =	vadd.f32 v17, v16;
	v30 =	vadd.f32 v19, v18  }
0x65: {  	v12 =	vadd.f32 v27, v12  }
0x66: {  	v31 =	vadd.f32 v30, v29  }
0x67: {  	[tilespmem:v21+s18+$0x0] =	vst.idx.msk $0xffff, v12  }
0x68: {  	[tilespmem:v28+s18+$0x0] =	vst.idx.msk $0xffff, v31  }
0x69: {  	v12 =	vld [tilespmem:s8+$0xFFFFFF20]  }
0x6a: {  	v13 =	vld [tilespmem:s8+$0xFFFFFFA0]  }
0x6b: {  	v14 =	vld [tilespmem:s8+$0x20]  }
0x6c: {  	v32 =	vld [tilespmem:s8+$0xA0]  }
0x6d: {  	v33 =	vld [tilespmem:s8+$0xFFFFFF30]  }
0x6e: {  	v34 =	vld [tilespmem:s8+$0xFFFFFFB0]  }
0x6f: {  	v35 =	vld [tilespmem:s8+$0x30]  }
0x70: {  	v36 =	vld [tilespmem:s8+$0xB0];
	_ =	sdelay $0x1  }
0x71: {  	v12 =	vmul.f32 v12, v8;
	v13 =	vmul.f32 v13, v9  }
0x72: {  	v14 =	vmul.f32 v14, v10;
	v15 =	vmul.f32 v32, v11  }
0x73: {  	v16 =	vmul.f32 v33, v8;
	v17 =	vmul.f32 v34, v9  }
0x74: {  	v37 =	vadd.s32 v2, v20;
	v18 =	vmul.f32 v35, v10;
	v19 =	vmul.f32 v36, v11  }
0x75: {  	v39 =	vadd.s32 v3, v20;
	v12 =	vadd.f32 v13, v12;
	v38 =	vadd.f32 v15, v14  }
0x76: {  	v40 =	vadd.f32 v17, v16;
	v41 =	vadd.f32 v19, v18  }
0x77: {  	v12 =	vadd.f32 v38, v12  }
0x78: {  	v42 =	vadd.f32 v41, v40  }
0x79: {  	[tilespmem:v37+s18+$0x0] =	vst.idx.msk $0xffff, v12  }
0x7a: {  	[tilespmem:v39+s18+$0x0] =	vst.idx.msk $0xffff, v42  }
0x7b: {  	v12 =	vld [tilespmem:s8+$0xFFFFFF40]  }
0x7c: {  	v13 =	vld [tilespmem:s8+$0xFFFFFFC0]  }
0x7d: {  	v14 =	vld [tilespmem:s8+$0x40]  }
0x7e: {  	v43 =	vld [tilespmem:s8+$0xC0]  }
0x7f: {  	v44 =	vld [tilespmem:s8+$0xFFFFFF50]  }
0x80: {  	v45 =	vld [tilespmem:s8+$0xFFFFFFD0]  }
0x81: {  	v46 =	vld [tilespmem:s8+$0x50]  }
0x82: {  	v47 =	vld [tilespmem:s8+$0xD0];
	_ =	sdelay $0x1  }
0x83: {  	v12 =	vmul.f32 v12, v8;
	v13 =	vmul.f32 v13, v9  }
0x84: {  	v14 =	vmul.f32 v14, v10;
	v15 =	vmul.f32 v43, v11  }
0x85: {  	v16 =	vmul.f32 v44, v8;
	v17 =	vmul.f32 v45, v9  }
0x86: {  	v48 =	vadd.s32 v4, v20;
	v18 =	vmul.f32 v46, v10;
	v19 =	vmul.f32 v47, v11  }
0x87: {  	v50 =	vadd.s32 v5, v20;
	v12 =	vadd.f32 v13, v12;
	v49 =	vadd.f32 v15, v14  }
0x88: {  	v51 =	vadd.f32 v17, v16;
	v52 =	vadd.f32 v19, v18  }
0x89: {  	v12 =	vadd.f32 v49, v12  }
0x8a: {  	v53 =	vadd.f32 v52, v51  }
0x8b: {  	[tilespmem:v48+s18+$0x0] =	vst.idx.msk $0xffff, v12  }
0x8c: {  	[tilespmem:v50+s18+$0x0] =	vst.idx.msk $0xffff, v53  }
0x8d: {  	v12 =	vld [tilespmem:s8+$0xFFFFFF60]  }
0x8e: {  	v13 =	vld [tilespmem:s8+$0xFFFFFFE0]  }
0x8f: {  	v14 =	vld [tilespmem:s8+$0x60]  }
0x90: {  	v54 =	vld [tilespmem:s8+$0xE0]  }
0x91: {  	v55 =	vld [tilespmem:s8+$0xFFFFFF70]  }
0x92: {  	v56 =	vld [tilespmem:s8+$0xFFFFFFF0]  }
0x93: {  	v57 =	vld [tilespmem:s8+$0x70]  }
0x94: {  	v58 =	vld [tilespmem:s8+$0xF0];
	_ =	sdelay $0x1  }
0x95: {  	v12 =	vmul.f32 v12, v8;
	v13 =	vmul.f32 v13, v9  }
0x96: {  	v14 =	vmul.f32 v14, v10;
	v15 =	vmul.f32 v54, v11  }
0x97: {  	v8 =	vmul.f32 v55, v8;
	v9 =	vmul.f32 v56, v9  }
0x98: {  	v59 =	vadd.s32 v6, v20;
	v10 =	vmul.f32 v57, v10;
	v11 =	vmul.f32 v58, v11  }
0x99: {  	p0 =	sne.s32 s10, $0x18;
	v61 =	vadd.s32 v7, v20;
	v12 =	vadd.f32 v13, v12;
	v60 =	vadd.f32 v15, v14  }
.Ltmp2:
0x9a: {  	v8 =	vadd.f32 v9, v8;
	v62 =	vadd.f32 v11, v10;
	(pc) =	sbr.rel @p0 .LBB2_3-.Ltmp2, $4  }
0x9b: {  	v63 =	vadd.f32 v60, v12  }
0x9c: {  	v8 =	vadd.f32 v62, v8  }
0x9d: {  	[tilespmem:v59+s18+$0x0] =	vst.idx.msk $0xffff, v63  }
0x9e: {  	s10 =	sadd.s32 $0x1, s10;
	s4 =	sadd.s32 $0x4, s4;
	s8 =	sadd.s32 $0x200, s8;
	[tilespmem:v61+s18+$0x0] =	vst.idx.msk $0xffff, v8  }
0x9f: {  	s4 =	simm.s32 $0x64;
	s8 =	simm.s32 $0x19;
	s10 =	simm.s32 $0x3A90  }
.LBB2_5:
0xa0: {  	v8 =	vmov s4;
	s19 =	sadd.s32 $0x1, s4;
	s20 =	sadd.s32 $0x2, s4;
	v12 =	vld [tilespmem:s10+$0xFFFFFE10]  }
0xa1: {  	v13 =	vld [tilespmem:s10+$0xFFFFFE90];
	v8 =	vand.u32 $0xFFFFFFFC, v8;
	v9 =	vmov s19;
	v10 =	vmov s20;
	s20 =	sadd.s32 $0x3, s4  }
0xa2: {  	v14 =	vld [tilespmem:s10+$0xFFFFFF10];
	v8 =	vbroadcast v8, $0x0;
	v9 =	vand.u32 $0xFFFFFFFD, v9;
	v11 =	vmov s20  }
0xa3: {  	v15 =	vld [tilespmem:s10+$0xFFFFFF90];
	v10 =	vand.u32 $0xFFFFFFFE, v10;
	v9 =	vbroadcast v9, $0x0  }
0xa4: {  	v16 =	vld [tilespmem:s10+$0xFFFFFE20];
	v10 =	vbroadcast v10, $0x0  }
0xa5: {  	v17 =	vld [tilespmem:s10+$0xFFFFFEA0]  }
0xa6: {  	v19 =	vld [tilespmem:s10+$0xFFFFFFA0]  }
0xa7: {  	v11 =	vld.idx.msk [tilespmem:v11+s24+$0x0], $0xffff  }
0xa8: {  	v8 =	vld.idx.msk [tilespmem:v8+s24+$0x0], $0xffff  }
0xa9: {  	v9 =	vld.idx.msk [tilespmem:v9+s24+$0x0], $0xffff  }
0xaa: {  	v10 =	vld.idx.msk [tilespmem:v10+s24+$0x0], $0xffff  }
0xab: {  	v18 =	vld [tilespmem:s10+$0xFFFFFF20];
	_ =	sdelay $0x1  }
0xac: {  	v15 =	vmul.f32 v15, v11;
	v19 =	vmul.f32 v19, v11  }
0xad: {  	v20 =	vmov s8;
	v12 =	vmul.f32 v12, v8;
	v16 =	vmul.f32 v16, v8  }
0xae: {  	v20 =	vand.u32 $0x3F, v20;
	v13 =	vmul.f32 v13, v9;
	v14 =	vmul.f32 v14, v10  }
0xaf: {  	v21 =	vadd.s32 v0, v20;
	v17 =	vmul.f32 v17, v9;
	v18 =	vmul.f32 v18, v10  }
0xb0: {  	v28 =	vadd.s32 v1, v20;
	v12 =	vadd.f32 v13, v12;
	v27 =	vadd.f32 v15, v14  }
0xb1: {  	v29 =	vadd.f32 v17, v16;
	v30 =	vadd.f32 v19, v18  }
0xb2: {  	v12 =	vadd.f32 v27, v12  }
0xb3: {  	v31 =	vadd.f32 v30, v29  }
0xb4: {  	[tilespmem:v21+s18+$0x0] =	vst.idx.msk $0xffff, v12  }
0xb5: {  	[tilespmem:v28+s18+$0x0] =	vst.idx.msk $0xffff, v31  }
0xb6: {  	v12 =	vld [tilespmem:s10+$0xFFFFFE30]  }
0xb7: {  	v13 =	vld [tilespmem:s10+$0xFFFFFEB0]  }
0xb8: {  	v14 =	vld [tilespmem:s10+$0xFFFFFF30]  }
0xb9: {  	v32 =	vld [tilespmem:s10+$0xFFFFFFB0]  }
0xba: {  	v33 =	vld [tilespmem:s10+$0xFFFFFE40]  }
0xbb: {  	v34 =	vld [tilespmem:s10+$0xFFFFFEC0]  }
0xbc: {  	v35 =	vld [tilespmem:s10+$0xFFFFFF40]  }
0xbd: {  	v36 =	vld [tilespmem:s10+$0xFFFFFFC0];
	_ =	sdelay $0x1  }
0xbe: {  	v12 =	vmul.f32 v12, v8;
	v13 =	vmul.f32 v13, v9  }
0xbf: {  	v14 =	vmul.f32 v14, v10;
	v15 =	vmul.f32 v32, v11  }
0xc0: {  	v16 =	vmul.f32 v33, v8;
	v17 =	vmul.f32 v34, v9  }
0xc1: {  	v37 =	vadd.s32 v2, v20;
	v18 =	vmul.f32 v35, v10;
	v19 =	vmul.f32 v36, v11  }
0xc2: {  	v39 =	vadd.s32 v3, v20;
	v12 =	vadd.f32 v13, v12;
	v38 =	vadd.f32 v15, v14  }
0xc3: {  	v40 =	vadd.f32 v17, v16;
	v41 =	vadd.f32 v19, v18  }
0xc4: {  	v12 =	vadd.f32 v38, v12  }
0xc5: {  	v42 =	vadd.f32 v41, v40  }
0xc6: {  	[tilespmem:v37+s18+$0x0] =	vst.idx.msk $0xffff, v12  }
0xc7: {  	[tilespmem:v39+s18+$0x0] =	vst.idx.msk $0xffff, v42  }
0xc8: {  	v12 =	vld [tilespmem:s10+$0xFFFFFE50]  }
0xc9: {  	v13 =	vld [tilespmem:s10+$0xFFFFFED0]  }
0xca: {  	v14 =	vld [tilespmem:s10+$0xFFFFFF50]  }
0xcb: {  	v43 =	vld [tilespmem:s10+$0xFFFFFFD0]  }
0xcc: {  	v44 =	vld [tilespmem:s10+$0xFFFFFE60]  }
0xcd: {  	v45 =	vld [tilespmem:s10+$0xFFFFFEE0]  }
0xce: {  	v46 =	vld [tilespmem:s10+$0xFFFFFF60]  }
0xcf: {  	v47 =	vld [tilespmem:s10+$0xFFFFFFE0];
	_ =	sdelay $0x1  }
0xd0: {  	v12 =	vmul.f32 v12, v8;
	v13 =	vmul.f32 v13, v9  }
0xd1: {  	v14 =	vmul.f32 v14, v10;
	v15 =	vmul.f32 v43, v11  }
0xd2: {  	v16 =	vmul.f32 v44, v8;
	v17 =	vmul.f32 v45, v9  }
0xd3: {  	v48 =	vadd.s32 v4, v20;
	v18 =	vmul.f32 v46, v10;
	v19 =	vmul.f32 v47, v11  }
0xd4: {  	v50 =	vadd.s32 v5, v20;
	v12 =	vadd.f32 v13, v12;
	v49 =	vadd.f32 v15, v14  }
0xd5: {  	v51 =	vadd.f32 v17, v16;
	v52 =	vadd.f32 v19, v18  }
0xd6: {  	v12 =	vadd.f32 v49, v12  }
0xd7: {  	v53 =	vadd.f32 v52, v51  }
0xd8: {  	[tilespmem:v48+s18+$0x0] =	vst.idx.msk $0xffff, v12  }
0xd9: {  	[tilespmem:v50+s18+$0x0] =	vst.idx.msk $0xffff, v53  }
0xda: {  	v12 =	vld [tilespmem:s10+$0xFFFFFE70]  }
0xdb: {  	v13 =	vld [tilespmem:s10+$0xFFFFFEF0]  }
0xdc: {  	v14 =	vld [tilespmem:s10+$0xFFFFFF70]  }
0xdd: {  	v54 =	vld [tilespmem:s10+$0xFFFFFFF0]  }
0xde: {  	v55 =	vld [tilespmem:s10+$0xFFFFFE80]  }
0xdf: {  	v56 =	vld [tilespmem:s10+$0xFFFFFF00]  }
0xe0: {  	v57 =	vld [tilespmem:s10+$0xFFFFFF80]  }
0xe1: {  	v58 =	vld [tilespmem:s10+$0x0];
	_ =	sdelay $0x1  }
0xe2: {  	v12 =	vmul.f32 v12, v8;
	v13 =	vmul.f32 v13, v9  }
0xe3: {  	v14 =	vmul.f32 v14, v10;
	v15 =	vmul.f32 v54, v11  }
0xe4: {  	v8 =	vmul.f32 v55, v8;
	v9 =	vmul.f32 v56, v9  }
0xe5: {  	v59 =	vadd.s32 v6, v20;
	v10 =	vmul.f32 v57, v10;
	v11 =	vmul.f32 v58, v11  }
0xe6: {  	p0 =	sne.s32 s4, $0xC0;
	v61 =	vadd.s32 v7, v20;
	v12 =	vadd.f32 v13, v12;
	v60 =	vadd.f32 v15, v14  }
.Ltmp3:
0xe7: {  	v8 =	vadd.f32 v9, v8;
	v62 =	vadd.f32 v11, v10;
	(pc) =	sbr.rel @p0 .LBB2_5-.Ltmp3, $4  }
0xe8: {  	v63 =	vadd.f32 v60, v12  }
0xe9: {  	v8 =	vadd.f32 v62, v8  }
0xea: {  	[tilespmem:v59+s18+$0x0] =	vst.idx.msk $0xffff, v63  }
0xeb: {  	s8 =	sadd.s32 $0x1, s8;
	s4 =	sadd.s32 $0x4, s4;
	s10 =	sadd.s32 $0x200, s10;
	[tilespmem:v61+s18+$0x0] =	vst.idx.msk $0xffff, v8  }
0xec: {  	s4 =	sadd.s32 s21, s22  }
0xed: {  	p0 =	seq.s32 s12, $0x27;
	s8 =	rddreg [dreg:$0xf];
	s4 =	smul.u32 $0x380, s4  }
0xee: {  	s8 =	sadd.s32 @!p0 s22, s8  }
0xef: {  	s10 =	smul.u32 @!p0 $0x1A, s8;
	s4 =	sadd.s32 s9, s4  }
0xf0: {  	[hbm4b:s4+s5] =	stream.linear.scatter [tilespmem:s18], [sflag:$0x7], $0x1C00, $0x38;
	[tilespmem:$0x106A0] =	vst v63  }
0xf1: {  	s8 =	smul.u32 @!p0 $0x19, s8;
	s4 =	sadd.s32 @!p0 s3, s10;
	s10 =	simm.s32 @!p0 $0x0  }
0xf2: {  	[tilespmem:s10], [sflag:$0x1] =	stream.linear.gather @!p0 [hbm4b:s4+s10], $0xD0, $0x38;
	[tilespmem:$0x106A0] =	vst v63  }
0xf3: {  	s4 =	sadd.s32 @!p0 s7, s8;
	s8 =	simm.s32 @!p0 $0x340  }
0xf4: {  	[tilespmem:s8], [sflag:$0x1] =	stream.linear.gather @!p0 [hbm4b:s4+s10], $0xC8, $0x38;
	[tilespmem:$0x106A0] =	vst v63  }
0xf5: {  	_ =	swait.ge [sflag:s23], $0x3200  }
0xf6: {  	[sflag:s23] =	ssyncset.done $0x0  }
0xf7: {  	[sflag:s23] =	ssyncadd.s32 $0xFFFFCE00  }
0xf8: {  	_ =	swait.ge [sflag:s23], $0x3200  }
0xf9: {  	[sflag:s23] =	ssyncset.done $0x0  }
0xfa: {  	[sflag:s23] =	ssyncadd.s32 $0xFFFFCE00  }
0xfb: {  	_ =	swait.ge [sflag:s1], $0xD0  }
0xfc: {  	[sflag:s1] =	ssyncset.done $0x0  }
0xfd: {  	[sflag:s1] =	ssyncadd.s32 $0xFFFFFF30  }
0xfe: {  	_ =	swait.ge [sflag:s1], $0xC8  }
0xff: {  	[sflag:s1] =	ssyncset.done $0x0  }
0x100: {  	s19 =	simm.s32 $0x1A0;
	s20 =	simm.s32 $0x6A0;
	[sflag:s1] =	ssyncadd.s32 $0xFFFFFF38  }
0x101: {  	[tilespmem:s20], [sflag:$0x5] =	stream.indirect.gather [hbm4b:s2+s0], $0x80, s19, s0, $0xb8;
	[tilespmem:$0x106A0] =	vst v63  }
0x102: {  	s10 =	simm.s32 $0x38A0;
	s8 =	simm.s32 @!p1 $0x8;
	s19 =	simm.s32 $0x208  }
0x103: {  	[tilespmem:s10], [sflag:$0x5] =	stream.indirect.gather [hbm4b:s2+s0], $0x80, s19, s0, $0xb8;
	[tilespmem:$0x106A0] =	vst v63  }
0x104: {  	s10 =	simm.s32 $0x6BA0;
	_ =	swait.ge @!p1 [sflag:s8], $0x1C00  }
0x105: {  	s19 =	simm.s32 $0x0;
	[sflag:s8] =	ssyncset.done @!p1 $0x0;
	s20 =	rddreg [dreg:$0x5]  }
0x106: {  	s4 =	sadd.s32 s22, s20;
	[sflag:s8] =	ssyncadd.s32 @!p1 $0xFFFFE400;
	s8 =	simm.s32 $0x0  }
.LBB2_7:
0x107: {  	v8 =	vmov s8  }
0x108: {  	s20 =	sadd.s32 $0x1, s8;
	v12 =	vld [tilespmem:s10+$0xFFFFFF00];
	v8 =	vand.u32 $0xFFFFFFFC, v8  }
0x109: {  	v13 =	vld [tilespmem:s10+$0xFFFFFF80];
	v9 =	vmov s20;
	s20 =	sadd.s32 $0x2, s8;
	v8 =	vbroadcast v8, $0x0  }
0x10a: {  	v14 =	vld [tilespmem:s10+$0x0];
	v9 =	vand.u32 $0xFFFFFFFD, v9;
	v10 =	vmov s20;
	s20 =	sadd.s32 $0x3, s8  }
0x10b: {  	v15 =	vld [tilespmem:s10+$0x80];
	v9 =	vbroadcast v9, $0x0;
	v10 =	vand.u32 $0xFFFFFFFE, v10;
	v11 =	vmov s20  }
0x10c: {  	v16 =	vld [tilespmem:s10+$0xFFFFFF10];
	v10 =	vbroadcast v10, $0x0  }
0x10d: {  	v17 =	vld [tilespmem:s10+$0xFFFFFF90]  }
0x10e: {  	v19 =	vld [tilespmem:s10+$0x90]  }
0x10f: {  	v8 =	vld.idx.msk [tilespmem:v8+s26+$0x0], $0xffff  }
0x110: {  	v11 =	vld.idx.msk [tilespmem:v11+s26+$0x0], $0xffff  }
0x111: {  	v9 =	vld.idx.msk [tilespmem:v9+s26+$0x0], $0xffff  }
0x112: {  	v10 =	vld.idx.msk [tilespmem:v10+s26+$0x0], $0xffff  }
0x113: {  	v18 =	vld [tilespmem:s10+$0x10];
	_ =	sdelay $0x1  }
0x114: {  	v12 =	vmul.f32 v12, v8;
	v15 =	vmul.f32 v15, v11  }
0x115: {  	v20 =	vmov s19;
	v16 =	vmul.f32 v16, v8;
	v19 =	vmul.f32 v19, v11  }
0x116: {  	v20 =	vand.u32 $0x1F, v20;
	v13 =	vmul.f32 v13, v9;
	v14 =	vmul.f32 v14, v10  }
0x117: {  	v21 =	vadd.s32 v0, v20;
	v17 =	vmul.f32 v17, v9;
	v18 =	vmul.f32 v18, v10  }
0x118: {  	v28 =	vadd.s32 v1, v20;
	v12 =	vadd.f32 v13, v12;
	v27 =	vadd.f32 v15, v14  }
0x119: {  	v29 =	vadd.f32 v17, v16;
	v30 =	vadd.f32 v19, v18  }
0x11a: {  	v12 =	vadd.f32 v27, v12  }
0x11b: {  	v31 =	vadd.f32 v30, v29  }
0x11c: {  	[tilespmem:v21+s16+$0x0] =	vst.idx.msk $0xffff, v12  }
0x11d: {  	[tilespmem:v28+s16+$0x0] =	vst.idx.msk $0xffff, v31  }
0x11e: {  	v12 =	vld [tilespmem:s10+$0xFFFFFF20]  }
0x11f: {  	v13 =	vld [tilespmem:s10+$0xFFFFFFA0]  }
0x120: {  	v14 =	vld [tilespmem:s10+$0x20]  }
0x121: {  	v32 =	vld [tilespmem:s10+$0xA0]  }
0x122: {  	v33 =	vld [tilespmem:s10+$0xFFFFFF30]  }
0x123: {  	v34 =	vld [tilespmem:s10+$0xFFFFFFB0]  }
0x124: {  	v35 =	vld [tilespmem:s10+$0x30]  }
0x125: {  	v36 =	vld [tilespmem:s10+$0xB0];
	_ =	sdelay $0x1  }
0x126: {  	v12 =	vmul.f32 v12, v8;
	v13 =	vmul.f32 v13, v9  }
0x127: {  	v14 =	vmul.f32 v14, v10;
	v15 =	vmul.f32 v32, v11  }
0x128: {  	v16 =	vmul.f32 v33, v8;
	v17 =	vmul.f32 v34, v9  }
0x129: {  	v37 =	vadd.s32 v2, v20;
	v18 =	vmul.f32 v35, v10;
	v19 =	vmul.f32 v36, v11  }
0x12a: {  	v39 =	vadd.s32 v3, v20;
	v12 =	vadd.f32 v13, v12;
	v38 =	vadd.f32 v15, v14  }
0x12b: {  	v40 =	vadd.f32 v17, v16;
	v41 =	vadd.f32 v19, v18  }
0x12c: {  	v12 =	vadd.f32 v38, v12  }
0x12d: {  	v42 =	vadd.f32 v41, v40  }
0x12e: {  	[tilespmem:v37+s16+$0x0] =	vst.idx.msk $0xffff, v12  }
0x12f: {  	[tilespmem:v39+s16+$0x0] =	vst.idx.msk $0xffff, v42  }
0x130: {  	v12 =	vld [tilespmem:s10+$0xFFFFFF40]  }
0x131: {  	v13 =	vld [tilespmem:s10+$0xFFFFFFC0]  }
0x132: {  	v14 =	vld [tilespmem:s10+$0x40]  }
0x133: {  	v43 =	vld [tilespmem:s10+$0xC0]  }
0x134: {  	v44 =	vld [tilespmem:s10+$0xFFFFFF50]  }
0x135: {  	v45 =	vld [tilespmem:s10+$0xFFFFFFD0]  }
0x136: {  	v46 =	vld [tilespmem:s10+$0x50]  }
0x137: {  	v47 =	vld [tilespmem:s10+$0xD0];
	_ =	sdelay $0x1  }
0x138: {  	v12 =	vmul.f32 v12, v8;
	v13 =	vmul.f32 v13, v9  }
0x139: {  	v14 =	vmul.f32 v14, v10;
	v15 =	vmul.f32 v43, v11  }
0x13a: {  	v16 =	vmul.f32 v44, v8;
	v17 =	vmul.f32 v45, v9  }
0x13b: {  	v48 =	vadd.s32 v4, v20;
	v18 =	vmul.f32 v46, v10;
	v19 =	vmul.f32 v47, v11  }
0x13c: {  	v50 =	vadd.s32 v5, v20;
	v12 =	vadd.f32 v13, v12;
	v49 =	vadd.f32 v15, v14  }
0x13d: {  	v51 =	vadd.f32 v17, v16;
	v52 =	vadd.f32 v19, v18  }
0x13e: {  	v12 =	vadd.f32 v49, v12  }
0x13f: {  	v53 =	vadd.f32 v52, v51  }
0x140: {  	[tilespmem:v48+s16+$0x0] =	vst.idx.msk $0xffff, v12  }
0x141: {  	[tilespmem:v50+s16+$0x0] =	vst.idx.msk $0xffff, v53  }
0x142: {  	v12 =	vld [tilespmem:s10+$0xFFFFFF60]  }
0x143: {  	v13 =	vld [tilespmem:s10+$0xFFFFFFE0]  }
0x144: {  	v14 =	vld [tilespmem:s10+$0x60]  }
0x145: {  	v54 =	vld [tilespmem:s10+$0xE0]  }
0x146: {  	v55 =	vld [tilespmem:s10+$0xFFFFFF70]  }
0x147: {  	v56 =	vld [tilespmem:s10+$0xFFFFFFF0]  }
0x148: {  	v57 =	vld [tilespmem:s10+$0x70]  }
0x149: {  	v58 =	vld [tilespmem:s10+$0xF0];
	_ =	sdelay $0x1  }
0x14a: {  	v12 =	vmul.f32 v12, v8;
	v13 =	vmul.f32 v13, v9  }
0x14b: {  	v14 =	vmul.f32 v14, v10;
	v15 =	vmul.f32 v54, v11  }
0x14c: {  	v8 =	vmul.f32 v55, v8;
	v9 =	vmul.f32 v56, v9  }
0x14d: {  	v59 =	vadd.s32 v6, v20;
	v10 =	vmul.f32 v57, v10;
	v11 =	vmul.f32 v58, v11  }
0x14e: {  	p1 =	sne.s32 s19, $0x18;
	v61 =	vadd.s32 v7, v20;
	v12 =	vadd.f32 v13, v12;
	v60 =	vadd.f32 v15, v14  }
.Ltmp4:
0x14f: {  	v8 =	vadd.f32 v9, v8;
	v62 =	vadd.f32 v11, v10;
	(pc) =	sbr.rel @p1 .LBB2_7-.Ltmp4, $4  }
0x150: {  	v63 =	vadd.f32 v60, v12  }
0x151: {  	v8 =	vadd.f32 v62, v8  }
0x152: {  	[tilespmem:v59+s16+$0x0] =	vst.idx.msk $0xffff, v63  }
0x153: {  	s19 =	sadd.s32 $0x1, s19;
	s8 =	sadd.s32 $0x4, s8;
	s10 =	sadd.s32 $0x200, s10;
	[tilespmem:v61+s16+$0x0] =	vst.idx.msk $0xffff, v8  }
0x154: {  	s8 =	simm.s32 $0x64;
	s10 =	simm.s32 $0x19;
	s19 =	simm.s32 $0x9E90  }
.LBB2_9:
0x155: {  	v8 =	vmov s8  }
0x156: {  	s20 =	sadd.s32 $0x1, s8;
	v12 =	vld [tilespmem:s19+$0xFFFFFE10];
	v8 =	vand.u32 $0xFFFFFFFC, v8  }
0x157: {  	v13 =	vld [tilespmem:s19+$0xFFFFFE90];
	v9 =	vmov s20;
	s20 =	sadd.s32 $0x2, s8;
	v8 =	vbroadcast v8, $0x0  }
0x158: {  	v14 =	vld [tilespmem:s19+$0xFFFFFF10];
	v9 =	vand.u32 $0xFFFFFFFD, v9;
	v10 =	vmov s20;
	s20 =	sadd.s32 $0x3, s8  }
0x159: {  	v15 =	vld [tilespmem:s19+$0xFFFFFF90];
	v9 =	vbroadcast v9, $0x0;
	v10 =	vand.u32 $0xFFFFFFFE, v10;
	v11 =	vmov s20  }
0x15a: {  	v16 =	vld [tilespmem:s19+$0xFFFFFE20];
	v10 =	vbroadcast v10, $0x0  }
0x15b: {  	v17 =	vld [tilespmem:s19+$0xFFFFFEA0]  }
0x15c: {  	v19 =	vld [tilespmem:s19+$0xFFFFFFA0]  }
0x15d: {  	v8 =	vld.idx.msk [tilespmem:v8+s26+$0x0], $0xffff  }
0x15e: {  	v11 =	vld.idx.msk [tilespmem:v11+s26+$0x0], $0xffff  }
0x15f: {  	v9 =	vld.idx.msk [tilespmem:v9+s26+$0x0], $0xffff  }
0x160: {  	v10 =	vld.idx.msk [tilespmem:v10+s26+$0x0], $0xffff  }
0x161: {  	v18 =	vld [tilespmem:s19+$0xFFFFFF20];
	_ =	sdelay $0x1  }
0x162: {  	v12 =	vmul.f32 v12, v8;
	v15 =	vmul.f32 v15, v11  }
0x163: {  	v20 =	vmov s10;
	v16 =	vmul.f32 v16, v8;
	v19 =	vmul.f32 v19, v11  }
0x164: {  	v20 =	vand.u32 $0x3F, v20;
	v13 =	vmul.f32 v13, v9;
	v14 =	vmul.f32 v14, v10  }
0x165: {  	v21 =	vadd.s32 v0, v20;
	v17 =	vmul.f32 v17, v9;
	v18 =	vmul.f32 v18, v10  }
0x166: {  	v28 =	vadd.s32 v1, v20;
	v12 =	vadd.f32 v13, v12;
	v27 =	vadd.f32 v15, v14  }
0x167: {  	v29 =	vadd.f32 v17, v16;
	v30 =	vadd.f32 v19, v18  }
0x168: {  	v12 =	vadd.f32 v27, v12  }
0x169: {  	v31 =	vadd.f32 v30, v29  }
0x16a: {  	[tilespmem:v21+s16+$0x0] =	vst.idx.msk $0xffff, v12  }
0x16b: {  	[tilespmem:v28+s16+$0x0] =	vst.idx.msk $0xffff, v31  }
0x16c: {  	v12 =	vld [tilespmem:s19+$0xFFFFFE30]  }
0x16d: {  	v13 =	vld [tilespmem:s19+$0xFFFFFEB0]  }
0x16e: {  	v14 =	vld [tilespmem:s19+$0xFFFFFF30]  }
0x16f: {  	v32 =	vld [tilespmem:s19+$0xFFFFFFB0]  }
0x170: {  	v33 =	vld [tilespmem:s19+$0xFFFFFE40]  }
0x171: {  	v34 =	vld [tilespmem:s19+$0xFFFFFEC0]  }
0x172: {  	v35 =	vld [tilespmem:s19+$0xFFFFFF40]  }
0x173: {  	v36 =	vld [tilespmem:s19+$0xFFFFFFC0];
	_ =	sdelay $0x1  }
0x174: {  	v12 =	vmul.f32 v12, v8;
	v13 =	vmul.f32 v13, v9  }
0x175: {  	v14 =	vmul.f32 v14, v10;
	v15 =	vmul.f32 v32, v11  }
0x176: {  	v16 =	vmul.f32 v33, v8;
	v17 =	vmul.f32 v34, v9  }
0x177: {  	v37 =	vadd.s32 v2, v20;
	v18 =	vmul.f32 v35, v10;
	v19 =	vmul.f32 v36, v11  }
0x178: {  	v39 =	vadd.s32 v3, v20;
	v12 =	vadd.f32 v13, v12;
	v38 =	vadd.f32 v15, v14  }
0x179: {  	v40 =	vadd.f32 v17, v16;
	v41 =	vadd.f32 v19, v18  }
0x17a: {  	v12 =	vadd.f32 v38, v12  }
0x17b: {  	v42 =	vadd.f32 v41, v40  }
0x17c: {  	[tilespmem:v37+s16+$0x0] =	vst.idx.msk $0xffff, v12  }
0x17d: {  	[tilespmem:v39+s16+$0x0] =	vst.idx.msk $0xffff, v42  }
0x17e: {  	v12 =	vld [tilespmem:s19+$0xFFFFFE50]  }
0x17f: {  	v13 =	vld [tilespmem:s19+$0xFFFFFED0]  }
0x180: {  	v14 =	vld [tilespmem:s19+$0xFFFFFF50]  }
0x181: {  	v43 =	vld [tilespmem:s19+$0xFFFFFFD0]  }
0x182: {  	v44 =	vld [tilespmem:s19+$0xFFFFFE60]  }
0x183: {  	v45 =	vld [tilespmem:s19+$0xFFFFFEE0]  }
0x184: {  	v46 =	vld [tilespmem:s19+$0xFFFFFF60]  }
0x185: {  	v47 =	vld [tilespmem:s19+$0xFFFFFFE0];
	_ =	sdelay $0x1  }
0x186: {  	v12 =	vmul.f32 v12, v8;
	v13 =	vmul.f32 v13, v9  }
0x187: {  	v14 =	vmul.f32 v14, v10;
	v15 =	vmul.f32 v43, v11  }
0x188: {  	v16 =	vmul.f32 v44, v8;
	v17 =	vmul.f32 v45, v9  }
0x189: {  	v48 =	vadd.s32 v4, v20;
	v18 =	vmul.f32 v46, v10;
	v19 =	vmul.f32 v47, v11  }
0x18a: {  	v50 =	vadd.s32 v5, v20;
	v12 =	vadd.f32 v13, v12;
	v49 =	vadd.f32 v15, v14  }
0x18b: {  	v51 =	vadd.f32 v17, v16;
	v52 =	vadd.f32 v19, v18  }
0x18c: {  	v12 =	vadd.f32 v49, v12  }
0x18d: {  	v53 =	vadd.f32 v52, v51  }
0x18e: {  	[tilespmem:v48+s16+$0x0] =	vst.idx.msk $0xffff, v12  }
0x18f: {  	[tilespmem:v50+s16+$0x0] =	vst.idx.msk $0xffff, v53  }
0x190: {  	v12 =	vld [tilespmem:s19+$0xFFFFFE70]  }
0x191: {  	v13 =	vld [tilespmem:s19+$0xFFFFFEF0]  }
0x192: {  	v14 =	vld [tilespmem:s19+$0xFFFFFF70]  }
0x193: {  	v54 =	vld [tilespmem:s19+$0xFFFFFFF0]  }
0x194: {  	v55 =	vld [tilespmem:s19+$0xFFFFFE80]  }
0x195: {  	v56 =	vld [tilespmem:s19+$0xFFFFFF00]  }
0x196: {  	v57 =	vld [tilespmem:s19+$0xFFFFFF80]  }
0x197: {  	v58 =	vld [tilespmem:s19+$0x0];
	_ =	sdelay $0x1  }
0x198: {  	v12 =	vmul.f32 v12, v8;
	v13 =	vmul.f32 v13, v9  }
0x199: {  	v14 =	vmul.f32 v14, v10;
	v15 =	vmul.f32 v54, v11  }
0x19a: {  	v8 =	vmul.f32 v55, v8;
	v9 =	vmul.f32 v56, v9  }
0x19b: {  	v59 =	vadd.s32 v6, v20;
	v10 =	vmul.f32 v57, v10;
	v11 =	vmul.f32 v58, v11  }
0x19c: {  	p1 =	sne.s32 s8, $0xC0;
	v61 =	vadd.s32 v7, v20;
	v12 =	vadd.f32 v13, v12;
	v60 =	vadd.f32 v15, v14  }
.Ltmp5:
0x19d: {  	v8 =	vadd.f32 v9, v8;
	v62 =	vadd.f32 v11, v10;
	(pc) =	sbr.rel @p1 .LBB2_9-.Ltmp5, $4  }
0x19e: {  	v63 =	vadd.f32 v60, v12  }
0x19f: {  	v8 =	vadd.f32 v62, v8  }
0x1a0: {  	[tilespmem:v59+s16+$0x0] =	vst.idx.msk $0xffff, v63  }
0x1a1: {  	s10 =	sadd.s32 $0x1, s10;
	s8 =	sadd.s32 $0x4, s8;
	s19 =	sadd.s32 $0x200, s19;
	[tilespmem:v61+s16+$0x0] =	vst.idx.msk $0xffff, v8  }
0x1a2: {  	s6 =	smul.u32 $0x380, s6;
	s8 =	rddreg [dreg:$0x10]  }
0x1a3: {  	s8 =	sadd.s32 @!p0 s22, s8  }
0x1a4: {  	s19 =	simm.s32 @!p0 $0xD0;
	s6 =	sadd.s32 s9, s6;
	s10 =	smul.u32 @!p0 $0x1A, s8  }
0x1a5: {  	[hbm4b:s6+s5] =	stream.linear.scatter [tilespmem:s16], [sflag:$0x8], $0x1C00, $0x38;
	[tilespmem:$0x106A0] =	vst v63  }
0x1a6: {  	s8 =	smul.u32 @!p0 $0x19, s8;
	s6 =	sadd.s32 @!p0 s3, s10;
	s10 =	simm.s32 @!p0 $0x0  }
0x1a7: {  	[tilespmem:s19], [sflag:$0x2] =	stream.linear.gather @!p0 [hbm4b:s6+s10], $0xD0, $0x38;
	[tilespmem:$0x106A0] =	vst v63  }
0x1a8: {  	s6 =	sadd.s32 @!p0 s7, s8;
	s8 =	simm.s32 @!p0 $0x418  }
0x1a9: {  	[tilespmem:s8], [sflag:$0x2] =	stream.linear.gather @!p0 [hbm4b:s6+s10], $0xC8, $0x38;
	[tilespmem:$0x106A0] =	vst v63  }
0x1aa: {  	_ =	swait.ge [sflag:s13], $0x3200  }
0x1ab: {  	[sflag:s13] =	ssyncset.done $0x0  }
0x1ac: {  	[sflag:s13] =	ssyncadd.s32 $0xFFFFCE00  }
0x1ad: {  	_ =	swait.ge [sflag:s13], $0x3200  }
0x1ae: {  	[sflag:s13] =	ssyncset.done $0x0  }
0x1af: {  	[sflag:s13] =	ssyncadd.s32 $0xFFFFCE00  }
0x1b0: {  	_ =	swait.ge [sflag:s25], $0xD0  }
0x1b1: {  	[sflag:s25] =	ssyncset.done $0x0  }
0x1b2: {  	[sflag:s25] =	ssyncadd.s32 $0xFFFFFF30  }
0x1b3: {  	_ =	swait.ge [sflag:s25], $0xC8  }
0x1b4: {  	[sflag:s25] =	ssyncset.done $0x0  }
0x1b5: {  	[sflag:s25] =	ssyncadd.s32 $0xFFFFFF38  }
0x1b6: {  	[tilespmem:s15], [sflag:$0x6] =	stream.indirect.gather [hbm4b:s2+s0], $0x80, s30, s0, $0xb8;
	[tilespmem:$0x106A0] =	vst v63  }
0x1b7: {  	s20 =	simm.s32 $0x2D8  }
0x1b8: {  	[tilespmem:s17], [sflag:$0x6] =	stream.indirect.gather [hbm4b:s2+s0], $0x80, s20, s0, $0xb8;
	[tilespmem:$0x106A0] =	vst v63  }
0x1b9: {  	_ =	swait.ge [sflag:s28], $0x1C00  }
0x1ba: {  	s6 =	simm.s32 $0x0;
	[sflag:s28] =	ssyncset.done $0x0  }
0x1bb: {  	s8 =	simm.s32 $0x7A0;
	s10 =	simm.s32 $0x0;
	[sflag:s28] =	ssyncadd.s32 $0xFFFFE400  }
.LBB2_11:
0x1bc: {  	v8 =	vmov s6;
	s19 =	sadd.s32 $0x1, s6;
	s20 =	sadd.s32 $0x2, s6;
	v12 =	vld [tilespmem:s8+$0xFFFFFF00]  }
0x1bd: {  	v13 =	vld [tilespmem:s8+$0xFFFFFF80];
	v8 =	vand.u32 $0xFFFFFFFC, v8;
	v9 =	vmov s19;
	v10 =	vmov s20;
	s20 =	sadd.s32 $0x3, s6  }
0x1be: {  	v14 =	vld [tilespmem:s8+$0x0];
	v8 =	vbroadcast v8, $0x0;
	v9 =	vand.u32 $0xFFFFFFFD, v9;
	v11 =	vmov s20  }
0x1bf: {  	v15 =	vld [tilespmem:s8+$0x80];
	v10 =	vand.u32 $0xFFFFFFFE, v10;
	v9 =	vbroadcast v9, $0x0  }
0x1c0: {  	v16 =	vld [tilespmem:s8+$0xFFFFFF10];
	v10 =	vbroadcast v10, $0x0  }
0x1c1: {  	v17 =	vld [tilespmem:s8+$0xFFFFFF90]  }
0x1c2: {  	v19 =	vld [tilespmem:s8+$0x90]  }
0x1c3: {  	v11 =	vld.idx.msk [tilespmem:v11+s29+$0x0], $0xffff  }
0x1c4: {  	v8 =	vld.idx.msk [tilespmem:v8+s29+$0x0], $0xffff  }
0x1c5: {  	v9 =	vld.idx.msk [tilespmem:v9+s29+$0x0], $0xffff  }
0x1c6: {  	v10 =	vld.idx.msk [tilespmem:v10+s29+$0x0], $0xffff  }
0x1c7: {  	v18 =	vld [tilespmem:s8+$0x10];
	_ =	sdelay $0x1  }
0x1c8: {  	v15 =	vmul.f32 v15, v11;
	v19 =	vmul.f32 v19, v11  }
0x1c9: {  	v20 =	vmov s10;
	v12 =	vmul.f32 v12, v8;
	v16 =	vmul.f32 v16, v8  }
0x1ca: {  	v20 =	vand.u32 $0x1F, v20;
	v13 =	vmul.f32 v13, v9;
	v14 =	vmul.f32 v14, v10  }
0x1cb: {  	v21 =	vadd.s32 v0, v20;
	v17 =	vmul.f32 v17, v9;
	v18 =	vmul.f32 v18, v10  }
0x1cc: {  	v28 =	vadd.s32 v1, v20;
	v12 =	vadd.f32 v13, v12;
	v27 =	vadd.f32 v15, v14  }
0x1cd: {  	v29 =	vadd.f32 v17, v16;
	v30 =	vadd.f32 v19, v18  }
0x1ce: {  	v12 =	vadd.f32 v27, v12  }
0x1cf: {  	v31 =	vadd.f32 v30, v29  }
0x1d0: {  	[tilespmem:v21+s18+$0x0] =	vst.idx.msk $0xffff, v12  }
0x1d1: {  	[tilespmem:v28+s18+$0x0] =	vst.idx.msk $0xffff, v31  }
0x1d2: {  	v12 =	vld [tilespmem:s8+$0xFFFFFF20]  }
0x1d3: {  	v13 =	vld [tilespmem:s8+$0xFFFFFFA0]  }
0x1d4: {  	v14 =	vld [tilespmem:s8+$0x20]  }
0x1d5: {  	v32 =	vld [tilespmem:s8+$0xA0]  }
0x1d6: {  	v33 =	vld [tilespmem:s8+$0xFFFFFF30]  }
0x1d7: {  	v34 =	vld [tilespmem:s8+$0xFFFFFFB0]  }
0x1d8: {  	v35 =	vld [tilespmem:s8+$0x30]  }
0x1d9: {  	v36 =	vld [tilespmem:s8+$0xB0];
	_ =	sdelay $0x1  }
0x1da: {  	v12 =	vmul.f32 v12, v8;
	v13 =	vmul.f32 v13, v9  }
0x1db: {  	v14 =	vmul.f32 v14, v10;
	v15 =	vmul.f32 v32, v11  }
0x1dc: {  	v16 =	vmul.f32 v33, v8;
	v17 =	vmul.f32 v34, v9  }
0x1dd: {  	v37 =	vadd.s32 v2, v20;
	v18 =	vmul.f32 v35, v10;
	v19 =	vmul.f32 v36, v11  }
0x1de: {  	v39 =	vadd.s32 v3, v20;
	v12 =	vadd.f32 v13, v12;
	v38 =	vadd.f32 v15, v14  }
0x1df: {  	v40 =	vadd.f32 v17, v16;
	v41 =	vadd.f32 v19, v18  }
0x1e0: {  	v12 =	vadd.f32 v38, v12  }
0x1e1: {  	v42 =	vadd.f32 v41, v40  }
0x1e2: {  	[tilespmem:v37+s18+$0x0] =	vst.idx.msk $0xffff, v12  }
0x1e3: {  	[tilespmem:v39+s18+$0x0] =	vst.idx.msk $0xffff, v42  }
0x1e4: {  	v12 =	vld [tilespmem:s8+$0xFFFFFF40]  }
0x1e5: {  	v13 =	vld [tilespmem:s8+$0xFFFFFFC0]  }
0x1e6: {  	v14 =	vld [tilespmem:s8+$0x40]  }
0x1e7: {  	v43 =	vld [tilespmem:s8+$0xC0]  }
0x1e8: {  	v44 =	vld [tilespmem:s8+$0xFFFFFF50]  }
0x1e9: {  	v45 =	vld [tilespmem:s8+$0xFFFFFFD0]  }
0x1ea: {  	v46 =	vld [tilespmem:s8+$0x50]  }
0x1eb: {  	v47 =	vld [tilespmem:s8+$0xD0];
	_ =	sdelay $0x1  }
0x1ec: {  	v12 =	vmul.f32 v12, v8;
	v13 =	vmul.f32 v13, v9  }
0x1ed: {  	v14 =	vmul.f32 v14, v10;
	v15 =	vmul.f32 v43, v11  }
0x1ee: {  	v16 =	vmul.f32 v44, v8;
	v17 =	vmul.f32 v45, v9  }
0x1ef: {  	v48 =	vadd.s32 v4, v20;
	v18 =	vmul.f32 v46, v10;
	v19 =	vmul.f32 v47, v11  }
0x1f0: {  	v50 =	vadd.s32 v5, v20;
	v12 =	vadd.f32 v13, v12;
	v49 =	vadd.f32 v15, v14  }
0x1f1: {  	v51 =	vadd.f32 v17, v16;
	v52 =	vadd.f32 v19, v18  }
0x1f2: {  	v12 =	vadd.f32 v49, v12  }
0x1f3: {  	v53 =	vadd.f32 v52, v51  }
0x1f4: {  	[tilespmem:v48+s18+$0x0] =	vst.idx.msk $0xffff, v12  }
0x1f5: {  	[tilespmem:v50+s18+$0x0] =	vst.idx.msk $0xffff, v53  }
0x1f6: {  	v12 =	vld [tilespmem:s8+$0xFFFFFF60]  }
0x1f7: {  	v13 =	vld [tilespmem:s8+$0xFFFFFFE0]  }
0x1f8: {  	v14 =	vld [tilespmem:s8+$0x60]  }
0x1f9: {  	v54 =	vld [tilespmem:s8+$0xE0]  }
0x1fa: {  	v55 =	vld [tilespmem:s8+$0xFFFFFF70]  }
0x1fb: {  	v56 =	vld [tilespmem:s8+$0xFFFFFFF0]  }
0x1fc: {  	v57 =	vld [tilespmem:s8+$0x70]  }
0x1fd: {  	v58 =	vld [tilespmem:s8+$0xF0];
	_ =	sdelay $0x1  }
0x1fe: {  	v12 =	vmul.f32 v12, v8;
	v13 =	vmul.f32 v13, v9  }
0x1ff: {  	v14 =	vmul.f32 v14, v10;
	v15 =	vmul.f32 v54, v11  }
0x200: {  	v8 =	vmul.f32 v55, v8;
	v9 =	vmul.f32 v56, v9  }
0x201: {  	v59 =	vadd.s32 v6, v20;
	v10 =	vmul.f32 v57, v10;
	v11 =	vmul.f32 v58, v11  }
0x202: {  	p1 =	sne.s32 s10, $0x18;
	v61 =	vadd.s32 v7, v20;
	v12 =	vadd.f32 v13, v12;
	v60 =	vadd.f32 v15, v14  }
.Ltmp6:
0x203: {  	v8 =	vadd.f32 v9, v8;
	v62 =	vadd.f32 v11, v10;
	(pc) =	sbr.rel @p1 .LBB2_11-.Ltmp6, $4  }
0x204: {  	v63 =	vadd.f32 v60, v12  }
0x205: {  	v8 =	vadd.f32 v62, v8  }
0x206: {  	[tilespmem:v59+s18+$0x0] =	vst.idx.msk $0xffff, v63  }
0x207: {  	s10 =	sadd.s32 $0x1, s10;
	s6 =	sadd.s32 $0x4, s6;
	s8 =	sadd.s32 $0x200, s8;
	[tilespmem:v61+s18+$0x0] =	vst.idx.msk $0xffff, v8  }
0x208: {  	s6 =	simm.s32 $0x64;
	s8 =	simm.s32 $0x19;
	s10 =	simm.s32 $0x3A90  }
.LBB2_13:
0x209: {  	v8 =	vmov s6;
	s19 =	sadd.s32 $0x1, s6;
	s20 =	sadd.s32 $0x2, s6;
	v12 =	vld [tilespmem:s10+$0xFFFFFE10]  }
0x20a: {  	v13 =	vld [tilespmem:s10+$0xFFFFFE90];
	v8 =	vand.u32 $0xFFFFFFFC, v8;
	v9 =	vmov s19;
	v10 =	vmov s20;
	s20 =	sadd.s32 $0x3, s6  }
0x20b: {  	v14 =	vld [tilespmem:s10+$0xFFFFFF10];
	v8 =	vbroadcast v8, $0x0;
	v9 =	vand.u32 $0xFFFFFFFD, v9;
	v11 =	vmov s20  }
0x20c: {  	v15 =	vld [tilespmem:s10+$0xFFFFFF90];
	v10 =	vand.u32 $0xFFFFFFFE, v10;
	v9 =	vbroadcast v9, $0x0  }
0x20d: {  	v16 =	vld [tilespmem:s10+$0xFFFFFE20];
	v10 =	vbroadcast v10, $0x0  }
0x20e: {  	v17 =	vld [tilespmem:s10+$0xFFFFFEA0]  }
0x20f: {  	v19 =	vld [tilespmem:s10+$0xFFFFFFA0]  }
0x210: {  	v11 =	vld.idx.msk [tilespmem:v11+s29+$0x0], $0xffff  }
0x211: {  	v8 =	vld.idx.msk [tilespmem:v8+s29+$0x0], $0xffff  }
0x212: {  	v9 =	vld.idx.msk [tilespmem:v9+s29+$0x0], $0xffff  }
0x213: {  	v10 =	vld.idx.msk [tilespmem:v10+s29+$0x0], $0xffff  }
0x214: {  	v18 =	vld [tilespmem:s10+$0xFFFFFF20];
	_ =	sdelay $0x1  }
0x215: {  	v15 =	vmul.f32 v15, v11;
	v19 =	vmul.f32 v19, v11  }
0x216: {  	v20 =	vmov s8;
	v12 =	vmul.f32 v12, v8;
	v16 =	vmul.f32 v16, v8  }
0x217: {  	v20 =	vand.u32 $0x3F, v20;
	v13 =	vmul.f32 v13, v9;
	v14 =	vmul.f32 v14, v10  }
0x218: {  	v21 =	vadd.s32 v0, v20;
	v17 =	vmul.f32 v17, v9;
	v18 =	vmul.f32 v18, v10  }
0x219: {  	v28 =	vadd.s32 v1, v20;
	v12 =	vadd.f32 v13, v12;
	v27 =	vadd.f32 v15, v14  }
0x21a: {  	v29 =	vadd.f32 v17, v16;
	v30 =	vadd.f32 v19, v18  }
0x21b: {  	v12 =	vadd.f32 v27, v12  }
0x21c: {  	v31 =	vadd.f32 v30, v29  }
0x21d: {  	[tilespmem:v21+s18+$0x0] =	vst.idx.msk $0xffff, v12  }
0x21e: {  	[tilespmem:v28+s18+$0x0] =	vst.idx.msk $0xffff, v31  }
0x21f: {  	v12 =	vld [tilespmem:s10+$0xFFFFFE30]  }
0x220: {  	v13 =	vld [tilespmem:s10+$0xFFFFFEB0]  }
0x221: {  	v14 =	vld [tilespmem:s10+$0xFFFFFF30]  }
0x222: {  	v32 =	vld [tilespmem:s10+$0xFFFFFFB0]  }
0x223: {  	v33 =	vld [tilespmem:s10+$0xFFFFFE40]  }
0x224: {  	v34 =	vld [tilespmem:s10+$0xFFFFFEC0]  }
0x225: {  	v35 =	vld [tilespmem:s10+$0xFFFFFF40]  }
0x226: {  	v36 =	vld [tilespmem:s10+$0xFFFFFFC0];
	_ =	sdelay $0x1  }
0x227: {  	v12 =	vmul.f32 v12, v8;
	v13 =	vmul.f32 v13, v9  }
0x228: {  	v14 =	vmul.f32 v14, v10;
	v15 =	vmul.f32 v32, v11  }
0x229: {  	v16 =	vmul.f32 v33, v8;
	v17 =	vmul.f32 v34, v9  }
0x22a: {  	v37 =	vadd.s32 v2, v20;
	v18 =	vmul.f32 v35, v10;
	v19 =	vmul.f32 v36, v11  }
0x22b: {  	v39 =	vadd.s32 v3, v20;
	v12 =	vadd.f32 v13, v12;
	v38 =	vadd.f32 v15, v14  }
0x22c: {  	v40 =	vadd.f32 v17, v16;
	v41 =	vadd.f32 v19, v18  }
0x22d: {  	v12 =	vadd.f32 v38, v12  }
0x22e: {  	v42 =	vadd.f32 v41, v40  }
0x22f: {  	[tilespmem:v37+s18+$0x0] =	vst.idx.msk $0xffff, v12  }
0x230: {  	[tilespmem:v39+s18+$0x0] =	vst.idx.msk $0xffff, v42  }
0x231: {  	v12 =	vld [tilespmem:s10+$0xFFFFFE50]  }
0x232: {  	v13 =	vld [tilespmem:s10+$0xFFFFFED0]  }
0x233: {  	v14 =	vld [tilespmem:s10+$0xFFFFFF50]  }
0x234: {  	v43 =	vld [tilespmem:s10+$0xFFFFFFD0]  }
0x235: {  	v44 =	vld [tilespmem:s10+$0xFFFFFE60]  }
0x236: {  	v45 =	vld [tilespmem:s10+$0xFFFFFEE0]  }
0x237: {  	v46 =	vld [tilespmem:s10+$0xFFFFFF60]  }
0x238: {  	v47 =	vld [tilespmem:s10+$0xFFFFFFE0];
	_ =	sdelay $0x1  }
0x239: {  	v12 =	vmul.f32 v12, v8;
	v13 =	vmul.f32 v13, v9  }
0x23a: {  	v14 =	vmul.f32 v14, v10;
	v15 =	vmul.f32 v43, v11  }
0x23b: {  	v16 =	vmul.f32 v44, v8;
	v17 =	vmul.f32 v45, v9  }
0x23c: {  	v48 =	vadd.s32 v4, v20;
	v18 =	vmul.f32 v46, v10;
	v19 =	vmul.f32 v47, v11  }
0x23d: {  	v50 =	vadd.s32 v5, v20;
	v12 =	vadd.f32 v13, v12;
	v49 =	vadd.f32 v15, v14  }
0x23e: {  	v51 =	vadd.f32 v17, v16;
	v52 =	vadd.f32 v19, v18  }
0x23f: {  	v12 =	vadd.f32 v49, v12  }
0x240: {  	v53 =	vadd.f32 v52, v51  }
0x241: {  	[tilespmem:v48+s18+$0x0] =	vst.idx.msk $0xffff, v12  }
0x242: {  	[tilespmem:v50+s18+$0x0] =	vst.idx.msk $0xffff, v53  }
0x243: {  	v12 =	vld [tilespmem:s10+$0xFFFFFE70]  }
0x244: {  	v13 =	vld [tilespmem:s10+$0xFFFFFEF0]  }
0x245: {  	v14 =	vld [tilespmem:s10+$0xFFFFFF70]  }
0x246: {  	v54 =	vld [tilespmem:s10+$0xFFFFFFF0]  }
0x247: {  	v55 =	vld [tilespmem:s10+$0xFFFFFE80]  }
0x248: {  	v56 =	vld [tilespmem:s10+$0xFFFFFF00]  }
0x249: {  	v57 =	vld [tilespmem:s10+$0xFFFFFF80]  }
0x24a: {  	v58 =	vld [tilespmem:s10+$0x0];
	_ =	sdelay $0x1  }
0x24b: {  	v12 =	vmul.f32 v12, v8;
	v13 =	vmul.f32 v13, v9  }
0x24c: {  	v14 =	vmul.f32 v14, v10;
	v15 =	vmul.f32 v54, v11  }
0x24d: {  	v8 =	vmul.f32 v55, v8;
	v9 =	vmul.f32 v56, v9  }
0x24e: {  	v59 =	vadd.s32 v6, v20;
	v10 =	vmul.f32 v57, v10;
	v11 =	vmul.f32 v58, v11  }
0x24f: {  	p1 =	sne.s32 s6, $0xC0;
	v61 =	vadd.s32 v7, v20;
	v12 =	vadd.f32 v13, v12;
	v60 =	vadd.f32 v15, v14  }
.Ltmp7:
0x250: {  	v8 =	vadd.f32 v9, v8;
	v62 =	vadd.f32 v11, v10;
	(pc) =	sbr.rel @p1 .LBB2_13-.Ltmp7, $4  }
0x251: {  	v63 =	vadd.f32 v60, v12  }
0x252: {  	v8 =	vadd.f32 v62, v8  }
0x253: {  	[tilespmem:v59+s18+$0x0] =	vst.idx.msk $0xffff, v63  }
0x254: {  	s8 =	sadd.s32 $0x1, s8;
	s6 =	sadd.s32 $0x4, s6;
	s10 =	sadd.s32 $0x200, s10;
	[tilespmem:v61+s18+$0x0] =	vst.idx.msk $0xffff, v8  }
0x255: {  	s4 =	smul.u32 $0x380, s4;
	_ =	sdelay $0x1  }
0x256: {  	s4 =	sadd.s32 s9, s4  }
0x257: {  	[hbm4b:s4+s5] =	stream.linear.scatter [tilespmem:s18], [sflag:$0x7], $0x1C00, $0x38;
	[tilespmem:$0x106A0] =	vst v63  }
0x258: {  	s4 =	simm.s32 @p0 $0x6  }
0x259: {  	_ =	swait.ge @p0 [sflag:s4], $0x3200  }
0x25a: {  	[sflag:s4] =	ssyncset.done @p0 $0x0;
	s6 =	rddreg [dreg:$0x11]  }
0x25b: {  	[sflag:s4] =	ssyncadd.s32 @p0 $0xFFFFCE00;
	s6 =	sadd.s32 @!p0 s22, s6  }
0x25c: {  	_ =	swait.ge @p0 [sflag:s4], $0x3200;
	s8 =	smul.u32 @!p0 $0x1A, s6  }
0x25d: {  	s10 =	simm.s32 @!p0 $0x1A0;
	s6 =	smul.u32 @!p0 $0x19, s6;
	[sflag:s4] =	ssyncset.done @p0 $0x0  }
0x25e: {  	[sflag:s4] =	ssyncadd.s32 @p0 $0xFFFFCE00;
	s4 =	sadd.s32 @!p0 s3, s8;
	s8 =	simm.s32 @!p0 $0x0  }
0x25f: {  	[tilespmem:s10], [sflag:$0x3] =	stream.linear.gather @!p0 [hbm4b:s4+s8], $0xD0, $0x38;
	[tilespmem:$0x106A0] =	vst v63  }
0x260: {  	s4 =	sadd.s32 @!p0 s7, s6;
	s6 =	simm.s32 @!p0 $0x4F0  }
0x261: {  	[tilespmem:s6], [sflag:$0x3] =	stream.linear.gather @!p0 [hbm4b:s4+s8], $0xC8, $0x38;
	[tilespmem:$0x106A0] =	vst v63  }
0x262: {  	s4 =	simm.s32 @!p0 $0x6  }
0x263: {  	_ =	swait.ge @!p0 [sflag:s4], $0x3200  }
0x264: {  	[sflag:s4] =	ssyncset.done @!p0 $0x0  }
0x265: {  	[sflag:s4] =	ssyncadd.s32 @!p0 $0xFFFFCE00  }
0x266: {  	_ =	swait.ge @!p0 [sflag:s4], $0x3200  }
0x267: {  	[sflag:s4] =	ssyncset.done @!p0 $0x0  }
0x268: {  	[sflag:s4] =	ssyncadd.s32 @!p0 $0xFFFFCE00;
	s4 =	simm.s32 @!p0 $0x1  }
0x269: {  	_ =	swait.ge @!p0 [sflag:s4], $0xD0  }
0x26a: {  	[sflag:s4] =	ssyncset.done @!p0 $0x0  }
0x26b: {  	[sflag:s4] =	ssyncadd.s32 @!p0 $0xFFFFFF30  }
0x26c: {  	_ =	swait.ge @!p0 [sflag:s4], $0xC8  }
0x26d: {  	[sflag:s4] =	ssyncset.done @!p0 $0x0  }
0x26e: {  	s6 =	simm.s32 @!p0 $0x6A0;
	[sflag:s4] =	ssyncadd.s32 @!p0 $0xFFFFFF38;
	s4 =	simm.s32 @!p0 $0x64  }
0x26f: {  	[tilespmem:s6], [sflag:$0x5] =	stream.indirect.gather @!p0 [hbm4b:s2+s4], $0x80, s8, s4, $0xb8;
	[tilespmem:$0x106A0] =	vst v63  }
0x270: {  	s6 =	simm.s32 @!p0 $0x68;
	s8 =	simm.s32 @!p0 $0x38A0  }
0x271: {  	[tilespmem:s8], [sflag:$0x5] =	stream.indirect.gather @!p0 [hbm4b:s2+s4], $0x80, s6, s4, $0xb8;
	[tilespmem:$0x106A0] =	vst v63  }
0x272: {  	s10 =	simm.s32 $0x0;
	_ =	swait.ge [sflag:s11], $0x1C00  }
0x273: {  	s6 =	simm.s32 $0x0;
	[sflag:s11] =	ssyncset.done $0x0;
	s20 =	rddreg [dreg:$0x6]  }
0x274: {  	s8 =	simm.s32 $0x6BA0;
	s4 =	sadd.s32 s22, s20;
	[sflag:s11] =	ssyncadd.s32 $0xFFFFE400  }
.LBB2_15:
0x275: {  	v8 =	vmov s6;
	s19 =	sadd.s32 $0x1, s6;
	s20 =	sadd.s32 $0x2, s6;
	v12 =	vld [tilespmem:s8+$0xFFFFFF00]  }
0x276: {  	v13 =	vld [tilespmem:s8+$0xFFFFFF80];
	v8 =	vand.u32 $0xFFFFFFFC, v8;
	v9 =	vmov s19;
	v10 =	vmov s20;
	s20 =	sadd.s32 $0x3, s6  }
0x277: {  	v14 =	vld [tilespmem:s8+$0x0];
	v8 =	vbroadcast v8, $0x0;
	v9 =	vand.u32 $0xFFFFFFFD, v9;
	v11 =	vmov s20  }
0x278: {  	v15 =	vld [tilespmem:s8+$0x80];
	v10 =	vand.u32 $0xFFFFFFFE, v10;
	v9 =	vbroadcast v9, $0x0  }
0x279: {  	v16 =	vld [tilespmem:s8+$0xFFFFFF10];
	v10 =	vbroadcast v10, $0x0  }
0x27a: {  	v17 =	vld [tilespmem:s8+$0xFFFFFF90]  }
0x27b: {  	v19 =	vld [tilespmem:s8+$0x90]  }
0x27c: {  	v11 =	vld.idx.msk [tilespmem:v11+s31+$0x0], $0xffff  }
0x27d: {  	v8 =	vld.idx.msk [tilespmem:v8+s31+$0x0], $0xffff  }
0x27e: {  	v9 =	vld.idx.msk [tilespmem:v9+s31+$0x0], $0xffff  }
0x27f: {  	v10 =	vld.idx.msk [tilespmem:v10+s31+$0x0], $0xffff  }
0x280: {  	v18 =	vld [tilespmem:s8+$0x10];
	_ =	sdelay $0x1  }
0x281: {  	v15 =	vmul.f32 v15, v11;
	v19 =	vmul.f32 v19, v11  }
0x282: {  	v20 =	vmov s10;
	v12 =	vmul.f32 v12, v8;
	v16 =	vmul.f32 v16, v8  }
0x283: {  	v20 =	vand.u32 $0x1F, v20;
	v13 =	vmul.f32 v13, v9;
	v14 =	vmul.f32 v14, v10  }
0x284: {  	v21 =	vadd.s32 v0, v20;
	v17 =	vmul.f32 v17, v9;
	v18 =	vmul.f32 v18, v10  }
0x285: {  	v28 =	vadd.s32 v1, v20;
	v12 =	vadd.f32 v13, v12;
	v27 =	vadd.f32 v15, v14  }
0x286: {  	v29 =	vadd.f32 v17, v16;
	v30 =	vadd.f32 v19, v18  }
0x287: {  	v12 =	vadd.f32 v27, v12  }
0x288: {  	v31 =	vadd.f32 v30, v29  }
0x289: {  	[tilespmem:v21+s16+$0x0] =	vst.idx.msk $0xffff, v12  }
0x28a: {  	[tilespmem:v28+s16+$0x0] =	vst.idx.msk $0xffff, v31  }
0x28b: {  	v12 =	vld [tilespmem:s8+$0xFFFFFF20]  }
0x28c: {  	v13 =	vld [tilespmem:s8+$0xFFFFFFA0]  }
0x28d: {  	v14 =	vld [tilespmem:s8+$0x20]  }
0x28e: {  	v32 =	vld [tilespmem:s8+$0xA0]  }
0x28f: {  	v33 =	vld [tilespmem:s8+$0xFFFFFF30]  }
0x290: {  	v34 =	vld [tilespmem:s8+$0xFFFFFFB0]  }
0x291: {  	v35 =	vld [tilespmem:s8+$0x30]  }
0x292: {  	v36 =	vld [tilespmem:s8+$0xB0];
	_ =	sdelay $0x1  }
0x293: {  	v12 =	vmul.f32 v12, v8;
	v13 =	vmul.f32 v13, v9  }
0x294: {  	v14 =	vmul.f32 v14, v10;
	v15 =	vmul.f32 v32, v11  }
0x295: {  	v16 =	vmul.f32 v33, v8;
	v17 =	vmul.f32 v34, v9  }
0x296: {  	v37 =	vadd.s32 v2, v20;
	v18 =	vmul.f32 v35, v10;
	v19 =	vmul.f32 v36, v11  }
0x297: {  	v39 =	vadd.s32 v3, v20;
	v12 =	vadd.f32 v13, v12;
	v38 =	vadd.f32 v15, v14  }
0x298: {  	v40 =	vadd.f32 v17, v16;
	v41 =	vadd.f32 v19, v18  }
0x299: {  	v12 =	vadd.f32 v38, v12  }
0x29a: {  	v42 =	vadd.f32 v41, v40  }
0x29b: {  	[tilespmem:v37+s16+$0x0] =	vst.idx.msk $0xffff, v12  }
0x29c: {  	[tilespmem:v39+s16+$0x0] =	vst.idx.msk $0xffff, v42  }
0x29d: {  	v12 =	vld [tilespmem:s8+$0xFFFFFF40]  }
0x29e: {  	v13 =	vld [tilespmem:s8+$0xFFFFFFC0]  }
0x29f: {  	v14 =	vld [tilespmem:s8+$0x40]  }
0x2a0: {  	v43 =	vld [tilespmem:s8+$0xC0]  }
0x2a1: {  	v44 =	vld [tilespmem:s8+$0xFFFFFF50]  }
0x2a2: {  	v45 =	vld [tilespmem:s8+$0xFFFFFFD0]  }
0x2a3: {  	v46 =	vld [tilespmem:s8+$0x50]  }
0x2a4: {  	v47 =	vld [tilespmem:s8+$0xD0];
	_ =	sdelay $0x1  }
0x2a5: {  	v12 =	vmul.f32 v12, v8;
	v13 =	vmul.f32 v13, v9  }
0x2a6: {  	v14 =	vmul.f32 v14, v10;
	v15 =	vmul.f32 v43, v11  }
0x2a7: {  	v16 =	vmul.f32 v44, v8;
	v17 =	vmul.f32 v45, v9  }
0x2a8: {  	v48 =	vadd.s32 v4, v20;
	v18 =	vmul.f32 v46, v10;
	v19 =	vmul.f32 v47, v11  }
0x2a9: {  	v50 =	vadd.s32 v5, v20;
	v12 =	vadd.f32 v13, v12;
	v49 =	vadd.f32 v15, v14  }
0x2aa: {  	v51 =	vadd.f32 v17, v16;
	v52 =	vadd.f32 v19, v18  }
0x2ab: {  	v12 =	vadd.f32 v49, v12  }
0x2ac: {  	v53 =	vadd.f32 v52, v51  }
0x2ad: {  	[tilespmem:v48+s16+$0x0] =	vst.idx.msk $0xffff, v12  }
0x2ae: {  	[tilespmem:v50+s16+$0x0] =	vst.idx.msk $0xffff, v53  }
0x2af: {  	v12 =	vld [tilespmem:s8+$0xFFFFFF60]  }
0x2b0: {  	v13 =	vld [tilespmem:s8+$0xFFFFFFE0]  }
0x2b1: {  	v14 =	vld [tilespmem:s8+$0x60]  }
0x2b2: {  	v54 =	vld [tilespmem:s8+$0xE0]  }
0x2b3: {  	v55 =	vld [tilespmem:s8+$0xFFFFFF70]  }
0x2b4: {  	v56 =	vld [tilespmem:s8+$0xFFFFFFF0]  }
0x2b5: {  	v57 =	vld [tilespmem:s8+$0x70]  }
0x2b6: {  	v58 =	vld [tilespmem:s8+$0xF0];
	_ =	sdelay $0x1  }
0x2b7: {  	v12 =	vmul.f32 v12, v8;
	v13 =	vmul.f32 v13, v9  }
0x2b8: {  	v14 =	vmul.f32 v14, v10;
	v15 =	vmul.f32 v54, v11  }
0x2b9: {  	v8 =	vmul.f32 v55, v8;
	v9 =	vmul.f32 v56, v9  }
0x2ba: {  	v59 =	vadd.s32 v6, v20;
	v10 =	vmul.f32 v57, v10;
	v11 =	vmul.f32 v58, v11  }
0x2bb: {  	p1 =	sne.s32 s10, $0x18;
	v61 =	vadd.s32 v7, v20;
	v12 =	vadd.f32 v13, v12;
	v60 =	vadd.f32 v15, v14  }
.Ltmp8:
0x2bc: {  	v8 =	vadd.f32 v9, v8;
	v62 =	vadd.f32 v11, v10;
	(pc) =	sbr.rel @p1 .LBB2_15-.Ltmp8, $4  }
0x2bd: {  	v63 =	vadd.f32 v60, v12  }
0x2be: {  	v8 =	vadd.f32 v62, v8  }
0x2bf: {  	[tilespmem:v59+s16+$0x0] =	vst.idx.msk $0xffff, v63  }
0x2c0: {  	s10 =	sadd.s32 $0x1, s10;
	s6 =	sadd.s32 $0x4, s6;
	s8 =	sadd.s32 $0x200, s8;
	[tilespmem:v61+s16+$0x0] =	vst.idx.msk $0xffff, v8  }
0x2c1: {  	s6 =	simm.s32 $0x64;
	s8 =	simm.s32 $0x19;
	s10 =	simm.s32 $0x9E90  }
.LBB2_17:
0x2c2: {  	v8 =	vmov s6;
	s19 =	sadd.s32 $0x1, s6;
	s20 =	sadd.s32 $0x2, s6;
	v12 =	vld [tilespmem:s10+$0xFFFFFE10]  }
0x2c3: {  	v13 =	vld [tilespmem:s10+$0xFFFFFE90];
	v8 =	vand.u32 $0xFFFFFFFC, v8;
	v9 =	vmov s19;
	v10 =	vmov s20;
	s20 =	sadd.s32 $0x3, s6  }
0x2c4: {  	v14 =	vld [tilespmem:s10+$0xFFFFFF10];
	v8 =	vbroadcast v8, $0x0;
	v9 =	vand.u32 $0xFFFFFFFD, v9;
	v11 =	vmov s20  }
0x2c5: {  	v15 =	vld [tilespmem:s10+$0xFFFFFF90];
	v10 =	vand.u32 $0xFFFFFFFE, v10;
	v9 =	vbroadcast v9, $0x0  }
0x2c6: {  	v16 =	vld [tilespmem:s10+$0xFFFFFE20];
	v10 =	vbroadcast v10, $0x0  }
0x2c7: {  	v17 =	vld [tilespmem:s10+$0xFFFFFEA0]  }
0x2c8: {  	v19 =	vld [tilespmem:s10+$0xFFFFFFA0]  }
0x2c9: {  	v11 =	vld.idx.msk [tilespmem:v11+s31+$0x0], $0xffff  }
0x2ca: {  	v8 =	vld.idx.msk [tilespmem:v8+s31+$0x0], $0xffff  }
0x2cb: {  	v9 =	vld.idx.msk [tilespmem:v9+s31+$0x0], $0xffff  }
0x2cc: {  	v10 =	vld.idx.msk [tilespmem:v10+s31+$0x0], $0xffff  }
0x2cd: {  	v18 =	vld [tilespmem:s10+$0xFFFFFF20];
	_ =	sdelay $0x1  }
0x2ce: {  	v15 =	vmul.f32 v15, v11;
	v19 =	vmul.f32 v19, v11  }
0x2cf: {  	v20 =	vmov s8;
	v12 =	vmul.f32 v12, v8;
	v16 =	vmul.f32 v16, v8  }
0x2d0: {  	v20 =	vand.u32 $0x3F, v20;
	v13 =	vmul.f32 v13, v9;
	v14 =	vmul.f32 v14, v10  }
0x2d1: {  	v21 =	vadd.s32 v0, v20;
	v17 =	vmul.f32 v17, v9;
	v18 =	vmul.f32 v18, v10  }
0x2d2: {  	v28 =	vadd.s32 v1, v20;
	v12 =	vadd.f32 v13, v12;
	v27 =	vadd.f32 v15, v14  }
0x2d3: {  	v29 =	vadd.f32 v17, v16;
	v30 =	vadd.f32 v19, v18  }
0x2d4: {  	v12 =	vadd.f32 v27, v12  }
0x2d5: {  	v31 =	vadd.f32 v30, v29  }
0x2d6: {  	[tilespmem:v21+s16+$0x0] =	vst.idx.msk $0xffff, v12  }
0x2d7: {  	[tilespmem:v28+s16+$0x0] =	vst.idx.msk $0xffff, v31  }
0x2d8: {  	v12 =	vld [tilespmem:s10+$0xFFFFFE30]  }
0x2d9: {  	v13 =	vld [tilespmem:s10+$0xFFFFFEB0]  }
0x2da: {  	v14 =	vld [tilespmem:s10+$0xFFFFFF30]  }
0x2db: {  	v32 =	vld [tilespmem:s10+$0xFFFFFFB0]  }
0x2dc: {  	v33 =	vld [tilespmem:s10+$0xFFFFFE40]  }
0x2dd: {  	v34 =	vld [tilespmem:s10+$0xFFFFFEC0]  }
0x2de: {  	v35 =	vld [tilespmem:s10+$0xFFFFFF40]  }
0x2df: {  	v36 =	vld [tilespmem:s10+$0xFFFFFFC0];
	_ =	sdelay $0x1  }
0x2e0: {  	v12 =	vmul.f32 v12, v8;
	v13 =	vmul.f32 v13, v9  }
0x2e1: {  	v14 =	vmul.f32 v14, v10;
	v15 =	vmul.f32 v32, v11  }
0x2e2: {  	v16 =	vmul.f32 v33, v8;
	v17 =	vmul.f32 v34, v9  }
0x2e3: {  	v37 =	vadd.s32 v2, v20;
	v18 =	vmul.f32 v35, v10;
	v19 =	vmul.f32 v36, v11  }
0x2e4: {  	v39 =	vadd.s32 v3, v20;
	v12 =	vadd.f32 v13, v12;
	v38 =	vadd.f32 v15, v14  }
0x2e5: {  	v40 =	vadd.f32 v17, v16;
	v41 =	vadd.f32 v19, v18  }
0x2e6: {  	v12 =	vadd.f32 v38, v12  }
0x2e7: {  	v42 =	vadd.f32 v41, v40  }
0x2e8: {  	[tilespmem:v37+s16+$0x0] =	vst.idx.msk $0xffff, v12  }
0x2e9: {  	[tilespmem:v39+s16+$0x0] =	vst.idx.msk $0xffff, v42  }
0x2ea: {  	v12 =	vld [tilespmem:s10+$0xFFFFFE50]  }
0x2eb: {  	v13 =	vld [tilespmem:s10+$0xFFFFFED0]  }
0x2ec: {  	v14 =	vld [tilespmem:s10+$0xFFFFFF50]  }
0x2ed: {  	v43 =	vld [tilespmem:s10+$0xFFFFFFD0]  }
0x2ee: {  	v44 =	vld [tilespmem:s10+$0xFFFFFE60]  }
0x2ef: {  	v45 =	vld [tilespmem:s10+$0xFFFFFEE0]  }
0x2f0: {  	v46 =	vld [tilespmem:s10+$0xFFFFFF60]  }
0x2f1: {  	v47 =	vld [tilespmem:s10+$0xFFFFFFE0];
	_ =	sdelay $0x1  }
0x2f2: {  	v12 =	vmul.f32 v12, v8;
	v13 =	vmul.f32 v13, v9  }
0x2f3: {  	v14 =	vmul.f32 v14, v10;
	v15 =	vmul.f32 v43, v11  }
0x2f4: {  	v16 =	vmul.f32 v44, v8;
	v17 =	vmul.f32 v45, v9  }
0x2f5: {  	v48 =	vadd.s32 v4, v20;
	v18 =	vmul.f32 v46, v10;
	v19 =	vmul.f32 v47, v11  }
0x2f6: {  	v50 =	vadd.s32 v5, v20;
	v12 =	vadd.f32 v13, v12;
	v49 =	vadd.f32 v15, v14  }
0x2f7: {  	v51 =	vadd.f32 v17, v16;
	v52 =	vadd.f32 v19, v18  }
0x2f8: {  	v12 =	vadd.f32 v49, v12  }
0x2f9: {  	v53 =	vadd.f32 v52, v51  }
0x2fa: {  	[tilespmem:v48+s16+$0x0] =	vst.idx.msk $0xffff, v12  }
0x2fb: {  	[tilespmem:v50+s16+$0x0] =	vst.idx.msk $0xffff, v53  }
0x2fc: {  	v12 =	vld [tilespmem:s10+$0xFFFFFE70]  }
0x2fd: {  	v13 =	vld [tilespmem:s10+$0xFFFFFEF0]  }
0x2fe: {  	v14 =	vld [tilespmem:s10+$0xFFFFFF70]  }
0x2ff: {  	v54 =	vld [tilespmem:s10+$0xFFFFFFF0]  }
0x300: {  	v55 =	vld [tilespmem:s10+$0xFFFFFE80]  }
0x301: {  	v56 =	vld [tilespmem:s10+$0xFFFFFF00]  }
0x302: {  	v57 =	vld [tilespmem:s10+$0xFFFFFF80]  }
0x303: {  	v58 =	vld [tilespmem:s10+$0x0];
	_ =	sdelay $0x1  }
0x304: {  	v12 =	vmul.f32 v12, v8;
	v13 =	vmul.f32 v13, v9  }
0x305: {  	v14 =	vmul.f32 v14, v10;
	v15 =	vmul.f32 v54, v11  }
0x306: {  	v8 =	vmul.f32 v55, v8;
	v9 =	vmul.f32 v56, v9  }
0x307: {  	v59 =	vadd.s32 v6, v20;
	v10 =	vmul.f32 v57, v10;
	v11 =	vmul.f32 v58, v11  }
0x308: {  	p1 =	sne.s32 s6, $0xC0;
	v61 =	vadd.s32 v7, v20;
	v12 =	vadd.f32 v13, v12;
	v60 =	vadd.f32 v15, v14  }
.Ltmp9:
0x309: {  	v8 =	vadd.f32 v9, v8;
	v62 =	vadd.f32 v11, v10;
	(pc) =	sbr.rel @p1 .LBB2_17-.Ltmp9, $4  }
0x30a: {  	v63 =	vadd.f32 v60, v12  }
0x30b: {  	v8 =	vadd.f32 v62, v8  }
0x30c: {  	[tilespmem:v59+s16+$0x0] =	vst.idx.msk $0xffff, v63  }
0x30d: {  	s8 =	sadd.s32 $0x1, s8;
	s6 =	sadd.s32 $0x4, s6;
	s10 =	sadd.s32 $0x200, s10;
	[tilespmem:v61+s16+$0x0] =	vst.idx.msk $0xffff, v8  }
.Ltmp10:
0x30e: {  	(pc) =	sbr.rel @p0 .LBB2_20-.Ltmp10, $3  }
0x30f: {  	s4 =	smul.u32 $0x380, s4;
	_ =	sdelay $0x1  }
0x310: {  	s4 =	sadd.s32 s9, s4  }
0x311: {  	[hbm4b:s4+s5] =	stream.linear.scatter [tilespmem:s16], [sflag:$0x8], $0x1C00, $0x38;
	[tilespmem:$0x106A0] =	vst v63  }
0x312: {  	s4 =	rddreg [dreg:$0x12]  }
0x313: {  	s4 =	sadd.s32 s22, s4  }
0x314: {  	s6 =	smul.u32 $0x1A, s4  }
.Ltmp11:
0x315: {  	_ = 	snop;
	(pc) =	sbr.rel .LBB2_2-.Ltmp11, $4  }
0x316: {  	s4 =	smul.u32 $0x19, s4;
	s6 =	sadd.s32 s3, s6  }
0x317: {  	[tilespmem:s30], [sflag:$0x4] =	stream.linear.gather [hbm4b:s6+s5], $0xD0, $0x38;
	[tilespmem:$0x106A0] =	vst v63  }
0x318: {  	s12 =	sadd.s32 $0x1, s12;
	s4 =	sadd.s32 s7, s4  }
0x319: {  	[tilespmem:s31], [sflag:$0x4] =	stream.linear.gather [hbm4b:s4+s5], $0xC8, $0x38;
	[tilespmem:$0x106A0] =	vst v63  }
.LBB2_21:
0x31a: {  	_ =	sfence.sel $0x180000  }
0x31b: {  	[bflag:$0x0] =	sbarrier.arrive $0xFFFF  }
0x31c: {  	_ =	strace $0x90000047  }
0x31d: {  	s0 =	stileid.u32;
	[bflag:$0x2] =	sbarrier.arrive $0xFFFF  }
0x31e: {  	p0 =	sne.s32 s0, $0x0;
	s0 =	rddreg [dreg:$0x3]  }
0x31f: {  	s0 =	sadd.s32 @!p0 $0x100000, s0  }
0x320: {  	[sflag:s0] =	ssyncadd.tile.s32 @!p0 $0x1;
	_ =	shalt  }
.Lfunc_end2:
_tile_overlayer_lowered:
.L_overlay_start_2:
0x321: {  	(tag) =	ssettag $0x2  }
0x322: {  	s0 =	rddreg [dreg:$0x0];
	s2 =	stileid.u32  }
0x323: {  	s1 =	rddreg [dreg:$0x1];
	p0 =	sne.s32 s2, $0x0  }
0x324: {  	s3 =	rddreg [dreg:$0x2];
	[bflag:$0x3] =	sbarrier.arrive $0xFFFF;
	s2 =	simm.s32 @!p0 $0x1C09  }
0x325: {  	[timem:s3], [sflag:s2] =	dma.local @!p0 [hbm:s0], s1  }
0x326: {  	s0 =	simm.s32 @!p0 $0x9  }
0x327: {  	_ =	swait.ge @!p0 [sflag:s0], s1  }
0x328: {  	s1 =	ssub.s32 @!p0 $0x0, s1;
	[sflag:s0] =	ssyncset.done @!p0 $0x0  }
0x329: {  	[sflag:s0] =	ssyncadd.s32 @!p0 s1  }
0x32a: {  	[bflag:$0x3] =	sbarrier.arrive $0xFFFF  }
0x32b: {  	_ =	shalt  }

// kernel: sparse-core-data-format-call.cloned.1.call-start
scs
called_computation_lowered:
.L_overlay_start_0:
0x0: {  	s2 =	sld [smem:$0x3FD9]  }
0x1: {  	s3 =	sld [smem:$0x3FFE];
	_ =	sdelay $0x1  }
0x2: {  	s1 =	srdreg.scid  }
0x3: {  	s0 =	sand.u32 $0x1, s1  }
0x4: {  	s18 =	sshll.u32 s0, $0xA;
	s2 =	sadd.s32 s3, s2  }
0x5: {  	s2 =	sadd.s32 s2, s18  }
0x6: {  	[smem:$0x3FC5] =	sst s2  }
0x7: {  	_ = 	snop  }
0x8: {  	s2 =	sld [smem:$0x3FD0];
	(tm) =	ssettm $0x1  }
0x9: {  	s19 =	sld [smem:$0x3FFB];
	_ =	sdelay $0x3  }
0xa: {  	_ =	strace s19  }
0xb: {  	s3 =	sld [smem:$0x3FFC];
	_ =	sdelay $0x3  }
0xc: {  	_ =	strace s3  }
0xd: {  	s3 =	sld [smem:$0x3FFD];
	_ =	sdelay $0x3  }
0xe: {  	_ =	strace s3  }
0xf: {  	_ =	strace $0x8FFFFFFF  }
0x10: {  	s20 =	sld [smem:$0x3FDB];
	_ =	sdelay $0x1  }
0x11: {  	s4 =	simm.s32 $_scs_section_size  }
0x12: {  	s5 =	simm.s32 $_size__tile_overlayer_lowered;
	s6 =	simm.s32 $_tile_overlayer_lowered  }
0x13: {  	s23 =	simm.s32 $0x1BFF;
	s22 =	sshll.u32 s6, $0x1;
	s3 =	sadd.s32 s4, s20  }
0x14: {  	s7 =	simm.s32 $0x0;
	s21 =	sshll.u32 s5, $0x1;
	s5 =	sadd.s32 s22, s3  }
0x15: {  	[timem:s7], [sflag:s23] =	dma.local [hbm:s5], s21  }
0x16: {  	_ =	swait.ge [sflag:s23], s21  }
0x17: {  	s4 =	ssub.s32 $0x0, s21;
	[sflag:s23] =	ssyncset.done $0x0  }
0x18: {  	[sflag:s23] =	ssyncadd.s32 s4;
	_ =	sdelay $0x1  }
0x19: {  	s24 =	simm.s32 $0x1B8B  }
0x1a: {  	_ =	swait.ge [sflag:s24], $0x1  }
0x1b: {  	[sflag:s24] =	ssyncset.done $0x0  }
0x1c: {  	s26 =	simm.s32 $0x1B8E;
	s25 =	sld [smem:$0x3FFE];
	[sflag:s24] =	ssyncadd.s32 $0xFFFFFFFF  }
0x1d: {  	s27 =	simm.s32 $execute0_lowered;
	[smem:$0x3FD2] =	sst s26  }
0x1e: {  	s5 =	sshll.u32 s27, $0x1;
	_ =	strace $0x80000049;
	[dreg:$0x1] =	wrdreg $0xFFFFFFFF  }
0x1f: {  	s28 =	simm.s32 $_size_execute0_lowered;
	s3 =	sadd.s32 s3, s5;
	[dreg:$0x0] =	wrdreg $0x0  }
0x20: {  	s5 =	sshll.u32 s28, $0x1;
	[dreg:$0x2] =	wrdreg s3  }
0x21: {  	[dreg:$0x3] =	wrdreg s5  }
0x22: {  	[dreg:$0x4] =	wrdreg $0xC0  }
0x23: {  	_ =	task [dreg:s7], $0x5FFFF  }
0x24: {  	[dreg:$0x1] =	wrdreg $0xFFFFFFFF  }
0x25: {  	[dreg:$0x0] =	wrdreg $0x60  }
0x26: {  	[dreg:$0x2] =	wrdreg s25  }
0x27: {  	[dreg:$0x3] =	wrdreg s2  }
0x28: {  	[dreg:$0x4] =	wrdreg $0x9  }
0x29: {  	_ =	task.clear_ibuf [dreg:s7], $0x5FFFF;
	_ =	strace $0x90000049  }
0x2a: {  	s29 =	simm.s32 $0x9;
	_ =	strace $0x8000004B  }
0x2b: {  	_ =	swait.ge [sflag:s29], $0x1  }
0x2c: {  	[sflag:s29] =	ssyncadd.s32 $0xFFFFFFFF  }
0x2d: {  	_ =	strace $0x9000004B  }
0x2e: {  	_ =	sfence  }
0x2f: {  	s30 =	sld [smem:$0x0];
	_ =	sdelay $0x2  }
0x30: {  	s31 =	sshll.u32 s1, $0xD;
	s1 =	sshrl.u32 s1, $0x2  }
0x31: {  	s3 =	sand.u32 $0x4000, s31;
	s1 =	sadd.s32 s1, s30  }
0x32: {  	s0 =	sor.u32 s3, s0;
	s1 =	sshll.u32 s1, $0x11  }
0x33: {  	s0 =	sor.u32 s1, s0  }
0x34: {  	s0 =	sadd.s32 $0x8F2B, s0  }
0x35: {  	[sflag:s0] =	ssyncadd.remote.s32 $0x1  }
0x36: {  	_ =	sfence.sel $0xFFFF  }
0x37: {  	[dreg:$0x0] =	wrdreg $0xFFFFFFFF;
	(pc) =	sbr.abs _section_cstart, $3  }
0x38: {  	[dreg:$0x1] =	wrdreg $0xFFFFFFFF  }
0x39: {  	_ =	task.clear_ibuf [dreg:s7], $0x2FFFF;
	_ =	strace $0x9FFFFFFF  }
0x3a: {  	(tm) =	ssettm $0x7FFFFFFF  }
0x3b: {  	_ =	shalt  }
tec
execute0_lowered:
.L_overlay_start_1:
0x0: {  	(tag) =	ssettag $0x1  }
0x1: {  	s0 =	srdreg.scid;
	s6 =	rddreg [dreg:$0x0]  }
0x2: {  	s3 =	rddreg [dreg:$0x1];
	s1 =	sshll.u32 s0, $0x4  }
0x3: {  	s7 =	simm.s32 $0x1;
	s0 =	stileid.u32;
	s1 =	sand.u32 $0x10, s1  }
0x4: {  	s8 =	simm.s32 $0x2;
	s13 =	simm.s32 $0x0;
	s1 =	sor.u32 s0, s1  }
0x5: {  	s9 =	simm.s32 $0x9C400;
	s10 =	simm.s32 $0x0;
	s2 =	sshll.u32 s1, $0x1  }
0x6: {  	s12 =	simm.s32 $0x0;
	s6 =	sadd.s32 $0x465600, s6;
	s5 =	ssub.s32 $0x1388, s2  }
.Ltmp0:
0x7: {  	s1 =	rddreg [dreg:$0x2];
	s4 =	sand.u32 $0x3E, s5;
	(pc) =	sbr.rel .LBB1_1-.Ltmp0, $4  }
0x8: {  	_ =	strace $0x8000004A;
	s11 =	smov.u32 s2;
	p0 =	sne.s32 s4, $0x0  }
0x9: {  	s5 =	sshrl.u32 s5, $0x6;
	s4 =	simm.s32 $0x1;
	s7 =	simm.s32 @!p0 $0x0  }
0xa: {  	[sflag:s4] =	ssyncpa.u1 $0x0;
	p0 =	por $0x0, $0x0;
	s5 =	sadd.s32 s7, s5  }
0xb: {  	[sflag:s8] =	ssyncpa.u1 $0x0;
	s8 =	simm.s32 $0x100;
	s7 =	sadd.s32 $0x1, s5  }
.LBB1_7:
0xc: {  	p1 =	slt.u32 s12, $0x2  }
0xd: {  	p2 =	sgt.s32 @!p1 s13, $0x1386  }
0xe: {  	s14 =	smov.u32 s13;
	s15 =	sshra.s32 @!p1 s13, $0x1F;
	p2 =	por !p2, p1  }
0xf: {  	s13 =	sand.u32 @!p1 s15, s13;
	s14 =	simm.s32 @p2 $0x1386  }
0x10: {  	s13 =	ssub.s32 @!p1 s14, s13  }
0x11: {  	s14 =	ssub.s32 @!p1 $0x1388, s13  }
0x12: {  	s13 =	sadd.s32 @!p1 $0xFFFFEC7A, s13;
	s14 =	smul.u32 @!p1 $0x6200, s14  }
0x13: {  	p2 =	sgt.s32 @!p1 s13, $0x1  }
0x14: {  	s15 =	sadd.s32 $0x40, s11;
	p2 =	por !p2, p1;
	s13 =	sshrl.u32 @!p1 s14, $0x2  }
0x15: {  	s13 =	simm.s32 @!p2 $0x0;
	p2 =	sgt.s32 s15, $0x1387  }
0x16: {  	s15 =	smov.u32 @p2 s2;
	p2 =	sne.s32 s12, s7  }
.Ltmp1:
0x17: {  	_ = 	snop;
	(pc) =	sbr.rel @!p2 .LBB1_8-.Ltmp1, $4  }
0x18: {  	s14 =	simm.s32 @!p1 $0x2  }
0x19: {  	p0 =	por !p0, !p0;
	_ =	swait.ge @!p1 [sflag:s14], s13;
	s16 =	ssub.s32 @!p1 $0x0, s13  }
0x1a: {  	s13 =	smov.u32 s10;
	s12 =	sadd.s32 $0x1, s12;
	[sflag:s14] =	ssyncset.done @!p1 $0x0  }
0x1b: {  	s10 =	smov.u32 s11;
	s11 =	smov.u32 s15;
	[sflag:s14] =	ssyncadd.s32 @!p1 s16  }
.LBB1_1:
0x1c: {  	p1 =	sge.u32 s12, s5  }
0x1d: {  	s31 =	sadd.s32 $0xFFFFFFFF, s12;
	s14 =	sxor.u32 @!p1 $0xFFFFFFFF, s12  }
0x1e: {  	s15 =	sshll.u32 @!p1 s11, $0xB;
	s16 =	simm.s32 @!p1 $0x40;
	s14 =	sshll.u32 @!p1 s14, $0xE  }
0x1f: {  	s17 =	simm.s32 @!p1 $0x80;
	s15 =	sadd.s32 @!p1 s6, s15;
	s14 =	sand.u32 @!p1 $0x4000, s14  }
0x20: {  	[tilespmem:s14], [sflag:$0x1] =	stream.strided.gather @!p1 [hbm4b:s15+s16], $0x4000, s17, s16, $0x38;
	[tilespmem:$0x10100] =	vst v63  }
0x21: {  	p1 =	sge.u32 s31, s5  }
.Ltmp2:
0x22: {  	_ = 	snop;
	(pc) =	sbr.rel @p1 .LBB1_7-.Ltmp2, $1  }
0x23: {  	_ =	sdelay $0x3  }
0x24: {  	s14 =	simm.s32 $0x1;
	s16 =	sand.u32 $0x1, s12  }
0x25: {  	_ =	swait.ge [sflag:s4], $0x4000;
	s14 =	simm.s32 @!p0 $0x0;
	s16 =	smul.u32 $0x10200, s16  }
0x26: {  	p2 =	por $0x1, $0x1;
	[sflag:s4] =	ssyncset.done $0x0;
	s15 =	smul.u32 $0x10200, s14  }
0x27: {  	s17 =	sshll.u32 s14, $0x10;
	[sflag:s4] =	ssyncadd.s32 $0xFFFFC000;
	s30 =	sshrl.u32 s16, $0x2  }
0x28: {  	s31 =	sshrl.u32 s17, $0x2;
	s17 =	simm.s32 $0x0;
	s15 =	sshrl.u32 s15, $0x2  }
0x29: {  	s14 =	sor.u32 $0x8000, s30;
	s16 =	sadd.s32 $0x20, s31;
	s15 =	sor.u32 $0x8000, s15  }
.LBB1_3:
0x2a: {  	s18 =	sshll.u32 s17, $0xD  }
0x2b: {  	s18 =	sand.u32 $0x3FFFE000, s18  }
0x2c: {  	s20 =	sadd.s32 s18, s16  }
0x2d: {  	s31 =	smul.u32 $0x204, s17;
	v3 =	vld [tilespmem:s20+$0x10]  }
0x2e: {  	v1 =	vld [tilespmem:s20+$0xFFFFFFF0]  }
0x2f: {  	s17 =	sshra.s32 s31, $0x2;
	v0 =	vld [tilespmem:s20+$0x0]  }
0x30: {  	s17 =	sadd.s32 s17, s15;
	v2 =	vld [tilespmem:s20+$0xFFFFFFE0]  }
0x31: {  	s18 =	sadd.s32 $0x0, s17  }
0x32: {  	p1 =	por p2, p2;
	s19 =	simm.s32 $0x4;
	s20 =	sadd.s32 $0x40, s20;
	[tilespmem:s18+$0x3060 ss:$0x102] =	vst.msk $0xffff, v3  }
.LBB1_4:
0x33: {  	v3 =	vld [tilespmem:s20+$0x10];
	p2 =	sne.s32 s19, $0x1FC;
	[tilespmem:s18+$0x1020 ss:$0x102] =	vst.msk $0xffff, v1;
	s21 =	smov.u32 s19;
	s19 =	sadd.s32 $0x4, s19  }
.Ltmp3:
0x34: {  	v1 =	vld [tilespmem:s20+$0xFFFFFFF0];
	[tilespmem:s18+$0x2040 ss:$0x102] =	vst.msk $0xffff, v0;
	(pc) =	sbr.rel @p2 .LBB1_4-.Ltmp3, $4  }
0x35: {  	v0 =	vld [tilespmem:s20+$0x0];
	[tilespmem:s18+$0x0 ss:$0x102] =	vst.msk $0xffff, v2  }
0x36: {  	s18 =	sshra.s32 s21, $0x2;
	v2 =	vld [tilespmem:s20+$0xFFFFFFE0]  }
0x37: {  	s18 =	sadd.s32 s18, s17  }
0x38: {  	s20 =	sadd.s32 $0x40, s20;
	[tilespmem:s18+$0x3060 ss:$0x102] =	vst.msk $0xffff, v3  }
.Ltmp4:
0x39: {  	(pc) =	sbr.rel @p1 .LBB1_3-.Ltmp4, $4  }
0x3a: {  	_ = 	snop  }
0x3b: {  	[tilespmem:s18+$0x1020 ss:$0x102] =	vst.msk $0xffff, v1  }
0x3c: {  	[tilespmem:s18+$0x2040 ss:$0x102] =	vst.msk $0xffff, v0  }
0x3d: {  	s17 =	simm.s32 $0x1;
	p2 =	por $0x0, $0x0;
	[tilespmem:s18+$0x0 ss:$0x102] =	vst.msk $0xffff, v2  }
0x3e: {  	s15 =	sand.u32 $0x1FFFFFF, s10;
	p1 =	sgt.s32 s10, $0x1386  }
0x3f: {  	s17 =	smov.u32 s10;
	s18 =	sshra.s32 s10, $0x1F;
	s16 =	smulhi.u32 $0x1A36E2F, s15  }
0x40: {  	s17 =	simm.s32 @!p1 $0x1386;
	s18 =	sand.u32 s18, s10  }
0x41: {  	s17 =	ssub.s32 s17, s18;
	s16 =	sshrl.u32 s16, $0x5  }
0x42: {  	s18 =	ssub.s32 $0x1388, s17;
	s16 =	smul.u32 $0x1388, s16  }
0x43: {  	s18 =	smul.u32 $0x6200, s18  }
.Ltmp5:
0x44: {  	_ = 	snop;
	(pc) =	sbr.rel .LBB1_7-.Ltmp5, $4  }
0x45: {  	s31 =	sadd.s32 $0xFFFFEC7A, s17;
	s15 =	ssub.s32 s15, s16  }
0x46: {  	p1 =	sgt.s32 s31, $0x1;
	s16 =	sshrl.u32 s18, $0x2;
	s15 =	sshll.u32 s15, $0x4  }
0x47: {  	s16 =	simm.s32 @p1 $0x0;
	s15 =	sadd.s32 s3, s15  }
0x48: {  	[hbm4b:s15+s8] =	stream.strided.scatter [tilespmem:s14], [sflag:$0x2], s16, s9, s8, $0x20;
	[tilespmem:$0x10100] =	vst v63  }
.LBB1_8:
0x49: {  	_ =	sfence.sel $0x180000  }
0x4a: {  	s2 =	simm.s32 $0x1;
	[bflag:$0x0] =	sbarrier.arrive $0xFFFF  }
0x4b: {  	s31 =	simm.s32 $0x2;
	[sflag:s2] =	ssyncpa.u1 $0x1  }
0x4c: {  	[sflag:s31] =	ssyncpa.u1 $0x1  }
0x4d: {  	p0 =	sne.s32 s0, $0x0;
	_ =	strace $0x9000004A  }
0x4e: {  	s0 =	sadd.s32 @!p0 $0x100000, s1;
	[bflag:$0x2] =	sbarrier.arrive $0xFFFF  }
0x4f: {  	[sflag:s0] =	ssyncadd.tile.s32 @!p0 $0x1;
	_ =	shalt  }
.Lfunc_end1:
_tile_overlayer_lowered:
.L_overlay_start_2:
0x50: {  	(tag) =	ssettag $0x2  }
0x51: {  	s0 =	rddreg [dreg:$0x0];
	s2 =	stileid.u32  }
0x52: {  	s1 =	rddreg [dreg:$0x1];
	p0 =	sne.s32 s2, $0x0  }
0x53: {  	s3 =	rddreg [dreg:$0x2];
	[bflag:$0x3] =	sbarrier.arrive $0xFFFF;
	s2 =	simm.s32 @!p0 $0x1C01  }
0x54: {  	[timem:s3], [sflag:s2] =	dma.local @!p0 [hbm:s0], s1  }
0x55: {  	s0 =	simm.s32 @!p0 $0x1  }
0x56: {  	_ =	swait.ge @!p0 [sflag:s0], s1  }
0x57: {  	s1 =	ssub.s32 @!p0 $0x0, s1;
	[sflag:s0] =	ssyncset.done @!p0 $0x0  }
0x58: {  	[sflag:s0] =	ssyncadd.s32 @!p0 s1  }
0x59: {  	[bflag:$0x3] =	sbarrier.arrive $0xFFFF  }
0x5a: {  	_ =	shalt  }

</sc_bundles>
